<compile_context>
chip_gen: v7x
topology: tpu7x:2x2x1
jax: 0.10.2.dev20260603
libtpu: 0.0.44.dev20260713+nightly
codegen_flags: <defaults>
</compile_context>

<pallas_src>
import functools

import jax
import jax.numpy as jnp
from jax import lax
from jax.experimental import pallas as pl
from jax.experimental.pallas import tpu as pltpu
from jax.experimental.pallas import tpu_sc as plsc

N = 10000
E = 320000
D_IN = 128
D_HID = 16
D_PAD = 16

NUM_CORES = 2
NUM_SUBCORES = 16
NW = NUM_CORES * NUM_SUBCORES

CHUNK = 256
NBUF = 4
K = NBUF * (-(-E // (NW * CHUNK * NBUF)))
G = K // NBUF
EW = NW * K * CHUNK
assert G % 2 == 0
N_PAD = ((N + NW * 8 - 1) // (NW * 8)) * (NW * 8) + NW * 8
RPT = N_PAD // NUM_SUBCORES

_mesh = plsc.VectorSubcoreMesh(core_axis_name="c", subcore_axis_name="s")



@functools.partial(
    pl.kernel,
    mesh=_mesh,
    out_type=[
        jax.ShapeDtypeStruct((NW * RPT,), jnp.float32),
        jax.ShapeDtypeStruct((NW * RPT, D_PAD), jnp.float32),
    ],
    scratch_types=[
        pltpu.VMEM((K, CHUNK), jnp.int32),
        pltpu.VMEM((2 * K, CHUNK), jnp.int32),
        pltpu.VMEM((CHUNK,), jnp.float32),
        pltpu.VMEM((RPT,), jnp.float32),
        pltpu.VMEM((2 * NBUF, CHUNK, D_PAD), jnp.float32),
        pltpu.VMEM((RPT, D_PAD), jnp.float32),
        pltpu.VMEM_SHARED((N_PAD,), jnp.float32),
        pltpu.VMEM_SHARED((N_PAD, D_PAD), jnp.float32),
        pltpu.VMEM_SHARED((N_PAD, D_PAD), jnp.float32),
        pltpu.SemaphoreType.DMA((2 * NBUF,)),
        pltpu.SemaphoreType.DMA,
        pltpu.SemaphoreType.DMA,
    ],
    compiler_params=pltpu.CompilerParams(use_tc_tiling_on_sc=False),
)
def _deg_agg_kernel(src_hbm, dst_hbm, h1_hbm, deg_hbm, out_hbm,
                    src_v, dst_v, ones_v, dval_v, rows_v, buf_v,
                    deg_sh, tab_sh, acc_sh, sem, dsem, tsem):
    c = lax.axis_index("c")
    s = lax.axis_index("s")
    w = c * NUM_SUBCORES + s
    soff = pl.multiple_of(s * RPT, 8)
    woff = pl.multiple_of(w * RPT, 8)

    pltpu.async_copy(h1_hbm.at[pl.ds(soff, RPT), :],
                     tab_sh.at[pl.ds(soff, RPT), :], tsem)

    pltpu.sync_copy(src_hbm.at[w], src_v)
    pltpu.sync_copy(dst_hbm.at[s], dst_v.at[pl.ds(0, K)])
    pltpu.sync_copy(dst_hbm.at[s + NUM_SUBCORES], dst_v.at[pl.ds(K, K)])
    for i in range(CHUNK // 16):
        ones_v[pl.ds(i * 16, 16)] = jnp.ones((16,), jnp.float32)

    def dzfill(i, _):
        dval_v[pl.ds(i * 16, 16)] = jnp.zeros((16,), jnp.float32)
        return _
    lax.fori_loop(0, RPT // 16, dzfill, None)
    pltpu.sync_copy(dval_v, deg_sh.at[pl.ds(soff, RPT)])

    def zfill(i, _):
        buf_v[i, :] = jnp.zeros((16,), jnp.float32)
        return _
    lax.fori_loop(0, RPT, zfill, None)
    pltpu.sync_copy(buf_v, acc_sh.at[pl.ds(soff, RPT), :])
    plsc.subcore_barrier()

    def dchunk(j, _):
        pltpu.async_copy(ones_v, deg_sh.at[dst_v.at[j]], dsem, add=True)

        @pl.when(j >= 8)
        def _():
            pltpu.make_async_copy(ones_v, deg_sh.at[dst_v.at[j - 8]], dsem).wait()
        return _
    lax.fori_loop(0, 2 * K, dchunk, None)
    for t in range(8):
        pltpu.make_async_copy(ones_v, deg_sh.at[dst_v.at[2 * K - 8 + t]],
                              dsem).wait()
    plsc.subcore_barrier()

    pltpu.sync_copy(deg_sh.at[pl.ds(soff, RPT)], dval_v)
    pltpu.sync_copy(dval_v, deg_hbm.at[pl.ds(woff, RPT)])

    def dis_fill(i, _):
        x = dval_v[pl.ds(i * 16, 16)] + 1.0
        ix = lax.bitcast_convert_type(x, jnp.int32)
        iy = jnp.int32(0x5F3759DF) - lax.shift_right_arithmetic(ix, 1)
        y = lax.bitcast_convert_type(iy, jnp.float32)
        for _t in range(4):
            y = y * (1.5 - 0.5 * x * y * y)
        dval_v[pl.ds(i * 16, 16)] = y
        return _
    lax.fori_loop(0, RPT // 16, dis_fill, None)

    pltpu.make_async_copy(h1_hbm.at[pl.ds(soff, RPT), :],
                          tab_sh.at[pl.ds(soff, RPT), :], tsem).wait()
    pltpu.sync_copy(tab_sh.at[pl.ds(soff, RPT), :], buf_v)

    def scale_block(i, _):
        dvec = dval_v[pl.ds(i * 16, 16)]
        for t in range(16):
            r = i * 16 + t
            buf_v[r, :] = buf_v[r, :] * dvec[t]
        return _
    lax.fori_loop(0, RPT // 16, scale_block, None)
    pltpu.sync_copy(buf_v, tab_sh.at[pl.ds(soff, RPT), :])
    plsc.subcore_barrier()

    def fire_g(j, b):
        pltpu.async_copy(tab_sh.at[src_v.at[j]], rows_v.at[b], sem.at[b])

    def wait_g(j, b):
        pltpu.make_async_copy(tab_sh.at[src_v.at[j]], rows_v.at[b],
                              sem.at[b]).wait()

    def fire_s(j, b):
        pltpu.async_copy(rows_v.at[b], acc_sh.at[dst_v.at[c * K + j]],
                         sem.at[b], add=True)

    def wait_s(j, b):
        pltpu.make_async_copy(rows_v.at[b], acc_sh.at[dst_v.at[c * K + j]],
                              sem.at[b]).wait()

    for b in range(NBUF):
        fire_g(b, b)

    def group2(i2, _):
        for p in (0, 1):
            gi = 2 * i2 + p
            pb = NBUF * p
            ob = NBUF * (1 - p)
            for b in range(NBUF):
                wait_g(gi * NBUF + b, pb + b)
            for b in range(NBUF):
                fire_s(gi * NBUF + b, pb + b)
            for b in range(NBUF):
                @pl.when(gi >= 1)
                def _(jp=(gi - 1) * NBUF + b, bb=ob + b):
                    wait_s(jp, bb)
            for b in range(NBUF):
                @pl.when(gi + 1 < G)
                def _(jn=(gi + 1) * NBUF + b, bb=ob + b):
                    fire_g(jn, bb)
        return _
    lax.fori_loop(0, G // 2, group2, None)
    for b in range(NBUF):
        wait_s((G - 1) * NBUF + b, NBUF * ((G - 1) % 2) + b)
    plsc.subcore_barrier()

    pltpu.sync_copy(acc_sh.at[pl.ds(soff, RPT), :], buf_v)
    pltpu.sync_copy(buf_v, out_hbm.at[pl.ds(woff, RPT), :])



@functools.partial(
    pl.kernel,
    mesh=_mesh,
    out_type=jax.ShapeDtypeStruct((NW * RPT, D_PAD), jnp.float32),
    scratch_types=[
        pltpu.VMEM((K, CHUNK), jnp.int32),
        pltpu.VMEM((K, CHUNK), jnp.int32),
        pltpu.VMEM((2 * NBUF, CHUNK, D_PAD), jnp.float32),
        pltpu.VMEM((RPT, D_PAD), jnp.float32),
        pltpu.VMEM_SHARED((N_PAD, D_PAD), jnp.float32),
        pltpu.VMEM_SHARED((N_PAD, D_PAD), jnp.float32),
        pltpu.SemaphoreType.DMA((2 * NBUF,)),
        pltpu.SemaphoreType.DMA,
    ],
    compiler_params=pltpu.CompilerParams(use_tc_tiling_on_sc=False),
)
def _agg_kernel(src_hbm, dst_hbm, table_hbm, out_hbm,
                src_v, dst_v, rows_v, buf_v, tab_sh, acc_sh, sem, tsem):
    c = lax.axis_index("c")
    s = lax.axis_index("s")
    w = c * NUM_SUBCORES + s
    soff = pl.multiple_of(s * RPT, 8)
    woff = pl.multiple_of(w * RPT, 8)

    pltpu.async_copy(table_hbm.at[pl.ds(soff, RPT), :],
                     tab_sh.at[pl.ds(soff, RPT), :], tsem)

    pltpu.sync_copy(src_hbm.at[w], src_v)
    pltpu.sync_copy(dst_hbm.at[w], dst_v)

    def zfill(i, _):
        buf_v[i, :] = jnp.zeros((16,), jnp.float32)
        return _
    lax.fori_loop(0, RPT, zfill, None)
    pltpu.sync_copy(buf_v, acc_sh.at[pl.ds(soff, RPT), :])
    pltpu.make_async_copy(table_hbm.at[pl.ds(soff, RPT), :],
                          tab_sh.at[pl.ds(soff, RPT), :], tsem).wait()
    plsc.subcore_barrier()

    def fire_g(j, b):
        pltpu.async_copy(tab_sh.at[src_v.at[j]], rows_v.at[b], sem.at[b])

    def wait_g(j, b):
        pltpu.make_async_copy(tab_sh.at[src_v.at[j]], rows_v.at[b],
                              sem.at[b]).wait()

    def fire_s(j, b):
        pltpu.async_copy(rows_v.at[b], acc_sh.at[dst_v.at[j]], sem.at[b],
                         add=True)

    def wait_s(j, b):
        pltpu.make_async_copy(rows_v.at[b], acc_sh.at[dst_v.at[j]],
                              sem.at[b]).wait()

    for b in range(NBUF):
        fire_g(b, b)

    def group2(i2, _):
        for p in (0, 1):
            gi = 2 * i2 + p
            pb = NBUF * p
            ob = NBUF * (1 - p)
            for b in range(NBUF):
                wait_g(gi * NBUF + b, pb + b)
            for b in range(NBUF):
                fire_s(gi * NBUF + b, pb + b)
            for b in range(NBUF):
                @pl.when(gi >= 1)
                def _(jp=(gi - 1) * NBUF + b, bb=ob + b):
                    wait_s(jp, bb)
            for b in range(NBUF):
                @pl.when(gi + 1 < G)
                def _(jn=(gi + 1) * NBUF + b, bb=ob + b):
                    fire_g(jn, bb)
        return _
    lax.fori_loop(0, G // 2, group2, None)
    for b in range(NBUF):
        wait_s((G - 1) * NBUF + b, NBUF * ((G - 1) % 2) + b)
    plsc.subcore_barrier()

    pltpu.sync_copy(acc_sh.at[pl.ds(soff, RPT), :], buf_v)
    pltpu.sync_copy(buf_v, out_hbm.at[pl.ds(woff, RPT), :])



X = N_PAD // 8


def _tc1_body(x_ref, w_ref, h_ref):
    h = jnp.dot(x_ref[...], w_ref[...], precision=lax.Precision.HIGHEST,
                preferred_element_type=jnp.float32)
    for g in range(8):
        h_ref[:, 16 * g:16 * (g + 1)] = h[g * X:(g + 1) * X, :]


def _tc2_body(acc_ref, h1_ref, deg_ref, bsel_ref, w2_ref, b1_ref, g2_ref):
    dis2d = lax.rsqrt(deg_ref[...] + 1.0)
    dis = jnp.dot(dis2d, bsel_ref[...], precision=lax.Precision.HIGHEST,
                  preferred_element_type=jnp.float32)
    g1 = h1_ref[...] * dis
    out1 = dis * (acc_ref[0:X] + acc_ref[X:2 * X] + g1) + b1_ref[...]
    h = jnp.maximum(out1, 0.0)
    g2_ref[...] = jnp.dot(h, w2_ref[...], precision=lax.Precision.HIGHEST,
                          preferred_element_type=jnp.float32) * dis


def _tc3_body(acc_ref, g2_ref, deg_ref, bsel_ref, b2_ref, o_ref):
    dis2d = lax.rsqrt(deg_ref[...] + 1.0)
    dis = jnp.dot(dis2d, bsel_ref[...], precision=lax.Precision.HIGHEST,
                  preferred_element_type=jnp.float32)
    o_pk = dis * (acc_ref[0:X] + acc_ref[X:2 * X] + g2_ref[...]) + b2_ref[...]
    o = jnp.concatenate([o_pk[:, 16 * g:16 * (g + 1)] for g in range(8)], axis=0)
    col = lax.broadcasted_iota(jnp.int32, o.shape, 1)
    mask = col < 5
    om = jnp.where(mask, o, -1e30)
    m = jnp.max(om, axis=1, keepdims=True)
    e = jnp.where(mask, jnp.exp(o - m), 0.0)
    ssum = jnp.sum(e, axis=1, keepdims=True)
    o_ref[...] = o - m - jnp.log(ssum)


_f32 = jnp.float32


@jax.jit
def kernel(x, edge_index, W1, b1, W2, b2):
    pad_e = EW - E
    src = jnp.concatenate([edge_index[0], jnp.full((pad_e,), N, jnp.int32)])
    dst = jnp.concatenate([edge_index[1], jnp.full((pad_e,), N, jnp.int32)])
    src = 8 * (src % X) + src // X
    dst = 8 * (dst % X) + dst // X
    src3 = src.reshape(NW, K, CHUNK)
    dst3 = dst.reshape(NW, K, CHUNK)

    xp = jnp.zeros((N_PAD, D_IN), _f32).at[:N].set(x)
    W2p = jnp.zeros((D_HID, D_PAD), _f32).at[:, :W2.shape[1]].set(W2)
    b2p = jnp.zeros((D_PAD,), _f32).at[:W2.shape[1]].set(b2)
    W2blk = jnp.kron(jnp.eye(8, dtype=_f32), W2p)
    bsel = jnp.kron(jnp.eye(8, dtype=_f32), jnp.ones((1, D_PAD), _f32))
    b1t = jnp.tile(b1, 8)
    b2t = jnp.tile(b2p, 8)

    h1pk = pl.pallas_call(
        _tc1_body,
        out_shape=jax.ShapeDtypeStruct((X, 128), _f32),
    )(xp, W1)

    degp, acc1f = _deg_agg_kernel(src3, dst3, h1pk.reshape(N_PAD, D_PAD))
    deg2d = degp[:N_PAD].reshape(X, 8)
    acc1pk = acc1f.reshape(2 * X, 128)

    g2pk = pl.pallas_call(
        _tc2_body,
        out_shape=jax.ShapeDtypeStruct((X, 128), _f32),
    )(acc1pk, h1pk, deg2d, bsel, W2blk, b1t)

    acc2pk = _agg_kernel(src3, dst3, g2pk.reshape(N_PAD, D_PAD)).reshape(2 * X, 128)

    outp = pl.pallas_call(
        _tc3_body,
        out_shape=jax.ShapeDtypeStruct((N_PAD, D_PAD), _f32),
    )(acc2pk, g2pk, deg2d, bsel, b2t)

    return outp[:N, :W2.shape[1]]

# --- scband reference (transcript-rebuilt; emitter-appended) ---
"""Pipeline reference for scband-gcn-21105469292713 (READ-ONLY COPY).

The authoritative reference and input builder live on the scoring server;
editing this copy changes nothing except your own understanding.
"""

import jax, jax.numpy as jnp
import numpy as np

N = 10000
E = 320000
D_IN = 128
D_HID = 16
D_OUT = 5


def setup_inputs(seed: int = 0) -> dict:
    key = jax.random.key(seed)
    k1, k2, k3, k4, k5, k6 = jax.random.split(key, 6)
    x = jax.random.normal(k1, (N, D_IN), dtype=jnp.float32)
    edge_index = jax.random.randint(k2, (2, E), 0, N, dtype=jnp.int32)
    # GCNConv params: weight [in, out] (glorot-like), bias [out] (zeros in PyG default)
    W1 = jax.random.normal(k3, (D_IN, D_HID), dtype=jnp.float32) * (1.0 / np.sqrt(D_IN))
    b1 = jnp.zeros((D_HID,), dtype=jnp.float32)
    W2 = jax.random.normal(k4, (D_HID, D_OUT), dtype=jnp.float32) * (1.0 / np.sqrt(D_HID))
    b2 = jnp.zeros((D_OUT,), dtype=jnp.float32)
    return {"x": x, "edge_index": edge_index, "W1": W1, "b1": b1, "W2": W2, "b2": b2}


def _gcn_conv(x, edge_index, W, b):
    # PyG GCNConv: add self-loops, symmetric normalization D^-1/2 (A+I) D^-1/2, then X W + b
    n = x.shape[0]
    loop = jnp.arange(n, dtype=edge_index.dtype)
    src = jnp.concatenate([edge_index[0], loop])
    dst = jnp.concatenate([edge_index[1], loop])
    deg = jnp.zeros((n,), dtype=jnp.float32).at[dst].add(1.0)
    deg_inv_sqrt = jnp.where(deg > 0, jax.lax.rsqrt(jnp.maximum(deg, 1e-12)), 0.0)
    norm = deg_inv_sqrt[src] * deg_inv_sqrt[dst]
    h = x @ W
    msgs = jnp.take(h, src, axis=0) * norm[:, None]
    out = jnp.zeros((n, W.shape[1]), dtype=jnp.float32).at[dst].add(msgs)
    return out + b


def reference(x, edge_index, W1, b1, W2, b2):
    h = _gcn_conv(x, edge_index, W1, b1)
    h = jax.nn.relu(h)
    o = _gcn_conv(h, edge_index, W2, b2)
    return jax.nn.log_softmax(o, axis=1)

if __name__ == "__main__":
    import jax
    _d = setup_inputs()
    print(jax.jit(kernel)(*tuple(_d.values())))

</pallas_src>

<mosaic_0001>
#map = affine_map<(d0, d1) -> (0, 0, 0)>
#map1 = affine_map<(d0, d1) -> (0, 0)>
#map2 = affine_map<(d0, d1) -> (0)>
module attributes {stable_mosaic.version = 14 : i64} {
  func.func @_deg_agg_kernel(%arg0: i32, %arg1: i32, %arg2: memref<32x40x256xi32, #tpu.memory_space<hbm>>, %arg3: memref<32x40x256xi32, #tpu.memory_space<hbm>>, %arg4: memref<10496x16xf32, #tpu.memory_space<hbm>>, %arg5: memref<20992xf32, #tpu.memory_space<hbm>>, %arg6: memref<20992x16xf32, #tpu.memory_space<hbm>>, %arg7: memref<40x256xi32, #tpu.memory_space<vmem>>, %arg8: memref<80x256xi32, #tpu.memory_space<vmem>>, %arg9: memref<256xf32, #tpu.memory_space<vmem>>, %arg10: memref<656xf32, #tpu.memory_space<vmem>>, %arg11: memref<8x256x16xf32, #tpu.memory_space<vmem>>, %arg12: memref<656x16xf32, #tpu.memory_space<vmem>>, %arg13: memref<10496xf32, #tpu.memory_space<vmem_shared>>, %arg14: memref<10496x16xf32, #tpu.memory_space<vmem_shared>>, %arg15: memref<10496x16xf32, #tpu.memory_space<vmem_shared>>, %arg16: memref<8x!tpu.dma_semaphore, #tpu.memory_space<semaphore_mem>>, %arg17: memref<!tpu.dma_semaphore, #tpu.memory_space<semaphore_mem>>, %arg18: memref<!tpu.dma_semaphore, #tpu.memory_space<semaphore_mem>>) attributes {dimension_semantics = [#tpu.dimension_semantics<core_parallel>, #tpu.dimension_semantics<subcore_parallel>], iteration_bounds = array<i64: 2, 16>, scalar_prefetch = 0 : i64, scratch_operands = 12 : i64, tpu.core_type = #tpu.core_type<sc_vector_subcore>, window_params = [{transform_indices = #map}, {transform_indices = #map}, {transform_indices = #map1}, {transform_indices = #map2}, {transform_indices = #map1}]} {
    %mul3A = arith.constant 16 : i32
    %mul3A_0 = arith.muli %arg0, %mul3A : i32
    %add3A = arith.addi %mul3A_0, %arg1 : i32
    %mul3A_1 = arith.constant 656 : i32
    %mul3A_2 = arith.muli %arg1, %mul3A_1 : i32
    %multiple_of3A = tpu.assume_multiple %mul3A_2, 8 : i32
    %mul3A_3 = arith.constant 656 : i32
    %mul3A_4 = arith.muli %add3A, %mul3A_3 : i32
    %multiple_of3A_5 = tpu.assume_multiple %mul3A_4, 8 : i32
    %dma_start3A = arith.constant 0 : i32
    %dma_start3A_6 = tpu.memref_slice %arg14[%multiple_of3A, %dma_start3A] : memref<10496x16xf32, #tpu.memory_space<vmem_shared>> -> memref<656x16xf32, #tpu.memory_space<vmem_shared>>
    %dma_start3A_7 = arith.constant 0 : i32
    %dma_start3A_8 = tpu.memref_slice %arg4[%multiple_of3A, %dma_start3A_7] : memref<10496x16xf32, #tpu.memory_space<hbm>> -> memref<656x16xf32, #tpu.memory_space<hbm>>
    tpu.enqueue_dma source(%dma_start3A_8 : memref<656x16xf32, #tpu.memory_space<hbm>>) target(%dma_start3A_6 : memref<656x16xf32, #tpu.memory_space<vmem_shared>>) target_semaphore(%arg18 : memref<!tpu.dma_semaphore, #tpu.memory_space<semaphore_mem>>)
    "tpu.region"() ({
      %run_scoped3A = tpu.sem_alloc : memref<!tpu.dma_semaphore, #tpu.memory_space<semaphore_mem>>
      %dma_start3A_320 = arith.constant 0 : i32
      %dma_start3A_321 = arith.constant 0 : i32
      %dma_start3A_322 = tpu.memref_slice %arg2[%add3A, %dma_start3A_320, %dma_start3A_321] : memref<32x40x256xi32, #tpu.memory_space<hbm>> -> memref<1x40x256xi32, #tpu.memory_space<hbm>>
      %dma_start3A_323 = tpu.memref_squeeze %dma_start3A_322 : memref<1x40x256xi32, #tpu.memory_space<hbm>> -> memref<40x256xi32, #tpu.memory_space<hbm>>
      %dma_start3A_324 = arith.constant 0 : i32
      %dma_start3A_325 = arith.constant 0 : i32
      %dma_start3A_326 = tpu.memref_slice %arg2[%add3A, %dma_start3A_324, %dma_start3A_325] : memref<32x40x256xi32, #tpu.memory_space<hbm>> -> memref<1x40x256xi32, #tpu.memory_space<hbm>>
      %dma_start3A_327 = tpu.memref_squeeze %dma_start3A_326 : memref<1x40x256xi32, #tpu.memory_space<hbm>> -> memref<40x256xi32, #tpu.memory_space<hbm>>
      tpu.enqueue_dma source(%dma_start3A_327 : memref<40x256xi32, #tpu.memory_space<hbm>>) target(%arg7 : memref<40x256xi32, #tpu.memory_space<vmem>>) target_semaphore(%run_scoped3A : memref<!tpu.dma_semaphore, #tpu.memory_space<semaphore_mem>>)
      %dma_wait3A_328 = arith.constant 0 : i32
      %dma_wait3A_329 = arith.constant 0 : i32
      %dma_wait3A_330 = tpu.memref_slice %arg2[%add3A, %dma_wait3A_328, %dma_wait3A_329] : memref<32x40x256xi32, #tpu.memory_space<hbm>> -> memref<1x40x256xi32, #tpu.memory_space<hbm>>
      %dma_wait3A_331 = tpu.memref_squeeze %dma_wait3A_330 : memref<1x40x256xi32, #tpu.memory_space<hbm>> -> memref<40x256xi32, #tpu.memory_space<hbm>>
      %dma_wait3A_332 = arith.constant 0 : i32
      %dma_wait3A_333 = arith.constant 0 : i32
      %dma_wait3A_334 = tpu.memref_slice %arg2[%add3A, %dma_wait3A_332, %dma_wait3A_333] : memref<32x40x256xi32, #tpu.memory_space<hbm>> -> memref<1x40x256xi32, #tpu.memory_space<hbm>>
      %dma_wait3A_335 = tpu.memref_squeeze %dma_wait3A_334 : memref<1x40x256xi32, #tpu.memory_space<hbm>> -> memref<40x256xi32, #tpu.memory_space<hbm>>
      tpu.wait_dma2 semaphore(%run_scoped3A : memref<!tpu.dma_semaphore, #tpu.memory_space<semaphore_mem>>) src(%dma_wait3A_335 : memref<40x256xi32, #tpu.memory_space<hbm>>) dst(%arg7 : memref<40x256xi32, #tpu.memory_space<vmem>>)
      tpu.yield
    }) : () -> ()
    "tpu.region"() ({
      %run_scoped3A = tpu.sem_alloc : memref<!tpu.dma_semaphore, #tpu.memory_space<semaphore_mem>>
      %dma_start3A_320 = arith.constant 0 : i32
      %dma_start3A_321 = arith.constant 0 : i32
      %dma_start3A_322 = tpu.memref_slice %arg8[%dma_start3A_320, %dma_start3A_321] : memref<80x256xi32, #tpu.memory_space<vmem>> -> memref<40x256xi32, #tpu.memory_space<vmem>>
      %dma_start3A_323 = arith.constant 0 : i32
      %dma_start3A_324 = arith.constant 0 : i32
      %dma_start3A_325 = tpu.memref_slice %arg3[%arg1, %dma_start3A_323, %dma_start3A_324] : memref<32x40x256xi32, #tpu.memory_space<hbm>> -> memref<1x40x256xi32, #tpu.memory_space<hbm>>
      %dma_start3A_326 = tpu.memref_squeeze %dma_start3A_325 : memref<1x40x256xi32, #tpu.memory_space<hbm>> -> memref<40x256xi32, #tpu.memory_space<hbm>>
      %dma_start3A_327 = arith.constant 0 : i32
      %dma_start3A_328 = arith.constant 0 : i32
      %dma_start3A_329 = tpu.memref_slice %arg8[%dma_start3A_327, %dma_start3A_328] : memref<80x256xi32, #tpu.memory_space<vmem>> -> memref<40x256xi32, #tpu.memory_space<vmem>>
      %dma_start3A_330 = arith.constant 0 : i32
      %dma_start3A_331 = arith.constant 0 : i32
      %dma_start3A_332 = tpu.memref_slice %arg3[%arg1, %dma_start3A_330, %dma_start3A_331] : memref<32x40x256xi32, #tpu.memory_space<hbm>> -> memref<1x40x256xi32, #tpu.memory_space<hbm>>
      %dma_start3A_333 = tpu.memref_squeeze %dma_start3A_332 : memref<1x40x256xi32, #tpu.memory_space<hbm>> -> memref<40x256xi32, #tpu.memory_space<hbm>>
      tpu.enqueue_dma source(%dma_start3A_333 : memref<40x256xi32, #tpu.memory_space<hbm>>) target(%dma_start3A_329 : memref<40x256xi32, #tpu.memory_space<vmem>>) target_semaphore(%run_scoped3A : memref<!tpu.dma_semaphore, #tpu.memory_space<semaphore_mem>>)
      %dma_wait3A_334 = arith.constant 0 : i32
      %dma_wait3A_335 = arith.constant 0 : i32
      %dma_wait3A_336 = tpu.memref_slice %arg8[%dma_wait3A_334, %dma_wait3A_335] : memref<80x256xi32, #tpu.memory_space<vmem>> -> memref<40x256xi32, #tpu.memory_space<vmem>>
      %dma_wait3A_337 = arith.constant 0 : i32
      %dma_wait3A_338 = arith.constant 0 : i32
      %dma_wait3A_339 = tpu.memref_slice %arg3[%arg1, %dma_wait3A_337, %dma_wait3A_338] : memref<32x40x256xi32, #tpu.memory_space<hbm>> -> memref<1x40x256xi32, #tpu.memory_space<hbm>>
      %dma_wait3A_340 = tpu.memref_squeeze %dma_wait3A_339 : memref<1x40x256xi32, #tpu.memory_space<hbm>> -> memref<40x256xi32, #tpu.memory_space<hbm>>
      %dma_wait3A_341 = arith.constant 0 : i32
      %dma_wait3A_342 = arith.constant 0 : i32
      %dma_wait3A_343 = tpu.memref_slice %arg8[%dma_wait3A_341, %dma_wait3A_342] : memref<80x256xi32, #tpu.memory_space<vmem>> -> memref<40x256xi32, #tpu.memory_space<vmem>>
      %dma_wait3A_344 = arith.constant 0 : i32
      %dma_wait3A_345 = arith.constant 0 : i32
      %dma_wait3A_346 = tpu.memref_slice %arg3[%arg1, %dma_wait3A_344, %dma_wait3A_345] : memref<32x40x256xi32, #tpu.memory_space<hbm>> -> memref<1x40x256xi32, #tpu.memory_space<hbm>>
      %dma_wait3A_347 = tpu.memref_squeeze %dma_wait3A_346 : memref<1x40x256xi32, #tpu.memory_space<hbm>> -> memref<40x256xi32, #tpu.memory_space<hbm>>
      tpu.wait_dma2 semaphore(%run_scoped3A : memref<!tpu.dma_semaphore, #tpu.memory_space<semaphore_mem>>) src(%dma_wait3A_347 : memref<40x256xi32, #tpu.memory_space<hbm>>) dst(%dma_wait3A_343 : memref<40x256xi32, #tpu.memory_space<vmem>>)
      tpu.yield
    }) : () -> ()
    %add3A_9 = arith.constant 16 : i32
    %add3A_10 = arith.addi %arg1, %add3A_9 : i32
    "tpu.region"() ({
      %run_scoped3A = tpu.sem_alloc : memref<!tpu.dma_semaphore, #tpu.memory_space<semaphore_mem>>
      %dma_start3A_320 = arith.constant 40 : i32
      %dma_start3A_321 = arith.constant 0 : i32
      %dma_start3A_322 = tpu.memref_slice %arg8[%dma_start3A_320, %dma_start3A_321] : memref<80x256xi32, #tpu.memory_space<vmem>> -> memref<40x256xi32, #tpu.memory_space<vmem>>
      %dma_start3A_323 = arith.constant 0 : i32
      %dma_start3A_324 = arith.constant 0 : i32
      %dma_start3A_325 = tpu.memref_slice %arg3[%add3A_10, %dma_start3A_323, %dma_start3A_324] : memref<32x40x256xi32, #tpu.memory_space<hbm>> -> memref<1x40x256xi32, #tpu.memory_space<hbm>>
      %dma_start3A_326 = tpu.memref_squeeze %dma_start3A_325 : memref<1x40x256xi32, #tpu.memory_space<hbm>> -> memref<40x256xi32, #tpu.memory_space<hbm>>
      %dma_start3A_327 = arith.constant 40 : i32
      %dma_start3A_328 = arith.constant 0 : i32
      %dma_start3A_329 = tpu.memref_slice %arg8[%dma_start3A_327, %dma_start3A_328] : memref<80x256xi32, #tpu.memory_space<vmem>> -> memref<40x256xi32, #tpu.memory_space<vmem>>
      %dma_start3A_330 = arith.constant 0 : i32
      %dma_start3A_331 = arith.constant 0 : i32
      %dma_start3A_332 = tpu.memref_slice %arg3[%add3A_10, %dma_start3A_330, %dma_start3A_331] : memref<32x40x256xi32, #tpu.memory_space<hbm>> -> memref<1x40x256xi32, #tpu.memory_space<hbm>>
      %dma_start3A_333 = tpu.memref_squeeze %dma_start3A_332 : memref<1x40x256xi32, #tpu.memory_space<hbm>> -> memref<40x256xi32, #tpu.memory_space<hbm>>
      tpu.enqueue_dma source(%dma_start3A_333 : memref<40x256xi32, #tpu.memory_space<hbm>>) target(%dma_start3A_329 : memref<40x256xi32, #tpu.memory_space<vmem>>) target_semaphore(%run_scoped3A : memref<!tpu.dma_semaphore, #tpu.memory_space<semaphore_mem>>)
      %dma_wait3A_334 = arith.constant 40 : i32
      %dma_wait3A_335 = arith.constant 0 : i32
      %dma_wait3A_336 = tpu.memref_slice %arg8[%dma_wait3A_334, %dma_wait3A_335] : memref<80x256xi32, #tpu.memory_space<vmem>> -> memref<40x256xi32, #tpu.memory_space<vmem>>
      %dma_wait3A_337 = arith.constant 0 : i32
      %dma_wait3A_338 = arith.constant 0 : i32
      %dma_wait3A_339 = tpu.memref_slice %arg3[%add3A_10, %dma_wait3A_337, %dma_wait3A_338] : memref<32x40x256xi32, #tpu.memory_space<hbm>> -> memref<1x40x256xi32, #tpu.memory_space<hbm>>
      %dma_wait3A_340 = tpu.memref_squeeze %dma_wait3A_339 : memref<1x40x256xi32, #tpu.memory_space<hbm>> -> memref<40x256xi32, #tpu.memory_space<hbm>>
      %dma_wait3A_341 = arith.constant 40 : i32
      %dma_wait3A_342 = arith.constant 0 : i32
      %dma_wait3A_343 = tpu.memref_slice %arg8[%dma_wait3A_341, %dma_wait3A_342] : memref<80x256xi32, #tpu.memory_space<vmem>> -> memref<40x256xi32, #tpu.memory_space<vmem>>
      %dma_wait3A_344 = arith.constant 0 : i32
      %dma_wait3A_345 = arith.constant 0 : i32
      %dma_wait3A_346 = tpu.memref_slice %arg3[%add3A_10, %dma_wait3A_344, %dma_wait3A_345] : memref<32x40x256xi32, #tpu.memory_space<hbm>> -> memref<1x40x256xi32, #tpu.memory_space<hbm>>
      %dma_wait3A_347 = tpu.memref_squeeze %dma_wait3A_346 : memref<1x40x256xi32, #tpu.memory_space<hbm>> -> memref<40x256xi32, #tpu.memory_space<hbm>>
      tpu.wait_dma2 semaphore(%run_scoped3A : memref<!tpu.dma_semaphore, #tpu.memory_space<semaphore_mem>>) src(%dma_wait3A_347 : memref<40x256xi32, #tpu.memory_space<hbm>>) dst(%dma_wait3A_343 : memref<40x256xi32, #tpu.memory_space<vmem>>)
      tpu.yield
    }) : () -> ()
    %broadcast_in_dim3A = arith.constant 1.000000e+00 : f32
    %broadcast_in_dim3A_11 = vector.broadcast %broadcast_in_dim3A : f32 to vector<16xf32>
    %swap3A = arith.constant 0 : index
    %swap3A_12 = tpu.vector_load %arg9[%swap3A] {strides = array<i32>} : memref<256xf32, #tpu.memory_space<vmem>>, vector<16xf32>,
    %swap3A_13 = vector.shape_cast %swap3A_12 : vector<16xf32> to vector<16xf32>
    %swap3A_14 = vector.shape_cast %broadcast_in_dim3A_11 : vector<16xf32> to vector<16xf32>
    tpu.vector_store %arg9[%swap3A], %swap3A_14 {strides = array<i32>} : memref<256xf32, #tpu.memory_space<vmem>>, vector<16xf32>,
    %broadcast_in_dim3A_15 = arith.constant 1.000000e+00 : f32
    %broadcast_in_dim3A_16 = vector.broadcast %broadcast_in_dim3A_15 : f32 to vector<16xf32>
    %swap3A_17 = arith.constant 16 : index
    %swap3A_18 = tpu.vector_load %arg9[%swap3A_17] {strides = array<i32>} : memref<256xf32, #tpu.memory_space<vmem>>, vector<16xf32>,
    %swap3A_19 = vector.shape_cast %swap3A_18 : vector<16xf32> to vector<16xf32>
    %swap3A_20 = vector.shape_cast %broadcast_in_dim3A_16 : vector<16xf32> to vector<16xf32>
    tpu.vector_store %arg9[%swap3A_17], %swap3A_20 {strides = array<i32>} : memref<256xf32, #tpu.memory_space<vmem>>, vector<16xf32>,
    %broadcast_in_dim3A_21 = arith.constant 1.000000e+00 : f32
    %broadcast_in_dim3A_22 = vector.broadcast %broadcast_in_dim3A_21 : f32 to vector<16xf32>
    %swap3A_23 = arith.constant 32 : index
    %swap3A_24 = tpu.vector_load %arg9[%swap3A_23] {strides = array<i32>} : memref<256xf32, #tpu.memory_space<vmem>>, vector<16xf32>,
    %swap3A_25 = vector.shape_cast %swap3A_24 : vector<16xf32> to vector<16xf32>
    %swap3A_26 = vector.shape_cast %broadcast_in_dim3A_22 : vector<16xf32> to vector<16xf32>
    tpu.vector_store %arg9[%swap3A_23], %swap3A_26 {strides = array<i32>} : memref<256xf32, #tpu.memory_space<vmem>>, vector<16xf32>,
    %broadcast_in_dim3A_27 = arith.constant 1.000000e+00 : f32
    %broadcast_in_dim3A_28 = vector.broadcast %broadcast_in_dim3A_27 : f32 to vector<16xf32>
    %swap3A_29 = arith.constant 48 : index
    %swap3A_30 = tpu.vector_load %arg9[%swap3A_29] {strides = array<i32>} : memref<256xf32, #tpu.memory_space<vmem>>, vector<16xf32>,
    %swap3A_31 = vector.shape_cast %swap3A_30 : vector<16xf32> to vector<16xf32>
    %swap3A_32 = vector.shape_cast %broadcast_in_dim3A_28 : vector<16xf32> to vector<16xf32>
    tpu.vector_store %arg9[%swap3A_29], %swap3A_32 {strides = array<i32>} : memref<256xf32, #tpu.memory_space<vmem>>, vector<16xf32>,
    %broadcast_in_dim3A_33 = arith.constant 1.000000e+00 : f32
    %broadcast_in_dim3A_34 = vector.broadcast %broadcast_in_dim3A_33 : f32 to vector<16xf32>
    %swap3A_35 = arith.constant 64 : index
    %swap3A_36 = tpu.vector_load %arg9[%swap3A_35] {strides = array<i32>} : memref<256xf32, #tpu.memory_space<vmem>>, vector<16xf32>,
    %swap3A_37 = vector.shape_cast %swap3A_36 : vector<16xf32> to vector<16xf32>
    %swap3A_38 = vector.shape_cast %broadcast_in_dim3A_34 : vector<16xf32> to vector<16xf32>
    tpu.vector_store %arg9[%swap3A_35], %swap3A_38 {strides = array<i32>} : memref<256xf32, #tpu.memory_space<vmem>>, vector<16xf32>,
    %broadcast_in_dim3A_39 = arith.constant 1.000000e+00 : f32
    %broadcast_in_dim3A_40 = vector.broadcast %broadcast_in_dim3A_39 : f32 to vector<16xf32>
    %swap3A_41 = arith.constant 80 : index
    %swap3A_42 = tpu.vector_load %arg9[%swap3A_41] {strides = array<i32>} : memref<256xf32, #tpu.memory_space<vmem>>, vector<16xf32>,
    %swap3A_43 = vector.shape_cast %swap3A_42 : vector<16xf32> to vector<16xf32>
    %swap3A_44 = vector.shape_cast %broadcast_in_dim3A_40 : vector<16xf32> to vector<16xf32>
    tpu.vector_store %arg9[%swap3A_41], %swap3A_44 {strides = array<i32>} : memref<256xf32, #tpu.memory_space<vmem>>, vector<16xf32>,
    %broadcast_in_dim3A_45 = arith.constant 1.000000e+00 : f32
    %broadcast_in_dim3A_46 = vector.broadcast %broadcast_in_dim3A_45 : f32 to vector<16xf32>
    %swap3A_47 = arith.constant 96 : index
    %swap3A_48 = tpu.vector_load %arg9[%swap3A_47] {strides = array<i32>} : memref<256xf32, #tpu.memory_space<vmem>>, vector<16xf32>,
    %swap3A_49 = vector.shape_cast %swap3A_48 : vector<16xf32> to vector<16xf32>
    %swap3A_50 = vector.shape_cast %broadcast_in_dim3A_46 : vector<16xf32> to vector<16xf32>
    tpu.vector_store %arg9[%swap3A_47], %swap3A_50 {strides = array<i32>} : memref<256xf32, #tpu.memory_space<vmem>>, vector<16xf32>,
    %broadcast_in_dim3A_51 = arith.constant 1.000000e+00 : f32
    %broadcast_in_dim3A_52 = vector.broadcast %broadcast_in_dim3A_51 : f32 to vector<16xf32>
    %swap3A_53 = arith.constant 112 : index
    %swap3A_54 = tpu.vector_load %arg9[%swap3A_53] {strides = array<i32>} : memref<256xf32, #tpu.memory_space<vmem>>, vector<16xf32>,
    %swap3A_55 = vector.shape_cast %swap3A_54 : vector<16xf32> to vector<16xf32>
    %swap3A_56 = vector.shape_cast %broadcast_in_dim3A_52 : vector<16xf32> to vector<16xf32>
    tpu.vector_store %arg9[%swap3A_53], %swap3A_56 {strides = array<i32>} : memref<256xf32, #tpu.memory_space<vmem>>, vector<16xf32>,
    %broadcast_in_dim3A_57 = arith.constant 1.000000e+00 : f32
    %broadcast_in_dim3A_58 = vector.broadcast %broadcast_in_dim3A_57 : f32 to vector<16xf32>
    %swap3A_59 = arith.constant 128 : index
    %swap3A_60 = tpu.vector_load %arg9[%swap3A_59] {strides = array<i32>} : memref<256xf32, #tpu.memory_space<vmem>>, vector<16xf32>,
    %swap3A_61 = vector.shape_cast %swap3A_60 : vector<16xf32> to vector<16xf32>
    %swap3A_62 = vector.shape_cast %broadcast_in_dim3A_58 : vector<16xf32> to vector<16xf32>
    tpu.vector_store %arg9[%swap3A_59], %swap3A_62 {strides = array<i32>} : memref<256xf32, #tpu.memory_space<vmem>>, vector<16xf32>,
    %broadcast_in_dim3A_63 = arith.constant 1.000000e+00 : f32
    %broadcast_in_dim3A_64 = vector.broadcast %broadcast_in_dim3A_63 : f32 to vector<16xf32>
    %swap3A_65 = arith.constant 144 : index
    %swap3A_66 = tpu.vector_load %arg9[%swap3A_65] {strides = array<i32>} : memref<256xf32, #tpu.memory_space<vmem>>, vector<16xf32>,
    %swap3A_67 = vector.shape_cast %swap3A_66 : vector<16xf32> to vector<16xf32>
    %swap3A_68 = vector.shape_cast %broadcast_in_dim3A_64 : vector<16xf32> to vector<16xf32>
    tpu.vector_store %arg9[%swap3A_65], %swap3A_68 {strides = array<i32>} : memref<256xf32, #tpu.memory_space<vmem>>, vector<16xf32>,
    %broadcast_in_dim3A_69 = arith.constant 1.000000e+00 : f32
    %broadcast_in_dim3A_70 = vector.broadcast %broadcast_in_dim3A_69 : f32 to vector<16xf32>
    %swap3A_71 = arith.constant 160 : index
    %swap3A_72 = tpu.vector_load %arg9[%swap3A_71] {strides = array<i32>} : memref<256xf32, #tpu.memory_space<vmem>>, vector<16xf32>,
    %swap3A_73 = vector.shape_cast %swap3A_72 : vector<16xf32> to vector<16xf32>
    %swap3A_74 = vector.shape_cast %broadcast_in_dim3A_70 : vector<16xf32> to vector<16xf32>
    tpu.vector_store %arg9[%swap3A_71], %swap3A_74 {strides = array<i32>} : memref<256xf32, #tpu.memory_space<vmem>>, vector<16xf32>,
    %broadcast_in_dim3A_75 = arith.constant 1.000000e+00 : f32
    %broadcast_in_dim3A_76 = vector.broadcast %broadcast_in_dim3A_75 : f32 to vector<16xf32>
    %swap3A_77 = arith.constant 176 : index
    %swap3A_78 = tpu.vector_load %arg9[%swap3A_77] {strides = array<i32>} : memref<256xf32, #tpu.memory_space<vmem>>, vector<16xf32>,
    %swap3A_79 = vector.shape_cast %swap3A_78 : vector<16xf32> to vector<16xf32>
    %swap3A_80 = vector.shape_cast %broadcast_in_dim3A_76 : vector<16xf32> to vector<16xf32>
    tpu.vector_store %arg9[%swap3A_77], %swap3A_80 {strides = array<i32>} : memref<256xf32, #tpu.memory_space<vmem>>, vector<16xf32>,
    %broadcast_in_dim3A_81 = arith.constant 1.000000e+00 : f32
    %broadcast_in_dim3A_82 = vector.broadcast %broadcast_in_dim3A_81 : f32 to vector<16xf32>
    %swap3A_83 = arith.constant 192 : index
    %swap3A_84 = tpu.vector_load %arg9[%swap3A_83] {strides = array<i32>} : memref<256xf32, #tpu.memory_space<vmem>>, vector<16xf32>,
    %swap3A_85 = vector.shape_cast %swap3A_84 : vector<16xf32> to vector<16xf32>
    %swap3A_86 = vector.shape_cast %broadcast_in_dim3A_82 : vector<16xf32> to vector<16xf32>
    tpu.vector_store %arg9[%swap3A_83], %swap3A_86 {strides = array<i32>} : memref<256xf32, #tpu.memory_space<vmem>>, vector<16xf32>,
    %broadcast_in_dim3A_87 = arith.constant 1.000000e+00 : f32
    %broadcast_in_dim3A_88 = vector.broadcast %broadcast_in_dim3A_87 : f32 to vector<16xf32>
    %swap3A_89 = arith.constant 208 : index
    %swap3A_90 = tpu.vector_load %arg9[%swap3A_89] {strides = array<i32>} : memref<256xf32, #tpu.memory_space<vmem>>, vector<16xf32>,
    %swap3A_91 = vector.shape_cast %swap3A_90 : vector<16xf32> to vector<16xf32>
    %swap3A_92 = vector.shape_cast %broadcast_in_dim3A_88 : vector<16xf32> to vector<16xf32>
    tpu.vector_store %arg9[%swap3A_89], %swap3A_92 {strides = array<i32>} : memref<256xf32, #tpu.memory_space<vmem>>, vector<16xf32>,
    %broadcast_in_dim3A_93 = arith.constant 1.000000e+00 : f32
    %broadcast_in_dim3A_94 = vector.broadcast %broadcast_in_dim3A_93 : f32 to vector<16xf32>
    %swap3A_95 = arith.constant 224 : index
    %swap3A_96 = tpu.vector_load %arg9[%swap3A_95] {strides = array<i32>} : memref<256xf32, #tpu.memory_space<vmem>>, vector<16xf32>,
    %swap3A_97 = vector.shape_cast %swap3A_96 : vector<16xf32> to vector<16xf32>
    %swap3A_98 = vector.shape_cast %broadcast_in_dim3A_94 : vector<16xf32> to vector<16xf32>
    tpu.vector_store %arg9[%swap3A_95], %swap3A_98 {strides = array<i32>} : memref<256xf32, #tpu.memory_space<vmem>>, vector<16xf32>,
    %broadcast_in_dim3A_99 = arith.constant 1.000000e+00 : f32
    %broadcast_in_dim3A_100 = vector.broadcast %broadcast_in_dim3A_99 : f32 to vector<16xf32>
    %swap3A_101 = arith.constant 240 : index
    %swap3A_102 = tpu.vector_load %arg9[%swap3A_101] {strides = array<i32>} : memref<256xf32, #tpu.memory_space<vmem>>, vector<16xf32>,
    %swap3A_103 = vector.shape_cast %swap3A_102 : vector<16xf32> to vector<16xf32>
    %swap3A_104 = vector.shape_cast %broadcast_in_dim3A_100 : vector<16xf32> to vector<16xf32>
    tpu.vector_store %arg9[%swap3A_101], %swap3A_104 {strides = array<i32>} : memref<256xf32, #tpu.memory_space<vmem>>, vector<16xf32>,
    %scan3A = arith.constant 0 : i32
    %scan3A_105 = arith.constant 41 : i32
    %scan3A_106 = arith.addi %scan3A, %scan3A_105 : i32
    %scan3A_107 = arith.constant 1 : i32
    scf.for %scan3A_320 = %scan3A to %scan3A_106 step %scan3A_107  : i32 {
      %broadcast_in_dim3A_321 = arith.constant 0.000000e+00 : f32
      %broadcast_in_dim3A_322 = vector.broadcast %broadcast_in_dim3A_321 : f32 to vector<16xf32>
      %mul3A_323 = arith.constant 16 : i32
      %mul3A_324 = arith.muli %scan3A_320, %mul3A_323 : i32
      %swap3A_325 = arith.index_cast %mul3A_324 : i32 to index
      %swap3A_326 = tpu.vector_load %arg10[%swap3A_325] {strides = array<i32>} : memref<656xf32, #tpu.memory_space<vmem>>, vector<16xf32>,
      %swap3A_327 = vector.shape_cast %swap3A_326 : vector<16xf32> to vector<16xf32>
      %swap3A_328 = vector.shape_cast %broadcast_in_dim3A_322 : vector<16xf32> to vector<16xf32>
      tpu.vector_store %arg10[%swap3A_325], %swap3A_328 {strides = array<i32>} : memref<656xf32, #tpu.memory_space<vmem>>, vector<16xf32>,
    }
    %scan3A_108 = arith.constant 41 : i32
    "tpu.region"() ({
      %run_scoped3A = tpu.sem_alloc : memref<!tpu.dma_semaphore, #tpu.memory_space<semaphore_mem>>
      %dma_start3A_320 = tpu.memref_slice %arg13[%multiple_of3A] : memref<10496xf32, #tpu.memory_space<vmem_shared>> -> memref<656xf32, #tpu.memory_space<vmem_shared>>
      %dma_start3A_321 = tpu.memref_slice %arg13[%multiple_of3A] : memref<10496xf32, #tpu.memory_space<vmem_shared>> -> memref<656xf32, #tpu.memory_space<vmem_shared>>
      tpu.enqueue_dma source(%arg10 : memref<656xf32, #tpu.memory_space<vmem>>) target(%dma_start3A_321 : memref<656xf32, #tpu.memory_space<vmem_shared>>) target_semaphore(%run_scoped3A : memref<!tpu.dma_semaphore, #tpu.memory_space<semaphore_mem>>)
      %dma_wait3A_322 = tpu.memref_slice %arg13[%multiple_of3A] : memref<10496xf32, #tpu.memory_space<vmem_shared>> -> memref<656xf32, #tpu.memory_space<vmem_shared>>
      %dma_wait3A_323 = tpu.memref_slice %arg13[%multiple_of3A] : memref<10496xf32, #tpu.memory_space<vmem_shared>> -> memref<656xf32, #tpu.memory_space<vmem_shared>>
      tpu.wait_dma2 semaphore(%run_scoped3A : memref<!tpu.dma_semaphore, #tpu.memory_space<semaphore_mem>>) src(%arg10 : memref<656xf32, #tpu.memory_space<vmem>>) dst(%dma_wait3A_323 : memref<656xf32, #tpu.memory_space<vmem_shared>>)
      tpu.yield
    }) : () -> ()
    %scan3A_109 = arith.constant 0 : i32
    %scan3A_110 = arith.constant 656 : i32
    %scan3A_111 = arith.addi %scan3A_109, %scan3A_110 : i32
    %scan3A_112 = arith.constant 1 : i32
    scf.for %scan3A_320 = %scan3A_109 to %scan3A_111 step %scan3A_112  : i32 {
      %broadcast_in_dim3A_321 = arith.constant 0.000000e+00 : f32
      %broadcast_in_dim3A_322 = vector.broadcast %broadcast_in_dim3A_321 : f32 to vector<16xf32>
      %swap3A_323 = arith.index_cast %scan3A_320 : i32 to index
      %swap3A_324 = arith.constant 0 : index
      %swap3A_325 = tpu.vector_load %arg12[%swap3A_323, %swap3A_324] {strides = array<i32>} : memref<656x16xf32, #tpu.memory_space<vmem>>, vector<1x16xf32>,
      %swap3A_326 = vector.shape_cast %swap3A_325 : vector<1x16xf32> to vector<16xf32>
      %swap3A_327 = vector.shape_cast %broadcast_in_dim3A_322 : vector<16xf32> to vector<1x16xf32>
      tpu.vector_store %arg12[%swap3A_323, %swap3A_324], %swap3A_327 {strides = array<i32>} : memref<656x16xf32, #tpu.memory_space<vmem>>, vector<1x16xf32>,
    }
    %scan3A_113 = arith.constant 656 : i32
    "tpu.region"() ({
      %run_scoped3A = tpu.sem_alloc : memref<!tpu.dma_semaphore, #tpu.memory_space<semaphore_mem>>
      %dma_start3A_320 = arith.constant 0 : i32
      %dma_start3A_321 = tpu.memref_slice %arg15[%multiple_of3A, %dma_start3A_320] : memref<10496x16xf32, #tpu.memory_space<vmem_shared>> -> memref<656x16xf32, #tpu.memory_space<vmem_shared>>
      %dma_start3A_322 = arith.constant 0 : i32
      %dma_start3A_323 = tpu.memref_slice %arg15[%multiple_of3A, %dma_start3A_322] : memref<10496x16xf32, #tpu.memory_space<vmem_shared>> -> memref<656x16xf32, #tpu.memory_space<vmem_shared>>
      tpu.enqueue_dma source(%arg12 : memref<656x16xf32, #tpu.memory_space<vmem>>) target(%dma_start3A_323 : memref<656x16xf32, #tpu.memory_space<vmem_shared>>) target_semaphore(%run_scoped3A : memref<!tpu.dma_semaphore, #tpu.memory_space<semaphore_mem>>)
      %dma_wait3A_324 = arith.constant 0 : i32
      %dma_wait3A_325 = tpu.memref_slice %arg15[%multiple_of3A, %dma_wait3A_324] : memref<10496x16xf32, #tpu.memory_space<vmem_shared>> -> memref<656x16xf32, #tpu.memory_space<vmem_shared>>
      %dma_wait3A_326 = arith.constant 0 : i32
      %dma_wait3A_327 = tpu.memref_slice %arg15[%multiple_of3A, %dma_wait3A_326] : memref<10496x16xf32, #tpu.memory_space<vmem_shared>> -> memref<656x16xf32, #tpu.memory_space<vmem_shared>>
      tpu.wait_dma2 semaphore(%run_scoped3A : memref<!tpu.dma_semaphore, #tpu.memory_space<semaphore_mem>>) src(%arg12 : memref<656x16xf32, #tpu.memory_space<vmem>>) dst(%dma_wait3A_327 : memref<656x16xf32, #tpu.memory_space<vmem_shared>>)
      tpu.yield
    }) : () -> ()
    %barrier3A = arith.constant 0 : index
    tpu.barrier barrier_id(%barrier3A)
    %scan3A_114 = arith.constant 0 : i32
    %scan3A_115 = arith.constant 80 : i32
    %scan3A_116 = arith.addi %scan3A_114, %scan3A_115 : i32
    %scan3A_117 = arith.constant 1 : i32
    scf.for %scan3A_320 = %scan3A_114 to %scan3A_116 step %scan3A_117  : i32 {
      %dma_start3A_321 = arith.constant 0 : i32
      %dma_start3A_322 = tpu.memref_slice %arg8[%scan3A_320, %dma_start3A_321] : memref<80x256xi32, #tpu.memory_space<vmem>> -> memref<1x256xi32, #tpu.memory_space<vmem>>
      %dma_start3A_323 = tpu.memref_squeeze %dma_start3A_322 : memref<1x256xi32, #tpu.memory_space<vmem>> -> memref<256xi32, #tpu.memory_space<vmem>>
      %dma_start3A_324 = arith.constant 0 : i32
      %dma_start3A_325 = tpu.memref_slice %arg13[%dma_start3A_324] : memref<10496xf32, #tpu.memory_space<vmem_shared>> -> memref<10496xf32, #tpu.memory_space<vmem_shared>>
      tpu.enqueue_indirect_dma source(%arg9 : memref<256xf32, #tpu.memory_space<vmem>>) target(%dma_start3A_325 : memref<10496xf32, #tpu.memory_space<vmem_shared>>) offsets(%dma_start3A_323 : memref<256xi32, #tpu.memory_space<vmem>>) semaphore(%arg17 : memref<!tpu.dma_semaphore, #tpu.memory_space<semaphore_mem>>) {add = true}
      %ge3A = arith.constant 8 : i32
      %ge3A_326 = arith.cmpi sge, %scan3A_320, %ge3A : i32
      %convert_element_type3A = arith.extui %ge3A_326 : i1 to i32
      %cond3A = arith.constant 0 : i32
      %cond3A_327 = arith.cmpi ne, %convert_element_type3A, %cond3A : i32
      scf.if %cond3A_327 {
        %sub3A = arith.constant 8 : i32
        %sub3A_328 = arith.subi %scan3A_320, %sub3A : i32
        %dma_wait3A_329 = arith.constant 0 : i32
        %dma_wait3A_330 = tpu.memref_slice %arg8[%sub3A_328, %dma_wait3A_329] : memref<80x256xi32, #tpu.memory_space<vmem>> -> memref<1x256xi32, #tpu.memory_space<vmem>>
        %dma_wait3A_331 = tpu.memref_squeeze %dma_wait3A_330 : memref<1x256xi32, #tpu.memory_space<vmem>> -> memref<256xi32, #tpu.memory_space<vmem>>
        %dma_wait3A_332 = arith.constant 0 : i32
        %dma_wait3A_333 = tpu.memref_slice %arg13[%dma_wait3A_332] : memref<10496xf32, #tpu.memory_space<vmem_shared>> -> memref<10496xf32, #tpu.memory_space<vmem_shared>>
        tpu.wait_indirect_dma semaphore(%arg17 : memref<!tpu.dma_semaphore, #tpu.memory_space<semaphore_mem>>) src(%arg9 : memref<256xf32, #tpu.memory_space<vmem>>) dst(%dma_wait3A_333 : memref<10496xf32, #tpu.memory_space<vmem_shared>>)
      } else {
      }
    }
    %scan3A_118 = arith.constant 80 : i32
    %dma_wait3A = arith.constant 72 : i32
    %dma_wait3A_119 = arith.constant 0 : i32
    %dma_wait3A_120 = tpu.memref_slice %arg8[%dma_wait3A, %dma_wait3A_119] : memref<80x256xi32, #tpu.memory_space<vmem>> -> memref<1x256xi32, #tpu.memory_space<vmem>>
    %dma_wait3A_121 = tpu.memref_squeeze %dma_wait3A_120 : memref<1x256xi32, #tpu.memory_space<vmem>> -> memref<256xi32, #tpu.memory_space<vmem>>
    %dma_wait3A_122 = arith.constant 0 : i32
    %dma_wait3A_123 = tpu.memref_slice %arg13[%dma_wait3A_122] : memref<10496xf32, #tpu.memory_space<vmem_shared>> -> memref<10496xf32, #tpu.memory_space<vmem_shared>>
    tpu.wait_indirect_dma semaphore(%arg17 : memref<!tpu.dma_semaphore, #tpu.memory_space<semaphore_mem>>) src(%arg9 : memref<256xf32, #tpu.memory_space<vmem>>) dst(%dma_wait3A_123 : memref<10496xf32, #tpu.memory_space<vmem_shared>>)
    %dma_wait3A_124 = arith.constant 73 : i32
    %dma_wait3A_125 = arith.constant 0 : i32
    %dma_wait3A_126 = tpu.memref_slice %arg8[%dma_wait3A_124, %dma_wait3A_125] : memref<80x256xi32, #tpu.memory_space<vmem>> -> memref<1x256xi32, #tpu.memory_space<vmem>>
    %dma_wait3A_127 = tpu.memref_squeeze %dma_wait3A_126 : memref<1x256xi32, #tpu.memory_space<vmem>> -> memref<256xi32, #tpu.memory_space<vmem>>
    %dma_wait3A_128 = arith.constant 0 : i32
    %dma_wait3A_129 = tpu.memref_slice %arg13[%dma_wait3A_128] : memref<10496xf32, #tpu.memory_space<vmem_shared>> -> memref<10496xf32, #tpu.memory_space<vmem_shared>>
    tpu.wait_indirect_dma semaphore(%arg17 : memref<!tpu.dma_semaphore, #tpu.memory_space<semaphore_mem>>) src(%arg9 : memref<256xf32, #tpu.memory_space<vmem>>) dst(%dma_wait3A_129 : memref<10496xf32, #tpu.memory_space<vmem_shared>>)
    %dma_wait3A_130 = arith.constant 74 : i32
    %dma_wait3A_131 = arith.constant 0 : i32
    %dma_wait3A_132 = tpu.memref_slice %arg8[%dma_wait3A_130, %dma_wait3A_131] : memref<80x256xi32, #tpu.memory_space<vmem>> -> memref<1x256xi32, #tpu.memory_space<vmem>>
    %dma_wait3A_133 = tpu.memref_squeeze %dma_wait3A_132 : memref<1x256xi32, #tpu.memory_space<vmem>> -> memref<256xi32, #tpu.memory_space<vmem>>
    %dma_wait3A_134 = arith.constant 0 : i32
    %dma_wait3A_135 = tpu.memref_slice %arg13[%dma_wait3A_134] : memref<10496xf32, #tpu.memory_space<vmem_shared>> -> memref<10496xf32, #tpu.memory_space<vmem_shared>>
    tpu.wait_indirect_dma semaphore(%arg17 : memref<!tpu.dma_semaphore, #tpu.memory_space<semaphore_mem>>) src(%arg9 : memref<256xf32, #tpu.memory_space<vmem>>) dst(%dma_wait3A_135 : memref<10496xf32, #tpu.memory_space<vmem_shared>>)
    %dma_wait3A_136 = arith.constant 75 : i32
    %dma_wait3A_137 = arith.constant 0 : i32
    %dma_wait3A_138 = tpu.memref_slice %arg8[%dma_wait3A_136, %dma_wait3A_137] : memref<80x256xi32, #tpu.memory_space<vmem>> -> memref<1x256xi32, #tpu.memory_space<vmem>>
    %dma_wait3A_139 = tpu.memref_squeeze %dma_wait3A_138 : memref<1x256xi32, #tpu.memory_space<vmem>> -> memref<256xi32, #tpu.memory_space<vmem>>
    %dma_wait3A_140 = arith.constant 0 : i32
    %dma_wait3A_141 = tpu.memref_slice %arg13[%dma_wait3A_140] : memref<10496xf32, #tpu.memory_space<vmem_shared>> -> memref<10496xf32, #tpu.memory_space<vmem_shared>>
    tpu.wait_indirect_dma semaphore(%arg17 : memref<!tpu.dma_semaphore, #tpu.memory_space<semaphore_mem>>) src(%arg9 : memref<256xf32, #tpu.memory_space<vmem>>) dst(%dma_wait3A_141 : memref<10496xf32, #tpu.memory_space<vmem_shared>>)
    %dma_wait3A_142 = arith.constant 76 : i32
    %dma_wait3A_143 = arith.constant 0 : i32
    %dma_wait3A_144 = tpu.memref_slice %arg8[%dma_wait3A_142, %dma_wait3A_143] : memref<80x256xi32, #tpu.memory_space<vmem>> -> memref<1x256xi32, #tpu.memory_space<vmem>>
    %dma_wait3A_145 = tpu.memref_squeeze %dma_wait3A_144 : memref<1x256xi32, #tpu.memory_space<vmem>> -> memref<256xi32, #tpu.memory_space<vmem>>
    %dma_wait3A_146 = arith.constant 0 : i32
    %dma_wait3A_147 = tpu.memref_slice %arg13[%dma_wait3A_146] : memref<10496xf32, #tpu.memory_space<vmem_shared>> -> memref<10496xf32, #tpu.memory_space<vmem_shared>>
    tpu.wait_indirect_dma semaphore(%arg17 : memref<!tpu.dma_semaphore, #tpu.memory_space<semaphore_mem>>) src(%arg9 : memref<256xf32, #tpu.memory_space<vmem>>) dst(%dma_wait3A_147 : memref<10496xf32, #tpu.memory_space<vmem_shared>>)
    %dma_wait3A_148 = arith.constant 77 : i32
    %dma_wait3A_149 = arith.constant 0 : i32
    %dma_wait3A_150 = tpu.memref_slice %arg8[%dma_wait3A_148, %dma_wait3A_149] : memref<80x256xi32, #tpu.memory_space<vmem>> -> memref<1x256xi32, #tpu.memory_space<vmem>>
    %dma_wait3A_151 = tpu.memref_squeeze %dma_wait3A_150 : memref<1x256xi32, #tpu.memory_space<vmem>> -> memref<256xi32, #tpu.memory_space<vmem>>
    %dma_wait3A_152 = arith.constant 0 : i32
    %dma_wait3A_153 = tpu.memref_slice %arg13[%dma_wait3A_152] : memref<10496xf32, #tpu.memory_space<vmem_shared>> -> memref<10496xf32, #tpu.memory_space<vmem_shared>>
    tpu.wait_indirect_dma semaphore(%arg17 : memref<!tpu.dma_semaphore, #tpu.memory_space<semaphore_mem>>) src(%arg9 : memref<256xf32, #tpu.memory_space<vmem>>) dst(%dma_wait3A_153 : memref<10496xf32, #tpu.memory_space<vmem_shared>>)
    %dma_wait3A_154 = arith.constant 78 : i32
    %dma_wait3A_155 = arith.constant 0 : i32
    %dma_wait3A_156 = tpu.memref_slice %arg8[%dma_wait3A_154, %dma_wait3A_155] : memref<80x256xi32, #tpu.memory_space<vmem>> -> memref<1x256xi32, #tpu.memory_space<vmem>>
    %dma_wait3A_157 = tpu.memref_squeeze %dma_wait3A_156 : memref<1x256xi32, #tpu.memory_space<vmem>> -> memref<256xi32, #tpu.memory_space<vmem>>
    %dma_wait3A_158 = arith.constant 0 : i32
    %dma_wait3A_159 = tpu.memref_slice %arg13[%dma_wait3A_158] : memref<10496xf32, #tpu.memory_space<vmem_shared>> -> memref<10496xf32, #tpu.memory_space<vmem_shared>>
    tpu.wait_indirect_dma semaphore(%arg17 : memref<!tpu.dma_semaphore, #tpu.memory_space<semaphore_mem>>) src(%arg9 : memref<256xf32, #tpu.memory_space<vmem>>) dst(%dma_wait3A_159 : memref<10496xf32, #tpu.memory_space<vmem_shared>>)
    %dma_wait3A_160 = arith.constant 79 : i32
    %dma_wait3A_161 = arith.constant 0 : i32
    %dma_wait3A_162 = tpu.memref_slice %arg8[%dma_wait3A_160, %dma_wait3A_161] : memref<80x256xi32, #tpu.memory_space<vmem>> -> memref<1x256xi32, #tpu.memory_space<vmem>>
    %dma_wait3A_163 = tpu.memref_squeeze %dma_wait3A_162 : memref<1x256xi32, #tpu.memory_space<vmem>> -> memref<256xi32, #tpu.memory_space<vmem>>
    %dma_wait3A_164 = arith.constant 0 : i32
    %dma_wait3A_165 = tpu.memref_slice %arg13[%dma_wait3A_164] : memref<10496xf32, #tpu.memory_space<vmem_shared>> -> memref<10496xf32, #tpu.memory_space<vmem_shared>>
    tpu.wait_indirect_dma semaphore(%arg17 : memref<!tpu.dma_semaphore, #tpu.memory_space<semaphore_mem>>) src(%arg9 : memref<256xf32, #tpu.memory_space<vmem>>) dst(%dma_wait3A_165 : memref<10496xf32, #tpu.memory_space<vmem_shared>>)
    %barrier3A_166 = arith.constant 0 : index
    tpu.barrier barrier_id(%barrier3A_166)
    "tpu.region"() ({
      %run_scoped3A = tpu.sem_alloc : memref<!tpu.dma_semaphore, #tpu.memory_space<semaphore_mem>>
      %dma_start3A_320 = tpu.memref_slice %arg13[%multiple_of3A] : memref<10496xf32, #tpu.memory_space<vmem_shared>> -> memref<656xf32, #tpu.memory_space<vmem_shared>>
      %dma_start3A_321 = tpu.memref_slice %arg13[%multiple_of3A] : memref<10496xf32, #tpu.memory_space<vmem_shared>> -> memref<656xf32, #tpu.memory_space<vmem_shared>>
      tpu.enqueue_dma source(%dma_start3A_321 : memref<656xf32, #tpu.memory_space<vmem_shared>>) target(%arg10 : memref<656xf32, #tpu.memory_space<vmem>>) target_semaphore(%run_scoped3A : memref<!tpu.dma_semaphore, #tpu.memory_space<semaphore_mem>>)
      %dma_wait3A_322 = tpu.memref_slice %arg13[%multiple_of3A] : memref<10496xf32, #tpu.memory_space<vmem_shared>> -> memref<656xf32, #tpu.memory_space<vmem_shared>>
      %dma_wait3A_323 = tpu.memref_slice %arg13[%multiple_of3A] : memref<10496xf32, #tpu.memory_space<vmem_shared>> -> memref<656xf32, #tpu.memory_space<vmem_shared>>
      tpu.wait_dma2 semaphore(%run_scoped3A : memref<!tpu.dma_semaphore, #tpu.memory_space<semaphore_mem>>) src(%dma_wait3A_323 : memref<656xf32, #tpu.memory_space<vmem_shared>>) dst(%arg10 : memref<656xf32, #tpu.memory_space<vmem>>)
      tpu.yield
    }) : () -> ()
    "tpu.region"() ({
      %run_scoped3A = tpu.sem_alloc : memref<!tpu.dma_semaphore, #tpu.memory_space<semaphore_mem>>
      %dma_start3A_320 = tpu.memref_slice %arg5[%multiple_of3A_5] : memref<20992xf32, #tpu.memory_space<hbm>> -> memref<656xf32, #tpu.memory_space<hbm>>
      %dma_start3A_321 = tpu.memref_slice %arg5[%multiple_of3A_5] : memref<20992xf32, #tpu.memory_space<hbm>> -> memref<656xf32, #tpu.memory_space<hbm>>
      tpu.enqueue_dma source(%arg10 : memref<656xf32, #tpu.memory_space<vmem>>) target(%dma_start3A_321 : memref<656xf32, #tpu.memory_space<hbm>>) target_semaphore(%run_scoped3A : memref<!tpu.dma_semaphore, #tpu.memory_space<semaphore_mem>>)
      %dma_wait3A_322 = tpu.memref_slice %arg5[%multiple_of3A_5] : memref<20992xf32, #tpu.memory_space<hbm>> -> memref<656xf32, #tpu.memory_space<hbm>>
      %dma_wait3A_323 = tpu.memref_slice %arg5[%multiple_of3A_5] : memref<20992xf32, #tpu.memory_space<hbm>> -> memref<656xf32, #tpu.memory_space<hbm>>
      tpu.wait_dma2 semaphore(%run_scoped3A : memref<!tpu.dma_semaphore, #tpu.memory_space<semaphore_mem>>) src(%arg10 : memref<656xf32, #tpu.memory_space<vmem>>) dst(%dma_wait3A_323 : memref<656xf32, #tpu.memory_space<hbm>>)
      tpu.yield
    }) : () -> ()
    %scan3A_167 = arith.constant 0 : i32
    %scan3A_168 = arith.constant 41 : i32
    %scan3A_169 = arith.addi %scan3A_167, %scan3A_168 : i32
    %scan3A_170 = arith.constant 1 : i32
    scf.for %scan3A_320 = %scan3A_167 to %scan3A_169 step %scan3A_170  : i32 {
      %mul3A_321 = arith.constant 16 : i32
      %mul3A_322 = arith.muli %scan3A_320, %mul3A_321 : i32
      %get3A = arith.index_cast %mul3A_322 : i32 to index
      %get3A_323 = tpu.vector_load %arg10[%get3A] {strides = array<i32>} : memref<656xf32, #tpu.memory_space<vmem>>, vector<16xf32>,
      %get3A_324 = vector.shape_cast %get3A_323 : vector<16xf32> to vector<16xf32>
      %add3A_325 = arith.constant 1.000000e+00 : f32
      %add3A_326 = vector.broadcast %add3A_325 : f32 to vector<16xf32>
      %add3A_327 = arith.addf %get3A_324, %add3A_326 : vector<16xf32>
      %bitcast_convert_type3A = tpu.bitcast %add3A_327 : vector<16xf32> -> vector<16xi32>
      %shift_right_arithmetic3A = arith.constant 1 : i32
      %shift_right_arithmetic3A_328 = vector.broadcast %shift_right_arithmetic3A : i32 to vector<16xi32>
      %shift_right_arithmetic3A_329 = arith.shrsi %bitcast_convert_type3A, %shift_right_arithmetic3A_328 : vector<16xi32>
      %sub3A = arith.constant 1597463007 : i32
      %sub3A_330 = vector.broadcast %sub3A : i32 to vector<16xi32>
      %sub3A_331 = arith.subi %sub3A_330, %shift_right_arithmetic3A_329 : vector<16xi32>
      %bitcast_convert_type3A_332 = tpu.bitcast %sub3A_331 : vector<16xi32> -> vector<16xf32>
      %mul3A_333 = arith.constant 5.000000e-01 : f32
      %mul3A_334 = vector.broadcast %mul3A_333 : f32 to vector<16xf32>
      %mul3A_335 = arith.mulf %mul3A_334, %add3A_327 : vector<16xf32>
      %mul3A_336 = arith.mulf %mul3A_335, %bitcast_convert_type3A_332 : vector<16xf32>
      %mul3A_337 = arith.mulf %mul3A_336, %bitcast_convert_type3A_332 : vector<16xf32>
      %sub3A_338 = arith.constant 1.500000e+00 : f32
      %sub3A_339 = vector.broadcast %sub3A_338 : f32 to vector<16xf32>
      %sub3A_340 = arith.subf %sub3A_339, %mul3A_337 : vector<16xf32>
      %mul3A_341 = arith.mulf %bitcast_convert_type3A_332, %sub3A_340 : vector<16xf32>
      %mul3A_342 = arith.constant 5.000000e-01 : f32
      %mul3A_343 = vector.broadcast %mul3A_342 : f32 to vector<16xf32>
      %mul3A_344 = arith.mulf %mul3A_343, %add3A_327 : vector<16xf32>
      %mul3A_345 = arith.mulf %mul3A_344, %mul3A_341 : vector<16xf32>
      %mul3A_346 = arith.mulf %mul3A_345, %mul3A_341 : vector<16xf32>
      %sub3A_347 = arith.constant 1.500000e+00 : f32
      %sub3A_348 = vector.broadcast %sub3A_347 : f32 to vector<16xf32>
      %sub3A_349 = arith.subf %sub3A_348, %mul3A_346 : vector<16xf32>
      %mul3A_350 = arith.mulf %mul3A_341, %sub3A_349 : vector<16xf32>
      %mul3A_351 = arith.constant 5.000000e-01 : f32
      %mul3A_352 = vector.broadcast %mul3A_351 : f32 to vector<16xf32>
      %mul3A_353 = arith.mulf %mul3A_352, %add3A_327 : vector<16xf32>
      %mul3A_354 = arith.mulf %mul3A_353, %mul3A_350 : vector<16xf32>
      %mul3A_355 = arith.mulf %mul3A_354, %mul3A_350 : vector<16xf32>
      %sub3A_356 = arith.constant 1.500000e+00 : f32
      %sub3A_357 = vector.broadcast %sub3A_356 : f32 to vector<16xf32>
      %sub3A_358 = arith.subf %sub3A_357, %mul3A_355 : vector<16xf32>
      %mul3A_359 = arith.mulf %mul3A_350, %sub3A_358 : vector<16xf32>
      %mul3A_360 = arith.constant 5.000000e-01 : f32
      %mul3A_361 = vector.broadcast %mul3A_360 : f32 to vector<16xf32>
      %mul3A_362 = arith.mulf %mul3A_361, %add3A_327 : vector<16xf32>
      %mul3A_363 = arith.mulf %mul3A_362, %mul3A_359 : vector<16xf32>
      %mul3A_364 = arith.mulf %mul3A_363, %mul3A_359 : vector<16xf32>
      %sub3A_365 = arith.constant 1.500000e+00 : f32
      %sub3A_366 = vector.broadcast %sub3A_365 : f32 to vector<16xf32>
      %sub3A_367 = arith.subf %sub3A_366, %mul3A_364 : vector<16xf32>
      %mul3A_368 = arith.mulf %mul3A_359, %sub3A_367 : vector<16xf32>
      %mul3A_369 = arith.constant 16 : i32
      %mul3A_370 = arith.muli %scan3A_320, %mul3A_369 : i32
      %swap3A_371 = arith.index_cast %mul3A_370 : i32 to index
      %swap3A_372 = tpu.vector_load %arg10[%swap3A_371] {strides = array<i32>} : memref<656xf32, #tpu.memory_space<vmem>>, vector<16xf32>,
      %swap3A_373 = vector.shape_cast %swap3A_372 : vector<16xf32> to vector<16xf32>
      %swap3A_374 = vector.shape_cast %mul3A_368 : vector<16xf32> to vector<16xf32>
      tpu.vector_store %arg10[%swap3A_371], %swap3A_374 {strides = array<i32>} : memref<656xf32, #tpu.memory_space<vmem>>, vector<16xf32>,
    }
    %scan3A_171 = arith.constant 41 : i32
    %dma_wait3A_172 = arith.constant 0 : i32
    %dma_wait3A_173 = tpu.memref_slice %arg14[%multiple_of3A, %dma_wait3A_172] : memref<10496x16xf32, #tpu.memory_space<vmem_shared>> -> memref<656x16xf32, #tpu.memory_space<vmem_shared>>
    %dma_wait3A_174 = arith.constant 0 : i32
    %dma_wait3A_175 = tpu.memref_slice %arg4[%multiple_of3A, %dma_wait3A_174] : memref<10496x16xf32, #tpu.memory_space<hbm>> -> memref<656x16xf32, #tpu.memory_space<hbm>>
    tpu.wait_dma2 semaphore(%arg18 : memref<!tpu.dma_semaphore, #tpu.memory_space<semaphore_mem>>) src(%dma_wait3A_175 : memref<656x16xf32, #tpu.memory_space<hbm>>) dst(%dma_wait3A_173 : memref<656x16xf32, #tpu.memory_space<vmem_shared>>)
    "tpu.region"() ({
      %run_scoped3A = tpu.sem_alloc : memref<!tpu.dma_semaphore, #tpu.memory_space<semaphore_mem>>
      %dma_start3A_320 = arith.constant 0 : i32
      %dma_start3A_321 = tpu.memref_slice %arg14[%multiple_of3A, %dma_start3A_320] : memref<10496x16xf32, #tpu.memory_space<vmem_shared>> -> memref<656x16xf32, #tpu.memory_space<vmem_shared>>
      %dma_start3A_322 = arith.constant 0 : i32
      %dma_start3A_323 = tpu.memref_slice %arg14[%multiple_of3A, %dma_start3A_322] : memref<10496x16xf32, #tpu.memory_space<vmem_shared>> -> memref<656x16xf32, #tpu.memory_space<vmem_shared>>
      tpu.enqueue_dma source(%dma_start3A_323 : memref<656x16xf32, #tpu.memory_space<vmem_shared>>) target(%arg12 : memref<656x16xf32, #tpu.memory_space<vmem>>) target_semaphore(%run_scoped3A : memref<!tpu.dma_semaphore, #tpu.memory_space<semaphore_mem>>)
      %dma_wait3A_324 = arith.constant 0 : i32
      %dma_wait3A_325 = tpu.memref_slice %arg14[%multiple_of3A, %dma_wait3A_324] : memref<10496x16xf32, #tpu.memory_space<vmem_shared>> -> memref<656x16xf32, #tpu.memory_space<vmem_shared>>
      %dma_wait3A_326 = arith.constant 0 : i32
      %dma_wait3A_327 = tpu.memref_slice %arg14[%multiple_of3A, %dma_wait3A_326] : memref<10496x16xf32, #tpu.memory_space<vmem_shared>> -> memref<656x16xf32, #tpu.memory_space<vmem_shared>>
      tpu.wait_dma2 semaphore(%run_scoped3A : memref<!tpu.dma_semaphore, #tpu.memory_space<semaphore_mem>>) src(%dma_wait3A_327 : memref<656x16xf32, #tpu.memory_space<vmem_shared>>) dst(%arg12 : memref<656x16xf32, #tpu.memory_space<vmem>>)
      tpu.yield
    }) : () -> ()
    %scan3A_176 = arith.constant 0 : i32
    %scan3A_177 = arith.constant 41 : i32
    %scan3A_178 = arith.addi %scan3A_176, %scan3A_177 : i32
    %scan3A_179 = arith.constant 1 : i32
    scf.for %scan3A_320 = %scan3A_176 to %scan3A_178 step %scan3A_179  : i32 {
      %mul3A_321 = arith.constant 16 : i32
      %mul3A_322 = arith.muli %scan3A_320, %mul3A_321 : i32
      %get3A = arith.index_cast %mul3A_322 : i32 to index
      %get3A_323 = tpu.vector_load %arg10[%get3A] {strides = array<i32>} : memref<656xf32, #tpu.memory_space<vmem>>, vector<16xf32>,
      %get3A_324 = vector.shape_cast %get3A_323 : vector<16xf32> to vector<16xf32>
      %mul3A_325 = arith.constant 16 : i32
      %mul3A_326 = arith.muli %scan3A_320, %mul3A_325 : i32
      %add3A_327 = arith.constant 0 : i32
      %add3A_328 = arith.addi %mul3A_326, %add3A_327 : i32
      %get3A_329 = arith.index_cast %add3A_328 : i32 to index
      %get3A_330 = arith.constant 0 : index
      %get3A_331 = tpu.vector_load %arg12[%get3A_329, %get3A_330] {strides = array<i32>} : memref<656x16xf32, #tpu.memory_space<vmem>>, vector<1x16xf32>,
      %get3A_332 = vector.shape_cast %get3A_331 : vector<1x16xf32> to vector<16xf32>
      %slice3A = vector.extract_strided_slice %get3A_324 {offsets = [0], sizes = [1], strides = [1]} : vector<16xf32> to vector<1xf32>
      %squeeze3A = vector.extract %slice3A[0] : f32 from vector<1xf32>
      %mul3A_333 = vector.broadcast %squeeze3A : f32 to vector<16xf32>
      %mul3A_334 = arith.mulf %get3A_332, %mul3A_333 : vector<16xf32>
      %swap3A_335 = arith.index_cast %add3A_328 : i32 to index
      %swap3A_336 = arith.constant 0 : index
      %swap3A_337 = tpu.vector_load %arg12[%swap3A_335, %swap3A_336] {strides = array<i32>} : memref<656x16xf32, #tpu.memory_space<vmem>>, vector<1x16xf32>,
      %swap3A_338 = vector.shape_cast %swap3A_337 : vector<1x16xf32> to vector<16xf32>
      %swap3A_339 = vector.shape_cast %mul3A_334 : vector<16xf32> to vector<1x16xf32>
      tpu.vector_store %arg12[%swap3A_335, %swap3A_336], %swap3A_339 {strides = array<i32>} : memref<656x16xf32, #tpu.memory_space<vmem>>, vector<1x16xf32>,
      %mul3A_340 = arith.constant 16 : i32
      %mul3A_341 = arith.muli %scan3A_320, %mul3A_340 : i32
      %add3A_342 = arith.constant 1 : i32
      %add3A_343 = arith.addi %mul3A_341, %add3A_342 : i32
      %get3A_344 = arith.index_cast %add3A_343 : i32 to index
      %get3A_345 = arith.constant 0 : index
      %get3A_346 = tpu.vector_load %arg12[%get3A_344, %get3A_345] {strides = array<i32>} : memref<656x16xf32, #tpu.memory_space<vmem>>, vector<1x16xf32>,
      %get3A_347 = vector.shape_cast %get3A_346 : vector<1x16xf32> to vector<16xf32>
      %slice3A_348 = vector.extract_strided_slice %get3A_324 {offsets = [1], sizes = [1], strides = [1]} : vector<16xf32> to vector<1xf32>
      %squeeze3A_349 = vector.extract %slice3A_348[0] : f32 from vector<1xf32>
      %mul3A_350 = vector.broadcast %squeeze3A_349 : f32 to vector<16xf32>
      %mul3A_351 = arith.mulf %get3A_347, %mul3A_350 : vector<16xf32>
      %swap3A_352 = arith.index_cast %add3A_343 : i32 to index
      %swap3A_353 = arith.constant 0 : index
      %swap3A_354 = tpu.vector_load %arg12[%swap3A_352, %swap3A_353] {strides = array<i32>} : memref<656x16xf32, #tpu.memory_space<vmem>>, vector<1x16xf32>,
      %swap3A_355 = vector.shape_cast %swap3A_354 : vector<1x16xf32> to vector<16xf32>
      %swap3A_356 = vector.shape_cast %mul3A_351 : vector<16xf32> to vector<1x16xf32>
      tpu.vector_store %arg12[%swap3A_352, %swap3A_353], %swap3A_356 {strides = array<i32>} : memref<656x16xf32, #tpu.memory_space<vmem>>, vector<1x16xf32>,
      %mul3A_357 = arith.constant 16 : i32
      %mul3A_358 = arith.muli %scan3A_320, %mul3A_357 : i32
      %add3A_359 = arith.constant 2 : i32
      %add3A_360 = arith.addi %mul3A_358, %add3A_359 : i32
      %get3A_361 = arith.index_cast %add3A_360 : i32 to index
      %get3A_362 = arith.constant 0 : index
      %get3A_363 = tpu.vector_load %arg12[%get3A_361, %get3A_362] {strides = array<i32>} : memref<656x16xf32, #tpu.memory_space<vmem>>, vector<1x16xf32>,
      %get3A_364 = vector.shape_cast %get3A_363 : vector<1x16xf32> to vector<16xf32>
      %slice3A_365 = vector.extract_strided_slice %get3A_324 {offsets = [2], sizes = [1], strides = [1]} : vector<16xf32> to vector<1xf32>
      %squeeze3A_366 = vector.extract %slice3A_365[0] : f32 from vector<1xf32>
      %mul3A_367 = vector.broadcast %squeeze3A_366 : f32 to vector<16xf32>
      %mul3A_368 = arith.mulf %get3A_364, %mul3A_367 : vector<16xf32>
      %swap3A_369 = arith.index_cast %add3A_360 : i32 to index
      %swap3A_370 = arith.constant 0 : index
      %swap3A_371 = tpu.vector_load %arg12[%swap3A_369, %swap3A_370] {strides = array<i32>} : memref<656x16xf32, #tpu.memory_space<vmem>>, vector<1x16xf32>,
      %swap3A_372 = vector.shape_cast %swap3A_371 : vector<1x16xf32> to vector<16xf32>
      %swap3A_373 = vector.shape_cast %mul3A_368 : vector<16xf32> to vector<1x16xf32>
      tpu.vector_store %arg12[%swap3A_369, %swap3A_370], %swap3A_373 {strides = array<i32>} : memref<656x16xf32, #tpu.memory_space<vmem>>, vector<1x16xf32>,
      %mul3A_374 = arith.constant 16 : i32
      %mul3A_375 = arith.muli %scan3A_320, %mul3A_374 : i32
      %add3A_376 = arith.constant 3 : i32
      %add3A_377 = arith.addi %mul3A_375, %add3A_376 : i32
      %get3A_378 = arith.index_cast %add3A_377 : i32 to index
      %get3A_379 = arith.constant 0 : index
      %get3A_380 = tpu.vector_load %arg12[%get3A_378, %get3A_379] {strides = array<i32>} : memref<656x16xf32, #tpu.memory_space<vmem>>, vector<1x16xf32>,
      %get3A_381 = vector.shape_cast %get3A_380 : vector<1x16xf32> to vector<16xf32>
      %slice3A_382 = vector.extract_strided_slice %get3A_324 {offsets = [3], sizes = [1], strides = [1]} : vector<16xf32> to vector<1xf32>
      %squeeze3A_383 = vector.extract %slice3A_382[0] : f32 from vector<1xf32>
      %mul3A_384 = vector.broadcast %squeeze3A_383 : f32 to vector<16xf32>
      %mul3A_385 = arith.mulf %get3A_381, %mul3A_384 : vector<16xf32>
      %swap3A_386 = arith.index_cast %add3A_377 : i32 to index
      %swap3A_387 = arith.constant 0 : index
      %swap3A_388 = tpu.vector_load %arg12[%swap3A_386, %swap3A_387] {strides = array<i32>} : memref<656x16xf32, #tpu.memory_space<vmem>>, vector<1x16xf32>,
      %swap3A_389 = vector.shape_cast %swap3A_388 : vector<1x16xf32> to vector<16xf32>
      %swap3A_390 = vector.shape_cast %mul3A_385 : vector<16xf32> to vector<1x16xf32>
      tpu.vector_store %arg12[%swap3A_386, %swap3A_387], %swap3A_390 {strides = array<i32>} : memref<656x16xf32, #tpu.memory_space<vmem>>, vector<1x16xf32>,
      %mul3A_391 = arith.constant 16 : i32
      %mul3A_392 = arith.muli %scan3A_320, %mul3A_391 : i32
      %add3A_393 = arith.constant 4 : i32
      %add3A_394 = arith.addi %mul3A_392, %add3A_393 : i32
      %get3A_395 = arith.index_cast %add3A_394 : i32 to index
      %get3A_396 = arith.constant 0 : index
      %get3A_397 = tpu.vector_load %arg12[%get3A_395, %get3A_396] {strides = array<i32>} : memref<656x16xf32, #tpu.memory_space<vmem>>, vector<1x16xf32>,
      %get3A_398 = vector.shape_cast %get3A_397 : vector<1x16xf32> to vector<16xf32>
      %slice3A_399 = vector.extract_strided_slice %get3A_324 {offsets = [4], sizes = [1], strides = [1]} : vector<16xf32> to vector<1xf32>
      %squeeze3A_400 = vector.extract %slice3A_399[0] : f32 from vector<1xf32>
      %mul3A_401 = vector.broadcast %squeeze3A_400 : f32 to vector<16xf32>
      %mul3A_402 = arith.mulf %get3A_398, %mul3A_401 : vector<16xf32>
      %swap3A_403 = arith.index_cast %add3A_394 : i32 to index
      %swap3A_404 = arith.constant 0 : index
      %swap3A_405 = tpu.vector_load %arg12[%swap3A_403, %swap3A_404] {strides = array<i32>} : memref<656x16xf32, #tpu.memory_space<vmem>>, vector<1x16xf32>,
      %swap3A_406 = vector.shape_cast %swap3A_405 : vector<1x16xf32> to vector<16xf32>
      %swap3A_407 = vector.shape_cast %mul3A_402 : vector<16xf32> to vector<1x16xf32>
      tpu.vector_store %arg12[%swap3A_403, %swap3A_404], %swap3A_407 {strides = array<i32>} : memref<656x16xf32, #tpu.memory_space<vmem>>, vector<1x16xf32>,
      %mul3A_408 = arith.constant 16 : i32
      %mul3A_409 = arith.muli %scan3A_320, %mul3A_408 : i32
      %add3A_410 = arith.constant 5 : i32
      %add3A_411 = arith.addi %mul3A_409, %add3A_410 : i32
      %get3A_412 = arith.index_cast %add3A_411 : i32 to index
      %get3A_413 = arith.constant 0 : index
      %get3A_414 = tpu.vector_load %arg12[%get3A_412, %get3A_413] {strides = array<i32>} : memref<656x16xf32, #tpu.memory_space<vmem>>, vector<1x16xf32>,
      %get3A_415 = vector.shape_cast %get3A_414 : vector<1x16xf32> to vector<16xf32>
      %slice3A_416 = vector.extract_strided_slice %get3A_324 {offsets = [5], sizes = [1], strides = [1]} : vector<16xf32> to vector<1xf32>
      %squeeze3A_417 = vector.extract %slice3A_416[0] : f32 from vector<1xf32>
      %mul3A_418 = vector.broadcast %squeeze3A_417 : f32 to vector<16xf32>
      %mul3A_419 = arith.mulf %get3A_415, %mul3A_418 : vector<16xf32>
      %swap3A_420 = arith.index_cast %add3A_411 : i32 to index
      %swap3A_421 = arith.constant 0 : index
      %swap3A_422 = tpu.vector_load %arg12[%swap3A_420, %swap3A_421] {strides = array<i32>} : memref<656x16xf32, #tpu.memory_space<vmem>>, vector<1x16xf32>,
      %swap3A_423 = vector.shape_cast %swap3A_422 : vector<1x16xf32> to vector<16xf32>
      %swap3A_424 = vector.shape_cast %mul3A_419 : vector<16xf32> to vector<1x16xf32>
      tpu.vector_store %arg12[%swap3A_420, %swap3A_421], %swap3A_424 {strides = array<i32>} : memref<656x16xf32, #tpu.memory_space<vmem>>, vector<1x16xf32>,
      %mul3A_425 = arith.constant 16 : i32
      %mul3A_426 = arith.muli %scan3A_320, %mul3A_425 : i32
      %add3A_427 = arith.constant 6 : i32
      %add3A_428 = arith.addi %mul3A_426, %add3A_427 : i32
      %get3A_429 = arith.index_cast %add3A_428 : i32 to index
      %get3A_430 = arith.constant 0 : index
      %get3A_431 = tpu.vector_load %arg12[%get3A_429, %get3A_430] {strides = array<i32>} : memref<656x16xf32, #tpu.memory_space<vmem>>, vector<1x16xf32>,
      %get3A_432 = vector.shape_cast %get3A_431 : vector<1x16xf32> to vector<16xf32>
      %slice3A_433 = vector.extract_strided_slice %get3A_324 {offsets = [6], sizes = [1], strides = [1]} : vector<16xf32> to vector<1xf32>
      %squeeze3A_434 = vector.extract %slice3A_433[0] : f32 from vector<1xf32>
      %mul3A_435 = vector.broadcast %squeeze3A_434 : f32 to vector<16xf32>
      %mul3A_436 = arith.mulf %get3A_432, %mul3A_435 : vector<16xf32>
      %swap3A_437 = arith.index_cast %add3A_428 : i32 to index
      %swap3A_438 = arith.constant 0 : index
      %swap3A_439 = tpu.vector_load %arg12[%swap3A_437, %swap3A_438] {strides = array<i32>} : memref<656x16xf32, #tpu.memory_space<vmem>>, vector<1x16xf32>,
      %swap3A_440 = vector.shape_cast %swap3A_439 : vector<1x16xf32> to vector<16xf32>
      %swap3A_441 = vector.shape_cast %mul3A_436 : vector<16xf32> to vector<1x16xf32>
      tpu.vector_store %arg12[%swap3A_437, %swap3A_438], %swap3A_441 {strides = array<i32>} : memref<656x16xf32, #tpu.memory_space<vmem>>, vector<1x16xf32>,
      %mul3A_442 = arith.constant 16 : i32
      %mul3A_443 = arith.muli %scan3A_320, %mul3A_442 : i32
      %add3A_444 = arith.constant 7 : i32
      %add3A_445 = arith.addi %mul3A_443, %add3A_444 : i32
      %get3A_446 = arith.index_cast %add3A_445 : i32 to index
      %get3A_447 = arith.constant 0 : index
      %get3A_448 = tpu.vector_load %arg12[%get3A_446, %get3A_447] {strides = array<i32>} : memref<656x16xf32, #tpu.memory_space<vmem>>, vector<1x16xf32>,
      %get3A_449 = vector.shape_cast %get3A_448 : vector<1x16xf32> to vector<16xf32>
      %slice3A_450 = vector.extract_strided_slice %get3A_324 {offsets = [7], sizes = [1], strides = [1]} : vector<16xf32> to vector<1xf32>
      %squeeze3A_451 = vector.extract %slice3A_450[0] : f32 from vector<1xf32>
      %mul3A_452 = vector.broadcast %squeeze3A_451 : f32 to vector<16xf32>
      %mul3A_453 = arith.mulf %get3A_449, %mul3A_452 : vector<16xf32>
      %swap3A_454 = arith.index_cast %add3A_445 : i32 to index
      %swap3A_455 = arith.constant 0 : index
      %swap3A_456 = tpu.vector_load %arg12[%swap3A_454, %swap3A_455] {strides = array<i32>} : memref<656x16xf32, #tpu.memory_space<vmem>>, vector<1x16xf32>,
      %swap3A_457 = vector.shape_cast %swap3A_456 : vector<1x16xf32> to vector<16xf32>
      %swap3A_458 = vector.shape_cast %mul3A_453 : vector<16xf32> to vector<1x16xf32>
      tpu.vector_store %arg12[%swap3A_454, %swap3A_455], %swap3A_458 {strides = array<i32>} : memref<656x16xf32, #tpu.memory_space<vmem>>, vector<1x16xf32>,
      %mul3A_459 = arith.constant 16 : i32
      %mul3A_460 = arith.muli %scan3A_320, %mul3A_459 : i32
      %add3A_461 = arith.constant 8 : i32
      %add3A_462 = arith.addi %mul3A_460, %add3A_461 : i32
      %get3A_463 = arith.index_cast %add3A_462 : i32 to index
      %get3A_464 = arith.constant 0 : index
      %get3A_465 = tpu.vector_load %arg12[%get3A_463, %get3A_464] {strides = array<i32>} : memref<656x16xf32, #tpu.memory_space<vmem>>, vector<1x16xf32>,
      %get3A_466 = vector.shape_cast %get3A_465 : vector<1x16xf32> to vector<16xf32>
      %slice3A_467 = vector.extract_strided_slice %get3A_324 {offsets = [8], sizes = [1], strides = [1]} : vector<16xf32> to vector<1xf32>
      %squeeze3A_468 = vector.extract %slice3A_467[0] : f32 from vector<1xf32>
      %mul3A_469 = vector.broadcast %squeeze3A_468 : f32 to vector<16xf32>
      %mul3A_470 = arith.mulf %get3A_466, %mul3A_469 : vector<16xf32>
      %swap3A_471 = arith.index_cast %add3A_462 : i32 to index
      %swap3A_472 = arith.constant 0 : index
      %swap3A_473 = tpu.vector_load %arg12[%swap3A_471, %swap3A_472] {strides = array<i32>} : memref<656x16xf32, #tpu.memory_space<vmem>>, vector<1x16xf32>,
      %swap3A_474 = vector.shape_cast %swap3A_473 : vector<1x16xf32> to vector<16xf32>
      %swap3A_475 = vector.shape_cast %mul3A_470 : vector<16xf32> to vector<1x16xf32>
      tpu.vector_store %arg12[%swap3A_471, %swap3A_472], %swap3A_475 {strides = array<i32>} : memref<656x16xf32, #tpu.memory_space<vmem>>, vector<1x16xf32>,
      %mul3A_476 = arith.constant 16 : i32
      %mul3A_477 = arith.muli %scan3A_320, %mul3A_476 : i32
      %add3A_478 = arith.constant 9 : i32
      %add3A_479 = arith.addi %mul3A_477, %add3A_478 : i32
      %get3A_480 = arith.index_cast %add3A_479 : i32 to index
      %get3A_481 = arith.constant 0 : index
      %get3A_482 = tpu.vector_load %arg12[%get3A_480, %get3A_481] {strides = array<i32>} : memref<656x16xf32, #tpu.memory_space<vmem>>, vector<1x16xf32>,
      %get3A_483 = vector.shape_cast %get3A_482 : vector<1x16xf32> to vector<16xf32>
      %slice3A_484 = vector.extract_strided_slice %get3A_324 {offsets = [9], sizes = [1], strides = [1]} : vector<16xf32> to vector<1xf32>
      %squeeze3A_485 = vector.extract %slice3A_484[0] : f32 from vector<1xf32>
      %mul3A_486 = vector.broadcast %squeeze3A_485 : f32 to vector<16xf32>
      %mul3A_487 = arith.mulf %get3A_483, %mul3A_486 : vector<16xf32>
      %swap3A_488 = arith.index_cast %add3A_479 : i32 to index
      %swap3A_489 = arith.constant 0 : index
      %swap3A_490 = tpu.vector_load %arg12[%swap3A_488, %swap3A_489] {strides = array<i32>} : memref<656x16xf32, #tpu.memory_space<vmem>>, vector<1x16xf32>,
      %swap3A_491 = vector.shape_cast %swap3A_490 : vector<1x16xf32> to vector<16xf32>
      %swap3A_492 = vector.shape_cast %mul3A_487 : vector<16xf32> to vector<1x16xf32>
      tpu.vector_store %arg12[%swap3A_488, %swap3A_489], %swap3A_492 {strides = array<i32>} : memref<656x16xf32, #tpu.memory_space<vmem>>, vector<1x16xf32>,
      %mul3A_493 = arith.constant 16 : i32
      %mul3A_494 = arith.muli %scan3A_320, %mul3A_493 : i32
      %add3A_495 = arith.constant 10 : i32
      %add3A_496 = arith.addi %mul3A_494, %add3A_495 : i32
      %get3A_497 = arith.index_cast %add3A_496 : i32 to index
      %get3A_498 = arith.constant 0 : index
      %get3A_499 = tpu.vector_load %arg12[%get3A_497, %get3A_498] {strides = array<i32>} : memref<656x16xf32, #tpu.memory_space<vmem>>, vector<1x16xf32>,
      %get3A_500 = vector.shape_cast %get3A_499 : vector<1x16xf32> to vector<16xf32>
      %slice3A_501 = vector.extract_strided_slice %get3A_324 {offsets = [10], sizes = [1], strides = [1]} : vector<16xf32> to vector<1xf32>
      %squeeze3A_502 = vector.extract %slice3A_501[0] : f32 from vector<1xf32>
      %mul3A_503 = vector.broadcast %squeeze3A_502 : f32 to vector<16xf32>
      %mul3A_504 = arith.mulf %get3A_500, %mul3A_503 : vector<16xf32>
      %swap3A_505 = arith.index_cast %add3A_496 : i32 to index
      %swap3A_506 = arith.constant 0 : index
      %swap3A_507 = tpu.vector_load %arg12[%swap3A_505, %swap3A_506] {strides = array<i32>} : memref<656x16xf32, #tpu.memory_space<vmem>>, vector<1x16xf32>,
      %swap3A_508 = vector.shape_cast %swap3A_507 : vector<1x16xf32> to vector<16xf32>
      %swap3A_509 = vector.shape_cast %mul3A_504 : vector<16xf32> to vector<1x16xf32>
      tpu.vector_store %arg12[%swap3A_505, %swap3A_506], %swap3A_509 {strides = array<i32>} : memref<656x16xf32, #tpu.memory_space<vmem>>, vector<1x16xf32>,
      %mul3A_510 = arith.constant 16 : i32
      %mul3A_511 = arith.muli %scan3A_320, %mul3A_510 : i32
      %add3A_512 = arith.constant 11 : i32
      %add3A_513 = arith.addi %mul3A_511, %add3A_512 : i32
      %get3A_514 = arith.index_cast %add3A_513 : i32 to index
      %get3A_515 = arith.constant 0 : index
      %get3A_516 = tpu.vector_load %arg12[%get3A_514, %get3A_515] {strides = array<i32>} : memref<656x16xf32, #tpu.memory_space<vmem>>, vector<1x16xf32>,
      %get3A_517 = vector.shape_cast %get3A_516 : vector<1x16xf32> to vector<16xf32>
      %slice3A_518 = vector.extract_strided_slice %get3A_324 {offsets = [11], sizes = [1], strides = [1]} : vector<16xf32> to vector<1xf32>
      %squeeze3A_519 = vector.extract %slice3A_518[0] : f32 from vector<1xf32>
      %mul3A_520 = vector.broadcast %squeeze3A_519 : f32 to vector<16xf32>
      %mul3A_521 = arith.mulf %get3A_517, %mul3A_520 : vector<16xf32>
      %swap3A_522 = arith.index_cast %add3A_513 : i32 to index
      %swap3A_523 = arith.constant 0 : index
      %swap3A_524 = tpu.vector_load %arg12[%swap3A_522, %swap3A_523] {strides = array<i32>} : memref<656x16xf32, #tpu.memory_space<vmem>>, vector<1x16xf32>,
      %swap3A_525 = vector.shape_cast %swap3A_524 : vector<1x16xf32> to vector<16xf32>
      %swap3A_526 = vector.shape_cast %mul3A_521 : vector<16xf32> to vector<1x16xf32>
      tpu.vector_store %arg12[%swap3A_522, %swap3A_523], %swap3A_526 {strides = array<i32>} : memref<656x16xf32, #tpu.memory_space<vmem>>, vector<1x16xf32>,
      %mul3A_527 = arith.constant 16 : i32
      %mul3A_528 = arith.muli %scan3A_320, %mul3A_527 : i32
      %add3A_529 = arith.constant 12 : i32
      %add3A_530 = arith.addi %mul3A_528, %add3A_529 : i32
      %get3A_531 = arith.index_cast %add3A_530 : i32 to index
      %get3A_532 = arith.constant 0 : index
      %get3A_533 = tpu.vector_load %arg12[%get3A_531, %get3A_532] {strides = array<i32>} : memref<656x16xf32, #tpu.memory_space<vmem>>, vector<1x16xf32>,
      %get3A_534 = vector.shape_cast %get3A_533 : vector<1x16xf32> to vector<16xf32>
      %slice3A_535 = vector.extract_strided_slice %get3A_324 {offsets = [12], sizes = [1], strides = [1]} : vector<16xf32> to vector<1xf32>
      %squeeze3A_536 = vector.extract %slice3A_535[0] : f32 from vector<1xf32>
      %mul3A_537 = vector.broadcast %squeeze3A_536 : f32 to vector<16xf32>
      %mul3A_538 = arith.mulf %get3A_534, %mul3A_537 : vector<16xf32>
      %swap3A_539 = arith.index_cast %add3A_530 : i32 to index
      %swap3A_540 = arith.constant 0 : index
      %swap3A_541 = tpu.vector_load %arg12[%swap3A_539, %swap3A_540] {strides = array<i32>} : memref<656x16xf32, #tpu.memory_space<vmem>>, vector<1x16xf32>,
      %swap3A_542 = vector.shape_cast %swap3A_541 : vector<1x16xf32> to vector<16xf32>
      %swap3A_543 = vector.shape_cast %mul3A_538 : vector<16xf32> to vector<1x16xf32>
      tpu.vector_store %arg12[%swap3A_539, %swap3A_540], %swap3A_543 {strides = array<i32>} : memref<656x16xf32, #tpu.memory_space<vmem>>, vector<1x16xf32>,
      %mul3A_544 = arith.constant 16 : i32
      %mul3A_545 = arith.muli %scan3A_320, %mul3A_544 : i32
      %add3A_546 = arith.constant 13 : i32
      %add3A_547 = arith.addi %mul3A_545, %add3A_546 : i32
      %get3A_548 = arith.index_cast %add3A_547 : i32 to index
      %get3A_549 = arith.constant 0 : index
      %get3A_550 = tpu.vector_load %arg12[%get3A_548, %get3A_549] {strides = array<i32>} : memref<656x16xf32, #tpu.memory_space<vmem>>, vector<1x16xf32>,
      %get3A_551 = vector.shape_cast %get3A_550 : vector<1x16xf32> to vector<16xf32>
      %slice3A_552 = vector.extract_strided_slice %get3A_324 {offsets = [13], sizes = [1], strides = [1]} : vector<16xf32> to vector<1xf32>
      %squeeze3A_553 = vector.extract %slice3A_552[0] : f32 from vector<1xf32>
      %mul3A_554 = vector.broadcast %squeeze3A_553 : f32 to vector<16xf32>
      %mul3A_555 = arith.mulf %get3A_551, %mul3A_554 : vector<16xf32>
      %swap3A_556 = arith.index_cast %add3A_547 : i32 to index
      %swap3A_557 = arith.constant 0 : index
      %swap3A_558 = tpu.vector_load %arg12[%swap3A_556, %swap3A_557] {strides = array<i32>} : memref<656x16xf32, #tpu.memory_space<vmem>>, vector<1x16xf32>,
      %swap3A_559 = vector.shape_cast %swap3A_558 : vector<1x16xf32> to vector<16xf32>
      %swap3A_560 = vector.shape_cast %mul3A_555 : vector<16xf32> to vector<1x16xf32>
      tpu.vector_store %arg12[%swap3A_556, %swap3A_557], %swap3A_560 {strides = array<i32>} : memref<656x16xf32, #tpu.memory_space<vmem>>, vector<1x16xf32>,
      %mul3A_561 = arith.constant 16 : i32
      %mul3A_562 = arith.muli %scan3A_320, %mul3A_561 : i32
      %add3A_563 = arith.constant 14 : i32
      %add3A_564 = arith.addi %mul3A_562, %add3A_563 : i32
      %get3A_565 = arith.index_cast %add3A_564 : i32 to index
      %get3A_566 = arith.constant 0 : index
      %get3A_567 = tpu.vector_load %arg12[%get3A_565, %get3A_566] {strides = array<i32>} : memref<656x16xf32, #tpu.memory_space<vmem>>, vector<1x16xf32>,
      %get3A_568 = vector.shape_cast %get3A_567 : vector<1x16xf32> to vector<16xf32>
      %slice3A_569 = vector.extract_strided_slice %get3A_324 {offsets = [14], sizes = [1], strides = [1]} : vector<16xf32> to vector<1xf32>
      %squeeze3A_570 = vector.extract %slice3A_569[0] : f32 from vector<1xf32>
      %mul3A_571 = vector.broadcast %squeeze3A_570 : f32 to vector<16xf32>
      %mul3A_572 = arith.mulf %get3A_568, %mul3A_571 : vector<16xf32>
      %swap3A_573 = arith.index_cast %add3A_564 : i32 to index
      %swap3A_574 = arith.constant 0 : index
      %swap3A_575 = tpu.vector_load %arg12[%swap3A_573, %swap3A_574] {strides = array<i32>} : memref<656x16xf32, #tpu.memory_space<vmem>>, vector<1x16xf32>,
      %swap3A_576 = vector.shape_cast %swap3A_575 : vector<1x16xf32> to vector<16xf32>
      %swap3A_577 = vector.shape_cast %mul3A_572 : vector<16xf32> to vector<1x16xf32>
      tpu.vector_store %arg12[%swap3A_573, %swap3A_574], %swap3A_577 {strides = array<i32>} : memref<656x16xf32, #tpu.memory_space<vmem>>, vector<1x16xf32>,
      %mul3A_578 = arith.constant 16 : i32
      %mul3A_579 = arith.muli %scan3A_320, %mul3A_578 : i32
      %add3A_580 = arith.constant 15 : i32
      %add3A_581 = arith.addi %mul3A_579, %add3A_580 : i32
      %get3A_582 = arith.index_cast %add3A_581 : i32 to index
      %get3A_583 = arith.constant 0 : index
      %get3A_584 = tpu.vector_load %arg12[%get3A_582, %get3A_583] {strides = array<i32>} : memref<656x16xf32, #tpu.memory_space<vmem>>, vector<1x16xf32>,
      %get3A_585 = vector.shape_cast %get3A_584 : vector<1x16xf32> to vector<16xf32>
      %slice3A_586 = vector.extract_strided_slice %get3A_324 {offsets = [15], sizes = [1], strides = [1]} : vector<16xf32> to vector<1xf32>
      %squeeze3A_587 = vector.extract %slice3A_586[0] : f32 from vector<1xf32>
      %mul3A_588 = vector.broadcast %squeeze3A_587 : f32 to vector<16xf32>
      %mul3A_589 = arith.mulf %get3A_585, %mul3A_588 : vector<16xf32>
      %swap3A_590 = arith.index_cast %add3A_581 : i32 to index
      %swap3A_591 = arith.constant 0 : index
      %swap3A_592 = tpu.vector_load %arg12[%swap3A_590, %swap3A_591] {strides = array<i32>} : memref<656x16xf32, #tpu.memory_space<vmem>>, vector<1x16xf32>,
      %swap3A_593 = vector.shape_cast %swap3A_592 : vector<1x16xf32> to vector<16xf32>
      %swap3A_594 = vector.shape_cast %mul3A_589 : vector<16xf32> to vector<1x16xf32>
      tpu.vector_store %arg12[%swap3A_590, %swap3A_591], %swap3A_594 {strides = array<i32>} : memref<656x16xf32, #tpu.memory_space<vmem>>, vector<1x16xf32>,
    }
    %scan3A_180 = arith.constant 41 : i32
    "tpu.region"() ({
      %run_scoped3A = tpu.sem_alloc : memref<!tpu.dma_semaphore, #tpu.memory_space<semaphore_mem>>
      %dma_start3A_320 = arith.constant 0 : i32
      %dma_start3A_321 = tpu.memref_slice %arg14[%multiple_of3A, %dma_start3A_320] : memref<10496x16xf32, #tpu.memory_space<vmem_shared>> -> memref<656x16xf32, #tpu.memory_space<vmem_shared>>
      %dma_start3A_322 = arith.constant 0 : i32
      %dma_start3A_323 = tpu.memref_slice %arg14[%multiple_of3A, %dma_start3A_322] : memref<10496x16xf32, #tpu.memory_space<vmem_shared>> -> memref<656x16xf32, #tpu.memory_space<vmem_shared>>
      tpu.enqueue_dma source(%arg12 : memref<656x16xf32, #tpu.memory_space<vmem>>) target(%dma_start3A_323 : memref<656x16xf32, #tpu.memory_space<vmem_shared>>) target_semaphore(%run_scoped3A : memref<!tpu.dma_semaphore, #tpu.memory_space<semaphore_mem>>)
      %dma_wait3A_324 = arith.constant 0 : i32
      %dma_wait3A_325 = tpu.memref_slice %arg14[%multiple_of3A, %dma_wait3A_324] : memref<10496x16xf32, #tpu.memory_space<vmem_shared>> -> memref<656x16xf32, #tpu.memory_space<vmem_shared>>
      %dma_wait3A_326 = arith.constant 0 : i32
      %dma_wait3A_327 = tpu.memref_slice %arg14[%multiple_of3A, %dma_wait3A_326] : memref<10496x16xf32, #tpu.memory_space<vmem_shared>> -> memref<656x16xf32, #tpu.memory_space<vmem_shared>>
      tpu.wait_dma2 semaphore(%run_scoped3A : memref<!tpu.dma_semaphore, #tpu.memory_space<semaphore_mem>>) src(%arg12 : memref<656x16xf32, #tpu.memory_space<vmem>>) dst(%dma_wait3A_327 : memref<656x16xf32, #tpu.memory_space<vmem_shared>>)
      tpu.yield
    }) : () -> ()
    %barrier3A_181 = arith.constant 0 : index
    tpu.barrier barrier_id(%barrier3A_181)
    %dma_start3A_182 = arith.constant 0 : i32
    %dma_start3A_183 = arith.constant 0 : i32
    %dma_start3A_184 = arith.constant 0 : i32
    %dma_start3A_185 = arith.constant 0 : i32
    %dma_start3A_186 = arith.constant 0 : i32
    %dma_start3A_187 = tpu.memref_slice %arg11[%dma_start3A_183, %dma_start3A_185, %dma_start3A_186] : memref<8x256x16xf32, #tpu.memory_space<vmem>> -> memref<1x256x16xf32, #tpu.memory_space<vmem>>
    %dma_start3A_188 = tpu.memref_squeeze %dma_start3A_187 : memref<1x256x16xf32, #tpu.memory_space<vmem>> -> memref<256x16xf32, #tpu.memory_space<vmem>>
    %dma_start3A_189 = arith.constant 0 : i32
    %dma_start3A_190 = tpu.memref_slice %arg7[%dma_start3A_182, %dma_start3A_189] : memref<40x256xi32, #tpu.memory_space<vmem>> -> memref<1x256xi32, #tpu.memory_space<vmem>>
    %dma_start3A_191 = tpu.memref_squeeze %dma_start3A_190 : memref<1x256xi32, #tpu.memory_space<vmem>> -> memref<256xi32, #tpu.memory_space<vmem>>
    %dma_start3A_192 = arith.constant 0 : i32
    %dma_start3A_193 = arith.constant 0 : i32
    %dma_start3A_194 = tpu.memref_slice %arg14[%dma_start3A_192, %dma_start3A_193] : memref<10496x16xf32, #tpu.memory_space<vmem_shared>> -> memref<10496x16xf32, #tpu.memory_space<vmem_shared>>
    %dma_start3A_195 = tpu.memref_slice %arg16[%dma_start3A_184] : memref<8x!tpu.dma_semaphore, #tpu.memory_space<semaphore_mem>> -> memref<1x!tpu.dma_semaphore, #tpu.memory_space<semaphore_mem>>
    %dma_start3A_196 = tpu.memref_squeeze %dma_start3A_195 : memref<1x!tpu.dma_semaphore, #tpu.memory_space<semaphore_mem>> -> memref<!tpu.dma_semaphore, #tpu.memory_space<semaphore_mem>>
    tpu.enqueue_indirect_dma source(%dma_start3A_194 : memref<10496x16xf32, #tpu.memory_space<vmem_shared>>) target(%dma_start3A_188 : memref<256x16xf32, #tpu.memory_space<vmem>>) offsets(%dma_start3A_191 : memref<256xi32, #tpu.memory_space<vmem>>) semaphore(%dma_start3A_196 : memref<!tpu.dma_semaphore, #tpu.memory_space<semaphore_mem>>)
    %dma_start3A_197 = arith.constant 1 : i32
    %dma_start3A_198 = arith.constant 1 : i32
    %dma_start3A_199 = arith.constant 1 : i32
    %dma_start3A_200 = arith.constant 0 : i32
    %dma_start3A_201 = arith.constant 0 : i32
    %dma_start3A_202 = tpu.memref_slice %arg11[%dma_start3A_198, %dma_start3A_200, %dma_start3A_201] : memref<8x256x16xf32, #tpu.memory_space<vmem>> -> memref<1x256x16xf32, #tpu.memory_space<vmem>>
    %dma_start3A_203 = tpu.memref_squeeze %dma_start3A_202 : memref<1x256x16xf32, #tpu.memory_space<vmem>> -> memref<256x16xf32, #tpu.memory_space<vmem>>
    %dma_start3A_204 = arith.constant 0 : i32
    %dma_start3A_205 = tpu.memref_slice %arg7[%dma_start3A_197, %dma_start3A_204] : memref<40x256xi32, #tpu.memory_space<vmem>> -> memref<1x256xi32, #tpu.memory_space<vmem>>
    %dma_start3A_206 = tpu.memref_squeeze %dma_start3A_205 : memref<1x256xi32, #tpu.memory_space<vmem>> -> memref<256xi32, #tpu.memory_space<vmem>>
    %dma_start3A_207 = arith.constant 0 : i32
    %dma_start3A_208 = arith.constant 0 : i32
    %dma_start3A_209 = tpu.memref_slice %arg14[%dma_start3A_207, %dma_start3A_208] : memref<10496x16xf32, #tpu.memory_space<vmem_shared>> -> memref<10496x16xf32, #tpu.memory_space<vmem_shared>>
    %dma_start3A_210 = tpu.memref_slice %arg16[%dma_start3A_199] : memref<8x!tpu.dma_semaphore, #tpu.memory_space<semaphore_mem>> -> memref<1x!tpu.dma_semaphore, #tpu.memory_space<semaphore_mem>>
    %dma_start3A_211 = tpu.memref_squeeze %dma_start3A_210 : memref<1x!tpu.dma_semaphore, #tpu.memory_space<semaphore_mem>> -> memref<!tpu.dma_semaphore, #tpu.memory_space<semaphore_mem>>
    tpu.enqueue_indirect_dma source(%dma_start3A_209 : memref<10496x16xf32, #tpu.memory_space<vmem_shared>>) target(%dma_start3A_203 : memref<256x16xf32, #tpu.memory_space<vmem>>) offsets(%dma_start3A_206 : memref<256xi32, #tpu.memory_space<vmem>>) semaphore(%dma_start3A_211 : memref<!tpu.dma_semaphore, #tpu.memory_space<semaphore_mem>>)
    %dma_start3A_212 = arith.constant 2 : i32
    %dma_start3A_213 = arith.constant 2 : i32
    %dma_start3A_214 = arith.constant 2 : i32
    %dma_start3A_215 = arith.constant 0 : i32
    %dma_start3A_216 = arith.constant 0 : i32
    %dma_start3A_217 = tpu.memref_slice %arg11[%dma_start3A_213, %dma_start3A_215, %dma_start3A_216] : memref<8x256x16xf32, #tpu.memory_space<vmem>> -> memref<1x256x16xf32, #tpu.memory_space<vmem>>
    %dma_start3A_218 = tpu.memref_squeeze %dma_start3A_217 : memref<1x256x16xf32, #tpu.memory_space<vmem>> -> memref<256x16xf32, #tpu.memory_space<vmem>>
    %dma_start3A_219 = arith.constant 0 : i32
    %dma_start3A_220 = tpu.memref_slice %arg7[%dma_start3A_212, %dma_start3A_219] : memref<40x256xi32, #tpu.memory_space<vmem>> -> memref<1x256xi32, #tpu.memory_space<vmem>>
    %dma_start3A_221 = tpu.memref_squeeze %dma_start3A_220 : memref<1x256xi32, #tpu.memory_space<vmem>> -> memref<256xi32, #tpu.memory_space<vmem>>
    %dma_start3A_222 = arith.constant 0 : i32
    %dma_start3A_223 = arith.constant 0 : i32
    %dma_start3A_224 = tpu.memref_slice %arg14[%dma_start3A_222, %dma_start3A_223] : memref<10496x16xf32, #tpu.memory_space<vmem_shared>> -> memref<10496x16xf32, #tpu.memory_space<vmem_shared>>
    %dma_start3A_225 = tpu.memref_slice %arg16[%dma_start3A_214] : memref<8x!tpu.dma_semaphore, #tpu.memory_space<semaphore_mem>> -> memref<1x!tpu.dma_semaphore, #tpu.memory_space<semaphore_mem>>
    %dma_start3A_226 = tpu.memref_squeeze %dma_start3A_225 : memref<1x!tpu.dma_semaphore, #tpu.memory_space<semaphore_mem>> -> memref<!tpu.dma_semaphore, #tpu.memory_space<semaphore_mem>>
    tpu.enqueue_indirect_dma source(%dma_start3A_224 : memref<10496x16xf32, #tpu.memory_space<vmem_shared>>) target(%dma_start3A_218 : memref<256x16xf32, #tpu.memory_space<vmem>>) offsets(%dma_start3A_221 : memref<256xi32, #tpu.memory_space<vmem>>) semaphore(%dma_start3A_226 : memref<!tpu.dma_semaphore, #tpu.memory_space<semaphore_mem>>)
    %dma_start3A_227 = arith.constant 3 : i32
    %dma_start3A_228 = arith.constant 3 : i32
    %dma_start3A_229 = arith.constant 3 : i32
    %dma_start3A_230 = arith.constant 0 : i32
    %dma_start3A_231 = arith.constant 0 : i32
    %dma_start3A_232 = tpu.memref_slice %arg11[%dma_start3A_228, %dma_start3A_230, %dma_start3A_231] : memref<8x256x16xf32, #tpu.memory_space<vmem>> -> memref<1x256x16xf32, #tpu.memory_space<vmem>>
    %dma_start3A_233 = tpu.memref_squeeze %dma_start3A_232 : memref<1x256x16xf32, #tpu.memory_space<vmem>> -> memref<256x16xf32, #tpu.memory_space<vmem>>
    %dma_start3A_234 = arith.constant 0 : i32
    %dma_start3A_235 = tpu.memref_slice %arg7[%dma_start3A_227, %dma_start3A_234] : memref<40x256xi32, #tpu.memory_space<vmem>> -> memref<1x256xi32, #tpu.memory_space<vmem>>
    %dma_start3A_236 = tpu.memref_squeeze %dma_start3A_235 : memref<1x256xi32, #tpu.memory_space<vmem>> -> memref<256xi32, #tpu.memory_space<vmem>>
    %dma_start3A_237 = arith.constant 0 : i32
    %dma_start3A_238 = arith.constant 0 : i32
    %dma_start3A_239 = tpu.memref_slice %arg14[%dma_start3A_237, %dma_start3A_238] : memref<10496x16xf32, #tpu.memory_space<vmem_shared>> -> memref<10496x16xf32, #tpu.memory_space<vmem_shared>>
    %dma_start3A_240 = tpu.memref_slice %arg16[%dma_start3A_229] : memref<8x!tpu.dma_semaphore, #tpu.memory_space<semaphore_mem>> -> memref<1x!tpu.dma_semaphore, #tpu.memory_space<semaphore_mem>>
    %dma_start3A_241 = tpu.memref_squeeze %dma_start3A_240 : memref<1x!tpu.dma_semaphore, #tpu.memory_space<semaphore_mem>> -> memref<!tpu.dma_semaphore, #tpu.memory_space<semaphore_mem>>
    tpu.enqueue_indirect_dma source(%dma_start3A_239 : memref<10496x16xf32, #tpu.memory_space<vmem_shared>>) target(%dma_start3A_233 : memref<256x16xf32, #tpu.memory_space<vmem>>) offsets(%dma_start3A_236 : memref<256xi32, #tpu.memory_space<vmem>>) semaphore(%dma_start3A_241 : memref<!tpu.dma_semaphore, #tpu.memory_space<semaphore_mem>>)
    %scan3A_242 = arith.constant 0 : i32
    %scan3A_243 = arith.constant 5 : i32
    %scan3A_244 = arith.addi %scan3A_242, %scan3A_243 : i32
    %scan3A_245 = arith.constant 1 : i32
    scf.for %scan3A_320 = %scan3A_242 to %scan3A_244 step %scan3A_245  : i32 {
      %mul3A_321 = arith.constant 2 : i32
      %mul3A_322 = arith.muli %mul3A_321, %scan3A_320 : i32
      %add3A_323 = arith.constant 0 : i32
      %add3A_324 = arith.addi %mul3A_322, %add3A_323 : i32
      %mul3A_325 = arith.constant 4 : i32
      %mul3A_326 = arith.muli %add3A_324, %mul3A_325 : i32
      %add3A_327 = arith.constant 0 : i32
      %add3A_328 = arith.addi %mul3A_326, %add3A_327 : i32
      %dma_wait3A_329 = arith.constant 0 : i32
      %dma_wait3A_330 = arith.constant 0 : i32
      %dma_wait3A_331 = arith.constant 0 : i32
      %dma_wait3A_332 = arith.constant 0 : i32
      %dma_wait3A_333 = tpu.memref_slice %arg11[%dma_wait3A_329, %dma_wait3A_331, %dma_wait3A_332] : memref<8x256x16xf32, #tpu.memory_space<vmem>> -> memref<1x256x16xf32, #tpu.memory_space<vmem>>
      %dma_wait3A_334 = tpu.memref_squeeze %dma_wait3A_333 : memref<1x256x16xf32, #tpu.memory_space<vmem>> -> memref<256x16xf32, #tpu.memory_space<vmem>>
      %dma_wait3A_335 = arith.constant 0 : i32
      %dma_wait3A_336 = tpu.memref_slice %arg7[%add3A_328, %dma_wait3A_335] : memref<40x256xi32, #tpu.memory_space<vmem>> -> memref<1x256xi32, #tpu.memory_space<vmem>>
      %dma_wait3A_337 = tpu.memref_squeeze %dma_wait3A_336 : memref<1x256xi32, #tpu.memory_space<vmem>> -> memref<256xi32, #tpu.memory_space<vmem>>
      %dma_wait3A_338 = arith.constant 0 : i32
      %dma_wait3A_339 = arith.constant 0 : i32
      %dma_wait3A_340 = tpu.memref_slice %arg14[%dma_wait3A_338, %dma_wait3A_339] : memref<10496x16xf32, #tpu.memory_space<vmem_shared>> -> memref<10496x16xf32, #tpu.memory_space<vmem_shared>>
      %dma_wait3A_341 = tpu.memref_slice %arg16[%dma_wait3A_330] : memref<8x!tpu.dma_semaphore, #tpu.memory_space<semaphore_mem>> -> memref<1x!tpu.dma_semaphore, #tpu.memory_space<semaphore_mem>>
      %dma_wait3A_342 = tpu.memref_squeeze %dma_wait3A_341 : memref<1x!tpu.dma_semaphore, #tpu.memory_space<semaphore_mem>> -> memref<!tpu.dma_semaphore, #tpu.memory_space<semaphore_mem>>
      tpu.wait_indirect_dma semaphore(%dma_wait3A_342 : memref<!tpu.dma_semaphore, #tpu.memory_space<semaphore_mem>>) src(%dma_wait3A_340 : memref<10496x16xf32, #tpu.memory_space<vmem_shared>>) dst(%dma_wait3A_334 : memref<256x16xf32, #tpu.memory_space<vmem>>)
      %mul3A_343 = arith.constant 4 : i32
      %mul3A_344 = arith.muli %add3A_324, %mul3A_343 : i32
      %add3A_345 = arith.constant 1 : i32
      %add3A_346 = arith.addi %mul3A_344, %add3A_345 : i32
      %dma_wait3A_347 = arith.constant 1 : i32
      %dma_wait3A_348 = arith.constant 1 : i32
      %dma_wait3A_349 = arith.constant 0 : i32
      %dma_wait3A_350 = arith.constant 0 : i32
      %dma_wait3A_351 = tpu.memref_slice %arg11[%dma_wait3A_347, %dma_wait3A_349, %dma_wait3A_350] : memref<8x256x16xf32, #tpu.memory_space<vmem>> -> memref<1x256x16xf32, #tpu.memory_space<vmem>>
      %dma_wait3A_352 = tpu.memref_squeeze %dma_wait3A_351 : memref<1x256x16xf32, #tpu.memory_space<vmem>> -> memref<256x16xf32, #tpu.memory_space<vmem>>
      %dma_wait3A_353 = arith.constant 0 : i32
      %dma_wait3A_354 = tpu.memref_slice %arg7[%add3A_346, %dma_wait3A_353] : memref<40x256xi32, #tpu.memory_space<vmem>> -> memref<1x256xi32, #tpu.memory_space<vmem>>
      %dma_wait3A_355 = tpu.memref_squeeze %dma_wait3A_354 : memref<1x256xi32, #tpu.memory_space<vmem>> -> memref<256xi32, #tpu.memory_space<vmem>>
      %dma_wait3A_356 = arith.constant 0 : i32
      %dma_wait3A_357 = arith.constant 0 : i32
      %dma_wait3A_358 = tpu.memref_slice %arg14[%dma_wait3A_356, %dma_wait3A_357] : memref<10496x16xf32, #tpu.memory_space<vmem_shared>> -> memref<10496x16xf32, #tpu.memory_space<vmem_shared>>
      %dma_wait3A_359 = tpu.memref_slice %arg16[%dma_wait3A_348] : memref<8x!tpu.dma_semaphore, #tpu.memory_space<semaphore_mem>> -> memref<1x!tpu.dma_semaphore, #tpu.memory_space<semaphore_mem>>
      %dma_wait3A_360 = tpu.memref_squeeze %dma_wait3A_359 : memref<1x!tpu.dma_semaphore, #tpu.memory_space<semaphore_mem>> -> memref<!tpu.dma_semaphore, #tpu.memory_space<semaphore_mem>>
      tpu.wait_indirect_dma semaphore(%dma_wait3A_360 : memref<!tpu.dma_semaphore, #tpu.memory_space<semaphore_mem>>) src(%dma_wait3A_358 : memref<10496x16xf32, #tpu.memory_space<vmem_shared>>) dst(%dma_wait3A_352 : memref<256x16xf32, #tpu.memory_space<vmem>>)
      %mul3A_361 = arith.constant 4 : i32
      %mul3A_362 = arith.muli %add3A_324, %mul3A_361 : i32
      %add3A_363 = arith.constant 2 : i32
      %add3A_364 = arith.addi %mul3A_362, %add3A_363 : i32
      %dma_wait3A_365 = arith.constant 2 : i32
      %dma_wait3A_366 = arith.constant 2 : i32
      %dma_wait3A_367 = arith.constant 0 : i32
      %dma_wait3A_368 = arith.constant 0 : i32
      %dma_wait3A_369 = tpu.memref_slice %arg11[%dma_wait3A_365, %dma_wait3A_367, %dma_wait3A_368] : memref<8x256x16xf32, #tpu.memory_space<vmem>> -> memref<1x256x16xf32, #tpu.memory_space<vmem>>
      %dma_wait3A_370 = tpu.memref_squeeze %dma_wait3A_369 : memref<1x256x16xf32, #tpu.memory_space<vmem>> -> memref<256x16xf32, #tpu.memory_space<vmem>>
      %dma_wait3A_371 = arith.constant 0 : i32
      %dma_wait3A_372 = tpu.memref_slice %arg7[%add3A_364, %dma_wait3A_371] : memref<40x256xi32, #tpu.memory_space<vmem>> -> memref<1x256xi32, #tpu.memory_space<vmem>>
      %dma_wait3A_373 = tpu.memref_squeeze %dma_wait3A_372 : memref<1x256xi32, #tpu.memory_space<vmem>> -> memref<256xi32, #tpu.memory_space<vmem>>
      %dma_wait3A_374 = arith.constant 0 : i32
      %dma_wait3A_375 = arith.constant 0 : i32
      %dma_wait3A_376 = tpu.memref_slice %arg14[%dma_wait3A_374, %dma_wait3A_375] : memref<10496x16xf32, #tpu.memory_space<vmem_shared>> -> memref<10496x16xf32, #tpu.memory_space<vmem_shared>>
      %dma_wait3A_377 = tpu.memref_slice %arg16[%dma_wait3A_366] : memref<8x!tpu.dma_semaphore, #tpu.memory_space<semaphore_mem>> -> memref<1x!tpu.dma_semaphore, #tpu.memory_space<semaphore_mem>>
      %dma_wait3A_378 = tpu.memref_squeeze %dma_wait3A_377 : memref<1x!tpu.dma_semaphore, #tpu.memory_space<semaphore_mem>> -> memref<!tpu.dma_semaphore, #tpu.memory_space<semaphore_mem>>
      tpu.wait_indirect_dma semaphore(%dma_wait3A_378 : memref<!tpu.dma_semaphore, #tpu.memory_space<semaphore_mem>>) src(%dma_wait3A_376 : memref<10496x16xf32, #tpu.memory_space<vmem_shared>>) dst(%dma_wait3A_370 : memref<256x16xf32, #tpu.memory_space<vmem>>)
      %mul3A_379 = arith.constant 4 : i32
      %mul3A_380 = arith.muli %add3A_324, %mul3A_379 : i32
      %add3A_381 = arith.constant 3 : i32
      %add3A_382 = arith.addi %mul3A_380, %add3A_381 : i32
      %dma_wait3A_383 = arith.constant 3 : i32
      %dma_wait3A_384 = arith.constant 3 : i32
      %dma_wait3A_385 = arith.constant 0 : i32
      %dma_wait3A_386 = arith.constant 0 : i32
      %dma_wait3A_387 = tpu.memref_slice %arg11[%dma_wait3A_383, %dma_wait3A_385, %dma_wait3A_386] : memref<8x256x16xf32, #tpu.memory_space<vmem>> -> memref<1x256x16xf32, #tpu.memory_space<vmem>>
      %dma_wait3A_388 = tpu.memref_squeeze %dma_wait3A_387 : memref<1x256x16xf32, #tpu.memory_space<vmem>> -> memref<256x16xf32, #tpu.memory_space<vmem>>
      %dma_wait3A_389 = arith.constant 0 : i32
      %dma_wait3A_390 = tpu.memref_slice %arg7[%add3A_382, %dma_wait3A_389] : memref<40x256xi32, #tpu.memory_space<vmem>> -> memref<1x256xi32, #tpu.memory_space<vmem>>
      %dma_wait3A_391 = tpu.memref_squeeze %dma_wait3A_390 : memref<1x256xi32, #tpu.memory_space<vmem>> -> memref<256xi32, #tpu.memory_space<vmem>>
      %dma_wait3A_392 = arith.constant 0 : i32
      %dma_wait3A_393 = arith.constant 0 : i32
      %dma_wait3A_394 = tpu.memref_slice %arg14[%dma_wait3A_392, %dma_wait3A_393] : memref<10496x16xf32, #tpu.memory_space<vmem_shared>> -> memref<10496x16xf32, #tpu.memory_space<vmem_shared>>
      %dma_wait3A_395 = tpu.memref_slice %arg16[%dma_wait3A_384] : memref<8x!tpu.dma_semaphore, #tpu.memory_space<semaphore_mem>> -> memref<1x!tpu.dma_semaphore, #tpu.memory_space<semaphore_mem>>
      %dma_wait3A_396 = tpu.memref_squeeze %dma_wait3A_395 : memref<1x!tpu.dma_semaphore, #tpu.memory_space<semaphore_mem>> -> memref<!tpu.dma_semaphore, #tpu.memory_space<semaphore_mem>>
      tpu.wait_indirect_dma semaphore(%dma_wait3A_396 : memref<!tpu.dma_semaphore, #tpu.memory_space<semaphore_mem>>) src(%dma_wait3A_394 : memref<10496x16xf32, #tpu.memory_space<vmem_shared>>) dst(%dma_wait3A_388 : memref<256x16xf32, #tpu.memory_space<vmem>>)
      %mul3A_397 = arith.constant 4 : i32
      %mul3A_398 = arith.muli %add3A_324, %mul3A_397 : i32
      %add3A_399 = arith.constant 0 : i32
      %add3A_400 = arith.addi %mul3A_398, %add3A_399 : i32
      %mul3A_401 = arith.constant 40 : i32
      %mul3A_402 = arith.muli %arg0, %mul3A_401 : i32
      %add3A_403 = arith.addi %mul3A_402, %add3A_400 : i32
      %dma_start3A_404 = arith.constant 0 : i32
      %dma_start3A_405 = arith.constant 0 : i32
      %dma_start3A_406 = arith.constant 0 : i32
      %dma_start3A_407 = arith.constant 0 : i32
      %dma_start3A_408 = tpu.memref_slice %arg11[%dma_start3A_404, %dma_start3A_406, %dma_start3A_407] : memref<8x256x16xf32, #tpu.memory_space<vmem>> -> memref<1x256x16xf32, #tpu.memory_space<vmem>>
      %dma_start3A_409 = tpu.memref_squeeze %dma_start3A_408 : memref<1x256x16xf32, #tpu.memory_space<vmem>> -> memref<256x16xf32, #tpu.memory_space<vmem>>
      %dma_start3A_410 = arith.constant 0 : i32
      %dma_start3A_411 = tpu.memref_slice %arg8[%add3A_403, %dma_start3A_410] : memref<80x256xi32, #tpu.memory_space<vmem>> -> memref<1x256xi32, #tpu.memory_space<vmem>>
      %dma_start3A_412 = tpu.memref_squeeze %dma_start3A_411 : memref<1x256xi32, #tpu.memory_space<vmem>> -> memref<256xi32, #tpu.memory_space<vmem>>
      %dma_start3A_413 = arith.constant 0 : i32
      %dma_start3A_414 = arith.constant 0 : i32
      %dma_start3A_415 = tpu.memref_slice %arg15[%dma_start3A_413, %dma_start3A_414] : memref<10496x16xf32, #tpu.memory_space<vmem_shared>> -> memref<10496x16xf32, #tpu.memory_space<vmem_shared>>
      %dma_start3A_416 = tpu.memref_slice %arg16[%dma_start3A_405] : memref<8x!tpu.dma_semaphore, #tpu.memory_space<semaphore_mem>> -> memref<1x!tpu.dma_semaphore, #tpu.memory_space<semaphore_mem>>
      %dma_start3A_417 = tpu.memref_squeeze %dma_start3A_416 : memref<1x!tpu.dma_semaphore, #tpu.memory_space<semaphore_mem>> -> memref<!tpu.dma_semaphore, #tpu.memory_space<semaphore_mem>>
      tpu.enqueue_indirect_dma source(%dma_start3A_409 : memref<256x16xf32, #tpu.memory_space<vmem>>) target(%dma_start3A_415 : memref<10496x16xf32, #tpu.memory_space<vmem_shared>>) offsets(%dma_start3A_412 : memref<256xi32, #tpu.memory_space<vmem>>) semaphore(%dma_start3A_417 : memref<!tpu.dma_semaphore, #tpu.memory_space<semaphore_mem>>) {add = true}
      %mul3A_418 = arith.constant 4 : i32
      %mul3A_419 = arith.muli %add3A_324, %mul3A_418 : i32
      %add3A_420 = arith.constant 1 : i32
      %add3A_421 = arith.addi %mul3A_419, %add3A_420 : i32
      %mul3A_422 = arith.constant 40 : i32
      %mul3A_423 = arith.muli %arg0, %mul3A_422 : i32
      %add3A_424 = arith.addi %mul3A_423, %add3A_421 : i32
      %dma_start3A_425 = arith.constant 1 : i32
      %dma_start3A_426 = arith.constant 1 : i32
      %dma_start3A_427 = arith.constant 0 : i32
      %dma_start3A_428 = arith.constant 0 : i32
      %dma_start3A_429 = tpu.memref_slice %arg11[%dma_start3A_425, %dma_start3A_427, %dma_start3A_428] : memref<8x256x16xf32, #tpu.memory_space<vmem>> -> memref<1x256x16xf32, #tpu.memory_space<vmem>>
      %dma_start3A_430 = tpu.memref_squeeze %dma_start3A_429 : memref<1x256x16xf32, #tpu.memory_space<vmem>> -> memref<256x16xf32, #tpu.memory_space<vmem>>
      %dma_start3A_431 = arith.constant 0 : i32
      %dma_start3A_432 = tpu.memref_slice %arg8[%add3A_424, %dma_start3A_431] : memref<80x256xi32, #tpu.memory_space<vmem>> -> memref<1x256xi32, #tpu.memory_space<vmem>>
      %dma_start3A_433 = tpu.memref_squeeze %dma_start3A_432 : memref<1x256xi32, #tpu.memory_space<vmem>> -> memref<256xi32, #tpu.memory_space<vmem>>
      %dma_start3A_434 = arith.constant 0 : i32
      %dma_start3A_435 = arith.constant 0 : i32
      %dma_start3A_436 = tpu.memref_slice %arg15[%dma_start3A_434, %dma_start3A_435] : memref<10496x16xf32, #tpu.memory_space<vmem_shared>> -> memref<10496x16xf32, #tpu.memory_space<vmem_shared>>
      %dma_start3A_437 = tpu.memref_slice %arg16[%dma_start3A_426] : memref<8x!tpu.dma_semaphore, #tpu.memory_space<semaphore_mem>> -> memref<1x!tpu.dma_semaphore, #tpu.memory_space<semaphore_mem>>
      %dma_start3A_438 = tpu.memref_squeeze %dma_start3A_437 : memref<1x!tpu.dma_semaphore, #tpu.memory_space<semaphore_mem>> -> memref<!tpu.dma_semaphore, #tpu.memory_space<semaphore_mem>>
      tpu.enqueue_indirect_dma source(%dma_start3A_430 : memref<256x16xf32, #tpu.memory_space<vmem>>) target(%dma_start3A_436 : memref<10496x16xf32, #tpu.memory_space<vmem_shared>>) offsets(%dma_start3A_433 : memref<256xi32, #tpu.memory_space<vmem>>) semaphore(%dma_start3A_438 : memref<!tpu.dma_semaphore, #tpu.memory_space<semaphore_mem>>) {add = true}
      %mul3A_439 = arith.constant 4 : i32
      %mul3A_440 = arith.muli %add3A_324, %mul3A_439 : i32
      %add3A_441 = arith.constant 2 : i32
      %add3A_442 = arith.addi %mul3A_440, %add3A_441 : i32
      %mul3A_443 = arith.constant 40 : i32
      %mul3A_444 = arith.muli %arg0, %mul3A_443 : i32
      %add3A_445 = arith.addi %mul3A_444, %add3A_442 : i32
      %dma_start3A_446 = arith.constant 2 : i32
      %dma_start3A_447 = arith.constant 2 : i32
      %dma_start3A_448 = arith.constant 0 : i32
      %dma_start3A_449 = arith.constant 0 : i32
      %dma_start3A_450 = tpu.memref_slice %arg11[%dma_start3A_446, %dma_start3A_448, %dma_start3A_449] : memref<8x256x16xf32, #tpu.memory_space<vmem>> -> memref<1x256x16xf32, #tpu.memory_space<vmem>>
      %dma_start3A_451 = tpu.memref_squeeze %dma_start3A_450 : memref<1x256x16xf32, #tpu.memory_space<vmem>> -> memref<256x16xf32, #tpu.memory_space<vmem>>
      %dma_start3A_452 = arith.constant 0 : i32
      %dma_start3A_453 = tpu.memref_slice %arg8[%add3A_445, %dma_start3A_452] : memref<80x256xi32, #tpu.memory_space<vmem>> -> memref<1x256xi32, #tpu.memory_space<vmem>>
      %dma_start3A_454 = tpu.memref_squeeze %dma_start3A_453 : memref<1x256xi32, #tpu.memory_space<vmem>> -> memref<256xi32, #tpu.memory_space<vmem>>
      %dma_start3A_455 = arith.constant 0 : i32
      %dma_start3A_456 = arith.constant 0 : i32
      %dma_start3A_457 = tpu.memref_slice %arg15[%dma_start3A_455, %dma_start3A_456] : memref<10496x16xf32, #tpu.memory_space<vmem_shared>> -> memref<10496x16xf32, #tpu.memory_space<vmem_shared>>
      %dma_start3A_458 = tpu.memref_slice %arg16[%dma_start3A_447] : memref<8x!tpu.dma_semaphore, #tpu.memory_space<semaphore_mem>> -> memref<1x!tpu.dma_semaphore, #tpu.memory_space<semaphore_mem>>
      %dma_start3A_459 = tpu.memref_squeeze %dma_start3A_458 : memref<1x!tpu.dma_semaphore, #tpu.memory_space<semaphore_mem>> -> memref<!tpu.dma_semaphore, #tpu.memory_space<semaphore_mem>>
      tpu.enqueue_indirect_dma source(%dma_start3A_451 : memref<256x16xf32, #tpu.memory_space<vmem>>) target(%dma_start3A_457 : memref<10496x16xf32, #tpu.memory_space<vmem_shared>>) offsets(%dma_start3A_454 : memref<256xi32, #tpu.memory_space<vmem>>) semaphore(%dma_start3A_459 : memref<!tpu.dma_semaphore, #tpu.memory_space<semaphore_mem>>) {add = true}
      %mul3A_460 = arith.constant 4 : i32
      %mul3A_461 = arith.muli %add3A_324, %mul3A_460 : i32
      %add3A_462 = arith.constant 3 : i32
      %add3A_463 = arith.addi %mul3A_461, %add3A_462 : i32
      %mul3A_464 = arith.constant 40 : i32
      %mul3A_465 = arith.muli %arg0, %mul3A_464 : i32
      %add3A_466 = arith.addi %mul3A_465, %add3A_463 : i32
      %dma_start3A_467 = arith.constant 3 : i32
      %dma_start3A_468 = arith.constant 3 : i32
      %dma_start3A_469 = arith.constant 0 : i32
      %dma_start3A_470 = arith.constant 0 : i32
      %dma_start3A_471 = tpu.memref_slice %arg11[%dma_start3A_467, %dma_start3A_469, %dma_start3A_470] : memref<8x256x16xf32, #tpu.memory_space<vmem>> -> memref<1x256x16xf32, #tpu.memory_space<vmem>>
      %dma_start3A_472 = tpu.memref_squeeze %dma_start3A_471 : memref<1x256x16xf32, #tpu.memory_space<vmem>> -> memref<256x16xf32, #tpu.memory_space<vmem>>
      %dma_start3A_473 = arith.constant 0 : i32
      %dma_start3A_474 = tpu.memref_slice %arg8[%add3A_466, %dma_start3A_473] : memref<80x256xi32, #tpu.memory_space<vmem>> -> memref<1x256xi32, #tpu.memory_space<vmem>>
      %dma_start3A_475 = tpu.memref_squeeze %dma_start3A_474 : memref<1x256xi32, #tpu.memory_space<vmem>> -> memref<256xi32, #tpu.memory_space<vmem>>
      %dma_start3A_476 = arith.constant 0 : i32
      %dma_start3A_477 = arith.constant 0 : i32
      %dma_start3A_478 = tpu.memref_slice %arg15[%dma_start3A_476, %dma_start3A_477] : memref<10496x16xf32, #tpu.memory_space<vmem_shared>> -> memref<10496x16xf32, #tpu.memory_space<vmem_shared>>
      %dma_start3A_479 = tpu.memref_slice %arg16[%dma_start3A_468] : memref<8x!tpu.dma_semaphore, #tpu.memory_space<semaphore_mem>> -> memref<1x!tpu.dma_semaphore, #tpu.memory_space<semaphore_mem>>
      %dma_start3A_480 = tpu.memref_squeeze %dma_start3A_479 : memref<1x!tpu.dma_semaphore, #tpu.memory_space<semaphore_mem>> -> memref<!tpu.dma_semaphore, #tpu.memory_space<semaphore_mem>>
      tpu.enqueue_indirect_dma source(%dma_start3A_472 : memref<256x16xf32, #tpu.memory_space<vmem>>) target(%dma_start3A_478 : memref<10496x16xf32, #tpu.memory_space<vmem_shared>>) offsets(%dma_start3A_475 : memref<256xi32, #tpu.memory_space<vmem>>) semaphore(%dma_start3A_480 : memref<!tpu.dma_semaphore, #tpu.memory_space<semaphore_mem>>) {add = true}
      %ge3A = arith.constant 1 : i32
      %ge3A_481 = arith.cmpi sge, %add3A_324, %ge3A : i32
      %sub3A = arith.constant 1 : i32
      %sub3A_482 = arith.subi %add3A_324, %sub3A : i32
      %mul3A_483 = arith.constant 4 : i32
      %mul3A_484 = arith.muli %sub3A_482, %mul3A_483 : i32
      %add3A_485 = arith.constant 0 : i32
      %add3A_486 = arith.addi %mul3A_484, %add3A_485 : i32
      %convert_element_type3A = arith.extui %ge3A_481 : i1 to i32
      %cond3A = arith.constant 0 : i32
      %cond3A_487 = arith.cmpi ne, %convert_element_type3A, %cond3A : i32
      scf.if %cond3A_487 {
        %mul3A_828 = arith.constant 40 : i32
        %mul3A_829 = arith.muli %arg0, %mul3A_828 : i32
        %add3A_830 = arith.addi %mul3A_829, %add3A_486 : i32
        %dma_wait3A_831 = arith.constant 4 : i32
        %dma_wait3A_832 = arith.constant 4 : i32
        %dma_wait3A_833 = arith.constant 0 : i32
        %dma_wait3A_834 = arith.constant 0 : i32
        %dma_wait3A_835 = tpu.memref_slice %arg11[%dma_wait3A_831, %dma_wait3A_833, %dma_wait3A_834] : memref<8x256x16xf32, #tpu.memory_space<vmem>> -> memref<1x256x16xf32, #tpu.memory_space<vmem>>
        %dma_wait3A_836 = tpu.memref_squeeze %dma_wait3A_835 : memref<1x256x16xf32, #tpu.memory_space<vmem>> -> memref<256x16xf32, #tpu.memory_space<vmem>>
        %dma_wait3A_837 = arith.constant 0 : i32
        %dma_wait3A_838 = tpu.memref_slice %arg8[%add3A_830, %dma_wait3A_837] : memref<80x256xi32, #tpu.memory_space<vmem>> -> memref<1x256xi32, #tpu.memory_space<vmem>>
        %dma_wait3A_839 = tpu.memref_squeeze %dma_wait3A_838 : memref<1x256xi32, #tpu.memory_space<vmem>> -> memref<256xi32, #tpu.memory_space<vmem>>
        %dma_wait3A_840 = arith.constant 0 : i32
        %dma_wait3A_841 = arith.constant 0 : i32
        %dma_wait3A_842 = tpu.memref_slice %arg15[%dma_wait3A_840, %dma_wait3A_841] : memref<10496x16xf32, #tpu.memory_space<vmem_shared>> -> memref<10496x16xf32, #tpu.memory_space<vmem_shared>>
        %dma_wait3A_843 = tpu.memref_slice %arg16[%dma_wait3A_832] : memref<8x!tpu.dma_semaphore, #tpu.memory_space<semaphore_mem>> -> memref<1x!tpu.dma_semaphore, #tpu.memory_space<semaphore_mem>>
        %dma_wait3A_844 = tpu.memref_squeeze %dma_wait3A_843 : memref<1x!tpu.dma_semaphore, #tpu.memory_space<semaphore_mem>> -> memref<!tpu.dma_semaphore, #tpu.memory_space<semaphore_mem>>
        tpu.wait_indirect_dma semaphore(%dma_wait3A_844 : memref<!tpu.dma_semaphore, #tpu.memory_space<semaphore_mem>>) src(%dma_wait3A_836 : memref<256x16xf32, #tpu.memory_space<vmem>>) dst(%dma_wait3A_842 : memref<10496x16xf32, #tpu.memory_space<vmem_shared>>)
      } else {
      }
      %ge3A_488 = arith.constant 1 : i32
      %ge3A_489 = arith.cmpi sge, %add3A_324, %ge3A_488 : i32
      %sub3A_490 = arith.constant 1 : i32
      %sub3A_491 = arith.subi %add3A_324, %sub3A_490 : i32
      %mul3A_492 = arith.constant 4 : i32
      %mul3A_493 = arith.muli %sub3A_491, %mul3A_492 : i32
      %add3A_494 = arith.constant 1 : i32
      %add3A_495 = arith.addi %mul3A_493, %add3A_494 : i32
      %convert_element_type3A_496 = arith.extui %ge3A_489 : i1 to i32
      %cond3A_497 = arith.constant 0 : i32
      %cond3A_498 = arith.cmpi ne, %convert_element_type3A_496, %cond3A_497 : i32
      scf.if %cond3A_498 {
        %mul3A_828 = arith.constant 40 : i32
        %mul3A_829 = arith.muli %arg0, %mul3A_828 : i32
        %add3A_830 = arith.addi %mul3A_829, %add3A_495 : i32
        %dma_wait3A_831 = arith.constant 5 : i32
        %dma_wait3A_832 = arith.constant 5 : i32
        %dma_wait3A_833 = arith.constant 0 : i32
        %dma_wait3A_834 = arith.constant 0 : i32
        %dma_wait3A_835 = tpu.memref_slice %arg11[%dma_wait3A_831, %dma_wait3A_833, %dma_wait3A_834] : memref<8x256x16xf32, #tpu.memory_space<vmem>> -> memref<1x256x16xf32, #tpu.memory_space<vmem>>
        %dma_wait3A_836 = tpu.memref_squeeze %dma_wait3A_835 : memref<1x256x16xf32, #tpu.memory_space<vmem>> -> memref<256x16xf32, #tpu.memory_space<vmem>>
        %dma_wait3A_837 = arith.constant 0 : i32
        %dma_wait3A_838 = tpu.memref_slice %arg8[%add3A_830, %dma_wait3A_837] : memref<80x256xi32, #tpu.memory_space<vmem>> -> memref<1x256xi32, #tpu.memory_space<vmem>>
        %dma_wait3A_839 = tpu.memref_squeeze %dma_wait3A_838 : memref<1x256xi32, #tpu.memory_space<vmem>> -> memref<256xi32, #tpu.memory_space<vmem>>
        %dma_wait3A_840 = arith.constant 0 : i32
        %dma_wait3A_841 = arith.constant 0 : i32
        %dma_wait3A_842 = tpu.memref_slice %arg15[%dma_wait3A_840, %dma_wait3A_841] : memref<10496x16xf32, #tpu.memory_space<vmem_shared>> -> memref<10496x16xf32, #tpu.memory_space<vmem_shared>>
        %dma_wait3A_843 = tpu.memref_slice %arg16[%dma_wait3A_832] : memref<8x!tpu.dma_semaphore, #tpu.memory_space<semaphore_mem>> -> memref<1x!tpu.dma_semaphore, #tpu.memory_space<semaphore_mem>>
        %dma_wait3A_844 = tpu.memref_squeeze %dma_wait3A_843 : memref<1x!tpu.dma_semaphore, #tpu.memory_space<semaphore_mem>> -> memref<!tpu.dma_semaphore, #tpu.memory_space<semaphore_mem>>
        tpu.wait_indirect_dma semaphore(%dma_wait3A_844 : memref<!tpu.dma_semaphore, #tpu.memory_space<semaphore_mem>>) src(%dma_wait3A_836 : memref<256x16xf32, #tpu.memory_space<vmem>>) dst(%dma_wait3A_842 : memref<10496x16xf32, #tpu.memory_space<vmem_shared>>)
      } else {
      }
      %ge3A_499 = arith.constant 1 : i32
      %ge3A_500 = arith.cmpi sge, %add3A_324, %ge3A_499 : i32
      %sub3A_501 = arith.constant 1 : i32
      %sub3A_502 = arith.subi %add3A_324, %sub3A_501 : i32
      %mul3A_503 = arith.constant 4 : i32
      %mul3A_504 = arith.muli %sub3A_502, %mul3A_503 : i32
      %add3A_505 = arith.constant 2 : i32
      %add3A_506 = arith.addi %mul3A_504, %add3A_505 : i32
      %convert_element_type3A_507 = arith.extui %ge3A_500 : i1 to i32
      %cond3A_508 = arith.constant 0 : i32
      %cond3A_509 = arith.cmpi ne, %convert_element_type3A_507, %cond3A_508 : i32
      scf.if %cond3A_509 {
        %mul3A_828 = arith.constant 40 : i32
        %mul3A_829 = arith.muli %arg0, %mul3A_828 : i32
        %add3A_830 = arith.addi %mul3A_829, %add3A_506 : i32
        %dma_wait3A_831 = arith.constant 6 : i32
        %dma_wait3A_832 = arith.constant 6 : i32
        %dma_wait3A_833 = arith.constant 0 : i32
        %dma_wait3A_834 = arith.constant 0 : i32
        %dma_wait3A_835 = tpu.memref_slice %arg11[%dma_wait3A_831, %dma_wait3A_833, %dma_wait3A_834] : memref<8x256x16xf32, #tpu.memory_space<vmem>> -> memref<1x256x16xf32, #tpu.memory_space<vmem>>
        %dma_wait3A_836 = tpu.memref_squeeze %dma_wait3A_835 : memref<1x256x16xf32, #tpu.memory_space<vmem>> -> memref<256x16xf32, #tpu.memory_space<vmem>>
        %dma_wait3A_837 = arith.constant 0 : i32
        %dma_wait3A_838 = tpu.memref_slice %arg8[%add3A_830, %dma_wait3A_837] : memref<80x256xi32, #tpu.memory_space<vmem>> -> memref<1x256xi32, #tpu.memory_space<vmem>>
        %dma_wait3A_839 = tpu.memref_squeeze %dma_wait3A_838 : memref<1x256xi32, #tpu.memory_space<vmem>> -> memref<256xi32, #tpu.memory_space<vmem>>
        %dma_wait3A_840 = arith.constant 0 : i32
        %dma_wait3A_841 = arith.constant 0 : i32
        %dma_wait3A_842 = tpu.memref_slice %arg15[%dma_wait3A_840, %dma_wait3A_841] : memref<10496x16xf32, #tpu.memory_space<vmem_shared>> -> memref<10496x16xf32, #tpu.memory_space<vmem_shared>>
        %dma_wait3A_843 = tpu.memref_slice %arg16[%dma_wait3A_832] : memref<8x!tpu.dma_semaphore, #tpu.memory_space<semaphore_mem>> -> memref<1x!tpu.dma_semaphore, #tpu.memory_space<semaphore_mem>>
        %dma_wait3A_844 = tpu.memref_squeeze %dma_wait3A_843 : memref<1x!tpu.dma_semaphore, #tpu.memory_space<semaphore_mem>> -> memref<!tpu.dma_semaphore, #tpu.memory_space<semaphore_mem>>
        tpu.wait_indirect_dma semaphore(%dma_wait3A_844 : memref<!tpu.dma_semaphore, #tpu.memory_space<semaphore_mem>>) src(%dma_wait3A_836 : memref<256x16xf32, #tpu.memory_space<vmem>>) dst(%dma_wait3A_842 : memref<10496x16xf32, #tpu.memory_space<vmem_shared>>)
      } else {
      }
      %ge3A_510 = arith.constant 1 : i32
      %ge3A_511 = arith.cmpi sge, %add3A_324, %ge3A_510 : i32
      %sub3A_512 = arith.constant 1 : i32
      %sub3A_513 = arith.subi %add3A_324, %sub3A_512 : i32
      %mul3A_514 = arith.constant 4 : i32
      %mul3A_515 = arith.muli %sub3A_513, %mul3A_514 : i32
      %add3A_516 = arith.constant 3 : i32
      %add3A_517 = arith.addi %mul3A_515, %add3A_516 : i32
      %convert_element_type3A_518 = arith.extui %ge3A_511 : i1 to i32
      %cond3A_519 = arith.constant 0 : i32
      %cond3A_520 = arith.cmpi ne, %convert_element_type3A_518, %cond3A_519 : i32
      scf.if %cond3A_520 {
        %mul3A_828 = arith.constant 40 : i32
        %mul3A_829 = arith.muli %arg0, %mul3A_828 : i32
        %add3A_830 = arith.addi %mul3A_829, %add3A_517 : i32
        %dma_wait3A_831 = arith.constant 7 : i32
        %dma_wait3A_832 = arith.constant 7 : i32
        %dma_wait3A_833 = arith.constant 0 : i32
        %dma_wait3A_834 = arith.constant 0 : i32
        %dma_wait3A_835 = tpu.memref_slice %arg11[%dma_wait3A_831, %dma_wait3A_833, %dma_wait3A_834] : memref<8x256x16xf32, #tpu.memory_space<vmem>> -> memref<1x256x16xf32, #tpu.memory_space<vmem>>
        %dma_wait3A_836 = tpu.memref_squeeze %dma_wait3A_835 : memref<1x256x16xf32, #tpu.memory_space<vmem>> -> memref<256x16xf32, #tpu.memory_space<vmem>>
        %dma_wait3A_837 = arith.constant 0 : i32
        %dma_wait3A_838 = tpu.memref_slice %arg8[%add3A_830, %dma_wait3A_837] : memref<80x256xi32, #tpu.memory_space<vmem>> -> memref<1x256xi32, #tpu.memory_space<vmem>>
        %dma_wait3A_839 = tpu.memref_squeeze %dma_wait3A_838 : memref<1x256xi32, #tpu.memory_space<vmem>> -> memref<256xi32, #tpu.memory_space<vmem>>
        %dma_wait3A_840 = arith.constant 0 : i32
        %dma_wait3A_841 = arith.constant 0 : i32
        %dma_wait3A_842 = tpu.memref_slice %arg15[%dma_wait3A_840, %dma_wait3A_841] : memref<10496x16xf32, #tpu.memory_space<vmem_shared>> -> memref<10496x16xf32, #tpu.memory_space<vmem_shared>>
        %dma_wait3A_843 = tpu.memref_slice %arg16[%dma_wait3A_832] : memref<8x!tpu.dma_semaphore, #tpu.memory_space<semaphore_mem>> -> memref<1x!tpu.dma_semaphore, #tpu.memory_space<semaphore_mem>>
        %dma_wait3A_844 = tpu.memref_squeeze %dma_wait3A_843 : memref<1x!tpu.dma_semaphore, #tpu.memory_space<semaphore_mem>> -> memref<!tpu.dma_semaphore, #tpu.memory_space<semaphore_mem>>
        tpu.wait_indirect_dma semaphore(%dma_wait3A_844 : memref<!tpu.dma_semaphore, #tpu.memory_space<semaphore_mem>>) src(%dma_wait3A_836 : memref<256x16xf32, #tpu.memory_space<vmem>>) dst(%dma_wait3A_842 : memref<10496x16xf32, #tpu.memory_space<vmem_shared>>)
      } else {
      }
      %add3A_521 = arith.constant 1 : i32
      %add3A_522 = arith.addi %add3A_324, %add3A_521 : i32
      %lt3A = arith.constant 10 : i32
      %lt3A_523 = arith.cmpi slt, %add3A_522, %lt3A : i32
      %add3A_524 = arith.constant 1 : i32
      %add3A_525 = arith.addi %add3A_324, %add3A_524 : i32
      %mul3A_526 = arith.constant 4 : i32
      %mul3A_527 = arith.muli %add3A_525, %mul3A_526 : i32
      %add3A_528 = arith.constant 0 : i32
      %add3A_529 = arith.addi %mul3A_527, %add3A_528 : i32
      %convert_element_type3A_530 = arith.extui %lt3A_523 : i1 to i32
      %cond3A_531 = arith.constant 0 : i32
      %cond3A_532 = arith.cmpi ne, %convert_element_type3A_530, %cond3A_531 : i32
      scf.if %cond3A_532 {
        %dma_start3A_828 = arith.constant 4 : i32
        %dma_start3A_829 = arith.constant 4 : i32
        %dma_start3A_830 = arith.constant 0 : i32
        %dma_start3A_831 = arith.constant 0 : i32
        %dma_start3A_832 = tpu.memref_slice %arg11[%dma_start3A_828, %dma_start3A_830, %dma_start3A_831] : memref<8x256x16xf32, #tpu.memory_space<vmem>> -> memref<1x256x16xf32, #tpu.memory_space<vmem>>
        %dma_start3A_833 = tpu.memref_squeeze %dma_start3A_832 : memref<1x256x16xf32, #tpu.memory_space<vmem>> -> memref<256x16xf32, #tpu.memory_space<vmem>>
        %dma_start3A_834 = arith.constant 0 : i32
        %dma_start3A_835 = tpu.memref_slice %arg7[%add3A_529, %dma_start3A_834] : memref<40x256xi32, #tpu.memory_space<vmem>> -> memref<1x256xi32, #tpu.memory_space<vmem>>
        %dma_start3A_836 = tpu.memref_squeeze %dma_start3A_835 : memref<1x256xi32, #tpu.memory_space<vmem>> -> memref<256xi32, #tpu.memory_space<vmem>>
        %dma_start3A_837 = arith.constant 0 : i32
        %dma_start3A_838 = arith.constant 0 : i32
        %dma_start3A_839 = tpu.memref_slice %arg14[%dma_start3A_837, %dma_start3A_838] : memref<10496x16xf32, #tpu.memory_space<vmem_shared>> -> memref<10496x16xf32, #tpu.memory_space<vmem_shared>>
        %dma_start3A_840 = tpu.memref_slice %arg16[%dma_start3A_829] : memref<8x!tpu.dma_semaphore, #tpu.memory_space<semaphore_mem>> -> memref<1x!tpu.dma_semaphore, #tpu.memory_space<semaphore_mem>>
        %dma_start3A_841 = tpu.memref_squeeze %dma_start3A_840 : memref<1x!tpu.dma_semaphore, #tpu.memory_space<semaphore_mem>> -> memref<!tpu.dma_semaphore, #tpu.memory_space<semaphore_mem>>
        tpu.enqueue_indirect_dma source(%dma_start3A_839 : memref<10496x16xf32, #tpu.memory_space<vmem_shared>>) target(%dma_start3A_833 : memref<256x16xf32, #tpu.memory_space<vmem>>) offsets(%dma_start3A_836 : memref<256xi32, #tpu.memory_space<vmem>>) semaphore(%dma_start3A_841 : memref<!tpu.dma_semaphore, #tpu.memory_space<semaphore_mem>>)
      } else {
      }
      %add3A_533 = arith.constant 1 : i32
      %add3A_534 = arith.addi %add3A_324, %add3A_533 : i32
      %lt3A_535 = arith.constant 10 : i32
      %lt3A_536 = arith.cmpi slt, %add3A_534, %lt3A_535 : i32
      %add3A_537 = arith.constant 1 : i32
      %add3A_538 = arith.addi %add3A_324, %add3A_537 : i32
      %mul3A_539 = arith.constant 4 : i32
      %mul3A_540 = arith.muli %add3A_538, %mul3A_539 : i32
      %add3A_541 = arith.constant 1 : i32
      %add3A_542 = arith.addi %mul3A_540, %add3A_541 : i32
      %convert_element_type3A_543 = arith.extui %lt3A_536 : i1 to i32
      %cond3A_544 = arith.constant 0 : i32
      %cond3A_545 = arith.cmpi ne, %convert_element_type3A_543, %cond3A_544 : i32
      scf.if %cond3A_545 {
        %dma_start3A_828 = arith.constant 5 : i32
        %dma_start3A_829 = arith.constant 5 : i32
        %dma_start3A_830 = arith.constant 0 : i32
        %dma_start3A_831 = arith.constant 0 : i32
        %dma_start3A_832 = tpu.memref_slice %arg11[%dma_start3A_828, %dma_start3A_830, %dma_start3A_831] : memref<8x256x16xf32, #tpu.memory_space<vmem>> -> memref<1x256x16xf32, #tpu.memory_space<vmem>>
        %dma_start3A_833 = tpu.memref_squeeze %dma_start3A_832 : memref<1x256x16xf32, #tpu.memory_space<vmem>> -> memref<256x16xf32, #tpu.memory_space<vmem>>
        %dma_start3A_834 = arith.constant 0 : i32
        %dma_start3A_835 = tpu.memref_slice %arg7[%add3A_542, %dma_start3A_834] : memref<40x256xi32, #tpu.memory_space<vmem>> -> memref<1x256xi32, #tpu.memory_space<vmem>>
        %dma_start3A_836 = tpu.memref_squeeze %dma_start3A_835 : memref<1x256xi32, #tpu.memory_space<vmem>> -> memref<256xi32, #tpu.memory_space<vmem>>
        %dma_start3A_837 = arith.constant 0 : i32
        %dma_start3A_838 = arith.constant 0 : i32
        %dma_start3A_839 = tpu.memref_slice %arg14[%dma_start3A_837, %dma_start3A_838] : memref<10496x16xf32, #tpu.memory_space<vmem_shared>> -> memref<10496x16xf32, #tpu.memory_space<vmem_shared>>
        %dma_start3A_840 = tpu.memref_slice %arg16[%dma_start3A_829] : memref<8x!tpu.dma_semaphore, #tpu.memory_space<semaphore_mem>> -> memref<1x!tpu.dma_semaphore, #tpu.memory_space<semaphore_mem>>
        %dma_start3A_841 = tpu.memref_squeeze %dma_start3A_840 : memref<1x!tpu.dma_semaphore, #tpu.memory_space<semaphore_mem>> -> memref<!tpu.dma_semaphore, #tpu.memory_space<semaphore_mem>>
        tpu.enqueue_indirect_dma source(%dma_start3A_839 : memref<10496x16xf32, #tpu.memory_space<vmem_shared>>) target(%dma_start3A_833 : memref<256x16xf32, #tpu.memory_space<vmem>>) offsets(%dma_start3A_836 : memref<256xi32, #tpu.memory_space<vmem>>) semaphore(%dma_start3A_841 : memref<!tpu.dma_semaphore, #tpu.memory_space<semaphore_mem>>)
      } else {
      }
      %add3A_546 = arith.constant 1 : i32
      %add3A_547 = arith.addi %add3A_324, %add3A_546 : i32
      %lt3A_548 = arith.constant 10 : i32
      %lt3A_549 = arith.cmpi slt, %add3A_547, %lt3A_548 : i32
      %add3A_550 = arith.constant 1 : i32
      %add3A_551 = arith.addi %add3A_324, %add3A_550 : i32
      %mul3A_552 = arith.constant 4 : i32
      %mul3A_553 = arith.muli %add3A_551, %mul3A_552 : i32
      %add3A_554 = arith.constant 2 : i32
      %add3A_555 = arith.addi %mul3A_553, %add3A_554 : i32
      %convert_element_type3A_556 = arith.extui %lt3A_549 : i1 to i32
      %cond3A_557 = arith.constant 0 : i32
      %cond3A_558 = arith.cmpi ne, %convert_element_type3A_556, %cond3A_557 : i32
      scf.if %cond3A_558 {
        %dma_start3A_828 = arith.constant 6 : i32
        %dma_start3A_829 = arith.constant 6 : i32
        %dma_start3A_830 = arith.constant 0 : i32
        %dma_start3A_831 = arith.constant 0 : i32
        %dma_start3A_832 = tpu.memref_slice %arg11[%dma_start3A_828, %dma_start3A_830, %dma_start3A_831] : memref<8x256x16xf32, #tpu.memory_space<vmem>> -> memref<1x256x16xf32, #tpu.memory_space<vmem>>
        %dma_start3A_833 = tpu.memref_squeeze %dma_start3A_832 : memref<1x256x16xf32, #tpu.memory_space<vmem>> -> memref<256x16xf32, #tpu.memory_space<vmem>>
        %dma_start3A_834 = arith.constant 0 : i32
        %dma_start3A_835 = tpu.memref_slice %arg7[%add3A_555, %dma_start3A_834] : memref<40x256xi32, #tpu.memory_space<vmem>> -> memref<1x256xi32, #tpu.memory_space<vmem>>
        %dma_start3A_836 = tpu.memref_squeeze %dma_start3A_835 : memref<1x256xi32, #tpu.memory_space<vmem>> -> memref<256xi32, #tpu.memory_space<vmem>>
        %dma_start3A_837 = arith.constant 0 : i32
        %dma_start3A_838 = arith.constant 0 : i32
        %dma_start3A_839 = tpu.memref_slice %arg14[%dma_start3A_837, %dma_start3A_838] : memref<10496x16xf32, #tpu.memory_space<vmem_shared>> -> memref<10496x16xf32, #tpu.memory_space<vmem_shared>>
        %dma_start3A_840 = tpu.memref_slice %arg16[%dma_start3A_829] : memref<8x!tpu.dma_semaphore, #tpu.memory_space<semaphore_mem>> -> memref<1x!tpu.dma_semaphore, #tpu.memory_space<semaphore_mem>>
        %dma_start3A_841 = tpu.memref_squeeze %dma_start3A_840 : memref<1x!tpu.dma_semaphore, #tpu.memory_space<semaphore_mem>> -> memref<!tpu.dma_semaphore, #tpu.memory_space<semaphore_mem>>
        tpu.enqueue_indirect_dma source(%dma_start3A_839 : memref<10496x16xf32, #tpu.memory_space<vmem_shared>>) target(%dma_start3A_833 : memref<256x16xf32, #tpu.memory_space<vmem>>) offsets(%dma_start3A_836 : memref<256xi32, #tpu.memory_space<vmem>>) semaphore(%dma_start3A_841 : memref<!tpu.dma_semaphore, #tpu.memory_space<semaphore_mem>>)
      } else {
      }
      %add3A_559 = arith.constant 1 : i32
      %add3A_560 = arith.addi %add3A_324, %add3A_559 : i32
      %lt3A_561 = arith.constant 10 : i32
      %lt3A_562 = arith.cmpi slt, %add3A_560, %lt3A_561 : i32
      %add3A_563 = arith.constant 1 : i32
      %add3A_564 = arith.addi %add3A_324, %add3A_563 : i32
      %mul3A_565 = arith.constant 4 : i32
      %mul3A_566 = arith.muli %add3A_564, %mul3A_565 : i32
      %add3A_567 = arith.constant 3 : i32
      %add3A_568 = arith.addi %mul3A_566, %add3A_567 : i32
      %convert_element_type3A_569 = arith.extui %lt3A_562 : i1 to i32
      %cond3A_570 = arith.constant 0 : i32
      %cond3A_571 = arith.cmpi ne, %convert_element_type3A_569, %cond3A_570 : i32
      scf.if %cond3A_571 {
        %dma_start3A_828 = arith.constant 7 : i32
        %dma_start3A_829 = arith.constant 7 : i32
        %dma_start3A_830 = arith.constant 0 : i32
        %dma_start3A_831 = arith.constant 0 : i32
        %dma_start3A_832 = tpu.memref_slice %arg11[%dma_start3A_828, %dma_start3A_830, %dma_start3A_831] : memref<8x256x16xf32, #tpu.memory_space<vmem>> -> memref<1x256x16xf32, #tpu.memory_space<vmem>>
        %dma_start3A_833 = tpu.memref_squeeze %dma_start3A_832 : memref<1x256x16xf32, #tpu.memory_space<vmem>> -> memref<256x16xf32, #tpu.memory_space<vmem>>
        %dma_start3A_834 = arith.constant 0 : i32
        %dma_start3A_835 = tpu.memref_slice %arg7[%add3A_568, %dma_start3A_834] : memref<40x256xi32, #tpu.memory_space<vmem>> -> memref<1x256xi32, #tpu.memory_space<vmem>>
        %dma_start3A_836 = tpu.memref_squeeze %dma_start3A_835 : memref<1x256xi32, #tpu.memory_space<vmem>> -> memref<256xi32, #tpu.memory_space<vmem>>
        %dma_start3A_837 = arith.constant 0 : i32
        %dma_start3A_838 = arith.constant 0 : i32
        %dma_start3A_839 = tpu.memref_slice %arg14[%dma_start3A_837, %dma_start3A_838] : memref<10496x16xf32, #tpu.memory_space<vmem_shared>> -> memref<10496x16xf32, #tpu.memory_space<vmem_shared>>
        %dma_start3A_840 = tpu.memref_slice %arg16[%dma_start3A_829] : memref<8x!tpu.dma_semaphore, #tpu.memory_space<semaphore_mem>> -> memref<1x!tpu.dma_semaphore, #tpu.memory_space<semaphore_mem>>
        %dma_start3A_841 = tpu.memref_squeeze %dma_start3A_840 : memref<1x!tpu.dma_semaphore, #tpu.memory_space<semaphore_mem>> -> memref<!tpu.dma_semaphore, #tpu.memory_space<semaphore_mem>>
        tpu.enqueue_indirect_dma source(%dma_start3A_839 : memref<10496x16xf32, #tpu.memory_space<vmem_shared>>) target(%dma_start3A_833 : memref<256x16xf32, #tpu.memory_space<vmem>>) offsets(%dma_start3A_836 : memref<256xi32, #tpu.memory_space<vmem>>) semaphore(%dma_start3A_841 : memref<!tpu.dma_semaphore, #tpu.memory_space<semaphore_mem>>)
      } else {
      }
      %mul3A_572 = arith.constant 2 : i32
      %mul3A_573 = arith.muli %mul3A_572, %scan3A_320 : i32
      %add3A_574 = arith.constant 1 : i32
      %add3A_575 = arith.addi %mul3A_573, %add3A_574 : i32
      %mul3A_576 = arith.constant 4 : i32
      %mul3A_577 = arith.muli %add3A_575, %mul3A_576 : i32
      %add3A_578 = arith.constant 0 : i32
      %add3A_579 = arith.addi %mul3A_577, %add3A_578 : i32
      %dma_wait3A_580 = arith.constant 4 : i32
      %dma_wait3A_581 = arith.constant 4 : i32
      %dma_wait3A_582 = arith.constant 0 : i32
      %dma_wait3A_583 = arith.constant 0 : i32
      %dma_wait3A_584 = tpu.memref_slice %arg11[%dma_wait3A_580, %dma_wait3A_582, %dma_wait3A_583] : memref<8x256x16xf32, #tpu.memory_space<vmem>> -> memref<1x256x16xf32, #tpu.memory_space<vmem>>
      %dma_wait3A_585 = tpu.memref_squeeze %dma_wait3A_584 : memref<1x256x16xf32, #tpu.memory_space<vmem>> -> memref<256x16xf32, #tpu.memory_space<vmem>>
      %dma_wait3A_586 = arith.constant 0 : i32
      %dma_wait3A_587 = tpu.memref_slice %arg7[%add3A_579, %dma_wait3A_586] : memref<40x256xi32, #tpu.memory_space<vmem>> -> memref<1x256xi32, #tpu.memory_space<vmem>>
      %dma_wait3A_588 = tpu.memref_squeeze %dma_wait3A_587 : memref<1x256xi32, #tpu.memory_space<vmem>> -> memref<256xi32, #tpu.memory_space<vmem>>
      %dma_wait3A_589 = arith.constant 0 : i32
      %dma_wait3A_590 = arith.constant 0 : i32
      %dma_wait3A_591 = tpu.memref_slice %arg14[%dma_wait3A_589, %dma_wait3A_590] : memref<10496x16xf32, #tpu.memory_space<vmem_shared>> -> memref<10496x16xf32, #tpu.memory_space<vmem_shared>>
      %dma_wait3A_592 = tpu.memref_slice %arg16[%dma_wait3A_581] : memref<8x!tpu.dma_semaphore, #tpu.memory_space<semaphore_mem>> -> memref<1x!tpu.dma_semaphore, #tpu.memory_space<semaphore_mem>>
      %dma_wait3A_593 = tpu.memref_squeeze %dma_wait3A_592 : memref<1x!tpu.dma_semaphore, #tpu.memory_space<semaphore_mem>> -> memref<!tpu.dma_semaphore, #tpu.memory_space<semaphore_mem>>
      tpu.wait_indirect_dma semaphore(%dma_wait3A_593 : memref<!tpu.dma_semaphore, #tpu.memory_space<semaphore_mem>>) src(%dma_wait3A_591 : memref<10496x16xf32, #tpu.memory_space<vmem_shared>>) dst(%dma_wait3A_585 : memref<256x16xf32, #tpu.memory_space<vmem>>)
      %mul3A_594 = arith.constant 4 : i32
      %mul3A_595 = arith.muli %add3A_575, %mul3A_594 : i32
      %add3A_596 = arith.constant 1 : i32
      %add3A_597 = arith.addi %mul3A_595, %add3A_596 : i32
      %dma_wait3A_598 = arith.constant 5 : i32
      %dma_wait3A_599 = arith.constant 5 : i32
      %dma_wait3A_600 = arith.constant 0 : i32
      %dma_wait3A_601 = arith.constant 0 : i32
      %dma_wait3A_602 = tpu.memref_slice %arg11[%dma_wait3A_598, %dma_wait3A_600, %dma_wait3A_601] : memref<8x256x16xf32, #tpu.memory_space<vmem>> -> memref<1x256x16xf32, #tpu.memory_space<vmem>>
      %dma_wait3A_603 = tpu.memref_squeeze %dma_wait3A_602 : memref<1x256x16xf32, #tpu.memory_space<vmem>> -> memref<256x16xf32, #tpu.memory_space<vmem>>
      %dma_wait3A_604 = arith.constant 0 : i32
      %dma_wait3A_605 = tpu.memref_slice %arg7[%add3A_597, %dma_wait3A_604] : memref<40x256xi32, #tpu.memory_space<vmem>> -> memref<1x256xi32, #tpu.memory_space<vmem>>
      %dma_wait3A_606 = tpu.memref_squeeze %dma_wait3A_605 : memref<1x256xi32, #tpu.memory_space<vmem>> -> memref<256xi32, #tpu.memory_space<vmem>>
      %dma_wait3A_607 = arith.constant 0 : i32
      %dma_wait3A_608 = arith.constant 0 : i32
      %dma_wait3A_609 = tpu.memref_slice %arg14[%dma_wait3A_607, %dma_wait3A_608] : memref<10496x16xf32, #tpu.memory_space<vmem_shared>> -> memref<10496x16xf32, #tpu.memory_space<vmem_shared>>
      %dma_wait3A_610 = tpu.memref_slice %arg16[%dma_wait3A_599] : memref<8x!tpu.dma_semaphore, #tpu.memory_space<semaphore_mem>> -> memref<1x!tpu.dma_semaphore, #tpu.memory_space<semaphore_mem>>
      %dma_wait3A_611 = tpu.memref_squeeze %dma_wait3A_610 : memref<1x!tpu.dma_semaphore, #tpu.memory_space<semaphore_mem>> -> memref<!tpu.dma_semaphore, #tpu.memory_space<semaphore_mem>>
      tpu.wait_indirect_dma semaphore(%dma_wait3A_611 : memref<!tpu.dma_semaphore, #tpu.memory_space<semaphore_mem>>) src(%dma_wait3A_609 : memref<10496x16xf32, #tpu.memory_space<vmem_shared>>) dst(%dma_wait3A_603 : memref<256x16xf32, #tpu.memory_space<vmem>>)
      %mul3A_612 = arith.constant 4 : i32
      %mul3A_613 = arith.muli %add3A_575, %mul3A_612 : i32
      %add3A_614 = arith.constant 2 : i32
      %add3A_615 = arith.addi %mul3A_613, %add3A_614 : i32
      %dma_wait3A_616 = arith.constant 6 : i32
      %dma_wait3A_617 = arith.constant 6 : i32
      %dma_wait3A_618 = arith.constant 0 : i32
      %dma_wait3A_619 = arith.constant 0 : i32
      %dma_wait3A_620 = tpu.memref_slice %arg11[%dma_wait3A_616, %dma_wait3A_618, %dma_wait3A_619] : memref<8x256x16xf32, #tpu.memory_space<vmem>> -> memref<1x256x16xf32, #tpu.memory_space<vmem>>
      %dma_wait3A_621 = tpu.memref_squeeze %dma_wait3A_620 : memref<1x256x16xf32, #tpu.memory_space<vmem>> -> memref<256x16xf32, #tpu.memory_space<vmem>>
      %dma_wait3A_622 = arith.constant 0 : i32
      %dma_wait3A_623 = tpu.memref_slice %arg7[%add3A_615, %dma_wait3A_622] : memref<40x256xi32, #tpu.memory_space<vmem>> -> memref<1x256xi32, #tpu.memory_space<vmem>>
      %dma_wait3A_624 = tpu.memref_squeeze %dma_wait3A_623 : memref<1x256xi32, #tpu.memory_space<vmem>> -> memref<256xi32, #tpu.memory_space<vmem>>
      %dma_wait3A_625 = arith.constant 0 : i32
      %dma_wait3A_626 = arith.constant 0 : i32
      %dma_wait3A_627 = tpu.memref_slice %arg14[%dma_wait3A_625, %dma_wait3A_626] : memref<10496x16xf32, #tpu.memory_space<vmem_shared>> -> memref<10496x16xf32, #tpu.memory_space<vmem_shared>>
      %dma_wait3A_628 = tpu.memref_slice %arg16[%dma_wait3A_617] : memref<8x!tpu.dma_semaphore, #tpu.memory_space<semaphore_mem>> -> memref<1x!tpu.dma_semaphore, #tpu.memory_space<semaphore_mem>>
      %dma_wait3A_629 = tpu.memref_squeeze %dma_wait3A_628 : memref<1x!tpu.dma_semaphore, #tpu.memory_space<semaphore_mem>> -> memref<!tpu.dma_semaphore, #tpu.memory_space<semaphore_mem>>
      tpu.wait_indirect_dma semaphore(%dma_wait3A_629 : memref<!tpu.dma_semaphore, #tpu.memory_space<semaphore_mem>>) src(%dma_wait3A_627 : memref<10496x16xf32, #tpu.memory_space<vmem_shared>>) dst(%dma_wait3A_621 : memref<256x16xf32, #tpu.memory_space<vmem>>)
      %mul3A_630 = arith.constant 4 : i32
      %mul3A_631 = arith.muli %add3A_575, %mul3A_630 : i32
      %add3A_632 = arith.constant 3 : i32
      %add3A_633 = arith.addi %mul3A_631, %add3A_632 : i32
      %dma_wait3A_634 = arith.constant 7 : i32
      %dma_wait3A_635 = arith.constant 7 : i32
      %dma_wait3A_636 = arith.constant 0 : i32
      %dma_wait3A_637 = arith.constant 0 : i32
      %dma_wait3A_638 = tpu.memref_slice %arg11[%dma_wait3A_634, %dma_wait3A_636, %dma_wait3A_637] : memref<8x256x16xf32, #tpu.memory_space<vmem>> -> memref<1x256x16xf32, #tpu.memory_space<vmem>>
      %dma_wait3A_639 = tpu.memref_squeeze %dma_wait3A_638 : memref<1x256x16xf32, #tpu.memory_space<vmem>> -> memref<256x16xf32, #tpu.memory_space<vmem>>
      %dma_wait3A_640 = arith.constant 0 : i32
      %dma_wait3A_641 = tpu.memref_slice %arg7[%add3A_633, %dma_wait3A_640] : memref<40x256xi32, #tpu.memory_space<vmem>> -> memref<1x256xi32, #tpu.memory_space<vmem>>
      %dma_wait3A_642 = tpu.memref_squeeze %dma_wait3A_641 : memref<1x256xi32, #tpu.memory_space<vmem>> -> memref<256xi32, #tpu.memory_space<vmem>>
      %dma_wait3A_643 = arith.constant 0 : i32
      %dma_wait3A_644 = arith.constant 0 : i32
      %dma_wait3A_645 = tpu.memref_slice %arg14[%dma_wait3A_643, %dma_wait3A_644] : memref<10496x16xf32, #tpu.memory_space<vmem_shared>> -> memref<10496x16xf32, #tpu.memory_space<vmem_shared>>
      %dma_wait3A_646 = tpu.memref_slice %arg16[%dma_wait3A_635] : memref<8x!tpu.dma_semaphore, #tpu.memory_space<semaphore_mem>> -> memref<1x!tpu.dma_semaphore, #tpu.memory_space<semaphore_mem>>
      %dma_wait3A_647 = tpu.memref_squeeze %dma_wait3A_646 : memref<1x!tpu.dma_semaphore, #tpu.memory_space<semaphore_mem>> -> memref<!tpu.dma_semaphore, #tpu.memory_space<semaphore_mem>>
      tpu.wait_indirect_dma semaphore(%dma_wait3A_647 : memref<!tpu.dma_semaphore, #tpu.memory_space<semaphore_mem>>) src(%dma_wait3A_645 : memref<10496x16xf32, #tpu.memory_space<vmem_shared>>) dst(%dma_wait3A_639 : memref<256x16xf32, #tpu.memory_space<vmem>>)
      %mul3A_648 = arith.constant 4 : i32
      %mul3A_649 = arith.muli %add3A_575, %mul3A_648 : i32
      %add3A_650 = arith.constant 0 : i32
      %add3A_651 = arith.addi %mul3A_649, %add3A_650 : i32
      %mul3A_652 = arith.constant 40 : i32
      %mul3A_653 = arith.muli %arg0, %mul3A_652 : i32
      %add3A_654 = arith.addi %mul3A_653, %add3A_651 : i32
      %dma_start3A_655 = arith.constant 4 : i32
      %dma_start3A_656 = arith.constant 4 : i32
      %dma_start3A_657 = arith.constant 0 : i32
      %dma_start3A_658 = arith.constant 0 : i32
      %dma_start3A_659 = tpu.memref_slice %arg11[%dma_start3A_655, %dma_start3A_657, %dma_start3A_658] : memref<8x256x16xf32, #tpu.memory_space<vmem>> -> memref<1x256x16xf32, #tpu.memory_space<vmem>>
      %dma_start3A_660 = tpu.memref_squeeze %dma_start3A_659 : memref<1x256x16xf32, #tpu.memory_space<vmem>> -> memref<256x16xf32, #tpu.memory_space<vmem>>
      %dma_start3A_661 = arith.constant 0 : i32
      %dma_start3A_662 = tpu.memref_slice %arg8[%add3A_654, %dma_start3A_661] : memref<80x256xi32, #tpu.memory_space<vmem>> -> memref<1x256xi32, #tpu.memory_space<vmem>>
      %dma_start3A_663 = tpu.memref_squeeze %dma_start3A_662 : memref<1x256xi32, #tpu.memory_space<vmem>> -> memref<256xi32, #tpu.memory_space<vmem>>
      %dma_start3A_664 = arith.constant 0 : i32
      %dma_start3A_665 = arith.constant 0 : i32
      %dma_start3A_666 = tpu.memref_slice %arg15[%dma_start3A_664, %dma_start3A_665] : memref<10496x16xf32, #tpu.memory_space<vmem_shared>> -> memref<10496x16xf32, #tpu.memory_space<vmem_shared>>
      %dma_start3A_667 = tpu.memref_slice %arg16[%dma_start3A_656] : memref<8x!tpu.dma_semaphore, #tpu.memory_space<semaphore_mem>> -> memref<1x!tpu.dma_semaphore, #tpu.memory_space<semaphore_mem>>
      %dma_start3A_668 = tpu.memref_squeeze %dma_start3A_667 : memref<1x!tpu.dma_semaphore, #tpu.memory_space<semaphore_mem>> -> memref<!tpu.dma_semaphore, #tpu.memory_space<semaphore_mem>>
      tpu.enqueue_indirect_dma source(%dma_start3A_660 : memref<256x16xf32, #tpu.memory_space<vmem>>) target(%dma_start3A_666 : memref<10496x16xf32, #tpu.memory_space<vmem_shared>>) offsets(%dma_start3A_663 : memref<256xi32, #tpu.memory_space<vmem>>) semaphore(%dma_start3A_668 : memref<!tpu.dma_semaphore, #tpu.memory_space<semaphore_mem>>) {add = true}
      %mul3A_669 = arith.constant 4 : i32
      %mul3A_670 = arith.muli %add3A_575, %mul3A_669 : i32
      %add3A_671 = arith.constant 1 : i32
      %add3A_672 = arith.addi %mul3A_670, %add3A_671 : i32
      %mul3A_673 = arith.constant 40 : i32
      %mul3A_674 = arith.muli %arg0, %mul3A_673 : i32
      %add3A_675 = arith.addi %mul3A_674, %add3A_672 : i32
      %dma_start3A_676 = arith.constant 5 : i32
      %dma_start3A_677 = arith.constant 5 : i32
      %dma_start3A_678 = arith.constant 0 : i32
      %dma_start3A_679 = arith.constant 0 : i32
      %dma_start3A_680 = tpu.memref_slice %arg11[%dma_start3A_676, %dma_start3A_678, %dma_start3A_679] : memref<8x256x16xf32, #tpu.memory_space<vmem>> -> memref<1x256x16xf32, #tpu.memory_space<vmem>>
      %dma_start3A_681 = tpu.memref_squeeze %dma_start3A_680 : memref<1x256x16xf32, #tpu.memory_space<vmem>> -> memref<256x16xf32, #tpu.memory_space<vmem>>
      %dma_start3A_682 = arith.constant 0 : i32
      %dma_start3A_683 = tpu.memref_slice %arg8[%add3A_675, %dma_start3A_682] : memref<80x256xi32, #tpu.memory_space<vmem>> -> memref<1x256xi32, #tpu.memory_space<vmem>>
      %dma_start3A_684 = tpu.memref_squeeze %dma_start3A_683 : memref<1x256xi32, #tpu.memory_space<vmem>> -> memref<256xi32, #tpu.memory_space<vmem>>
      %dma_start3A_685 = arith.constant 0 : i32
      %dma_start3A_686 = arith.constant 0 : i32
      %dma_start3A_687 = tpu.memref_slice %arg15[%dma_start3A_685, %dma_start3A_686] : memref<10496x16xf32, #tpu.memory_space<vmem_shared>> -> memref<10496x16xf32, #tpu.memory_space<vmem_shared>>
      %dma_start3A_688 = tpu.memref_slice %arg16[%dma_start3A_677] : memref<8x!tpu.dma_semaphore, #tpu.memory_space<semaphore_mem>> -> memref<1x!tpu.dma_semaphore, #tpu.memory_space<semaphore_mem>>
      %dma_start3A_689 = tpu.memref_squeeze %dma_start3A_688 : memref<1x!tpu.dma_semaphore, #tpu.memory_space<semaphore_mem>> -> memref<!tpu.dma_semaphore, #tpu.memory_space<semaphore_mem>>
      tpu.enqueue_indirect_dma source(%dma_start3A_681 : memref<256x16xf32, #tpu.memory_space<vmem>>) target(%dma_start3A_687 : memref<10496x16xf32, #tpu.memory_space<vmem_shared>>) offsets(%dma_start3A_684 : memref<256xi32, #tpu.memory_space<vmem>>) semaphore(%dma_start3A_689 : memref<!tpu.dma_semaphore, #tpu.memory_space<semaphore_mem>>) {add = true}
      %mul3A_690 = arith.constant 4 : i32
      %mul3A_691 = arith.muli %add3A_575, %mul3A_690 : i32
      %add3A_692 = arith.constant 2 : i32
      %add3A_693 = arith.addi %mul3A_691, %add3A_692 : i32
      %mul3A_694 = arith.constant 40 : i32
      %mul3A_695 = arith.muli %arg0, %mul3A_694 : i32
      %add3A_696 = arith.addi %mul3A_695, %add3A_693 : i32
      %dma_start3A_697 = arith.constant 6 : i32
      %dma_start3A_698 = arith.constant 6 : i32
      %dma_start3A_699 = arith.constant 0 : i32
      %dma_start3A_700 = arith.constant 0 : i32
      %dma_start3A_701 = tpu.memref_slice %arg11[%dma_start3A_697, %dma_start3A_699, %dma_start3A_700] : memref<8x256x16xf32, #tpu.memory_space<vmem>> -> memref<1x256x16xf32, #tpu.memory_space<vmem>>
      %dma_start3A_702 = tpu.memref_squeeze %dma_start3A_701 : memref<1x256x16xf32, #tpu.memory_space<vmem>> -> memref<256x16xf32, #tpu.memory_space<vmem>>
      %dma_start3A_703 = arith.constant 0 : i32
      %dma_start3A_704 = tpu.memref_slice %arg8[%add3A_696, %dma_start3A_703] : memref<80x256xi32, #tpu.memory_space<vmem>> -> memref<1x256xi32, #tpu.memory_space<vmem>>
      %dma_start3A_705 = tpu.memref_squeeze %dma_start3A_704 : memref<1x256xi32, #tpu.memory_space<vmem>> -> memref<256xi32, #tpu.memory_space<vmem>>
      %dma_start3A_706 = arith.constant 0 : i32
      %dma_start3A_707 = arith.constant 0 : i32
      %dma_start3A_708 = tpu.memref_slice %arg15[%dma_start3A_706, %dma_start3A_707] : memref<10496x16xf32, #tpu.memory_space<vmem_shared>> -> memref<10496x16xf32, #tpu.memory_space<vmem_shared>>
      %dma_start3A_709 = tpu.memref_slice %arg16[%dma_start3A_698] : memref<8x!tpu.dma_semaphore, #tpu.memory_space<semaphore_mem>> -> memref<1x!tpu.dma_semaphore, #tpu.memory_space<semaphore_mem>>
      %dma_start3A_710 = tpu.memref_squeeze %dma_start3A_709 : memref<1x!tpu.dma_semaphore, #tpu.memory_space<semaphore_mem>> -> memref<!tpu.dma_semaphore, #tpu.memory_space<semaphore_mem>>
      tpu.enqueue_indirect_dma source(%dma_start3A_702 : memref<256x16xf32, #tpu.memory_space<vmem>>) target(%dma_start3A_708 : memref<10496x16xf32, #tpu.memory_space<vmem_shared>>) offsets(%dma_start3A_705 : memref<256xi32, #tpu.memory_space<vmem>>) semaphore(%dma_start3A_710 : memref<!tpu.dma_semaphore, #tpu.memory_space<semaphore_mem>>) {add = true}
      %mul3A_711 = arith.constant 4 : i32
      %mul3A_712 = arith.muli %add3A_575, %mul3A_711 : i32
      %add3A_713 = arith.constant 3 : i32
      %add3A_714 = arith.addi %mul3A_712, %add3A_713 : i32
      %mul3A_715 = arith.constant 40 : i32
      %mul3A_716 = arith.muli %arg0, %mul3A_715 : i32
      %add3A_717 = arith.addi %mul3A_716, %add3A_714 : i32
      %dma_start3A_718 = arith.constant 7 : i32
      %dma_start3A_719 = arith.constant 7 : i32
      %dma_start3A_720 = arith.constant 0 : i32
      %dma_start3A_721 = arith.constant 0 : i32
      %dma_start3A_722 = tpu.memref_slice %arg11[%dma_start3A_718, %dma_start3A_720, %dma_start3A_721] : memref<8x256x16xf32, #tpu.memory_space<vmem>> -> memref<1x256x16xf32, #tpu.memory_space<vmem>>
      %dma_start3A_723 = tpu.memref_squeeze %dma_start3A_722 : memref<1x256x16xf32, #tpu.memory_space<vmem>> -> memref<256x16xf32, #tpu.memory_space<vmem>>
      %dma_start3A_724 = arith.constant 0 : i32
      %dma_start3A_725 = tpu.memref_slice %arg8[%add3A_717, %dma_start3A_724] : memref<80x256xi32, #tpu.memory_space<vmem>> -> memref<1x256xi32, #tpu.memory_space<vmem>>
      %dma_start3A_726 = tpu.memref_squeeze %dma_start3A_725 : memref<1x256xi32, #tpu.memory_space<vmem>> -> memref<256xi32, #tpu.memory_space<vmem>>
      %dma_start3A_727 = arith.constant 0 : i32
      %dma_start3A_728 = arith.constant 0 : i32
      %dma_start3A_729 = tpu.memref_slice %arg15[%dma_start3A_727, %dma_start3A_728] : memref<10496x16xf32, #tpu.memory_space<vmem_shared>> -> memref<10496x16xf32, #tpu.memory_space<vmem_shared>>
      %dma_start3A_730 = tpu.memref_slice %arg16[%dma_start3A_719] : memref<8x!tpu.dma_semaphore, #tpu.memory_space<semaphore_mem>> -> memref<1x!tpu.dma_semaphore, #tpu.memory_space<semaphore_mem>>
      %dma_start3A_731 = tpu.memref_squeeze %dma_start3A_730 : memref<1x!tpu.dma_semaphore, #tpu.memory_space<semaphore_mem>> -> memref<!tpu.dma_semaphore, #tpu.memory_space<semaphore_mem>>
      tpu.enqueue_indirect_dma source(%dma_start3A_723 : memref<256x16xf32, #tpu.memory_space<vmem>>) target(%dma_start3A_729 : memref<10496x16xf32, #tpu.memory_space<vmem_shared>>) offsets(%dma_start3A_726 : memref<256xi32, #tpu.memory_space<vmem>>) semaphore(%dma_start3A_731 : memref<!tpu.dma_semaphore, #tpu.memory_space<semaphore_mem>>) {add = true}
      %ge3A_732 = arith.constant 1 : i32
      %ge3A_733 = arith.cmpi sge, %add3A_575, %ge3A_732 : i32
      %sub3A_734 = arith.constant 1 : i32
      %sub3A_735 = arith.subi %add3A_575, %sub3A_734 : i32
      %mul3A_736 = arith.constant 4 : i32
      %mul3A_737 = arith.muli %sub3A_735, %mul3A_736 : i32
      %add3A_738 = arith.constant 0 : i32
      %add3A_739 = arith.addi %mul3A_737, %add3A_738 : i32
      %convert_element_type3A_740 = arith.extui %ge3A_733 : i1 to i32
      %cond3A_741 = arith.constant 0 : i32
      %cond3A_742 = arith.cmpi ne, %convert_element_type3A_740, %cond3A_741 : i32
      scf.if %cond3A_742 {
        %mul3A_828 = arith.constant 40 : i32
        %mul3A_829 = arith.muli %arg0, %mul3A_828 : i32
        %add3A_830 = arith.addi %mul3A_829, %add3A_739 : i32
        %dma_wait3A_831 = arith.constant 0 : i32
        %dma_wait3A_832 = arith.constant 0 : i32
        %dma_wait3A_833 = arith.constant 0 : i32
        %dma_wait3A_834 = arith.constant 0 : i32
        %dma_wait3A_835 = tpu.memref_slice %arg11[%dma_wait3A_831, %dma_wait3A_833, %dma_wait3A_834] : memref<8x256x16xf32, #tpu.memory_space<vmem>> -> memref<1x256x16xf32, #tpu.memory_space<vmem>>
        %dma_wait3A_836 = tpu.memref_squeeze %dma_wait3A_835 : memref<1x256x16xf32, #tpu.memory_space<vmem>> -> memref<256x16xf32, #tpu.memory_space<vmem>>
        %dma_wait3A_837 = arith.constant 0 : i32
        %dma_wait3A_838 = tpu.memref_slice %arg8[%add3A_830, %dma_wait3A_837] : memref<80x256xi32, #tpu.memory_space<vmem>> -> memref<1x256xi32, #tpu.memory_space<vmem>>
        %dma_wait3A_839 = tpu.memref_squeeze %dma_wait3A_838 : memref<1x256xi32, #tpu.memory_space<vmem>> -> memref<256xi32, #tpu.memory_space<vmem>>
        %dma_wait3A_840 = arith.constant 0 : i32
        %dma_wait3A_841 = arith.constant 0 : i32
        %dma_wait3A_842 = tpu.memref_slice %arg15[%dma_wait3A_840, %dma_wait3A_841] : memref<10496x16xf32, #tpu.memory_space<vmem_shared>> -> memref<10496x16xf32, #tpu.memory_space<vmem_shared>>
        %dma_wait3A_843 = tpu.memref_slice %arg16[%dma_wait3A_832] : memref<8x!tpu.dma_semaphore, #tpu.memory_space<semaphore_mem>> -> memref<1x!tpu.dma_semaphore, #tpu.memory_space<semaphore_mem>>
        %dma_wait3A_844 = tpu.memref_squeeze %dma_wait3A_843 : memref<1x!tpu.dma_semaphore, #tpu.memory_space<semaphore_mem>> -> memref<!tpu.dma_semaphore, #tpu.memory_space<semaphore_mem>>
        tpu.wait_indirect_dma semaphore(%dma_wait3A_844 : memref<!tpu.dma_semaphore, #tpu.memory_space<semaphore_mem>>) src(%dma_wait3A_836 : memref<256x16xf32, #tpu.memory_space<vmem>>) dst(%dma_wait3A_842 : memref<10496x16xf32, #tpu.memory_space<vmem_shared>>)
      } else {
      }
      %ge3A_743 = arith.constant 1 : i32
      %ge3A_744 = arith.cmpi sge, %add3A_575, %ge3A_743 : i32
      %sub3A_745 = arith.constant 1 : i32
      %sub3A_746 = arith.subi %add3A_575, %sub3A_745 : i32
      %mul3A_747 = arith.constant 4 : i32
      %mul3A_748 = arith.muli %sub3A_746, %mul3A_747 : i32
      %add3A_749 = arith.constant 1 : i32
      %add3A_750 = arith.addi %mul3A_748, %add3A_749 : i32
      %convert_element_type3A_751 = arith.extui %ge3A_744 : i1 to i32
      %cond3A_752 = arith.constant 0 : i32
      %cond3A_753 = arith.cmpi ne, %convert_element_type3A_751, %cond3A_752 : i32
      scf.if %cond3A_753 {
        %mul3A_828 = arith.constant 40 : i32
        %mul3A_829 = arith.muli %arg0, %mul3A_828 : i32
        %add3A_830 = arith.addi %mul3A_829, %add3A_750 : i32
        %dma_wait3A_831 = arith.constant 1 : i32
        %dma_wait3A_832 = arith.constant 1 : i32
        %dma_wait3A_833 = arith.constant 0 : i32
        %dma_wait3A_834 = arith.constant 0 : i32
        %dma_wait3A_835 = tpu.memref_slice %arg11[%dma_wait3A_831, %dma_wait3A_833, %dma_wait3A_834] : memref<8x256x16xf32, #tpu.memory_space<vmem>> -> memref<1x256x16xf32, #tpu.memory_space<vmem>>
        %dma_wait3A_836 = tpu.memref_squeeze %dma_wait3A_835 : memref<1x256x16xf32, #tpu.memory_space<vmem>> -> memref<256x16xf32, #tpu.memory_space<vmem>>
        %dma_wait3A_837 = arith.constant 0 : i32
        %dma_wait3A_838 = tpu.memref_slice %arg8[%add3A_830, %dma_wait3A_837] : memref<80x256xi32, #tpu.memory_space<vmem>> -> memref<1x256xi32, #tpu.memory_space<vmem>>
        %dma_wait3A_839 = tpu.memref_squeeze %dma_wait3A_838 : memref<1x256xi32, #tpu.memory_space<vmem>> -> memref<256xi32, #tpu.memory_space<vmem>>
        %dma_wait3A_840 = arith.constant 0 : i32
        %dma_wait3A_841 = arith.constant 0 : i32
        %dma_wait3A_842 = tpu.memref_slice %arg15[%dma_wait3A_840, %dma_wait3A_841] : memref<10496x16xf32, #tpu.memory_space<vmem_shared>> -> memref<10496x16xf32, #tpu.memory_space<vmem_shared>>
        %dma_wait3A_843 = tpu.memref_slice %arg16[%dma_wait3A_832] : memref<8x!tpu.dma_semaphore, #tpu.memory_space<semaphore_mem>> -> memref<1x!tpu.dma_semaphore, #tpu.memory_space<semaphore_mem>>
        %dma_wait3A_844 = tpu.memref_squeeze %dma_wait3A_843 : memref<1x!tpu.dma_semaphore, #tpu.memory_space<semaphore_mem>> -> memref<!tpu.dma_semaphore, #tpu.memory_space<semaphore_mem>>
        tpu.wait_indirect_dma semaphore(%dma_wait3A_844 : memref<!tpu.dma_semaphore, #tpu.memory_space<semaphore_mem>>) src(%dma_wait3A_836 : memref<256x16xf32, #tpu.memory_space<vmem>>) dst(%dma_wait3A_842 : memref<10496x16xf32, #tpu.memory_space<vmem_shared>>)
      } else {
      }
      %ge3A_754 = arith.constant 1 : i32
      %ge3A_755 = arith.cmpi sge, %add3A_575, %ge3A_754 : i32
      %sub3A_756 = arith.constant 1 : i32
      %sub3A_757 = arith.subi %add3A_575, %sub3A_756 : i32
      %mul3A_758 = arith.constant 4 : i32
      %mul3A_759 = arith.muli %sub3A_757, %mul3A_758 : i32
      %add3A_760 = arith.constant 2 : i32
      %add3A_761 = arith.addi %mul3A_759, %add3A_760 : i32
      %convert_element_type3A_762 = arith.extui %ge3A_755 : i1 to i32
      %cond3A_763 = arith.constant 0 : i32
      %cond3A_764 = arith.cmpi ne, %convert_element_type3A_762, %cond3A_763 : i32
      scf.if %cond3A_764 {
        %mul3A_828 = arith.constant 40 : i32
        %mul3A_829 = arith.muli %arg0, %mul3A_828 : i32
        %add3A_830 = arith.addi %mul3A_829, %add3A_761 : i32
        %dma_wait3A_831 = arith.constant 2 : i32
        %dma_wait3A_832 = arith.constant 2 : i32
        %dma_wait3A_833 = arith.constant 0 : i32
        %dma_wait3A_834 = arith.constant 0 : i32
        %dma_wait3A_835 = tpu.memref_slice %arg11[%dma_wait3A_831, %dma_wait3A_833, %dma_wait3A_834] : memref<8x256x16xf32, #tpu.memory_space<vmem>> -> memref<1x256x16xf32, #tpu.memory_space<vmem>>
        %dma_wait3A_836 = tpu.memref_squeeze %dma_wait3A_835 : memref<1x256x16xf32, #tpu.memory_space<vmem>> -> memref<256x16xf32, #tpu.memory_space<vmem>>
        %dma_wait3A_837 = arith.constant 0 : i32
        %dma_wait3A_838 = tpu.memref_slice %arg8[%add3A_830, %dma_wait3A_837] : memref<80x256xi32, #tpu.memory_space<vmem>> -> memref<1x256xi32, #tpu.memory_space<vmem>>
        %dma_wait3A_839 = tpu.memref_squeeze %dma_wait3A_838 : memref<1x256xi32, #tpu.memory_space<vmem>> -> memref<256xi32, #tpu.memory_space<vmem>>
        %dma_wait3A_840 = arith.constant 0 : i32
        %dma_wait3A_841 = arith.constant 0 : i32
        %dma_wait3A_842 = tpu.memref_slice %arg15[%dma_wait3A_840, %dma_wait3A_841] : memref<10496x16xf32, #tpu.memory_space<vmem_shared>> -> memref<10496x16xf32, #tpu.memory_space<vmem_shared>>
        %dma_wait3A_843 = tpu.memref_slice %arg16[%dma_wait3A_832] : memref<8x!tpu.dma_semaphore, #tpu.memory_space<semaphore_mem>> -> memref<1x!tpu.dma_semaphore, #tpu.memory_space<semaphore_mem>>
        %dma_wait3A_844 = tpu.memref_squeeze %dma_wait3A_843 : memref<1x!tpu.dma_semaphore, #tpu.memory_space<semaphore_mem>> -> memref<!tpu.dma_semaphore, #tpu.memory_space<semaphore_mem>>
        tpu.wait_indirect_dma semaphore(%dma_wait3A_844 : memref<!tpu.dma_semaphore, #tpu.memory_space<semaphore_mem>>) src(%dma_wait3A_836 : memref<256x16xf32, #tpu.memory_space<vmem>>) dst(%dma_wait3A_842 : memref<10496x16xf32, #tpu.memory_space<vmem_shared>>)
      } else {
      }
      %ge3A_765 = arith.constant 1 : i32
      %ge3A_766 = arith.cmpi sge, %add3A_575, %ge3A_765 : i32
      %sub3A_767 = arith.constant 1 : i32
      %sub3A_768 = arith.subi %add3A_575, %sub3A_767 : i32
      %mul3A_769 = arith.constant 4 : i32
      %mul3A_770 = arith.muli %sub3A_768, %mul3A_769 : i32
      %add3A_771 = arith.constant 3 : i32
      %add3A_772 = arith.addi %mul3A_770, %add3A_771 : i32
      %convert_element_type3A_773 = arith.extui %ge3A_766 : i1 to i32
      %cond3A_774 = arith.constant 0 : i32
      %cond3A_775 = arith.cmpi ne, %convert_element_type3A_773, %cond3A_774 : i32
      scf.if %cond3A_775 {
        %mul3A_828 = arith.constant 40 : i32
        %mul3A_829 = arith.muli %arg0, %mul3A_828 : i32
        %add3A_830 = arith.addi %mul3A_829, %add3A_772 : i32
        %dma_wait3A_831 = arith.constant 3 : i32
        %dma_wait3A_832 = arith.constant 3 : i32
        %dma_wait3A_833 = arith.constant 0 : i32
        %dma_wait3A_834 = arith.constant 0 : i32
        %dma_wait3A_835 = tpu.memref_slice %arg11[%dma_wait3A_831, %dma_wait3A_833, %dma_wait3A_834] : memref<8x256x16xf32, #tpu.memory_space<vmem>> -> memref<1x256x16xf32, #tpu.memory_space<vmem>>
        %dma_wait3A_836 = tpu.memref_squeeze %dma_wait3A_835 : memref<1x256x16xf32, #tpu.memory_space<vmem>> -> memref<256x16xf32, #tpu.memory_space<vmem>>
        %dma_wait3A_837 = arith.constant 0 : i32
        %dma_wait3A_838 = tpu.memref_slice %arg8[%add3A_830, %dma_wait3A_837] : memref<80x256xi32, #tpu.memory_space<vmem>> -> memref<1x256xi32, #tpu.memory_space<vmem>>
        %dma_wait3A_839 = tpu.memref_squeeze %dma_wait3A_838 : memref<1x256xi32, #tpu.memory_space<vmem>> -> memref<256xi32, #tpu.memory_space<vmem>>
        %dma_wait3A_840 = arith.constant 0 : i32
        %dma_wait3A_841 = arith.constant 0 : i32
        %dma_wait3A_842 = tpu.memref_slice %arg15[%dma_wait3A_840, %dma_wait3A_841] : memref<10496x16xf32, #tpu.memory_space<vmem_shared>> -> memref<10496x16xf32, #tpu.memory_space<vmem_shared>>
        %dma_wait3A_843 = tpu.memref_slice %arg16[%dma_wait3A_832] : memref<8x!tpu.dma_semaphore, #tpu.memory_space<semaphore_mem>> -> memref<1x!tpu.dma_semaphore, #tpu.memory_space<semaphore_mem>>
        %dma_wait3A_844 = tpu.memref_squeeze %dma_wait3A_843 : memref<1x!tpu.dma_semaphore, #tpu.memory_space<semaphore_mem>> -> memref<!tpu.dma_semaphore, #tpu.memory_space<semaphore_mem>>
        tpu.wait_indirect_dma semaphore(%dma_wait3A_844 : memref<!tpu.dma_semaphore, #tpu.memory_space<semaphore_mem>>) src(%dma_wait3A_836 : memref<256x16xf32, #tpu.memory_space<vmem>>) dst(%dma_wait3A_842 : memref<10496x16xf32, #tpu.memory_space<vmem_shared>>)
      } else {
      }
      %add3A_776 = arith.constant 1 : i32
      %add3A_777 = arith.addi %add3A_575, %add3A_776 : i32
      %lt3A_778 = arith.constant 10 : i32
      %lt3A_779 = arith.cmpi slt, %add3A_777, %lt3A_778 : i32
      %add3A_780 = arith.constant 1 : i32
      %add3A_781 = arith.addi %add3A_575, %add3A_780 : i32
      %mul3A_782 = arith.constant 4 : i32
      %mul3A_783 = arith.muli %add3A_781, %mul3A_782 : i32
      %add3A_784 = arith.constant 0 : i32
      %add3A_785 = arith.addi %mul3A_783, %add3A_784 : i32
      %convert_element_type3A_786 = arith.extui %lt3A_779 : i1 to i32
      %cond3A_787 = arith.constant 0 : i32
      %cond3A_788 = arith.cmpi ne, %convert_element_type3A_786, %cond3A_787 : i32
      scf.if %cond3A_788 {
        %dma_start3A_828 = arith.constant 0 : i32
        %dma_start3A_829 = arith.constant 0 : i32
        %dma_start3A_830 = arith.constant 0 : i32
        %dma_start3A_831 = arith.constant 0 : i32
        %dma_start3A_832 = tpu.memref_slice %arg11[%dma_start3A_828, %dma_start3A_830, %dma_start3A_831] : memref<8x256x16xf32, #tpu.memory_space<vmem>> -> memref<1x256x16xf32, #tpu.memory_space<vmem>>
        %dma_start3A_833 = tpu.memref_squeeze %dma_start3A_832 : memref<1x256x16xf32, #tpu.memory_space<vmem>> -> memref<256x16xf32, #tpu.memory_space<vmem>>
        %dma_start3A_834 = arith.constant 0 : i32
        %dma_start3A_835 = tpu.memref_slice %arg7[%add3A_785, %dma_start3A_834] : memref<40x256xi32, #tpu.memory_space<vmem>> -> memref<1x256xi32, #tpu.memory_space<vmem>>
        %dma_start3A_836 = tpu.memref_squeeze %dma_start3A_835 : memref<1x256xi32, #tpu.memory_space<vmem>> -> memref<256xi32, #tpu.memory_space<vmem>>
        %dma_start3A_837 = arith.constant 0 : i32
        %dma_start3A_838 = arith.constant 0 : i32
        %dma_start3A_839 = tpu.memref_slice %arg14[%dma_start3A_837, %dma_start3A_838] : memref<10496x16xf32, #tpu.memory_space<vmem_shared>> -> memref<10496x16xf32, #tpu.memory_space<vmem_shared>>
        %dma_start3A_840 = tpu.memref_slice %arg16[%dma_start3A_829] : memref<8x!tpu.dma_semaphore, #tpu.memory_space<semaphore_mem>> -> memref<1x!tpu.dma_semaphore, #tpu.memory_space<semaphore_mem>>
        %dma_start3A_841 = tpu.memref_squeeze %dma_start3A_840 : memref<1x!tpu.dma_semaphore, #tpu.memory_space<semaphore_mem>> -> memref<!tpu.dma_semaphore, #tpu.memory_space<semaphore_mem>>
        tpu.enqueue_indirect_dma source(%dma_start3A_839 : memref<10496x16xf32, #tpu.memory_space<vmem_shared>>) target(%dma_start3A_833 : memref<256x16xf32, #tpu.memory_space<vmem>>) offsets(%dma_start3A_836 : memref<256xi32, #tpu.memory_space<vmem>>) semaphore(%dma_start3A_841 : memref<!tpu.dma_semaphore, #tpu.memory_space<semaphore_mem>>)
      } else {
      }
      %add3A_789 = arith.constant 1 : i32
      %add3A_790 = arith.addi %add3A_575, %add3A_789 : i32
      %lt3A_791 = arith.constant 10 : i32
      %lt3A_792 = arith.cmpi slt, %add3A_790, %lt3A_791 : i32
      %add3A_793 = arith.constant 1 : i32
      %add3A_794 = arith.addi %add3A_575, %add3A_793 : i32
      %mul3A_795 = arith.constant 4 : i32
      %mul3A_796 = arith.muli %add3A_794, %mul3A_795 : i32
      %add3A_797 = arith.constant 1 : i32
      %add3A_798 = arith.addi %mul3A_796, %add3A_797 : i32
      %convert_element_type3A_799 = arith.extui %lt3A_792 : i1 to i32
      %cond3A_800 = arith.constant 0 : i32
      %cond3A_801 = arith.cmpi ne, %convert_element_type3A_799, %cond3A_800 : i32
      scf.if %cond3A_801 {
        %dma_start3A_828 = arith.constant 1 : i32
        %dma_start3A_829 = arith.constant 1 : i32
        %dma_start3A_830 = arith.constant 0 : i32
        %dma_start3A_831 = arith.constant 0 : i32
        %dma_start3A_832 = tpu.memref_slice %arg11[%dma_start3A_828, %dma_start3A_830, %dma_start3A_831] : memref<8x256x16xf32, #tpu.memory_space<vmem>> -> memref<1x256x16xf32, #tpu.memory_space<vmem>>
        %dma_start3A_833 = tpu.memref_squeeze %dma_start3A_832 : memref<1x256x16xf32, #tpu.memory_space<vmem>> -> memref<256x16xf32, #tpu.memory_space<vmem>>
        %dma_start3A_834 = arith.constant 0 : i32
        %dma_start3A_835 = tpu.memref_slice %arg7[%add3A_798, %dma_start3A_834] : memref<40x256xi32, #tpu.memory_space<vmem>> -> memref<1x256xi32, #tpu.memory_space<vmem>>
        %dma_start3A_836 = tpu.memref_squeeze %dma_start3A_835 : memref<1x256xi32, #tpu.memory_space<vmem>> -> memref<256xi32, #tpu.memory_space<vmem>>
        %dma_start3A_837 = arith.constant 0 : i32
        %dma_start3A_838 = arith.constant 0 : i32
        %dma_start3A_839 = tpu.memref_slice %arg14[%dma_start3A_837, %dma_start3A_838] : memref<10496x16xf32, #tpu.memory_space<vmem_shared>> -> memref<10496x16xf32, #tpu.memory_space<vmem_shared>>
        %dma_start3A_840 = tpu.memref_slice %arg16[%dma_start3A_829] : memref<8x!tpu.dma_semaphore, #tpu.memory_space<semaphore_mem>> -> memref<1x!tpu.dma_semaphore, #tpu.memory_space<semaphore_mem>>
        %dma_start3A_841 = tpu.memref_squeeze %dma_start3A_840 : memref<1x!tpu.dma_semaphore, #tpu.memory_space<semaphore_mem>> -> memref<!tpu.dma_semaphore, #tpu.memory_space<semaphore_mem>>
        tpu.enqueue_indirect_dma source(%dma_start3A_839 : memref<10496x16xf32, #tpu.memory_space<vmem_shared>>) target(%dma_start3A_833 : memref<256x16xf32, #tpu.memory_space<vmem>>) offsets(%dma_start3A_836 : memref<256xi32, #tpu.memory_space<vmem>>) semaphore(%dma_start3A_841 : memref<!tpu.dma_semaphore, #tpu.memory_space<semaphore_mem>>)
      } else {
      }
      %add3A_802 = arith.constant 1 : i32
      %add3A_803 = arith.addi %add3A_575, %add3A_802 : i32
      %lt3A_804 = arith.constant 10 : i32
      %lt3A_805 = arith.cmpi slt, %add3A_803, %lt3A_804 : i32
      %add3A_806 = arith.constant 1 : i32
      %add3A_807 = arith.addi %add3A_575, %add3A_806 : i32
      %mul3A_808 = arith.constant 4 : i32
      %mul3A_809 = arith.muli %add3A_807, %mul3A_808 : i32
      %add3A_810 = arith.constant 2 : i32
      %add3A_811 = arith.addi %mul3A_809, %add3A_810 : i32
      %convert_element_type3A_812 = arith.extui %lt3A_805 : i1 to i32
      %cond3A_813 = arith.constant 0 : i32
      %cond3A_814 = arith.cmpi ne, %convert_element_type3A_812, %cond3A_813 : i32
      scf.if %cond3A_814 {
        %dma_start3A_828 = arith.constant 2 : i32
        %dma_start3A_829 = arith.constant 2 : i32
        %dma_start3A_830 = arith.constant 0 : i32
        %dma_start3A_831 = arith.constant 0 : i32
        %dma_start3A_832 = tpu.memref_slice %arg11[%dma_start3A_828, %dma_start3A_830, %dma_start3A_831] : memref<8x256x16xf32, #tpu.memory_space<vmem>> -> memref<1x256x16xf32, #tpu.memory_space<vmem>>
        %dma_start3A_833 = tpu.memref_squeeze %dma_start3A_832 : memref<1x256x16xf32, #tpu.memory_space<vmem>> -> memref<256x16xf32, #tpu.memory_space<vmem>>
        %dma_start3A_834 = arith.constant 0 : i32
        %dma_start3A_835 = tpu.memref_slice %arg7[%add3A_811, %dma_start3A_834] : memref<40x256xi32, #tpu.memory_space<vmem>> -> memref<1x256xi32, #tpu.memory_space<vmem>>
        %dma_start3A_836 = tpu.memref_squeeze %dma_start3A_835 : memref<1x256xi32, #tpu.memory_space<vmem>> -> memref<256xi32, #tpu.memory_space<vmem>>
        %dma_start3A_837 = arith.constant 0 : i32
        %dma_start3A_838 = arith.constant 0 : i32
        %dma_start3A_839 = tpu.memref_slice %arg14[%dma_start3A_837, %dma_start3A_838] : memref<10496x16xf32, #tpu.memory_space<vmem_shared>> -> memref<10496x16xf32, #tpu.memory_space<vmem_shared>>
        %dma_start3A_840 = tpu.memref_slice %arg16[%dma_start3A_829] : memref<8x!tpu.dma_semaphore, #tpu.memory_space<semaphore_mem>> -> memref<1x!tpu.dma_semaphore, #tpu.memory_space<semaphore_mem>>
        %dma_start3A_841 = tpu.memref_squeeze %dma_start3A_840 : memref<1x!tpu.dma_semaphore, #tpu.memory_space<semaphore_mem>> -> memref<!tpu.dma_semaphore, #tpu.memory_space<semaphore_mem>>
        tpu.enqueue_indirect_dma source(%dma_start3A_839 : memref<10496x16xf32, #tpu.memory_space<vmem_shared>>) target(%dma_start3A_833 : memref<256x16xf32, #tpu.memory_space<vmem>>) offsets(%dma_start3A_836 : memref<256xi32, #tpu.memory_space<vmem>>) semaphore(%dma_start3A_841 : memref<!tpu.dma_semaphore, #tpu.memory_space<semaphore_mem>>)
      } else {
      }
      %add3A_815 = arith.constant 1 : i32
      %add3A_816 = arith.addi %add3A_575, %add3A_815 : i32
      %lt3A_817 = arith.constant 10 : i32
      %lt3A_818 = arith.cmpi slt, %add3A_816, %lt3A_817 : i32
      %add3A_819 = arith.constant 1 : i32
      %add3A_820 = arith.addi %add3A_575, %add3A_819 : i32
      %mul3A_821 = arith.constant 4 : i32
      %mul3A_822 = arith.muli %add3A_820, %mul3A_821 : i32
      %add3A_823 = arith.constant 3 : i32
      %add3A_824 = arith.addi %mul3A_822, %add3A_823 : i32
      %convert_element_type3A_825 = arith.extui %lt3A_818 : i1 to i32
      %cond3A_826 = arith.constant 0 : i32
      %cond3A_827 = arith.cmpi ne, %convert_element_type3A_825, %cond3A_826 : i32
      scf.if %cond3A_827 {
        %dma_start3A_828 = arith.constant 3 : i32
        %dma_start3A_829 = arith.constant 3 : i32
        %dma_start3A_830 = arith.constant 0 : i32
        %dma_start3A_831 = arith.constant 0 : i32
        %dma_start3A_832 = tpu.memref_slice %arg11[%dma_start3A_828, %dma_start3A_830, %dma_start3A_831] : memref<8x256x16xf32, #tpu.memory_space<vmem>> -> memref<1x256x16xf32, #tpu.memory_space<vmem>>
        %dma_start3A_833 = tpu.memref_squeeze %dma_start3A_832 : memref<1x256x16xf32, #tpu.memory_space<vmem>> -> memref<256x16xf32, #tpu.memory_space<vmem>>
        %dma_start3A_834 = arith.constant 0 : i32
        %dma_start3A_835 = tpu.memref_slice %arg7[%add3A_824, %dma_start3A_834] : memref<40x256xi32, #tpu.memory_space<vmem>> -> memref<1x256xi32, #tpu.memory_space<vmem>>
        %dma_start3A_836 = tpu.memref_squeeze %dma_start3A_835 : memref<1x256xi32, #tpu.memory_space<vmem>> -> memref<256xi32, #tpu.memory_space<vmem>>
        %dma_start3A_837 = arith.constant 0 : i32
        %dma_start3A_838 = arith.constant 0 : i32
        %dma_start3A_839 = tpu.memref_slice %arg14[%dma_start3A_837, %dma_start3A_838] : memref<10496x16xf32, #tpu.memory_space<vmem_shared>> -> memref<10496x16xf32, #tpu.memory_space<vmem_shared>>
        %dma_start3A_840 = tpu.memref_slice %arg16[%dma_start3A_829] : memref<8x!tpu.dma_semaphore, #tpu.memory_space<semaphore_mem>> -> memref<1x!tpu.dma_semaphore, #tpu.memory_space<semaphore_mem>>
        %dma_start3A_841 = tpu.memref_squeeze %dma_start3A_840 : memref<1x!tpu.dma_semaphore, #tpu.memory_space<semaphore_mem>> -> memref<!tpu.dma_semaphore, #tpu.memory_space<semaphore_mem>>
        tpu.enqueue_indirect_dma source(%dma_start3A_839 : memref<10496x16xf32, #tpu.memory_space<vmem_shared>>) target(%dma_start3A_833 : memref<256x16xf32, #tpu.memory_space<vmem>>) offsets(%dma_start3A_836 : memref<256xi32, #tpu.memory_space<vmem>>) semaphore(%dma_start3A_841 : memref<!tpu.dma_semaphore, #tpu.memory_space<semaphore_mem>>)
      } else {
      }
    }
    %scan3A_246 = arith.constant 5 : i32
    %mul3A_247 = arith.constant 40 : i32
    %mul3A_248 = arith.muli %arg0, %mul3A_247 : i32
    %add3A_249 = arith.constant 36 : i32
    %add3A_250 = arith.addi %mul3A_248, %add3A_249 : i32
    %dma_wait3A_251 = arith.constant 4 : i32
    %dma_wait3A_252 = arith.constant 4 : i32
    %dma_wait3A_253 = arith.constant 0 : i32
    %dma_wait3A_254 = arith.constant 0 : i32
    %dma_wait3A_255 = tpu.memref_slice %arg11[%dma_wait3A_251, %dma_wait3A_253, %dma_wait3A_254] : memref<8x256x16xf32, #tpu.memory_space<vmem>> -> memref<1x256x16xf32, #tpu.memory_space<vmem>>
    %dma_wait3A_256 = tpu.memref_squeeze %dma_wait3A_255 : memref<1x256x16xf32, #tpu.memory_space<vmem>> -> memref<256x16xf32, #tpu.memory_space<vmem>>
    %dma_wait3A_257 = arith.constant 0 : i32
    %dma_wait3A_258 = tpu.memref_slice %arg8[%add3A_250, %dma_wait3A_257] : memref<80x256xi32, #tpu.memory_space<vmem>> -> memref<1x256xi32, #tpu.memory_space<vmem>>
    %dma_wait3A_259 = tpu.memref_squeeze %dma_wait3A_258 : memref<1x256xi32, #tpu.memory_space<vmem>> -> memref<256xi32, #tpu.memory_space<vmem>>
    %dma_wait3A_260 = arith.constant 0 : i32
    %dma_wait3A_261 = arith.constant 0 : i32
    %dma_wait3A_262 = tpu.memref_slice %arg15[%dma_wait3A_260, %dma_wait3A_261] : memref<10496x16xf32, #tpu.memory_space<vmem_shared>> -> memref<10496x16xf32, #tpu.memory_space<vmem_shared>>
    %dma_wait3A_263 = tpu.memref_slice %arg16[%dma_wait3A_252] : memref<8x!tpu.dma_semaphore, #tpu.memory_space<semaphore_mem>> -> memref<1x!tpu.dma_semaphore, #tpu.memory_space<semaphore_mem>>
    %dma_wait3A_264 = tpu.memref_squeeze %dma_wait3A_263 : memref<1x!tpu.dma_semaphore, #tpu.memory_space<semaphore_mem>> -> memref<!tpu.dma_semaphore, #tpu.memory_space<semaphore_mem>>
    tpu.wait_indirect_dma semaphore(%dma_wait3A_264 : memref<!tpu.dma_semaphore, #tpu.memory_space<semaphore_mem>>) src(%dma_wait3A_256 : memref<256x16xf32, #tpu.memory_space<vmem>>) dst(%dma_wait3A_262 : memref<10496x16xf32, #tpu.memory_space<vmem_shared>>)
    %mul3A_265 = arith.constant 40 : i32
    %mul3A_266 = arith.muli %arg0, %mul3A_265 : i32
    %add3A_267 = arith.constant 37 : i32
    %add3A_268 = arith.addi %mul3A_266, %add3A_267 : i32
    %dma_wait3A_269 = arith.constant 5 : i32
    %dma_wait3A_270 = arith.constant 5 : i32
    %dma_wait3A_271 = arith.constant 0 : i32
    %dma_wait3A_272 = arith.constant 0 : i32
    %dma_wait3A_273 = tpu.memref_slice %arg11[%dma_wait3A_269, %dma_wait3A_271, %dma_wait3A_272] : memref<8x256x16xf32, #tpu.memory_space<vmem>> -> memref<1x256x16xf32, #tpu.memory_space<vmem>>
    %dma_wait3A_274 = tpu.memref_squeeze %dma_wait3A_273 : memref<1x256x16xf32, #tpu.memory_space<vmem>> -> memref<256x16xf32, #tpu.memory_space<vmem>>
    %dma_wait3A_275 = arith.constant 0 : i32
    %dma_wait3A_276 = tpu.memref_slice %arg8[%add3A_268, %dma_wait3A_275] : memref<80x256xi32, #tpu.memory_space<vmem>> -> memref<1x256xi32, #tpu.memory_space<vmem>>
    %dma_wait3A_277 = tpu.memref_squeeze %dma_wait3A_276 : memref<1x256xi32, #tpu.memory_space<vmem>> -> memref<256xi32, #tpu.memory_space<vmem>>
    %dma_wait3A_278 = arith.constant 0 : i32
    %dma_wait3A_279 = arith.constant 0 : i32
    %dma_wait3A_280 = tpu.memref_slice %arg15[%dma_wait3A_278, %dma_wait3A_279] : memref<10496x16xf32, #tpu.memory_space<vmem_shared>> -> memref<10496x16xf32, #tpu.memory_space<vmem_shared>>
    %dma_wait3A_281 = tpu.memref_slice %arg16[%dma_wait3A_270] : memref<8x!tpu.dma_semaphore, #tpu.memory_space<semaphore_mem>> -> memref<1x!tpu.dma_semaphore, #tpu.memory_space<semaphore_mem>>
    %dma_wait3A_282 = tpu.memref_squeeze %dma_wait3A_281 : memref<1x!tpu.dma_semaphore, #tpu.memory_space<semaphore_mem>> -> memref<!tpu.dma_semaphore, #tpu.memory_space<semaphore_mem>>
    tpu.wait_indirect_dma semaphore(%dma_wait3A_282 : memref<!tpu.dma_semaphore, #tpu.memory_space<semaphore_mem>>) src(%dma_wait3A_274 : memref<256x16xf32, #tpu.memory_space<vmem>>) dst(%dma_wait3A_280 : memref<10496x16xf32, #tpu.memory_space<vmem_shared>>)
    %mul3A_283 = arith.constant 40 : i32
    %mul3A_284 = arith.muli %arg0, %mul3A_283 : i32
    %add3A_285 = arith.constant 38 : i32
    %add3A_286 = arith.addi %mul3A_284, %add3A_285 : i32
    %dma_wait3A_287 = arith.constant 6 : i32
    %dma_wait3A_288 = arith.constant 6 : i32
    %dma_wait3A_289 = arith.constant 0 : i32
    %dma_wait3A_290 = arith.constant 0 : i32
    %dma_wait3A_291 = tpu.memref_slice %arg11[%dma_wait3A_287, %dma_wait3A_289, %dma_wait3A_290] : memref<8x256x16xf32, #tpu.memory_space<vmem>> -> memref<1x256x16xf32, #tpu.memory_space<vmem>>
    %dma_wait3A_292 = tpu.memref_squeeze %dma_wait3A_291 : memref<1x256x16xf32, #tpu.memory_space<vmem>> -> memref<256x16xf32, #tpu.memory_space<vmem>>
    %dma_wait3A_293 = arith.constant 0 : i32
    %dma_wait3A_294 = tpu.memref_slice %arg8[%add3A_286, %dma_wait3A_293] : memref<80x256xi32, #tpu.memory_space<vmem>> -> memref<1x256xi32, #tpu.memory_space<vmem>>
    %dma_wait3A_295 = tpu.memref_squeeze %dma_wait3A_294 : memref<1x256xi32, #tpu.memory_space<vmem>> -> memref<256xi32, #tpu.memory_space<vmem>>
    %dma_wait3A_296 = arith.constant 0 : i32
    %dma_wait3A_297 = arith.constant 0 : i32
    %dma_wait3A_298 = tpu.memref_slice %arg15[%dma_wait3A_296, %dma_wait3A_297] : memref<10496x16xf32, #tpu.memory_space<vmem_shared>> -> memref<10496x16xf32, #tpu.memory_space<vmem_shared>>
    %dma_wait3A_299 = tpu.memref_slice %arg16[%dma_wait3A_288] : memref<8x!tpu.dma_semaphore, #tpu.memory_space<semaphore_mem>> -> memref<1x!tpu.dma_semaphore, #tpu.memory_space<semaphore_mem>>
    %dma_wait3A_300 = tpu.memref_squeeze %dma_wait3A_299 : memref<1x!tpu.dma_semaphore, #tpu.memory_space<semaphore_mem>> -> memref<!tpu.dma_semaphore, #tpu.memory_space<semaphore_mem>>
    tpu.wait_indirect_dma semaphore(%dma_wait3A_300 : memref<!tpu.dma_semaphore, #tpu.memory_space<semaphore_mem>>) src(%dma_wait3A_292 : memref<256x16xf32, #tpu.memory_space<vmem>>) dst(%dma_wait3A_298 : memref<10496x16xf32, #tpu.memory_space<vmem_shared>>)
    %mul3A_301 = arith.constant 40 : i32
    %mul3A_302 = arith.muli %arg0, %mul3A_301 : i32
    %add3A_303 = arith.constant 39 : i32
    %add3A_304 = arith.addi %mul3A_302, %add3A_303 : i32
    %dma_wait3A_305 = arith.constant 7 : i32
    %dma_wait3A_306 = arith.constant 7 : i32
    %dma_wait3A_307 = arith.constant 0 : i32
    %dma_wait3A_308 = arith.constant 0 : i32
    %dma_wait3A_309 = tpu.memref_slice %arg11[%dma_wait3A_305, %dma_wait3A_307, %dma_wait3A_308] : memref<8x256x16xf32, #tpu.memory_space<vmem>> -> memref<1x256x16xf32, #tpu.memory_space<vmem>>
    %dma_wait3A_310 = tpu.memref_squeeze %dma_wait3A_309 : memref<1x256x16xf32, #tpu.memory_space<vmem>> -> memref<256x16xf32, #tpu.memory_space<vmem>>
    %dma_wait3A_311 = arith.constant 0 : i32
    %dma_wait3A_312 = tpu.memref_slice %arg8[%add3A_304, %dma_wait3A_311] : memref<80x256xi32, #tpu.memory_space<vmem>> -> memref<1x256xi32, #tpu.memory_space<vmem>>
    %dma_wait3A_313 = tpu.memref_squeeze %dma_wait3A_312 : memref<1x256xi32, #tpu.memory_space<vmem>> -> memref<256xi32, #tpu.memory_space<vmem>>
    %dma_wait3A_314 = arith.constant 0 : i32
    %dma_wait3A_315 = arith.constant 0 : i32
    %dma_wait3A_316 = tpu.memref_slice %arg15[%dma_wait3A_314, %dma_wait3A_315] : memref<10496x16xf32, #tpu.memory_space<vmem_shared>> -> memref<10496x16xf32, #tpu.memory_space<vmem_shared>>
    %dma_wait3A_317 = tpu.memref_slice %arg16[%dma_wait3A_306] : memref<8x!tpu.dma_semaphore, #tpu.memory_space<semaphore_mem>> -> memref<1x!tpu.dma_semaphore, #tpu.memory_space<semaphore_mem>>
    %dma_wait3A_318 = tpu.memref_squeeze %dma_wait3A_317 : memref<1x!tpu.dma_semaphore, #tpu.memory_space<semaphore_mem>> -> memref<!tpu.dma_semaphore, #tpu.memory_space<semaphore_mem>>
    tpu.wait_indirect_dma semaphore(%dma_wait3A_318 : memref<!tpu.dma_semaphore, #tpu.memory_space<semaphore_mem>>) src(%dma_wait3A_310 : memref<256x16xf32, #tpu.memory_space<vmem>>) dst(%dma_wait3A_316 : memref<10496x16xf32, #tpu.memory_space<vmem_shared>>)
    %barrier3A_319 = arith.constant 0 : index
    tpu.barrier barrier_id(%barrier3A_319)
    "tpu.region"() ({
      %run_scoped3A = tpu.sem_alloc : memref<!tpu.dma_semaphore, #tpu.memory_space<semaphore_mem>>
      %dma_start3A_320 = arith.constant 0 : i32
      %dma_start3A_321 = tpu.memref_slice %arg15[%multiple_of3A, %dma_start3A_320] : memref<10496x16xf32, #tpu.memory_space<vmem_shared>> -> memref<656x16xf32, #tpu.memory_space<vmem_shared>>
      %dma_start3A_322 = arith.constant 0 : i32
      %dma_start3A_323 = tpu.memref_slice %arg15[%multiple_of3A, %dma_start3A_322] : memref<10496x16xf32, #tpu.memory_space<vmem_shared>> -> memref<656x16xf32, #tpu.memory_space<vmem_shared>>
      tpu.enqueue_dma source(%dma_start3A_323 : memref<656x16xf32, #tpu.memory_space<vmem_shared>>) target(%arg12 : memref<656x16xf32, #tpu.memory_space<vmem>>) target_semaphore(%run_scoped3A : memref<!tpu.dma_semaphore, #tpu.memory_space<semaphore_mem>>)
      %dma_wait3A_324 = arith.constant 0 : i32
      %dma_wait3A_325 = tpu.memref_slice %arg15[%multiple_of3A, %dma_wait3A_324] : memref<10496x16xf32, #tpu.memory_space<vmem_shared>> -> memref<656x16xf32, #tpu.memory_space<vmem_shared>>
      %dma_wait3A_326 = arith.constant 0 : i32
      %dma_wait3A_327 = tpu.memref_slice %arg15[%multiple_of3A, %dma_wait3A_326] : memref<10496x16xf32, #tpu.memory_space<vmem_shared>> -> memref<656x16xf32, #tpu.memory_space<vmem_shared>>
      tpu.wait_dma2 semaphore(%run_scoped3A : memref<!tpu.dma_semaphore, #tpu.memory_space<semaphore_mem>>) src(%dma_wait3A_327 : memref<656x16xf32, #tpu.memory_space<vmem_shared>>) dst(%arg12 : memref<656x16xf32, #tpu.memory_space<vmem>>)
      tpu.yield
    }) : () -> ()
    "tpu.region"() ({
      %run_scoped3A = tpu.sem_alloc : memref<!tpu.dma_semaphore, #tpu.memory_space<semaphore_mem>>
      %dma_start3A_320 = arith.constant 0 : i32
      %dma_start3A_321 = tpu.memref_slice %arg6[%multiple_of3A_5, %dma_start3A_320] : memref<20992x16xf32, #tpu.memory_space<hbm>> -> memref<656x16xf32, #tpu.memory_space<hbm>>
      %dma_start3A_322 = arith.constant 0 : i32
      %dma_start3A_323 = tpu.memref_slice %arg6[%multiple_of3A_5, %dma_start3A_322] : memref<20992x16xf32, #tpu.memory_space<hbm>> -> memref<656x16xf32, #tpu.memory_space<hbm>>
      tpu.enqueue_dma source(%arg12 : memref<656x16xf32, #tpu.memory_space<vmem>>) target(%dma_start3A_323 : memref<656x16xf32, #tpu.memory_space<hbm>>) target_semaphore(%run_scoped3A : memref<!tpu.dma_semaphore, #tpu.memory_space<semaphore_mem>>)
      %dma_wait3A_324 = arith.constant 0 : i32
      %dma_wait3A_325 = tpu.memref_slice %arg6[%multiple_of3A_5, %dma_wait3A_324] : memref<20992x16xf32, #tpu.memory_space<hbm>> -> memref<656x16xf32, #tpu.memory_space<hbm>>
      %dma_wait3A_326 = arith.constant 0 : i32
      %dma_wait3A_327 = tpu.memref_slice %arg6[%multiple_of3A_5, %dma_wait3A_326] : memref<20992x16xf32, #tpu.memory_space<hbm>> -> memref<656x16xf32, #tpu.memory_space<hbm>>
      tpu.wait_dma2 semaphore(%run_scoped3A : memref<!tpu.dma_semaphore, #tpu.memory_space<semaphore_mem>>) src(%arg12 : memref<656x16xf32, #tpu.memory_space<vmem>>) dst(%dma_wait3A_327 : memref<656x16xf32, #tpu.memory_space<hbm>>)
      tpu.yield
    }) : () -> ()
    return
  }
}

#map = affine_map<(d0, d1) -> (0, 0, 0)>
#map1 = affine_map<(d0, d1) -> (0, 0)>
module attributes {stable_mosaic.version = 14 : i64} {
  func.func @_agg_kernel(%arg0: i32, %arg1: i32, %arg2: memref<32x40x256xi32, #tpu.memory_space<hbm>>, %arg3: memref<32x40x256xi32, #tpu.memory_space<hbm>>, %arg4: memref<10496x16xf32, #tpu.memory_space<hbm>>, %arg5: memref<20992x16xf32, #tpu.memory_space<hbm>>, %arg6: memref<40x256xi32, #tpu.memory_space<vmem>>, %arg7: memref<40x256xi32, #tpu.memory_space<vmem>>, %arg8: memref<8x256x16xf32, #tpu.memory_space<vmem>>, %arg9: memref<656x16xf32, #tpu.memory_space<vmem>>, %arg10: memref<10496x16xf32, #tpu.memory_space<vmem_shared>>, %arg11: memref<10496x16xf32, #tpu.memory_space<vmem_shared>>, %arg12: memref<8x!tpu.dma_semaphore, #tpu.memory_space<semaphore_mem>>, %arg13: memref<!tpu.dma_semaphore, #tpu.memory_space<semaphore_mem>>) attributes {dimension_semantics = [#tpu.dimension_semantics<core_parallel>, #tpu.dimension_semantics<subcore_parallel>], iteration_bounds = array<i64: 2, 16>, scalar_prefetch = 0 : i64, scratch_operands = 8 : i64, tpu.core_type = #tpu.core_type<sc_vector_subcore>, window_params = [{transform_indices = #map}, {transform_indices = #map}, {transform_indices = #map1}, {transform_indices = #map1}]} {
    %mul3A = arith.constant 16 : i32
    %mul3A_0 = arith.muli %arg0, %mul3A : i32
    %add3A = arith.addi %mul3A_0, %arg1 : i32
    %mul3A_1 = arith.constant 656 : i32
    %mul3A_2 = arith.muli %arg1, %mul3A_1 : i32
    %multiple_of3A = tpu.assume_multiple %mul3A_2, 8 : i32
    %mul3A_3 = arith.constant 656 : i32
    %mul3A_4 = arith.muli %add3A, %mul3A_3 : i32
    %multiple_of3A_5 = tpu.assume_multiple %mul3A_4, 8 : i32
    %dma_start3A = arith.constant 0 : i32
    %dma_start3A_6 = tpu.memref_slice %arg10[%multiple_of3A, %dma_start3A] : memref<10496x16xf32, #tpu.memory_space<vmem_shared>> -> memref<656x16xf32, #tpu.memory_space<vmem_shared>>
    %dma_start3A_7 = arith.constant 0 : i32
    %dma_start3A_8 = tpu.memref_slice %arg4[%multiple_of3A, %dma_start3A_7] : memref<10496x16xf32, #tpu.memory_space<hbm>> -> memref<656x16xf32, #tpu.memory_space<hbm>>
    tpu.enqueue_dma source(%dma_start3A_8 : memref<656x16xf32, #tpu.memory_space<hbm>>) target(%dma_start3A_6 : memref<656x16xf32, #tpu.memory_space<vmem_shared>>) target_semaphore(%arg13 : memref<!tpu.dma_semaphore, #tpu.memory_space<semaphore_mem>>)
    "tpu.region"() ({
      %run_scoped3A = tpu.sem_alloc : memref<!tpu.dma_semaphore, #tpu.memory_space<semaphore_mem>>
      %dma_start3A_142 = arith.constant 0 : i32
      %dma_start3A_143 = arith.constant 0 : i32
      %dma_start3A_144 = tpu.memref_slice %arg2[%add3A, %dma_start3A_142, %dma_start3A_143] : memref<32x40x256xi32, #tpu.memory_space<hbm>> -> memref<1x40x256xi32, #tpu.memory_space<hbm>>
      %dma_start3A_145 = tpu.memref_squeeze %dma_start3A_144 : memref<1x40x256xi32, #tpu.memory_space<hbm>> -> memref<40x256xi32, #tpu.memory_space<hbm>>
      %dma_start3A_146 = arith.constant 0 : i32
      %dma_start3A_147 = arith.constant 0 : i32
      %dma_start3A_148 = tpu.memref_slice %arg2[%add3A, %dma_start3A_146, %dma_start3A_147] : memref<32x40x256xi32, #tpu.memory_space<hbm>> -> memref<1x40x256xi32, #tpu.memory_space<hbm>>
      %dma_start3A_149 = tpu.memref_squeeze %dma_start3A_148 : memref<1x40x256xi32, #tpu.memory_space<hbm>> -> memref<40x256xi32, #tpu.memory_space<hbm>>
      tpu.enqueue_dma source(%dma_start3A_149 : memref<40x256xi32, #tpu.memory_space<hbm>>) target(%arg6 : memref<40x256xi32, #tpu.memory_space<vmem>>) target_semaphore(%run_scoped3A : memref<!tpu.dma_semaphore, #tpu.memory_space<semaphore_mem>>)
      %dma_wait3A_150 = arith.constant 0 : i32
      %dma_wait3A_151 = arith.constant 0 : i32
      %dma_wait3A_152 = tpu.memref_slice %arg2[%add3A, %dma_wait3A_150, %dma_wait3A_151] : memref<32x40x256xi32, #tpu.memory_space<hbm>> -> memref<1x40x256xi32, #tpu.memory_space<hbm>>
      %dma_wait3A_153 = tpu.memref_squeeze %dma_wait3A_152 : memref<1x40x256xi32, #tpu.memory_space<hbm>> -> memref<40x256xi32, #tpu.memory_space<hbm>>
      %dma_wait3A_154 = arith.constant 0 : i32
      %dma_wait3A_155 = arith.constant 0 : i32
      %dma_wait3A_156 = tpu.memref_slice %arg2[%add3A, %dma_wait3A_154, %dma_wait3A_155] : memref<32x40x256xi32, #tpu.memory_space<hbm>> -> memref<1x40x256xi32, #tpu.memory_space<hbm>>
      %dma_wait3A_157 = tpu.memref_squeeze %dma_wait3A_156 : memref<1x40x256xi32, #tpu.memory_space<hbm>> -> memref<40x256xi32, #tpu.memory_space<hbm>>
      tpu.wait_dma2 semaphore(%run_scoped3A : memref<!tpu.dma_semaphore, #tpu.memory_space<semaphore_mem>>) src(%dma_wait3A_157 : memref<40x256xi32, #tpu.memory_space<hbm>>) dst(%arg6 : memref<40x256xi32, #tpu.memory_space<vmem>>)
      tpu.yield
    }) : () -> ()
    "tpu.region"() ({
      %run_scoped3A = tpu.sem_alloc : memref<!tpu.dma_semaphore, #tpu.memory_space<semaphore_mem>>
      %dma_start3A_142 = arith.constant 0 : i32
      %dma_start3A_143 = arith.constant 0 : i32
      %dma_start3A_144 = tpu.memref_slice %arg3[%add3A, %dma_start3A_142, %dma_start3A_143] : memref<32x40x256xi32, #tpu.memory_space<hbm>> -> memref<1x40x256xi32, #tpu.memory_space<hbm>>
      %dma_start3A_145 = tpu.memref_squeeze %dma_start3A_144 : memref<1x40x256xi32, #tpu.memory_space<hbm>> -> memref<40x256xi32, #tpu.memory_space<hbm>>
      %dma_start3A_146 = arith.constant 0 : i32
      %dma_start3A_147 = arith.constant 0 : i32
      %dma_start3A_148 = tpu.memref_slice %arg3[%add3A, %dma_start3A_146, %dma_start3A_147] : memref<32x40x256xi32, #tpu.memory_space<hbm>> -> memref<1x40x256xi32, #tpu.memory_space<hbm>>
      %dma_start3A_149 = tpu.memref_squeeze %dma_start3A_148 : memref<1x40x256xi32, #tpu.memory_space<hbm>> -> memref<40x256xi32, #tpu.memory_space<hbm>>
      tpu.enqueue_dma source(%dma_start3A_149 : memref<40x256xi32, #tpu.memory_space<hbm>>) target(%arg7 : memref<40x256xi32, #tpu.memory_space<vmem>>) target_semaphore(%run_scoped3A : memref<!tpu.dma_semaphore, #tpu.memory_space<semaphore_mem>>)
      %dma_wait3A_150 = arith.constant 0 : i32
      %dma_wait3A_151 = arith.constant 0 : i32
      %dma_wait3A_152 = tpu.memref_slice %arg3[%add3A, %dma_wait3A_150, %dma_wait3A_151] : memref<32x40x256xi32, #tpu.memory_space<hbm>> -> memref<1x40x256xi32, #tpu.memory_space<hbm>>
      %dma_wait3A_153 = tpu.memref_squeeze %dma_wait3A_152 : memref<1x40x256xi32, #tpu.memory_space<hbm>> -> memref<40x256xi32, #tpu.memory_space<hbm>>
      %dma_wait3A_154 = arith.constant 0 : i32
      %dma_wait3A_155 = arith.constant 0 : i32
      %dma_wait3A_156 = tpu.memref_slice %arg3[%add3A, %dma_wait3A_154, %dma_wait3A_155] : memref<32x40x256xi32, #tpu.memory_space<hbm>> -> memref<1x40x256xi32, #tpu.memory_space<hbm>>
      %dma_wait3A_157 = tpu.memref_squeeze %dma_wait3A_156 : memref<1x40x256xi32, #tpu.memory_space<hbm>> -> memref<40x256xi32, #tpu.memory_space<hbm>>
      tpu.wait_dma2 semaphore(%run_scoped3A : memref<!tpu.dma_semaphore, #tpu.memory_space<semaphore_mem>>) src(%dma_wait3A_157 : memref<40x256xi32, #tpu.memory_space<hbm>>) dst(%arg7 : memref<40x256xi32, #tpu.memory_space<vmem>>)
      tpu.yield
    }) : () -> ()
    %scan3A = arith.constant 0 : i32
    %scan3A_9 = arith.constant 656 : i32
    %scan3A_10 = arith.addi %scan3A, %scan3A_9 : i32
    %scan3A_11 = arith.constant 1 : i32
    scf.for %scan3A_142 = %scan3A to %scan3A_10 step %scan3A_11  : i32 {
      %broadcast_in_dim3A = arith.constant 0.000000e+00 : f32
      %broadcast_in_dim3A_143 = vector.broadcast %broadcast_in_dim3A : f32 to vector<16xf32>
      %swap3A = arith.index_cast %scan3A_142 : i32 to index
      %swap3A_144 = arith.constant 0 : index
      %swap3A_145 = tpu.vector_load %arg9[%swap3A, %swap3A_144] {strides = array<i32>} : memref<656x16xf32, #tpu.memory_space<vmem>>, vector<1x16xf32>,
      %swap3A_146 = vector.shape_cast %swap3A_145 : vector<1x16xf32> to vector<16xf32>
      %swap3A_147 = vector.shape_cast %broadcast_in_dim3A_143 : vector<16xf32> to vector<1x16xf32>
      tpu.vector_store %arg9[%swap3A, %swap3A_144], %swap3A_147 {strides = array<i32>} : memref<656x16xf32, #tpu.memory_space<vmem>>, vector<1x16xf32>,
    }
    %scan3A_12 = arith.constant 656 : i32
    "tpu.region"() ({
      %run_scoped3A = tpu.sem_alloc : memref<!tpu.dma_semaphore, #tpu.memory_space<semaphore_mem>>
      %dma_start3A_142 = arith.constant 0 : i32
      %dma_start3A_143 = tpu.memref_slice %arg11[%multiple_of3A, %dma_start3A_142] : memref<10496x16xf32, #tpu.memory_space<vmem_shared>> -> memref<656x16xf32, #tpu.memory_space<vmem_shared>>
      %dma_start3A_144 = arith.constant 0 : i32
      %dma_start3A_145 = tpu.memref_slice %arg11[%multiple_of3A, %dma_start3A_144] : memref<10496x16xf32, #tpu.memory_space<vmem_shared>> -> memref<656x16xf32, #tpu.memory_space<vmem_shared>>
      tpu.enqueue_dma source(%arg9 : memref<656x16xf32, #tpu.memory_space<vmem>>) target(%dma_start3A_145 : memref<656x16xf32, #tpu.memory_space<vmem_shared>>) target_semaphore(%run_scoped3A : memref<!tpu.dma_semaphore, #tpu.memory_space<semaphore_mem>>)
      %dma_wait3A_146 = arith.constant 0 : i32
      %dma_wait3A_147 = tpu.memref_slice %arg11[%multiple_of3A, %dma_wait3A_146] : memref<10496x16xf32, #tpu.memory_space<vmem_shared>> -> memref<656x16xf32, #tpu.memory_space<vmem_shared>>
      %dma_wait3A_148 = arith.constant 0 : i32
      %dma_wait3A_149 = tpu.memref_slice %arg11[%multiple_of3A, %dma_wait3A_148] : memref<10496x16xf32, #tpu.memory_space<vmem_shared>> -> memref<656x16xf32, #tpu.memory_space<vmem_shared>>
      tpu.wait_dma2 semaphore(%run_scoped3A : memref<!tpu.dma_semaphore, #tpu.memory_space<semaphore_mem>>) src(%arg9 : memref<656x16xf32, #tpu.memory_space<vmem>>) dst(%dma_wait3A_149 : memref<656x16xf32, #tpu.memory_space<vmem_shared>>)
      tpu.yield
    }) : () -> ()
    %dma_wait3A = arith.constant 0 : i32
    %dma_wait3A_13 = tpu.memref_slice %arg10[%multiple_of3A, %dma_wait3A] : memref<10496x16xf32, #tpu.memory_space<vmem_shared>> -> memref<656x16xf32, #tpu.memory_space<vmem_shared>>
    %dma_wait3A_14 = arith.constant 0 : i32
    %dma_wait3A_15 = tpu.memref_slice %arg4[%multiple_of3A, %dma_wait3A_14] : memref<10496x16xf32, #tpu.memory_space<hbm>> -> memref<656x16xf32, #tpu.memory_space<hbm>>
    tpu.wait_dma2 semaphore(%arg13 : memref<!tpu.dma_semaphore, #tpu.memory_space<semaphore_mem>>) src(%dma_wait3A_15 : memref<656x16xf32, #tpu.memory_space<hbm>>) dst(%dma_wait3A_13 : memref<656x16xf32, #tpu.memory_space<vmem_shared>>)
    %barrier3A = arith.constant 0 : index
    tpu.barrier barrier_id(%barrier3A)
    %dma_start3A_16 = arith.constant 0 : i32
    %dma_start3A_17 = arith.constant 0 : i32
    %dma_start3A_18 = arith.constant 0 : i32
    %dma_start3A_19 = arith.constant 0 : i32
    %dma_start3A_20 = arith.constant 0 : i32
    %dma_start3A_21 = tpu.memref_slice %arg8[%dma_start3A_17, %dma_start3A_19, %dma_start3A_20] : memref<8x256x16xf32, #tpu.memory_space<vmem>> -> memref<1x256x16xf32, #tpu.memory_space<vmem>>
    %dma_start3A_22 = tpu.memref_squeeze %dma_start3A_21 : memref<1x256x16xf32, #tpu.memory_space<vmem>> -> memref<256x16xf32, #tpu.memory_space<vmem>>
    %dma_start3A_23 = arith.constant 0 : i32
    %dma_start3A_24 = tpu.memref_slice %arg6[%dma_start3A_16, %dma_start3A_23] : memref<40x256xi32, #tpu.memory_space<vmem>> -> memref<1x256xi32, #tpu.memory_space<vmem>>
    %dma_start3A_25 = tpu.memref_squeeze %dma_start3A_24 : memref<1x256xi32, #tpu.memory_space<vmem>> -> memref<256xi32, #tpu.memory_space<vmem>>
    %dma_start3A_26 = arith.constant 0 : i32
    %dma_start3A_27 = arith.constant 0 : i32
    %dma_start3A_28 = tpu.memref_slice %arg10[%dma_start3A_26, %dma_start3A_27] : memref<10496x16xf32, #tpu.memory_space<vmem_shared>> -> memref<10496x16xf32, #tpu.memory_space<vmem_shared>>
    %dma_start3A_29 = tpu.memref_slice %arg12[%dma_start3A_18] : memref<8x!tpu.dma_semaphore, #tpu.memory_space<semaphore_mem>> -> memref<1x!tpu.dma_semaphore, #tpu.memory_space<semaphore_mem>>
    %dma_start3A_30 = tpu.memref_squeeze %dma_start3A_29 : memref<1x!tpu.dma_semaphore, #tpu.memory_space<semaphore_mem>> -> memref<!tpu.dma_semaphore, #tpu.memory_space<semaphore_mem>>
    tpu.enqueue_indirect_dma source(%dma_start3A_28 : memref<10496x16xf32, #tpu.memory_space<vmem_shared>>) target(%dma_start3A_22 : memref<256x16xf32, #tpu.memory_space<vmem>>) offsets(%dma_start3A_25 : memref<256xi32, #tpu.memory_space<vmem>>) semaphore(%dma_start3A_30 : memref<!tpu.dma_semaphore, #tpu.memory_space<semaphore_mem>>)
    %dma_start3A_31 = arith.constant 1 : i32
    %dma_start3A_32 = arith.constant 1 : i32
    %dma_start3A_33 = arith.constant 1 : i32
    %dma_start3A_34 = arith.constant 0 : i32
    %dma_start3A_35 = arith.constant 0 : i32
    %dma_start3A_36 = tpu.memref_slice %arg8[%dma_start3A_32, %dma_start3A_34, %dma_start3A_35] : memref<8x256x16xf32, #tpu.memory_space<vmem>> -> memref<1x256x16xf32, #tpu.memory_space<vmem>>
    %dma_start3A_37 = tpu.memref_squeeze %dma_start3A_36 : memref<1x256x16xf32, #tpu.memory_space<vmem>> -> memref<256x16xf32, #tpu.memory_space<vmem>>
    %dma_start3A_38 = arith.constant 0 : i32
    %dma_start3A_39 = tpu.memref_slice %arg6[%dma_start3A_31, %dma_start3A_38] : memref<40x256xi32, #tpu.memory_space<vmem>> -> memref<1x256xi32, #tpu.memory_space<vmem>>
    %dma_start3A_40 = tpu.memref_squeeze %dma_start3A_39 : memref<1x256xi32, #tpu.memory_space<vmem>> -> memref<256xi32, #tpu.memory_space<vmem>>
    %dma_start3A_41 = arith.constant 0 : i32
    %dma_start3A_42 = arith.constant 0 : i32
    %dma_start3A_43 = tpu.memref_slice %arg10[%dma_start3A_41, %dma_start3A_42] : memref<10496x16xf32, #tpu.memory_space<vmem_shared>> -> memref<10496x16xf32, #tpu.memory_space<vmem_shared>>
    %dma_start3A_44 = tpu.memref_slice %arg12[%dma_start3A_33] : memref<8x!tpu.dma_semaphore, #tpu.memory_space<semaphore_mem>> -> memref<1x!tpu.dma_semaphore, #tpu.memory_space<semaphore_mem>>
    %dma_start3A_45 = tpu.memref_squeeze %dma_start3A_44 : memref<1x!tpu.dma_semaphore, #tpu.memory_space<semaphore_mem>> -> memref<!tpu.dma_semaphore, #tpu.memory_space<semaphore_mem>>
    tpu.enqueue_indirect_dma source(%dma_start3A_43 : memref<10496x16xf32, #tpu.memory_space<vmem_shared>>) target(%dma_start3A_37 : memref<256x16xf32, #tpu.memory_space<vmem>>) offsets(%dma_start3A_40 : memref<256xi32, #tpu.memory_space<vmem>>) semaphore(%dma_start3A_45 : memref<!tpu.dma_semaphore, #tpu.memory_space<semaphore_mem>>)
    %dma_start3A_46 = arith.constant 2 : i32
    %dma_start3A_47 = arith.constant 2 : i32
    %dma_start3A_48 = arith.constant 2 : i32
    %dma_start3A_49 = arith.constant 0 : i32
    %dma_start3A_50 = arith.constant 0 : i32
    %dma_start3A_51 = tpu.memref_slice %arg8[%dma_start3A_47, %dma_start3A_49, %dma_start3A_50] : memref<8x256x16xf32, #tpu.memory_space<vmem>> -> memref<1x256x16xf32, #tpu.memory_space<vmem>>
    %dma_start3A_52 = tpu.memref_squeeze %dma_start3A_51 : memref<1x256x16xf32, #tpu.memory_space<vmem>> -> memref<256x16xf32, #tpu.memory_space<vmem>>
    %dma_start3A_53 = arith.constant 0 : i32
    %dma_start3A_54 = tpu.memref_slice %arg6[%dma_start3A_46, %dma_start3A_53] : memref<40x256xi32, #tpu.memory_space<vmem>> -> memref<1x256xi32, #tpu.memory_space<vmem>>
    %dma_start3A_55 = tpu.memref_squeeze %dma_start3A_54 : memref<1x256xi32, #tpu.memory_space<vmem>> -> memref<256xi32, #tpu.memory_space<vmem>>
    %dma_start3A_56 = arith.constant 0 : i32
    %dma_start3A_57 = arith.constant 0 : i32
    %dma_start3A_58 = tpu.memref_slice %arg10[%dma_start3A_56, %dma_start3A_57] : memref<10496x16xf32, #tpu.memory_space<vmem_shared>> -> memref<10496x16xf32, #tpu.memory_space<vmem_shared>>
    %dma_start3A_59 = tpu.memref_slice %arg12[%dma_start3A_48] : memref<8x!tpu.dma_semaphore, #tpu.memory_space<semaphore_mem>> -> memref<1x!tpu.dma_semaphore, #tpu.memory_space<semaphore_mem>>
    %dma_start3A_60 = tpu.memref_squeeze %dma_start3A_59 : memref<1x!tpu.dma_semaphore, #tpu.memory_space<semaphore_mem>> -> memref<!tpu.dma_semaphore, #tpu.memory_space<semaphore_mem>>
    tpu.enqueue_indirect_dma source(%dma_start3A_58 : memref<10496x16xf32, #tpu.memory_space<vmem_shared>>) target(%dma_start3A_52 : memref<256x16xf32, #tpu.memory_space<vmem>>) offsets(%dma_start3A_55 : memref<256xi32, #tpu.memory_space<vmem>>) semaphore(%dma_start3A_60 : memref<!tpu.dma_semaphore, #tpu.memory_space<semaphore_mem>>)
    %dma_start3A_61 = arith.constant 3 : i32
    %dma_start3A_62 = arith.constant 3 : i32
    %dma_start3A_63 = arith.constant 3 : i32
    %dma_start3A_64 = arith.constant 0 : i32
    %dma_start3A_65 = arith.constant 0 : i32
    %dma_start3A_66 = tpu.memref_slice %arg8[%dma_start3A_62, %dma_start3A_64, %dma_start3A_65] : memref<8x256x16xf32, #tpu.memory_space<vmem>> -> memref<1x256x16xf32, #tpu.memory_space<vmem>>
    %dma_start3A_67 = tpu.memref_squeeze %dma_start3A_66 : memref<1x256x16xf32, #tpu.memory_space<vmem>> -> memref<256x16xf32, #tpu.memory_space<vmem>>
    %dma_start3A_68 = arith.constant 0 : i32
    %dma_start3A_69 = tpu.memref_slice %arg6[%dma_start3A_61, %dma_start3A_68] : memref<40x256xi32, #tpu.memory_space<vmem>> -> memref<1x256xi32, #tpu.memory_space<vmem>>
    %dma_start3A_70 = tpu.memref_squeeze %dma_start3A_69 : memref<1x256xi32, #tpu.memory_space<vmem>> -> memref<256xi32, #tpu.memory_space<vmem>>
    %dma_start3A_71 = arith.constant 0 : i32
    %dma_start3A_72 = arith.constant 0 : i32
    %dma_start3A_73 = tpu.memref_slice %arg10[%dma_start3A_71, %dma_start3A_72] : memref<10496x16xf32, #tpu.memory_space<vmem_shared>> -> memref<10496x16xf32, #tpu.memory_space<vmem_shared>>
    %dma_start3A_74 = tpu.memref_slice %arg12[%dma_start3A_63] : memref<8x!tpu.dma_semaphore, #tpu.memory_space<semaphore_mem>> -> memref<1x!tpu.dma_semaphore, #tpu.memory_space<semaphore_mem>>
    %dma_start3A_75 = tpu.memref_squeeze %dma_start3A_74 : memref<1x!tpu.dma_semaphore, #tpu.memory_space<semaphore_mem>> -> memref<!tpu.dma_semaphore, #tpu.memory_space<semaphore_mem>>
    tpu.enqueue_indirect_dma source(%dma_start3A_73 : memref<10496x16xf32, #tpu.memory_space<vmem_shared>>) target(%dma_start3A_67 : memref<256x16xf32, #tpu.memory_space<vmem>>) offsets(%dma_start3A_70 : memref<256xi32, #tpu.memory_space<vmem>>) semaphore(%dma_start3A_75 : memref<!tpu.dma_semaphore, #tpu.memory_space<semaphore_mem>>)
    %scan3A_76 = arith.constant 0 : i32
    %scan3A_77 = arith.constant 5 : i32
    %scan3A_78 = arith.addi %scan3A_76, %scan3A_77 : i32
    %scan3A_79 = arith.constant 1 : i32
    scf.for %scan3A_142 = %scan3A_76 to %scan3A_78 step %scan3A_79  : i32 {
      %mul3A_143 = arith.constant 2 : i32
      %mul3A_144 = arith.muli %mul3A_143, %scan3A_142 : i32
      %add3A_145 = arith.constant 0 : i32
      %add3A_146 = arith.addi %mul3A_144, %add3A_145 : i32
      %mul3A_147 = arith.constant 4 : i32
      %mul3A_148 = arith.muli %add3A_146, %mul3A_147 : i32
      %add3A_149 = arith.constant 0 : i32
      %add3A_150 = arith.addi %mul3A_148, %add3A_149 : i32
      %dma_wait3A_151 = arith.constant 0 : i32
      %dma_wait3A_152 = arith.constant 0 : i32
      %dma_wait3A_153 = arith.constant 0 : i32
      %dma_wait3A_154 = arith.constant 0 : i32
      %dma_wait3A_155 = tpu.memref_slice %arg8[%dma_wait3A_151, %dma_wait3A_153, %dma_wait3A_154] : memref<8x256x16xf32, #tpu.memory_space<vmem>> -> memref<1x256x16xf32, #tpu.memory_space<vmem>>
      %dma_wait3A_156 = tpu.memref_squeeze %dma_wait3A_155 : memref<1x256x16xf32, #tpu.memory_space<vmem>> -> memref<256x16xf32, #tpu.memory_space<vmem>>
      %dma_wait3A_157 = arith.constant 0 : i32
      %dma_wait3A_158 = tpu.memref_slice %arg6[%add3A_150, %dma_wait3A_157] : memref<40x256xi32, #tpu.memory_space<vmem>> -> memref<1x256xi32, #tpu.memory_space<vmem>>
      %dma_wait3A_159 = tpu.memref_squeeze %dma_wait3A_158 : memref<1x256xi32, #tpu.memory_space<vmem>> -> memref<256xi32, #tpu.memory_space<vmem>>
      %dma_wait3A_160 = arith.constant 0 : i32
      %dma_wait3A_161 = arith.constant 0 : i32
      %dma_wait3A_162 = tpu.memref_slice %arg10[%dma_wait3A_160, %dma_wait3A_161] : memref<10496x16xf32, #tpu.memory_space<vmem_shared>> -> memref<10496x16xf32, #tpu.memory_space<vmem_shared>>
      %dma_wait3A_163 = tpu.memref_slice %arg12[%dma_wait3A_152] : memref<8x!tpu.dma_semaphore, #tpu.memory_space<semaphore_mem>> -> memref<1x!tpu.dma_semaphore, #tpu.memory_space<semaphore_mem>>
      %dma_wait3A_164 = tpu.memref_squeeze %dma_wait3A_163 : memref<1x!tpu.dma_semaphore, #tpu.memory_space<semaphore_mem>> -> memref<!tpu.dma_semaphore, #tpu.memory_space<semaphore_mem>>
      tpu.wait_indirect_dma semaphore(%dma_wait3A_164 : memref<!tpu.dma_semaphore, #tpu.memory_space<semaphore_mem>>) src(%dma_wait3A_162 : memref<10496x16xf32, #tpu.memory_space<vmem_shared>>) dst(%dma_wait3A_156 : memref<256x16xf32, #tpu.memory_space<vmem>>)
      %mul3A_165 = arith.constant 4 : i32
      %mul3A_166 = arith.muli %add3A_146, %mul3A_165 : i32
      %add3A_167 = arith.constant 1 : i32
      %add3A_168 = arith.addi %mul3A_166, %add3A_167 : i32
      %dma_wait3A_169 = arith.constant 1 : i32
      %dma_wait3A_170 = arith.constant 1 : i32
      %dma_wait3A_171 = arith.constant 0 : i32
      %dma_wait3A_172 = arith.constant 0 : i32
      %dma_wait3A_173 = tpu.memref_slice %arg8[%dma_wait3A_169, %dma_wait3A_171, %dma_wait3A_172] : memref<8x256x16xf32, #tpu.memory_space<vmem>> -> memref<1x256x16xf32, #tpu.memory_space<vmem>>
      %dma_wait3A_174 = tpu.memref_squeeze %dma_wait3A_173 : memref<1x256x16xf32, #tpu.memory_space<vmem>> -> memref<256x16xf32, #tpu.memory_space<vmem>>
      %dma_wait3A_175 = arith.constant 0 : i32
      %dma_wait3A_176 = tpu.memref_slice %arg6[%add3A_168, %dma_wait3A_175] : memref<40x256xi32, #tpu.memory_space<vmem>> -> memref<1x256xi32, #tpu.memory_space<vmem>>
      %dma_wait3A_177 = tpu.memref_squeeze %dma_wait3A_176 : memref<1x256xi32, #tpu.memory_space<vmem>> -> memref<256xi32, #tpu.memory_space<vmem>>
      %dma_wait3A_178 = arith.constant 0 : i32
      %dma_wait3A_179 = arith.constant 0 : i32
      %dma_wait3A_180 = tpu.memref_slice %arg10[%dma_wait3A_178, %dma_wait3A_179] : memref<10496x16xf32, #tpu.memory_space<vmem_shared>> -> memref<10496x16xf32, #tpu.memory_space<vmem_shared>>
      %dma_wait3A_181 = tpu.memref_slice %arg12[%dma_wait3A_170] : memref<8x!tpu.dma_semaphore, #tpu.memory_space<semaphore_mem>> -> memref<1x!tpu.dma_semaphore, #tpu.memory_space<semaphore_mem>>
      %dma_wait3A_182 = tpu.memref_squeeze %dma_wait3A_181 : memref<1x!tpu.dma_semaphore, #tpu.memory_space<semaphore_mem>> -> memref<!tpu.dma_semaphore, #tpu.memory_space<semaphore_mem>>
      tpu.wait_indirect_dma semaphore(%dma_wait3A_182 : memref<!tpu.dma_semaphore, #tpu.memory_space<semaphore_mem>>) src(%dma_wait3A_180 : memref<10496x16xf32, #tpu.memory_space<vmem_shared>>) dst(%dma_wait3A_174 : memref<256x16xf32, #tpu.memory_space<vmem>>)
      %mul3A_183 = arith.constant 4 : i32
      %mul3A_184 = arith.muli %add3A_146, %mul3A_183 : i32
      %add3A_185 = arith.constant 2 : i32
      %add3A_186 = arith.addi %mul3A_184, %add3A_185 : i32
      %dma_wait3A_187 = arith.constant 2 : i32
      %dma_wait3A_188 = arith.constant 2 : i32
      %dma_wait3A_189 = arith.constant 0 : i32
      %dma_wait3A_190 = arith.constant 0 : i32
      %dma_wait3A_191 = tpu.memref_slice %arg8[%dma_wait3A_187, %dma_wait3A_189, %dma_wait3A_190] : memref<8x256x16xf32, #tpu.memory_space<vmem>> -> memref<1x256x16xf32, #tpu.memory_space<vmem>>
      %dma_wait3A_192 = tpu.memref_squeeze %dma_wait3A_191 : memref<1x256x16xf32, #tpu.memory_space<vmem>> -> memref<256x16xf32, #tpu.memory_space<vmem>>
      %dma_wait3A_193 = arith.constant 0 : i32
      %dma_wait3A_194 = tpu.memref_slice %arg6[%add3A_186, %dma_wait3A_193] : memref<40x256xi32, #tpu.memory_space<vmem>> -> memref<1x256xi32, #tpu.memory_space<vmem>>
      %dma_wait3A_195 = tpu.memref_squeeze %dma_wait3A_194 : memref<1x256xi32, #tpu.memory_space<vmem>> -> memref<256xi32, #tpu.memory_space<vmem>>
      %dma_wait3A_196 = arith.constant 0 : i32
      %dma_wait3A_197 = arith.constant 0 : i32
      %dma_wait3A_198 = tpu.memref_slice %arg10[%dma_wait3A_196, %dma_wait3A_197] : memref<10496x16xf32, #tpu.memory_space<vmem_shared>> -> memref<10496x16xf32, #tpu.memory_space<vmem_shared>>
      %dma_wait3A_199 = tpu.memref_slice %arg12[%dma_wait3A_188] : memref<8x!tpu.dma_semaphore, #tpu.memory_space<semaphore_mem>> -> memref<1x!tpu.dma_semaphore, #tpu.memory_space<semaphore_mem>>
      %dma_wait3A_200 = tpu.memref_squeeze %dma_wait3A_199 : memref<1x!tpu.dma_semaphore, #tpu.memory_space<semaphore_mem>> -> memref<!tpu.dma_semaphore, #tpu.memory_space<semaphore_mem>>
      tpu.wait_indirect_dma semaphore(%dma_wait3A_200 : memref<!tpu.dma_semaphore, #tpu.memory_space<semaphore_mem>>) src(%dma_wait3A_198 : memref<10496x16xf32, #tpu.memory_space<vmem_shared>>) dst(%dma_wait3A_192 : memref<256x16xf32, #tpu.memory_space<vmem>>)
      %mul3A_201 = arith.constant 4 : i32
      %mul3A_202 = arith.muli %add3A_146, %mul3A_201 : i32
      %add3A_203 = arith.constant 3 : i32
      %add3A_204 = arith.addi %mul3A_202, %add3A_203 : i32
      %dma_wait3A_205 = arith.constant 3 : i32
      %dma_wait3A_206 = arith.constant 3 : i32
      %dma_wait3A_207 = arith.constant 0 : i32
      %dma_wait3A_208 = arith.constant 0 : i32
      %dma_wait3A_209 = tpu.memref_slice %arg8[%dma_wait3A_205, %dma_wait3A_207, %dma_wait3A_208] : memref<8x256x16xf32, #tpu.memory_space<vmem>> -> memref<1x256x16xf32, #tpu.memory_space<vmem>>
      %dma_wait3A_210 = tpu.memref_squeeze %dma_wait3A_209 : memref<1x256x16xf32, #tpu.memory_space<vmem>> -> memref<256x16xf32, #tpu.memory_space<vmem>>
      %dma_wait3A_211 = arith.constant 0 : i32
      %dma_wait3A_212 = tpu.memref_slice %arg6[%add3A_204, %dma_wait3A_211] : memref<40x256xi32, #tpu.memory_space<vmem>> -> memref<1x256xi32, #tpu.memory_space<vmem>>
      %dma_wait3A_213 = tpu.memref_squeeze %dma_wait3A_212 : memref<1x256xi32, #tpu.memory_space<vmem>> -> memref<256xi32, #tpu.memory_space<vmem>>
      %dma_wait3A_214 = arith.constant 0 : i32
      %dma_wait3A_215 = arith.constant 0 : i32
      %dma_wait3A_216 = tpu.memref_slice %arg10[%dma_wait3A_214, %dma_wait3A_215] : memref<10496x16xf32, #tpu.memory_space<vmem_shared>> -> memref<10496x16xf32, #tpu.memory_space<vmem_shared>>
      %dma_wait3A_217 = tpu.memref_slice %arg12[%dma_wait3A_206] : memref<8x!tpu.dma_semaphore, #tpu.memory_space<semaphore_mem>> -> memref<1x!tpu.dma_semaphore, #tpu.memory_space<semaphore_mem>>
      %dma_wait3A_218 = tpu.memref_squeeze %dma_wait3A_217 : memref<1x!tpu.dma_semaphore, #tpu.memory_space<semaphore_mem>> -> memref<!tpu.dma_semaphore, #tpu.memory_space<semaphore_mem>>
      tpu.wait_indirect_dma semaphore(%dma_wait3A_218 : memref<!tpu.dma_semaphore, #tpu.memory_space<semaphore_mem>>) src(%dma_wait3A_216 : memref<10496x16xf32, #tpu.memory_space<vmem_shared>>) dst(%dma_wait3A_210 : memref<256x16xf32, #tpu.memory_space<vmem>>)
      %mul3A_219 = arith.constant 4 : i32
      %mul3A_220 = arith.muli %add3A_146, %mul3A_219 : i32
      %add3A_221 = arith.constant 0 : i32
      %add3A_222 = arith.addi %mul3A_220, %add3A_221 : i32
      %dma_start3A_223 = arith.constant 0 : i32
      %dma_start3A_224 = arith.constant 0 : i32
      %dma_start3A_225 = arith.constant 0 : i32
      %dma_start3A_226 = arith.constant 0 : i32
      %dma_start3A_227 = tpu.memref_slice %arg8[%dma_start3A_223, %dma_start3A_225, %dma_start3A_226] : memref<8x256x16xf32, #tpu.memory_space<vmem>> -> memref<1x256x16xf32, #tpu.memory_space<vmem>>
      %dma_start3A_228 = tpu.memref_squeeze %dma_start3A_227 : memref<1x256x16xf32, #tpu.memory_space<vmem>> -> memref<256x16xf32, #tpu.memory_space<vmem>>
      %dma_start3A_229 = arith.constant 0 : i32
      %dma_start3A_230 = tpu.memref_slice %arg7[%add3A_222, %dma_start3A_229] : memref<40x256xi32, #tpu.memory_space<vmem>> -> memref<1x256xi32, #tpu.memory_space<vmem>>
      %dma_start3A_231 = tpu.memref_squeeze %dma_start3A_230 : memref<1x256xi32, #tpu.memory_space<vmem>> -> memref<256xi32, #tpu.memory_space<vmem>>
      %dma_start3A_232 = arith.constant 0 : i32
      %dma_start3A_233 = arith.constant 0 : i32
      %dma_start3A_234 = tpu.memref_slice %arg11[%dma_start3A_232, %dma_start3A_233] : memref<10496x16xf32, #tpu.memory_space<vmem_shared>> -> memref<10496x16xf32, #tpu.memory_space<vmem_shared>>
      %dma_start3A_235 = tpu.memref_slice %arg12[%dma_start3A_224] : memref<8x!tpu.dma_semaphore, #tpu.memory_space<semaphore_mem>> -> memref<1x!tpu.dma_semaphore, #tpu.memory_space<semaphore_mem>>
      %dma_start3A_236 = tpu.memref_squeeze %dma_start3A_235 : memref<1x!tpu.dma_semaphore, #tpu.memory_space<semaphore_mem>> -> memref<!tpu.dma_semaphore, #tpu.memory_space<semaphore_mem>>
      tpu.enqueue_indirect_dma source(%dma_start3A_228 : memref<256x16xf32, #tpu.memory_space<vmem>>) target(%dma_start3A_234 : memref<10496x16xf32, #tpu.memory_space<vmem_shared>>) offsets(%dma_start3A_231 : memref<256xi32, #tpu.memory_space<vmem>>) semaphore(%dma_start3A_236 : memref<!tpu.dma_semaphore, #tpu.memory_space<semaphore_mem>>) {add = true}
      %mul3A_237 = arith.constant 4 : i32
      %mul3A_238 = arith.muli %add3A_146, %mul3A_237 : i32
      %add3A_239 = arith.constant 1 : i32
      %add3A_240 = arith.addi %mul3A_238, %add3A_239 : i32
      %dma_start3A_241 = arith.constant 1 : i32
      %dma_start3A_242 = arith.constant 1 : i32
      %dma_start3A_243 = arith.constant 0 : i32
      %dma_start3A_244 = arith.constant 0 : i32
      %dma_start3A_245 = tpu.memref_slice %arg8[%dma_start3A_241, %dma_start3A_243, %dma_start3A_244] : memref<8x256x16xf32, #tpu.memory_space<vmem>> -> memref<1x256x16xf32, #tpu.memory_space<vmem>>
      %dma_start3A_246 = tpu.memref_squeeze %dma_start3A_245 : memref<1x256x16xf32, #tpu.memory_space<vmem>> -> memref<256x16xf32, #tpu.memory_space<vmem>>
      %dma_start3A_247 = arith.constant 0 : i32
      %dma_start3A_248 = tpu.memref_slice %arg7[%add3A_240, %dma_start3A_247] : memref<40x256xi32, #tpu.memory_space<vmem>> -> memref<1x256xi32, #tpu.memory_space<vmem>>
      %dma_start3A_249 = tpu.memref_squeeze %dma_start3A_248 : memref<1x256xi32, #tpu.memory_space<vmem>> -> memref<256xi32, #tpu.memory_space<vmem>>
      %dma_start3A_250 = arith.constant 0 : i32
      %dma_start3A_251 = arith.constant 0 : i32
      %dma_start3A_252 = tpu.memref_slice %arg11[%dma_start3A_250, %dma_start3A_251] : memref<10496x16xf32, #tpu.memory_space<vmem_shared>> -> memref<10496x16xf32, #tpu.memory_space<vmem_shared>>
      %dma_start3A_253 = tpu.memref_slice %arg12[%dma_start3A_242] : memref<8x!tpu.dma_semaphore, #tpu.memory_space<semaphore_mem>> -> memref<1x!tpu.dma_semaphore, #tpu.memory_space<semaphore_mem>>
      %dma_start3A_254 = tpu.memref_squeeze %dma_start3A_253 : memref<1x!tpu.dma_semaphore, #tpu.memory_space<semaphore_mem>> -> memref<!tpu.dma_semaphore, #tpu.memory_space<semaphore_mem>>
      tpu.enqueue_indirect_dma source(%dma_start3A_246 : memref<256x16xf32, #tpu.memory_space<vmem>>) target(%dma_start3A_252 : memref<10496x16xf32, #tpu.memory_space<vmem_shared>>) offsets(%dma_start3A_249 : memref<256xi32, #tpu.memory_space<vmem>>) semaphore(%dma_start3A_254 : memref<!tpu.dma_semaphore, #tpu.memory_space<semaphore_mem>>) {add = true}
      %mul3A_255 = arith.constant 4 : i32
      %mul3A_256 = arith.muli %add3A_146, %mul3A_255 : i32
      %add3A_257 = arith.constant 2 : i32
      %add3A_258 = arith.addi %mul3A_256, %add3A_257 : i32
      %dma_start3A_259 = arith.constant 2 : i32
      %dma_start3A_260 = arith.constant 2 : i32
      %dma_start3A_261 = arith.constant 0 : i32
      %dma_start3A_262 = arith.constant 0 : i32
      %dma_start3A_263 = tpu.memref_slice %arg8[%dma_start3A_259, %dma_start3A_261, %dma_start3A_262] : memref<8x256x16xf32, #tpu.memory_space<vmem>> -> memref<1x256x16xf32, #tpu.memory_space<vmem>>
      %dma_start3A_264 = tpu.memref_squeeze %dma_start3A_263 : memref<1x256x16xf32, #tpu.memory_space<vmem>> -> memref<256x16xf32, #tpu.memory_space<vmem>>
      %dma_start3A_265 = arith.constant 0 : i32
      %dma_start3A_266 = tpu.memref_slice %arg7[%add3A_258, %dma_start3A_265] : memref<40x256xi32, #tpu.memory_space<vmem>> -> memref<1x256xi32, #tpu.memory_space<vmem>>
      %dma_start3A_267 = tpu.memref_squeeze %dma_start3A_266 : memref<1x256xi32, #tpu.memory_space<vmem>> -> memref<256xi32, #tpu.memory_space<vmem>>
      %dma_start3A_268 = arith.constant 0 : i32
      %dma_start3A_269 = arith.constant 0 : i32
      %dma_start3A_270 = tpu.memref_slice %arg11[%dma_start3A_268, %dma_start3A_269] : memref<10496x16xf32, #tpu.memory_space<vmem_shared>> -> memref<10496x16xf32, #tpu.memory_space<vmem_shared>>
      %dma_start3A_271 = tpu.memref_slice %arg12[%dma_start3A_260] : memref<8x!tpu.dma_semaphore, #tpu.memory_space<semaphore_mem>> -> memref<1x!tpu.dma_semaphore, #tpu.memory_space<semaphore_mem>>
      %dma_start3A_272 = tpu.memref_squeeze %dma_start3A_271 : memref<1x!tpu.dma_semaphore, #tpu.memory_space<semaphore_mem>> -> memref<!tpu.dma_semaphore, #tpu.memory_space<semaphore_mem>>
      tpu.enqueue_indirect_dma source(%dma_start3A_264 : memref<256x16xf32, #tpu.memory_space<vmem>>) target(%dma_start3A_270 : memref<10496x16xf32, #tpu.memory_space<vmem_shared>>) offsets(%dma_start3A_267 : memref<256xi32, #tpu.memory_space<vmem>>) semaphore(%dma_start3A_272 : memref<!tpu.dma_semaphore, #tpu.memory_space<semaphore_mem>>) {add = true}
      %mul3A_273 = arith.constant 4 : i32
      %mul3A_274 = arith.muli %add3A_146, %mul3A_273 : i32
      %add3A_275 = arith.constant 3 : i32
      %add3A_276 = arith.addi %mul3A_274, %add3A_275 : i32
      %dma_start3A_277 = arith.constant 3 : i32
      %dma_start3A_278 = arith.constant 3 : i32
      %dma_start3A_279 = arith.constant 0 : i32
      %dma_start3A_280 = arith.constant 0 : i32
      %dma_start3A_281 = tpu.memref_slice %arg8[%dma_start3A_277, %dma_start3A_279, %dma_start3A_280] : memref<8x256x16xf32, #tpu.memory_space<vmem>> -> memref<1x256x16xf32, #tpu.memory_space<vmem>>
      %dma_start3A_282 = tpu.memref_squeeze %dma_start3A_281 : memref<1x256x16xf32, #tpu.memory_space<vmem>> -> memref<256x16xf32, #tpu.memory_space<vmem>>
      %dma_start3A_283 = arith.constant 0 : i32
      %dma_start3A_284 = tpu.memref_slice %arg7[%add3A_276, %dma_start3A_283] : memref<40x256xi32, #tpu.memory_space<vmem>> -> memref<1x256xi32, #tpu.memory_space<vmem>>
      %dma_start3A_285 = tpu.memref_squeeze %dma_start3A_284 : memref<1x256xi32, #tpu.memory_space<vmem>> -> memref<256xi32, #tpu.memory_space<vmem>>
      %dma_start3A_286 = arith.constant 0 : i32
      %dma_start3A_287 = arith.constant 0 : i32
      %dma_start3A_288 = tpu.memref_slice %arg11[%dma_start3A_286, %dma_start3A_287] : memref<10496x16xf32, #tpu.memory_space<vmem_shared>> -> memref<10496x16xf32, #tpu.memory_space<vmem_shared>>
      %dma_start3A_289 = tpu.memref_slice %arg12[%dma_start3A_278] : memref<8x!tpu.dma_semaphore, #tpu.memory_space<semaphore_mem>> -> memref<1x!tpu.dma_semaphore, #tpu.memory_space<semaphore_mem>>
      %dma_start3A_290 = tpu.memref_squeeze %dma_start3A_289 : memref<1x!tpu.dma_semaphore, #tpu.memory_space<semaphore_mem>> -> memref<!tpu.dma_semaphore, #tpu.memory_space<semaphore_mem>>
      tpu.enqueue_indirect_dma source(%dma_start3A_282 : memref<256x16xf32, #tpu.memory_space<vmem>>) target(%dma_start3A_288 : memref<10496x16xf32, #tpu.memory_space<vmem_shared>>) offsets(%dma_start3A_285 : memref<256xi32, #tpu.memory_space<vmem>>) semaphore(%dma_start3A_290 : memref<!tpu.dma_semaphore, #tpu.memory_space<semaphore_mem>>) {add = true}
      %ge3A = arith.constant 1 : i32
      %ge3A_291 = arith.cmpi sge, %add3A_146, %ge3A : i32
      %sub3A = arith.constant 1 : i32
      %sub3A_292 = arith.subi %add3A_146, %sub3A : i32
      %mul3A_293 = arith.constant 4 : i32
      %mul3A_294 = arith.muli %sub3A_292, %mul3A_293 : i32
      %add3A_295 = arith.constant 0 : i32
      %add3A_296 = arith.addi %mul3A_294, %add3A_295 : i32
      %convert_element_type3A = arith.extui %ge3A_291 : i1 to i32
      %cond3A = arith.constant 0 : i32
      %cond3A_297 = arith.cmpi ne, %convert_element_type3A, %cond3A : i32
      scf.if %cond3A_297 {
        %dma_wait3A_626 = arith.constant 4 : i32
        %dma_wait3A_627 = arith.constant 4 : i32
        %dma_wait3A_628 = arith.constant 0 : i32
        %dma_wait3A_629 = arith.constant 0 : i32
        %dma_wait3A_630 = tpu.memref_slice %arg8[%dma_wait3A_626, %dma_wait3A_628, %dma_wait3A_629] : memref<8x256x16xf32, #tpu.memory_space<vmem>> -> memref<1x256x16xf32, #tpu.memory_space<vmem>>
        %dma_wait3A_631 = tpu.memref_squeeze %dma_wait3A_630 : memref<1x256x16xf32, #tpu.memory_space<vmem>> -> memref<256x16xf32, #tpu.memory_space<vmem>>
        %dma_wait3A_632 = arith.constant 0 : i32
        %dma_wait3A_633 = tpu.memref_slice %arg7[%add3A_296, %dma_wait3A_632] : memref<40x256xi32, #tpu.memory_space<vmem>> -> memref<1x256xi32, #tpu.memory_space<vmem>>
        %dma_wait3A_634 = tpu.memref_squeeze %dma_wait3A_633 : memref<1x256xi32, #tpu.memory_space<vmem>> -> memref<256xi32, #tpu.memory_space<vmem>>
        %dma_wait3A_635 = arith.constant 0 : i32
        %dma_wait3A_636 = arith.constant 0 : i32
        %dma_wait3A_637 = tpu.memref_slice %arg11[%dma_wait3A_635, %dma_wait3A_636] : memref<10496x16xf32, #tpu.memory_space<vmem_shared>> -> memref<10496x16xf32, #tpu.memory_space<vmem_shared>>
        %dma_wait3A_638 = tpu.memref_slice %arg12[%dma_wait3A_627] : memref<8x!tpu.dma_semaphore, #tpu.memory_space<semaphore_mem>> -> memref<1x!tpu.dma_semaphore, #tpu.memory_space<semaphore_mem>>
        %dma_wait3A_639 = tpu.memref_squeeze %dma_wait3A_638 : memref<1x!tpu.dma_semaphore, #tpu.memory_space<semaphore_mem>> -> memref<!tpu.dma_semaphore, #tpu.memory_space<semaphore_mem>>
        tpu.wait_indirect_dma semaphore(%dma_wait3A_639 : memref<!tpu.dma_semaphore, #tpu.memory_space<semaphore_mem>>) src(%dma_wait3A_631 : memref<256x16xf32, #tpu.memory_space<vmem>>) dst(%dma_wait3A_637 : memref<10496x16xf32, #tpu.memory_space<vmem_shared>>)
      } else {
      }
      %ge3A_298 = arith.constant 1 : i32
      %ge3A_299 = arith.cmpi sge, %add3A_146, %ge3A_298 : i32
      %sub3A_300 = arith.constant 1 : i32
      %sub3A_301 = arith.subi %add3A_146, %sub3A_300 : i32
      %mul3A_302 = arith.constant 4 : i32
      %mul3A_303 = arith.muli %sub3A_301, %mul3A_302 : i32
      %add3A_304 = arith.constant 1 : i32
      %add3A_305 = arith.addi %mul3A_303, %add3A_304 : i32
      %convert_element_type3A_306 = arith.extui %ge3A_299 : i1 to i32
      %cond3A_307 = arith.constant 0 : i32
      %cond3A_308 = arith.cmpi ne, %convert_element_type3A_306, %cond3A_307 : i32
      scf.if %cond3A_308 {
        %dma_wait3A_626 = arith.constant 5 : i32
        %dma_wait3A_627 = arith.constant 5 : i32
        %dma_wait3A_628 = arith.constant 0 : i32
        %dma_wait3A_629 = arith.constant 0 : i32
        %dma_wait3A_630 = tpu.memref_slice %arg8[%dma_wait3A_626, %dma_wait3A_628, %dma_wait3A_629] : memref<8x256x16xf32, #tpu.memory_space<vmem>> -> memref<1x256x16xf32, #tpu.memory_space<vmem>>
        %dma_wait3A_631 = tpu.memref_squeeze %dma_wait3A_630 : memref<1x256x16xf32, #tpu.memory_space<vmem>> -> memref<256x16xf32, #tpu.memory_space<vmem>>
        %dma_wait3A_632 = arith.constant 0 : i32
        %dma_wait3A_633 = tpu.memref_slice %arg7[%add3A_305, %dma_wait3A_632] : memref<40x256xi32, #tpu.memory_space<vmem>> -> memref<1x256xi32, #tpu.memory_space<vmem>>
        %dma_wait3A_634 = tpu.memref_squeeze %dma_wait3A_633 : memref<1x256xi32, #tpu.memory_space<vmem>> -> memref<256xi32, #tpu.memory_space<vmem>>
        %dma_wait3A_635 = arith.constant 0 : i32
        %dma_wait3A_636 = arith.constant 0 : i32
        %dma_wait3A_637 = tpu.memref_slice %arg11[%dma_wait3A_635, %dma_wait3A_636] : memref<10496x16xf32, #tpu.memory_space<vmem_shared>> -> memref<10496x16xf32, #tpu.memory_space<vmem_shared>>
        %dma_wait3A_638 = tpu.memref_slice %arg12[%dma_wait3A_627] : memref<8x!tpu.dma_semaphore, #tpu.memory_space<semaphore_mem>> -> memref<1x!tpu.dma_semaphore, #tpu.memory_space<semaphore_mem>>
        %dma_wait3A_639 = tpu.memref_squeeze %dma_wait3A_638 : memref<1x!tpu.dma_semaphore, #tpu.memory_space<semaphore_mem>> -> memref<!tpu.dma_semaphore, #tpu.memory_space<semaphore_mem>>
        tpu.wait_indirect_dma semaphore(%dma_wait3A_639 : memref<!tpu.dma_semaphore, #tpu.memory_space<semaphore_mem>>) src(%dma_wait3A_631 : memref<256x16xf32, #tpu.memory_space<vmem>>) dst(%dma_wait3A_637 : memref<10496x16xf32, #tpu.memory_space<vmem_shared>>)
      } else {
      }
      %ge3A_309 = arith.constant 1 : i32
      %ge3A_310 = arith.cmpi sge, %add3A_146, %ge3A_309 : i32
      %sub3A_311 = arith.constant 1 : i32
      %sub3A_312 = arith.subi %add3A_146, %sub3A_311 : i32
      %mul3A_313 = arith.constant 4 : i32
      %mul3A_314 = arith.muli %sub3A_312, %mul3A_313 : i32
      %add3A_315 = arith.constant 2 : i32
      %add3A_316 = arith.addi %mul3A_314, %add3A_315 : i32
      %convert_element_type3A_317 = arith.extui %ge3A_310 : i1 to i32
      %cond3A_318 = arith.constant 0 : i32
      %cond3A_319 = arith.cmpi ne, %convert_element_type3A_317, %cond3A_318 : i32
      scf.if %cond3A_319 {
        %dma_wait3A_626 = arith.constant 6 : i32
        %dma_wait3A_627 = arith.constant 6 : i32
        %dma_wait3A_628 = arith.constant 0 : i32
        %dma_wait3A_629 = arith.constant 0 : i32
        %dma_wait3A_630 = tpu.memref_slice %arg8[%dma_wait3A_626, %dma_wait3A_628, %dma_wait3A_629] : memref<8x256x16xf32, #tpu.memory_space<vmem>> -> memref<1x256x16xf32, #tpu.memory_space<vmem>>
        %dma_wait3A_631 = tpu.memref_squeeze %dma_wait3A_630 : memref<1x256x16xf32, #tpu.memory_space<vmem>> -> memref<256x16xf32, #tpu.memory_space<vmem>>
        %dma_wait3A_632 = arith.constant 0 : i32
        %dma_wait3A_633 = tpu.memref_slice %arg7[%add3A_316, %dma_wait3A_632] : memref<40x256xi32, #tpu.memory_space<vmem>> -> memref<1x256xi32, #tpu.memory_space<vmem>>
        %dma_wait3A_634 = tpu.memref_squeeze %dma_wait3A_633 : memref<1x256xi32, #tpu.memory_space<vmem>> -> memref<256xi32, #tpu.memory_space<vmem>>
        %dma_wait3A_635 = arith.constant 0 : i32
        %dma_wait3A_636 = arith.constant 0 : i32
        %dma_wait3A_637 = tpu.memref_slice %arg11[%dma_wait3A_635, %dma_wait3A_636] : memref<10496x16xf32, #tpu.memory_space<vmem_shared>> -> memref<10496x16xf32, #tpu.memory_space<vmem_shared>>
        %dma_wait3A_638 = tpu.memref_slice %arg12[%dma_wait3A_627] : memref<8x!tpu.dma_semaphore, #tpu.memory_space<semaphore_mem>> -> memref<1x!tpu.dma_semaphore, #tpu.memory_space<semaphore_mem>>
        %dma_wait3A_639 = tpu.memref_squeeze %dma_wait3A_638 : memref<1x!tpu.dma_semaphore, #tpu.memory_space<semaphore_mem>> -> memref<!tpu.dma_semaphore, #tpu.memory_space<semaphore_mem>>
        tpu.wait_indirect_dma semaphore(%dma_wait3A_639 : memref<!tpu.dma_semaphore, #tpu.memory_space<semaphore_mem>>) src(%dma_wait3A_631 : memref<256x16xf32, #tpu.memory_space<vmem>>) dst(%dma_wait3A_637 : memref<10496x16xf32, #tpu.memory_space<vmem_shared>>)
      } else {
      }
      %ge3A_320 = arith.constant 1 : i32
      %ge3A_321 = arith.cmpi sge, %add3A_146, %ge3A_320 : i32
      %sub3A_322 = arith.constant 1 : i32
      %sub3A_323 = arith.subi %add3A_146, %sub3A_322 : i32
      %mul3A_324 = arith.constant 4 : i32
      %mul3A_325 = arith.muli %sub3A_323, %mul3A_324 : i32
      %add3A_326 = arith.constant 3 : i32
      %add3A_327 = arith.addi %mul3A_325, %add3A_326 : i32
      %convert_element_type3A_328 = arith.extui %ge3A_321 : i1 to i32
      %cond3A_329 = arith.constant 0 : i32
      %cond3A_330 = arith.cmpi ne, %convert_element_type3A_328, %cond3A_329 : i32
      scf.if %cond3A_330 {
        %dma_wait3A_626 = arith.constant 7 : i32
        %dma_wait3A_627 = arith.constant 7 : i32
        %dma_wait3A_628 = arith.constant 0 : i32
        %dma_wait3A_629 = arith.constant 0 : i32
        %dma_wait3A_630 = tpu.memref_slice %arg8[%dma_wait3A_626, %dma_wait3A_628, %dma_wait3A_629] : memref<8x256x16xf32, #tpu.memory_space<vmem>> -> memref<1x256x16xf32, #tpu.memory_space<vmem>>
        %dma_wait3A_631 = tpu.memref_squeeze %dma_wait3A_630 : memref<1x256x16xf32, #tpu.memory_space<vmem>> -> memref<256x16xf32, #tpu.memory_space<vmem>>
        %dma_wait3A_632 = arith.constant 0 : i32
        %dma_wait3A_633 = tpu.memref_slice %arg7[%add3A_327, %dma_wait3A_632] : memref<40x256xi32, #tpu.memory_space<vmem>> -> memref<1x256xi32, #tpu.memory_space<vmem>>
        %dma_wait3A_634 = tpu.memref_squeeze %dma_wait3A_633 : memref<1x256xi32, #tpu.memory_space<vmem>> -> memref<256xi32, #tpu.memory_space<vmem>>
        %dma_wait3A_635 = arith.constant 0 : i32
        %dma_wait3A_636 = arith.constant 0 : i32
        %dma_wait3A_637 = tpu.memref_slice %arg11[%dma_wait3A_635, %dma_wait3A_636] : memref<10496x16xf32, #tpu.memory_space<vmem_shared>> -> memref<10496x16xf32, #tpu.memory_space<vmem_shared>>
        %dma_wait3A_638 = tpu.memref_slice %arg12[%dma_wait3A_627] : memref<8x!tpu.dma_semaphore, #tpu.memory_space<semaphore_mem>> -> memref<1x!tpu.dma_semaphore, #tpu.memory_space<semaphore_mem>>
        %dma_wait3A_639 = tpu.memref_squeeze %dma_wait3A_638 : memref<1x!tpu.dma_semaphore, #tpu.memory_space<semaphore_mem>> -> memref<!tpu.dma_semaphore, #tpu.memory_space<semaphore_mem>>
        tpu.wait_indirect_dma semaphore(%dma_wait3A_639 : memref<!tpu.dma_semaphore, #tpu.memory_space<semaphore_mem>>) src(%dma_wait3A_631 : memref<256x16xf32, #tpu.memory_space<vmem>>) dst(%dma_wait3A_637 : memref<10496x16xf32, #tpu.memory_space<vmem_shared>>)
      } else {
      }
      %add3A_331 = arith.constant 1 : i32
      %add3A_332 = arith.addi %add3A_146, %add3A_331 : i32
      %lt3A = arith.constant 10 : i32
      %lt3A_333 = arith.cmpi slt, %add3A_332, %lt3A : i32
      %add3A_334 = arith.constant 1 : i32
      %add3A_335 = arith.addi %add3A_146, %add3A_334 : i32
      %mul3A_336 = arith.constant 4 : i32
      %mul3A_337 = arith.muli %add3A_335, %mul3A_336 : i32
      %add3A_338 = arith.constant 0 : i32
      %add3A_339 = arith.addi %mul3A_337, %add3A_338 : i32
      %convert_element_type3A_340 = arith.extui %lt3A_333 : i1 to i32
      %cond3A_341 = arith.constant 0 : i32
      %cond3A_342 = arith.cmpi ne, %convert_element_type3A_340, %cond3A_341 : i32
      scf.if %cond3A_342 {
        %dma_start3A_626 = arith.constant 4 : i32
        %dma_start3A_627 = arith.constant 4 : i32
        %dma_start3A_628 = arith.constant 0 : i32
        %dma_start3A_629 = arith.constant 0 : i32
        %dma_start3A_630 = tpu.memref_slice %arg8[%dma_start3A_626, %dma_start3A_628, %dma_start3A_629] : memref<8x256x16xf32, #tpu.memory_space<vmem>> -> memref<1x256x16xf32, #tpu.memory_space<vmem>>
        %dma_start3A_631 = tpu.memref_squeeze %dma_start3A_630 : memref<1x256x16xf32, #tpu.memory_space<vmem>> -> memref<256x16xf32, #tpu.memory_space<vmem>>
        %dma_start3A_632 = arith.constant 0 : i32
        %dma_start3A_633 = tpu.memref_slice %arg6[%add3A_339, %dma_start3A_632] : memref<40x256xi32, #tpu.memory_space<vmem>> -> memref<1x256xi32, #tpu.memory_space<vmem>>
        %dma_start3A_634 = tpu.memref_squeeze %dma_start3A_633 : memref<1x256xi32, #tpu.memory_space<vmem>> -> memref<256xi32, #tpu.memory_space<vmem>>
        %dma_start3A_635 = arith.constant 0 : i32
        %dma_start3A_636 = arith.constant 0 : i32
        %dma_start3A_637 = tpu.memref_slice %arg10[%dma_start3A_635, %dma_start3A_636] : memref<10496x16xf32, #tpu.memory_space<vmem_shared>> -> memref<10496x16xf32, #tpu.memory_space<vmem_shared>>
        %dma_start3A_638 = tpu.memref_slice %arg12[%dma_start3A_627] : memref<8x!tpu.dma_semaphore, #tpu.memory_space<semaphore_mem>> -> memref<1x!tpu.dma_semaphore, #tpu.memory_space<semaphore_mem>>
        %dma_start3A_639 = tpu.memref_squeeze %dma_start3A_638 : memref<1x!tpu.dma_semaphore, #tpu.memory_space<semaphore_mem>> -> memref<!tpu.dma_semaphore, #tpu.memory_space<semaphore_mem>>
        tpu.enqueue_indirect_dma source(%dma_start3A_637 : memref<10496x16xf32, #tpu.memory_space<vmem_shared>>) target(%dma_start3A_631 : memref<256x16xf32, #tpu.memory_space<vmem>>) offsets(%dma_start3A_634 : memref<256xi32, #tpu.memory_space<vmem>>) semaphore(%dma_start3A_639 : memref<!tpu.dma_semaphore, #tpu.memory_space<semaphore_mem>>)
      } else {
      }
      %add3A_343 = arith.constant 1 : i32
      %add3A_344 = arith.addi %add3A_146, %add3A_343 : i32
      %lt3A_345 = arith.constant 10 : i32
      %lt3A_346 = arith.cmpi slt, %add3A_344, %lt3A_345 : i32
      %add3A_347 = arith.constant 1 : i32
      %add3A_348 = arith.addi %add3A_146, %add3A_347 : i32
      %mul3A_349 = arith.constant 4 : i32
      %mul3A_350 = arith.muli %add3A_348, %mul3A_349 : i32
      %add3A_351 = arith.constant 1 : i32
      %add3A_352 = arith.addi %mul3A_350, %add3A_351 : i32
      %convert_element_type3A_353 = arith.extui %lt3A_346 : i1 to i32
      %cond3A_354 = arith.constant 0 : i32
      %cond3A_355 = arith.cmpi ne, %convert_element_type3A_353, %cond3A_354 : i32
      scf.if %cond3A_355 {
        %dma_start3A_626 = arith.constant 5 : i32
        %dma_start3A_627 = arith.constant 5 : i32
        %dma_start3A_628 = arith.constant 0 : i32
        %dma_start3A_629 = arith.constant 0 : i32
        %dma_start3A_630 = tpu.memref_slice %arg8[%dma_start3A_626, %dma_start3A_628, %dma_start3A_629] : memref<8x256x16xf32, #tpu.memory_space<vmem>> -> memref<1x256x16xf32, #tpu.memory_space<vmem>>
        %dma_start3A_631 = tpu.memref_squeeze %dma_start3A_630 : memref<1x256x16xf32, #tpu.memory_space<vmem>> -> memref<256x16xf32, #tpu.memory_space<vmem>>
        %dma_start3A_632 = arith.constant 0 : i32
        %dma_start3A_633 = tpu.memref_slice %arg6[%add3A_352, %dma_start3A_632] : memref<40x256xi32, #tpu.memory_space<vmem>> -> memref<1x256xi32, #tpu.memory_space<vmem>>
        %dma_start3A_634 = tpu.memref_squeeze %dma_start3A_633 : memref<1x256xi32, #tpu.memory_space<vmem>> -> memref<256xi32, #tpu.memory_space<vmem>>
        %dma_start3A_635 = arith.constant 0 : i32
        %dma_start3A_636 = arith.constant 0 : i32
        %dma_start3A_637 = tpu.memref_slice %arg10[%dma_start3A_635, %dma_start3A_636] : memref<10496x16xf32, #tpu.memory_space<vmem_shared>> -> memref<10496x16xf32, #tpu.memory_space<vmem_shared>>
        %dma_start3A_638 = tpu.memref_slice %arg12[%dma_start3A_627] : memref<8x!tpu.dma_semaphore, #tpu.memory_space<semaphore_mem>> -> memref<1x!tpu.dma_semaphore, #tpu.memory_space<semaphore_mem>>
        %dma_start3A_639 = tpu.memref_squeeze %dma_start3A_638 : memref<1x!tpu.dma_semaphore, #tpu.memory_space<semaphore_mem>> -> memref<!tpu.dma_semaphore, #tpu.memory_space<semaphore_mem>>
        tpu.enqueue_indirect_dma source(%dma_start3A_637 : memref<10496x16xf32, #tpu.memory_space<vmem_shared>>) target(%dma_start3A_631 : memref<256x16xf32, #tpu.memory_space<vmem>>) offsets(%dma_start3A_634 : memref<256xi32, #tpu.memory_space<vmem>>) semaphore(%dma_start3A_639 : memref<!tpu.dma_semaphore, #tpu.memory_space<semaphore_mem>>)
      } else {
      }
      %add3A_356 = arith.constant 1 : i32
      %add3A_357 = arith.addi %add3A_146, %add3A_356 : i32
      %lt3A_358 = arith.constant 10 : i32
      %lt3A_359 = arith.cmpi slt, %add3A_357, %lt3A_358 : i32
      %add3A_360 = arith.constant 1 : i32
      %add3A_361 = arith.addi %add3A_146, %add3A_360 : i32
      %mul3A_362 = arith.constant 4 : i32
      %mul3A_363 = arith.muli %add3A_361, %mul3A_362 : i32
      %add3A_364 = arith.constant 2 : i32
      %add3A_365 = arith.addi %mul3A_363, %add3A_364 : i32
      %convert_element_type3A_366 = arith.extui %lt3A_359 : i1 to i32
      %cond3A_367 = arith.constant 0 : i32
      %cond3A_368 = arith.cmpi ne, %convert_element_type3A_366, %cond3A_367 : i32
      scf.if %cond3A_368 {
        %dma_start3A_626 = arith.constant 6 : i32
        %dma_start3A_627 = arith.constant 6 : i32
        %dma_start3A_628 = arith.constant 0 : i32
        %dma_start3A_629 = arith.constant 0 : i32
        %dma_start3A_630 = tpu.memref_slice %arg8[%dma_start3A_626, %dma_start3A_628, %dma_start3A_629] : memref<8x256x16xf32, #tpu.memory_space<vmem>> -> memref<1x256x16xf32, #tpu.memory_space<vmem>>
        %dma_start3A_631 = tpu.memref_squeeze %dma_start3A_630 : memref<1x256x16xf32, #tpu.memory_space<vmem>> -> memref<256x16xf32, #tpu.memory_space<vmem>>
        %dma_start3A_632 = arith.constant 0 : i32
        %dma_start3A_633 = tpu.memref_slice %arg6[%add3A_365, %dma_start3A_632] : memref<40x256xi32, #tpu.memory_space<vmem>> -> memref<1x256xi32, #tpu.memory_space<vmem>>
        %dma_start3A_634 = tpu.memref_squeeze %dma_start3A_633 : memref<1x256xi32, #tpu.memory_space<vmem>> -> memref<256xi32, #tpu.memory_space<vmem>>
        %dma_start3A_635 = arith.constant 0 : i32
        %dma_start3A_636 = arith.constant 0 : i32
        %dma_start3A_637 = tpu.memref_slice %arg10[%dma_start3A_635, %dma_start3A_636] : memref<10496x16xf32, #tpu.memory_space<vmem_shared>> -> memref<10496x16xf32, #tpu.memory_space<vmem_shared>>
        %dma_start3A_638 = tpu.memref_slice %arg12[%dma_start3A_627] : memref<8x!tpu.dma_semaphore, #tpu.memory_space<semaphore_mem>> -> memref<1x!tpu.dma_semaphore, #tpu.memory_space<semaphore_mem>>
        %dma_start3A_639 = tpu.memref_squeeze %dma_start3A_638 : memref<1x!tpu.dma_semaphore, #tpu.memory_space<semaphore_mem>> -> memref<!tpu.dma_semaphore, #tpu.memory_space<semaphore_mem>>
        tpu.enqueue_indirect_dma source(%dma_start3A_637 : memref<10496x16xf32, #tpu.memory_space<vmem_shared>>) target(%dma_start3A_631 : memref<256x16xf32, #tpu.memory_space<vmem>>) offsets(%dma_start3A_634 : memref<256xi32, #tpu.memory_space<vmem>>) semaphore(%dma_start3A_639 : memref<!tpu.dma_semaphore, #tpu.memory_space<semaphore_mem>>)
      } else {
      }
      %add3A_369 = arith.constant 1 : i32
      %add3A_370 = arith.addi %add3A_146, %add3A_369 : i32
      %lt3A_371 = arith.constant 10 : i32
      %lt3A_372 = arith.cmpi slt, %add3A_370, %lt3A_371 : i32
      %add3A_373 = arith.constant 1 : i32
      %add3A_374 = arith.addi %add3A_146, %add3A_373 : i32
      %mul3A_375 = arith.constant 4 : i32
      %mul3A_376 = arith.muli %add3A_374, %mul3A_375 : i32
      %add3A_377 = arith.constant 3 : i32
      %add3A_378 = arith.addi %mul3A_376, %add3A_377 : i32
      %convert_element_type3A_379 = arith.extui %lt3A_372 : i1 to i32
      %cond3A_380 = arith.constant 0 : i32
      %cond3A_381 = arith.cmpi ne, %convert_element_type3A_379, %cond3A_380 : i32
      scf.if %cond3A_381 {
        %dma_start3A_626 = arith.constant 7 : i32
        %dma_start3A_627 = arith.constant 7 : i32
        %dma_start3A_628 = arith.constant 0 : i32
        %dma_start3A_629 = arith.constant 0 : i32
        %dma_start3A_630 = tpu.memref_slice %arg8[%dma_start3A_626, %dma_start3A_628, %dma_start3A_629] : memref<8x256x16xf32, #tpu.memory_space<vmem>> -> memref<1x256x16xf32, #tpu.memory_space<vmem>>
        %dma_start3A_631 = tpu.memref_squeeze %dma_start3A_630 : memref<1x256x16xf32, #tpu.memory_space<vmem>> -> memref<256x16xf32, #tpu.memory_space<vmem>>
        %dma_start3A_632 = arith.constant 0 : i32
        %dma_start3A_633 = tpu.memref_slice %arg6[%add3A_378, %dma_start3A_632] : memref<40x256xi32, #tpu.memory_space<vmem>> -> memref<1x256xi32, #tpu.memory_space<vmem>>
        %dma_start3A_634 = tpu.memref_squeeze %dma_start3A_633 : memref<1x256xi32, #tpu.memory_space<vmem>> -> memref<256xi32, #tpu.memory_space<vmem>>
        %dma_start3A_635 = arith.constant 0 : i32
        %dma_start3A_636 = arith.constant 0 : i32
        %dma_start3A_637 = tpu.memref_slice %arg10[%dma_start3A_635, %dma_start3A_636] : memref<10496x16xf32, #tpu.memory_space<vmem_shared>> -> memref<10496x16xf32, #tpu.memory_space<vmem_shared>>
        %dma_start3A_638 = tpu.memref_slice %arg12[%dma_start3A_627] : memref<8x!tpu.dma_semaphore, #tpu.memory_space<semaphore_mem>> -> memref<1x!tpu.dma_semaphore, #tpu.memory_space<semaphore_mem>>
        %dma_start3A_639 = tpu.memref_squeeze %dma_start3A_638 : memref<1x!tpu.dma_semaphore, #tpu.memory_space<semaphore_mem>> -> memref<!tpu.dma_semaphore, #tpu.memory_space<semaphore_mem>>
        tpu.enqueue_indirect_dma source(%dma_start3A_637 : memref<10496x16xf32, #tpu.memory_space<vmem_shared>>) target(%dma_start3A_631 : memref<256x16xf32, #tpu.memory_space<vmem>>) offsets(%dma_start3A_634 : memref<256xi32, #tpu.memory_space<vmem>>) semaphore(%dma_start3A_639 : memref<!tpu.dma_semaphore, #tpu.memory_space<semaphore_mem>>)
      } else {
      }
      %mul3A_382 = arith.constant 2 : i32
      %mul3A_383 = arith.muli %mul3A_382, %scan3A_142 : i32
      %add3A_384 = arith.constant 1 : i32
      %add3A_385 = arith.addi %mul3A_383, %add3A_384 : i32
      %mul3A_386 = arith.constant 4 : i32
      %mul3A_387 = arith.muli %add3A_385, %mul3A_386 : i32
      %add3A_388 = arith.constant 0 : i32
      %add3A_389 = arith.addi %mul3A_387, %add3A_388 : i32
      %dma_wait3A_390 = arith.constant 4 : i32
      %dma_wait3A_391 = arith.constant 4 : i32
      %dma_wait3A_392 = arith.constant 0 : i32
      %dma_wait3A_393 = arith.constant 0 : i32
      %dma_wait3A_394 = tpu.memref_slice %arg8[%dma_wait3A_390, %dma_wait3A_392, %dma_wait3A_393] : memref<8x256x16xf32, #tpu.memory_space<vmem>> -> memref<1x256x16xf32, #tpu.memory_space<vmem>>
      %dma_wait3A_395 = tpu.memref_squeeze %dma_wait3A_394 : memref<1x256x16xf32, #tpu.memory_space<vmem>> -> memref<256x16xf32, #tpu.memory_space<vmem>>
      %dma_wait3A_396 = arith.constant 0 : i32
      %dma_wait3A_397 = tpu.memref_slice %arg6[%add3A_389, %dma_wait3A_396] : memref<40x256xi32, #tpu.memory_space<vmem>> -> memref<1x256xi32, #tpu.memory_space<vmem>>
      %dma_wait3A_398 = tpu.memref_squeeze %dma_wait3A_397 : memref<1x256xi32, #tpu.memory_space<vmem>> -> memref<256xi32, #tpu.memory_space<vmem>>
      %dma_wait3A_399 = arith.constant 0 : i32
      %dma_wait3A_400 = arith.constant 0 : i32
      %dma_wait3A_401 = tpu.memref_slice %arg10[%dma_wait3A_399, %dma_wait3A_400] : memref<10496x16xf32, #tpu.memory_space<vmem_shared>> -> memref<10496x16xf32, #tpu.memory_space<vmem_shared>>
      %dma_wait3A_402 = tpu.memref_slice %arg12[%dma_wait3A_391] : memref<8x!tpu.dma_semaphore, #tpu.memory_space<semaphore_mem>> -> memref<1x!tpu.dma_semaphore, #tpu.memory_space<semaphore_mem>>
      %dma_wait3A_403 = tpu.memref_squeeze %dma_wait3A_402 : memref<1x!tpu.dma_semaphore, #tpu.memory_space<semaphore_mem>> -> memref<!tpu.dma_semaphore, #tpu.memory_space<semaphore_mem>>
      tpu.wait_indirect_dma semaphore(%dma_wait3A_403 : memref<!tpu.dma_semaphore, #tpu.memory_space<semaphore_mem>>) src(%dma_wait3A_401 : memref<10496x16xf32, #tpu.memory_space<vmem_shared>>) dst(%dma_wait3A_395 : memref<256x16xf32, #tpu.memory_space<vmem>>)
      %mul3A_404 = arith.constant 4 : i32
      %mul3A_405 = arith.muli %add3A_385, %mul3A_404 : i32
      %add3A_406 = arith.constant 1 : i32
      %add3A_407 = arith.addi %mul3A_405, %add3A_406 : i32
      %dma_wait3A_408 = arith.constant 5 : i32
      %dma_wait3A_409 = arith.constant 5 : i32
      %dma_wait3A_410 = arith.constant 0 : i32
      %dma_wait3A_411 = arith.constant 0 : i32
      %dma_wait3A_412 = tpu.memref_slice %arg8[%dma_wait3A_408, %dma_wait3A_410, %dma_wait3A_411] : memref<8x256x16xf32, #tpu.memory_space<vmem>> -> memref<1x256x16xf32, #tpu.memory_space<vmem>>
      %dma_wait3A_413 = tpu.memref_squeeze %dma_wait3A_412 : memref<1x256x16xf32, #tpu.memory_space<vmem>> -> memref<256x16xf32, #tpu.memory_space<vmem>>
      %dma_wait3A_414 = arith.constant 0 : i32
      %dma_wait3A_415 = tpu.memref_slice %arg6[%add3A_407, %dma_wait3A_414] : memref<40x256xi32, #tpu.memory_space<vmem>> -> memref<1x256xi32, #tpu.memory_space<vmem>>
      %dma_wait3A_416 = tpu.memref_squeeze %dma_wait3A_415 : memref<1x256xi32, #tpu.memory_space<vmem>> -> memref<256xi32, #tpu.memory_space<vmem>>
      %dma_wait3A_417 = arith.constant 0 : i32
      %dma_wait3A_418 = arith.constant 0 : i32
      %dma_wait3A_419 = tpu.memref_slice %arg10[%dma_wait3A_417, %dma_wait3A_418] : memref<10496x16xf32, #tpu.memory_space<vmem_shared>> -> memref<10496x16xf32, #tpu.memory_space<vmem_shared>>
      %dma_wait3A_420 = tpu.memref_slice %arg12[%dma_wait3A_409] : memref<8x!tpu.dma_semaphore, #tpu.memory_space<semaphore_mem>> -> memref<1x!tpu.dma_semaphore, #tpu.memory_space<semaphore_mem>>
      %dma_wait3A_421 = tpu.memref_squeeze %dma_wait3A_420 : memref<1x!tpu.dma_semaphore, #tpu.memory_space<semaphore_mem>> -> memref<!tpu.dma_semaphore, #tpu.memory_space<semaphore_mem>>
      tpu.wait_indirect_dma semaphore(%dma_wait3A_421 : memref<!tpu.dma_semaphore, #tpu.memory_space<semaphore_mem>>) src(%dma_wait3A_419 : memref<10496x16xf32, #tpu.memory_space<vmem_shared>>) dst(%dma_wait3A_413 : memref<256x16xf32, #tpu.memory_space<vmem>>)
      %mul3A_422 = arith.constant 4 : i32
      %mul3A_423 = arith.muli %add3A_385, %mul3A_422 : i32
      %add3A_424 = arith.constant 2 : i32
      %add3A_425 = arith.addi %mul3A_423, %add3A_424 : i32
      %dma_wait3A_426 = arith.constant 6 : i32
      %dma_wait3A_427 = arith.constant 6 : i32
      %dma_wait3A_428 = arith.constant 0 : i32
      %dma_wait3A_429 = arith.constant 0 : i32
      %dma_wait3A_430 = tpu.memref_slice %arg8[%dma_wait3A_426, %dma_wait3A_428, %dma_wait3A_429] : memref<8x256x16xf32, #tpu.memory_space<vmem>> -> memref<1x256x16xf32, #tpu.memory_space<vmem>>
      %dma_wait3A_431 = tpu.memref_squeeze %dma_wait3A_430 : memref<1x256x16xf32, #tpu.memory_space<vmem>> -> memref<256x16xf32, #tpu.memory_space<vmem>>
      %dma_wait3A_432 = arith.constant 0 : i32
      %dma_wait3A_433 = tpu.memref_slice %arg6[%add3A_425, %dma_wait3A_432] : memref<40x256xi32, #tpu.memory_space<vmem>> -> memref<1x256xi32, #tpu.memory_space<vmem>>
      %dma_wait3A_434 = tpu.memref_squeeze %dma_wait3A_433 : memref<1x256xi32, #tpu.memory_space<vmem>> -> memref<256xi32, #tpu.memory_space<vmem>>
      %dma_wait3A_435 = arith.constant 0 : i32
      %dma_wait3A_436 = arith.constant 0 : i32
      %dma_wait3A_437 = tpu.memref_slice %arg10[%dma_wait3A_435, %dma_wait3A_436] : memref<10496x16xf32, #tpu.memory_space<vmem_shared>> -> memref<10496x16xf32, #tpu.memory_space<vmem_shared>>
      %dma_wait3A_438 = tpu.memref_slice %arg12[%dma_wait3A_427] : memref<8x!tpu.dma_semaphore, #tpu.memory_space<semaphore_mem>> -> memref<1x!tpu.dma_semaphore, #tpu.memory_space<semaphore_mem>>
      %dma_wait3A_439 = tpu.memref_squeeze %dma_wait3A_438 : memref<1x!tpu.dma_semaphore, #tpu.memory_space<semaphore_mem>> -> memref<!tpu.dma_semaphore, #tpu.memory_space<semaphore_mem>>
      tpu.wait_indirect_dma semaphore(%dma_wait3A_439 : memref<!tpu.dma_semaphore, #tpu.memory_space<semaphore_mem>>) src(%dma_wait3A_437 : memref<10496x16xf32, #tpu.memory_space<vmem_shared>>) dst(%dma_wait3A_431 : memref<256x16xf32, #tpu.memory_space<vmem>>)
      %mul3A_440 = arith.constant 4 : i32
      %mul3A_441 = arith.muli %add3A_385, %mul3A_440 : i32
      %add3A_442 = arith.constant 3 : i32
      %add3A_443 = arith.addi %mul3A_441, %add3A_442 : i32
      %dma_wait3A_444 = arith.constant 7 : i32
      %dma_wait3A_445 = arith.constant 7 : i32
      %dma_wait3A_446 = arith.constant 0 : i32
      %dma_wait3A_447 = arith.constant 0 : i32
      %dma_wait3A_448 = tpu.memref_slice %arg8[%dma_wait3A_444, %dma_wait3A_446, %dma_wait3A_447] : memref<8x256x16xf32, #tpu.memory_space<vmem>> -> memref<1x256x16xf32, #tpu.memory_space<vmem>>
      %dma_wait3A_449 = tpu.memref_squeeze %dma_wait3A_448 : memref<1x256x16xf32, #tpu.memory_space<vmem>> -> memref<256x16xf32, #tpu.memory_space<vmem>>
      %dma_wait3A_450 = arith.constant 0 : i32
      %dma_wait3A_451 = tpu.memref_slice %arg6[%add3A_443, %dma_wait3A_450] : memref<40x256xi32, #tpu.memory_space<vmem>> -> memref<1x256xi32, #tpu.memory_space<vmem>>
      %dma_wait3A_452 = tpu.memref_squeeze %dma_wait3A_451 : memref<1x256xi32, #tpu.memory_space<vmem>> -> memref<256xi32, #tpu.memory_space<vmem>>
      %dma_wait3A_453 = arith.constant 0 : i32
      %dma_wait3A_454 = arith.constant 0 : i32
      %dma_wait3A_455 = tpu.memref_slice %arg10[%dma_wait3A_453, %dma_wait3A_454] : memref<10496x16xf32, #tpu.memory_space<vmem_shared>> -> memref<10496x16xf32, #tpu.memory_space<vmem_shared>>
      %dma_wait3A_456 = tpu.memref_slice %arg12[%dma_wait3A_445] : memref<8x!tpu.dma_semaphore, #tpu.memory_space<semaphore_mem>> -> memref<1x!tpu.dma_semaphore, #tpu.memory_space<semaphore_mem>>
      %dma_wait3A_457 = tpu.memref_squeeze %dma_wait3A_456 : memref<1x!tpu.dma_semaphore, #tpu.memory_space<semaphore_mem>> -> memref<!tpu.dma_semaphore, #tpu.memory_space<semaphore_mem>>
      tpu.wait_indirect_dma semaphore(%dma_wait3A_457 : memref<!tpu.dma_semaphore, #tpu.memory_space<semaphore_mem>>) src(%dma_wait3A_455 : memref<10496x16xf32, #tpu.memory_space<vmem_shared>>) dst(%dma_wait3A_449 : memref<256x16xf32, #tpu.memory_space<vmem>>)
      %mul3A_458 = arith.constant 4 : i32
      %mul3A_459 = arith.muli %add3A_385, %mul3A_458 : i32
      %add3A_460 = arith.constant 0 : i32
      %add3A_461 = arith.addi %mul3A_459, %add3A_460 : i32
      %dma_start3A_462 = arith.constant 4 : i32
      %dma_start3A_463 = arith.constant 4 : i32
      %dma_start3A_464 = arith.constant 0 : i32
      %dma_start3A_465 = arith.constant 0 : i32
      %dma_start3A_466 = tpu.memref_slice %arg8[%dma_start3A_462, %dma_start3A_464, %dma_start3A_465] : memref<8x256x16xf32, #tpu.memory_space<vmem>> -> memref<1x256x16xf32, #tpu.memory_space<vmem>>
      %dma_start3A_467 = tpu.memref_squeeze %dma_start3A_466 : memref<1x256x16xf32, #tpu.memory_space<vmem>> -> memref<256x16xf32, #tpu.memory_space<vmem>>
      %dma_start3A_468 = arith.constant 0 : i32
      %dma_start3A_469 = tpu.memref_slice %arg7[%add3A_461, %dma_start3A_468] : memref<40x256xi32, #tpu.memory_space<vmem>> -> memref<1x256xi32, #tpu.memory_space<vmem>>
      %dma_start3A_470 = tpu.memref_squeeze %dma_start3A_469 : memref<1x256xi32, #tpu.memory_space<vmem>> -> memref<256xi32, #tpu.memory_space<vmem>>
      %dma_start3A_471 = arith.constant 0 : i32
      %dma_start3A_472 = arith.constant 0 : i32
      %dma_start3A_473 = tpu.memref_slice %arg11[%dma_start3A_471, %dma_start3A_472] : memref<10496x16xf32, #tpu.memory_space<vmem_shared>> -> memref<10496x16xf32, #tpu.memory_space<vmem_shared>>
      %dma_start3A_474 = tpu.memref_slice %arg12[%dma_start3A_463] : memref<8x!tpu.dma_semaphore, #tpu.memory_space<semaphore_mem>> -> memref<1x!tpu.dma_semaphore, #tpu.memory_space<semaphore_mem>>
      %dma_start3A_475 = tpu.memref_squeeze %dma_start3A_474 : memref<1x!tpu.dma_semaphore, #tpu.memory_space<semaphore_mem>> -> memref<!tpu.dma_semaphore, #tpu.memory_space<semaphore_mem>>
      tpu.enqueue_indirect_dma source(%dma_start3A_467 : memref<256x16xf32, #tpu.memory_space<vmem>>) target(%dma_start3A_473 : memref<10496x16xf32, #tpu.memory_space<vmem_shared>>) offsets(%dma_start3A_470 : memref<256xi32, #tpu.memory_space<vmem>>) semaphore(%dma_start3A_475 : memref<!tpu.dma_semaphore, #tpu.memory_space<semaphore_mem>>) {add = true}
      %mul3A_476 = arith.constant 4 : i32
      %mul3A_477 = arith.muli %add3A_385, %mul3A_476 : i32
      %add3A_478 = arith.constant 1 : i32
      %add3A_479 = arith.addi %mul3A_477, %add3A_478 : i32
      %dma_start3A_480 = arith.constant 5 : i32
      %dma_start3A_481 = arith.constant 5 : i32
      %dma_start3A_482 = arith.constant 0 : i32
      %dma_start3A_483 = arith.constant 0 : i32
      %dma_start3A_484 = tpu.memref_slice %arg8[%dma_start3A_480, %dma_start3A_482, %dma_start3A_483] : memref<8x256x16xf32, #tpu.memory_space<vmem>> -> memref<1x256x16xf32, #tpu.memory_space<vmem>>
      %dma_start3A_485 = tpu.memref_squeeze %dma_start3A_484 : memref<1x256x16xf32, #tpu.memory_space<vmem>> -> memref<256x16xf32, #tpu.memory_space<vmem>>
      %dma_start3A_486 = arith.constant 0 : i32
      %dma_start3A_487 = tpu.memref_slice %arg7[%add3A_479, %dma_start3A_486] : memref<40x256xi32, #tpu.memory_space<vmem>> -> memref<1x256xi32, #tpu.memory_space<vmem>>
      %dma_start3A_488 = tpu.memref_squeeze %dma_start3A_487 : memref<1x256xi32, #tpu.memory_space<vmem>> -> memref<256xi32, #tpu.memory_space<vmem>>
      %dma_start3A_489 = arith.constant 0 : i32
      %dma_start3A_490 = arith.constant 0 : i32
      %dma_start3A_491 = tpu.memref_slice %arg11[%dma_start3A_489, %dma_start3A_490] : memref<10496x16xf32, #tpu.memory_space<vmem_shared>> -> memref<10496x16xf32, #tpu.memory_space<vmem_shared>>
      %dma_start3A_492 = tpu.memref_slice %arg12[%dma_start3A_481] : memref<8x!tpu.dma_semaphore, #tpu.memory_space<semaphore_mem>> -> memref<1x!tpu.dma_semaphore, #tpu.memory_space<semaphore_mem>>
      %dma_start3A_493 = tpu.memref_squeeze %dma_start3A_492 : memref<1x!tpu.dma_semaphore, #tpu.memory_space<semaphore_mem>> -> memref<!tpu.dma_semaphore, #tpu.memory_space<semaphore_mem>>
      tpu.enqueue_indirect_dma source(%dma_start3A_485 : memref<256x16xf32, #tpu.memory_space<vmem>>) target(%dma_start3A_491 : memref<10496x16xf32, #tpu.memory_space<vmem_shared>>) offsets(%dma_start3A_488 : memref<256xi32, #tpu.memory_space<vmem>>) semaphore(%dma_start3A_493 : memref<!tpu.dma_semaphore, #tpu.memory_space<semaphore_mem>>) {add = true}
      %mul3A_494 = arith.constant 4 : i32
      %mul3A_495 = arith.muli %add3A_385, %mul3A_494 : i32
      %add3A_496 = arith.constant 2 : i32
      %add3A_497 = arith.addi %mul3A_495, %add3A_496 : i32
      %dma_start3A_498 = arith.constant 6 : i32
      %dma_start3A_499 = arith.constant 6 : i32
      %dma_start3A_500 = arith.constant 0 : i32
      %dma_start3A_501 = arith.constant 0 : i32
      %dma_start3A_502 = tpu.memref_slice %arg8[%dma_start3A_498, %dma_start3A_500, %dma_start3A_501] : memref<8x256x16xf32, #tpu.memory_space<vmem>> -> memref<1x256x16xf32, #tpu.memory_space<vmem>>
      %dma_start3A_503 = tpu.memref_squeeze %dma_start3A_502 : memref<1x256x16xf32, #tpu.memory_space<vmem>> -> memref<256x16xf32, #tpu.memory_space<vmem>>
      %dma_start3A_504 = arith.constant 0 : i32
      %dma_start3A_505 = tpu.memref_slice %arg7[%add3A_497, %dma_start3A_504] : memref<40x256xi32, #tpu.memory_space<vmem>> -> memref<1x256xi32, #tpu.memory_space<vmem>>
      %dma_start3A_506 = tpu.memref_squeeze %dma_start3A_505 : memref<1x256xi32, #tpu.memory_space<vmem>> -> memref<256xi32, #tpu.memory_space<vmem>>
      %dma_start3A_507 = arith.constant 0 : i32
      %dma_start3A_508 = arith.constant 0 : i32
      %dma_start3A_509 = tpu.memref_slice %arg11[%dma_start3A_507, %dma_start3A_508] : memref<10496x16xf32, #tpu.memory_space<vmem_shared>> -> memref<10496x16xf32, #tpu.memory_space<vmem_shared>>
      %dma_start3A_510 = tpu.memref_slice %arg12[%dma_start3A_499] : memref<8x!tpu.dma_semaphore, #tpu.memory_space<semaphore_mem>> -> memref<1x!tpu.dma_semaphore, #tpu.memory_space<semaphore_mem>>
      %dma_start3A_511 = tpu.memref_squeeze %dma_start3A_510 : memref<1x!tpu.dma_semaphore, #tpu.memory_space<semaphore_mem>> -> memref<!tpu.dma_semaphore, #tpu.memory_space<semaphore_mem>>
      tpu.enqueue_indirect_dma source(%dma_start3A_503 : memref<256x16xf32, #tpu.memory_space<vmem>>) target(%dma_start3A_509 : memref<10496x16xf32, #tpu.memory_space<vmem_shared>>) offsets(%dma_start3A_506 : memref<256xi32, #tpu.memory_space<vmem>>) semaphore(%dma_start3A_511 : memref<!tpu.dma_semaphore, #tpu.memory_space<semaphore_mem>>) {add = true}
      %mul3A_512 = arith.constant 4 : i32
      %mul3A_513 = arith.muli %add3A_385, %mul3A_512 : i32
      %add3A_514 = arith.constant 3 : i32
      %add3A_515 = arith.addi %mul3A_513, %add3A_514 : i32
      %dma_start3A_516 = arith.constant 7 : i32
      %dma_start3A_517 = arith.constant 7 : i32
      %dma_start3A_518 = arith.constant 0 : i32
      %dma_start3A_519 = arith.constant 0 : i32
      %dma_start3A_520 = tpu.memref_slice %arg8[%dma_start3A_516, %dma_start3A_518, %dma_start3A_519] : memref<8x256x16xf32, #tpu.memory_space<vmem>> -> memref<1x256x16xf32, #tpu.memory_space<vmem>>
      %dma_start3A_521 = tpu.memref_squeeze %dma_start3A_520 : memref<1x256x16xf32, #tpu.memory_space<vmem>> -> memref<256x16xf32, #tpu.memory_space<vmem>>
      %dma_start3A_522 = arith.constant 0 : i32
      %dma_start3A_523 = tpu.memref_slice %arg7[%add3A_515, %dma_start3A_522] : memref<40x256xi32, #tpu.memory_space<vmem>> -> memref<1x256xi32, #tpu.memory_space<vmem>>
      %dma_start3A_524 = tpu.memref_squeeze %dma_start3A_523 : memref<1x256xi32, #tpu.memory_space<vmem>> -> memref<256xi32, #tpu.memory_space<vmem>>
      %dma_start3A_525 = arith.constant 0 : i32
      %dma_start3A_526 = arith.constant 0 : i32
      %dma_start3A_527 = tpu.memref_slice %arg11[%dma_start3A_525, %dma_start3A_526] : memref<10496x16xf32, #tpu.memory_space<vmem_shared>> -> memref<10496x16xf32, #tpu.memory_space<vmem_shared>>
      %dma_start3A_528 = tpu.memref_slice %arg12[%dma_start3A_517] : memref<8x!tpu.dma_semaphore, #tpu.memory_space<semaphore_mem>> -> memref<1x!tpu.dma_semaphore, #tpu.memory_space<semaphore_mem>>
      %dma_start3A_529 = tpu.memref_squeeze %dma_start3A_528 : memref<1x!tpu.dma_semaphore, #tpu.memory_space<semaphore_mem>> -> memref<!tpu.dma_semaphore, #tpu.memory_space<semaphore_mem>>
      tpu.enqueue_indirect_dma source(%dma_start3A_521 : memref<256x16xf32, #tpu.memory_space<vmem>>) target(%dma_start3A_527 : memref<10496x16xf32, #tpu.memory_space<vmem_shared>>) offsets(%dma_start3A_524 : memref<256xi32, #tpu.memory_space<vmem>>) semaphore(%dma_start3A_529 : memref<!tpu.dma_semaphore, #tpu.memory_space<semaphore_mem>>) {add = true}
      %ge3A_530 = arith.constant 1 : i32
      %ge3A_531 = arith.cmpi sge, %add3A_385, %ge3A_530 : i32
      %sub3A_532 = arith.constant 1 : i32
      %sub3A_533 = arith.subi %add3A_385, %sub3A_532 : i32
      %mul3A_534 = arith.constant 4 : i32
      %mul3A_535 = arith.muli %sub3A_533, %mul3A_534 : i32
      %add3A_536 = arith.constant 0 : i32
      %add3A_537 = arith.addi %mul3A_535, %add3A_536 : i32
      %convert_element_type3A_538 = arith.extui %ge3A_531 : i1 to i32
      %cond3A_539 = arith.constant 0 : i32
      %cond3A_540 = arith.cmpi ne, %convert_element_type3A_538, %cond3A_539 : i32
      scf.if %cond3A_540 {
        %dma_wait3A_626 = arith.constant 0 : i32
        %dma_wait3A_627 = arith.constant 0 : i32
        %dma_wait3A_628 = arith.constant 0 : i32
        %dma_wait3A_629 = arith.constant 0 : i32
        %dma_wait3A_630 = tpu.memref_slice %arg8[%dma_wait3A_626, %dma_wait3A_628, %dma_wait3A_629] : memref<8x256x16xf32, #tpu.memory_space<vmem>> -> memref<1x256x16xf32, #tpu.memory_space<vmem>>
        %dma_wait3A_631 = tpu.memref_squeeze %dma_wait3A_630 : memref<1x256x16xf32, #tpu.memory_space<vmem>> -> memref<256x16xf32, #tpu.memory_space<vmem>>
        %dma_wait3A_632 = arith.constant 0 : i32
        %dma_wait3A_633 = tpu.memref_slice %arg7[%add3A_537, %dma_wait3A_632] : memref<40x256xi32, #tpu.memory_space<vmem>> -> memref<1x256xi32, #tpu.memory_space<vmem>>
        %dma_wait3A_634 = tpu.memref_squeeze %dma_wait3A_633 : memref<1x256xi32, #tpu.memory_space<vmem>> -> memref<256xi32, #tpu.memory_space<vmem>>
        %dma_wait3A_635 = arith.constant 0 : i32
        %dma_wait3A_636 = arith.constant 0 : i32
        %dma_wait3A_637 = tpu.memref_slice %arg11[%dma_wait3A_635, %dma_wait3A_636] : memref<10496x16xf32, #tpu.memory_space<vmem_shared>> -> memref<10496x16xf32, #tpu.memory_space<vmem_shared>>
        %dma_wait3A_638 = tpu.memref_slice %arg12[%dma_wait3A_627] : memref<8x!tpu.dma_semaphore, #tpu.memory_space<semaphore_mem>> -> memref<1x!tpu.dma_semaphore, #tpu.memory_space<semaphore_mem>>
        %dma_wait3A_639 = tpu.memref_squeeze %dma_wait3A_638 : memref<1x!tpu.dma_semaphore, #tpu.memory_space<semaphore_mem>> -> memref<!tpu.dma_semaphore, #tpu.memory_space<semaphore_mem>>
        tpu.wait_indirect_dma semaphore(%dma_wait3A_639 : memref<!tpu.dma_semaphore, #tpu.memory_space<semaphore_mem>>) src(%dma_wait3A_631 : memref<256x16xf32, #tpu.memory_space<vmem>>) dst(%dma_wait3A_637 : memref<10496x16xf32, #tpu.memory_space<vmem_shared>>)
      } else {
      }
      %ge3A_541 = arith.constant 1 : i32
      %ge3A_542 = arith.cmpi sge, %add3A_385, %ge3A_541 : i32
      %sub3A_543 = arith.constant 1 : i32
      %sub3A_544 = arith.subi %add3A_385, %sub3A_543 : i32
      %mul3A_545 = arith.constant 4 : i32
      %mul3A_546 = arith.muli %sub3A_544, %mul3A_545 : i32
      %add3A_547 = arith.constant 1 : i32
      %add3A_548 = arith.addi %mul3A_546, %add3A_547 : i32
      %convert_element_type3A_549 = arith.extui %ge3A_542 : i1 to i32
      %cond3A_550 = arith.constant 0 : i32
      %cond3A_551 = arith.cmpi ne, %convert_element_type3A_549, %cond3A_550 : i32
      scf.if %cond3A_551 {
        %dma_wait3A_626 = arith.constant 1 : i32
        %dma_wait3A_627 = arith.constant 1 : i32
        %dma_wait3A_628 = arith.constant 0 : i32
        %dma_wait3A_629 = arith.constant 0 : i32
        %dma_wait3A_630 = tpu.memref_slice %arg8[%dma_wait3A_626, %dma_wait3A_628, %dma_wait3A_629] : memref<8x256x16xf32, #tpu.memory_space<vmem>> -> memref<1x256x16xf32, #tpu.memory_space<vmem>>
        %dma_wait3A_631 = tpu.memref_squeeze %dma_wait3A_630 : memref<1x256x16xf32, #tpu.memory_space<vmem>> -> memref<256x16xf32, #tpu.memory_space<vmem>>
        %dma_wait3A_632 = arith.constant 0 : i32
        %dma_wait3A_633 = tpu.memref_slice %arg7[%add3A_548, %dma_wait3A_632] : memref<40x256xi32, #tpu.memory_space<vmem>> -> memref<1x256xi32, #tpu.memory_space<vmem>>
        %dma_wait3A_634 = tpu.memref_squeeze %dma_wait3A_633 : memref<1x256xi32, #tpu.memory_space<vmem>> -> memref<256xi32, #tpu.memory_space<vmem>>
        %dma_wait3A_635 = arith.constant 0 : i32
        %dma_wait3A_636 = arith.constant 0 : i32
        %dma_wait3A_637 = tpu.memref_slice %arg11[%dma_wait3A_635, %dma_wait3A_636] : memref<10496x16xf32, #tpu.memory_space<vmem_shared>> -> memref<10496x16xf32, #tpu.memory_space<vmem_shared>>
        %dma_wait3A_638 = tpu.memref_slice %arg12[%dma_wait3A_627] : memref<8x!tpu.dma_semaphore, #tpu.memory_space<semaphore_mem>> -> memref<1x!tpu.dma_semaphore, #tpu.memory_space<semaphore_mem>>
        %dma_wait3A_639 = tpu.memref_squeeze %dma_wait3A_638 : memref<1x!tpu.dma_semaphore, #tpu.memory_space<semaphore_mem>> -> memref<!tpu.dma_semaphore, #tpu.memory_space<semaphore_mem>>
        tpu.wait_indirect_dma semaphore(%dma_wait3A_639 : memref<!tpu.dma_semaphore, #tpu.memory_space<semaphore_mem>>) src(%dma_wait3A_631 : memref<256x16xf32, #tpu.memory_space<vmem>>) dst(%dma_wait3A_637 : memref<10496x16xf32, #tpu.memory_space<vmem_shared>>)
      } else {
      }
      %ge3A_552 = arith.constant 1 : i32
      %ge3A_553 = arith.cmpi sge, %add3A_385, %ge3A_552 : i32
      %sub3A_554 = arith.constant 1 : i32
      %sub3A_555 = arith.subi %add3A_385, %sub3A_554 : i32
      %mul3A_556 = arith.constant 4 : i32
      %mul3A_557 = arith.muli %sub3A_555, %mul3A_556 : i32
      %add3A_558 = arith.constant 2 : i32
      %add3A_559 = arith.addi %mul3A_557, %add3A_558 : i32
      %convert_element_type3A_560 = arith.extui %ge3A_553 : i1 to i32
      %cond3A_561 = arith.constant 0 : i32
      %cond3A_562 = arith.cmpi ne, %convert_element_type3A_560, %cond3A_561 : i32
      scf.if %cond3A_562 {
        %dma_wait3A_626 = arith.constant 2 : i32
        %dma_wait3A_627 = arith.constant 2 : i32
        %dma_wait3A_628 = arith.constant 0 : i32
        %dma_wait3A_629 = arith.constant 0 : i32
        %dma_wait3A_630 = tpu.memref_slice %arg8[%dma_wait3A_626, %dma_wait3A_628, %dma_wait3A_629] : memref<8x256x16xf32, #tpu.memory_space<vmem>> -> memref<1x256x16xf32, #tpu.memory_space<vmem>>
        %dma_wait3A_631 = tpu.memref_squeeze %dma_wait3A_630 : memref<1x256x16xf32, #tpu.memory_space<vmem>> -> memref<256x16xf32, #tpu.memory_space<vmem>>
        %dma_wait3A_632 = arith.constant 0 : i32
        %dma_wait3A_633 = tpu.memref_slice %arg7[%add3A_559, %dma_wait3A_632] : memref<40x256xi32, #tpu.memory_space<vmem>> -> memref<1x256xi32, #tpu.memory_space<vmem>>
        %dma_wait3A_634 = tpu.memref_squeeze %dma_wait3A_633 : memref<1x256xi32, #tpu.memory_space<vmem>> -> memref<256xi32, #tpu.memory_space<vmem>>
        %dma_wait3A_635 = arith.constant 0 : i32
        %dma_wait3A_636 = arith.constant 0 : i32
        %dma_wait3A_637 = tpu.memref_slice %arg11[%dma_wait3A_635, %dma_wait3A_636] : memref<10496x16xf32, #tpu.memory_space<vmem_shared>> -> memref<10496x16xf32, #tpu.memory_space<vmem_shared>>
        %dma_wait3A_638 = tpu.memref_slice %arg12[%dma_wait3A_627] : memref<8x!tpu.dma_semaphore, #tpu.memory_space<semaphore_mem>> -> memref<1x!tpu.dma_semaphore, #tpu.memory_space<semaphore_mem>>
        %dma_wait3A_639 = tpu.memref_squeeze %dma_wait3A_638 : memref<1x!tpu.dma_semaphore, #tpu.memory_space<semaphore_mem>> -> memref<!tpu.dma_semaphore, #tpu.memory_space<semaphore_mem>>
        tpu.wait_indirect_dma semaphore(%dma_wait3A_639 : memref<!tpu.dma_semaphore, #tpu.memory_space<semaphore_mem>>) src(%dma_wait3A_631 : memref<256x16xf32, #tpu.memory_space<vmem>>) dst(%dma_wait3A_637 : memref<10496x16xf32, #tpu.memory_space<vmem_shared>>)
      } else {
      }
      %ge3A_563 = arith.constant 1 : i32
      %ge3A_564 = arith.cmpi sge, %add3A_385, %ge3A_563 : i32
      %sub3A_565 = arith.constant 1 : i32
      %sub3A_566 = arith.subi %add3A_385, %sub3A_565 : i32
      %mul3A_567 = arith.constant 4 : i32
      %mul3A_568 = arith.muli %sub3A_566, %mul3A_567 : i32
      %add3A_569 = arith.constant 3 : i32
      %add3A_570 = arith.addi %mul3A_568, %add3A_569 : i32
      %convert_element_type3A_571 = arith.extui %ge3A_564 : i1 to i32
      %cond3A_572 = arith.constant 0 : i32
      %cond3A_573 = arith.cmpi ne, %convert_element_type3A_571, %cond3A_572 : i32
      scf.if %cond3A_573 {
        %dma_wait3A_626 = arith.constant 3 : i32
        %dma_wait3A_627 = arith.constant 3 : i32
        %dma_wait3A_628 = arith.constant 0 : i32
        %dma_wait3A_629 = arith.constant 0 : i32
        %dma_wait3A_630 = tpu.memref_slice %arg8[%dma_wait3A_626, %dma_wait3A_628, %dma_wait3A_629] : memref<8x256x16xf32, #tpu.memory_space<vmem>> -> memref<1x256x16xf32, #tpu.memory_space<vmem>>
        %dma_wait3A_631 = tpu.memref_squeeze %dma_wait3A_630 : memref<1x256x16xf32, #tpu.memory_space<vmem>> -> memref<256x16xf32, #tpu.memory_space<vmem>>
        %dma_wait3A_632 = arith.constant 0 : i32
        %dma_wait3A_633 = tpu.memref_slice %arg7[%add3A_570, %dma_wait3A_632] : memref<40x256xi32, #tpu.memory_space<vmem>> -> memref<1x256xi32, #tpu.memory_space<vmem>>
        %dma_wait3A_634 = tpu.memref_squeeze %dma_wait3A_633 : memref<1x256xi32, #tpu.memory_space<vmem>> -> memref<256xi32, #tpu.memory_space<vmem>>
        %dma_wait3A_635 = arith.constant 0 : i32
        %dma_wait3A_636 = arith.constant 0 : i32
        %dma_wait3A_637 = tpu.memref_slice %arg11[%dma_wait3A_635, %dma_wait3A_636] : memref<10496x16xf32, #tpu.memory_space<vmem_shared>> -> memref<10496x16xf32, #tpu.memory_space<vmem_shared>>
        %dma_wait3A_638 = tpu.memref_slice %arg12[%dma_wait3A_627] : memref<8x!tpu.dma_semaphore, #tpu.memory_space<semaphore_mem>> -> memref<1x!tpu.dma_semaphore, #tpu.memory_space<semaphore_mem>>
        %dma_wait3A_639 = tpu.memref_squeeze %dma_wait3A_638 : memref<1x!tpu.dma_semaphore, #tpu.memory_space<semaphore_mem>> -> memref<!tpu.dma_semaphore, #tpu.memory_space<semaphore_mem>>
        tpu.wait_indirect_dma semaphore(%dma_wait3A_639 : memref<!tpu.dma_semaphore, #tpu.memory_space<semaphore_mem>>) src(%dma_wait3A_631 : memref<256x16xf32, #tpu.memory_space<vmem>>) dst(%dma_wait3A_637 : memref<10496x16xf32, #tpu.memory_space<vmem_shared>>)
      } else {
      }
      %add3A_574 = arith.constant 1 : i32
      %add3A_575 = arith.addi %add3A_385, %add3A_574 : i32
      %lt3A_576 = arith.constant 10 : i32
      %lt3A_577 = arith.cmpi slt, %add3A_575, %lt3A_576 : i32
      %add3A_578 = arith.constant 1 : i32
      %add3A_579 = arith.addi %add3A_385, %add3A_578 : i32
      %mul3A_580 = arith.constant 4 : i32
      %mul3A_581 = arith.muli %add3A_579, %mul3A_580 : i32
      %add3A_582 = arith.constant 0 : i32
      %add3A_583 = arith.addi %mul3A_581, %add3A_582 : i32
      %convert_element_type3A_584 = arith.extui %lt3A_577 : i1 to i32
      %cond3A_585 = arith.constant 0 : i32
      %cond3A_586 = arith.cmpi ne, %convert_element_type3A_584, %cond3A_585 : i32
      scf.if %cond3A_586 {
        %dma_start3A_626 = arith.constant 0 : i32
        %dma_start3A_627 = arith.constant 0 : i32
        %dma_start3A_628 = arith.constant 0 : i32
        %dma_start3A_629 = arith.constant 0 : i32
        %dma_start3A_630 = tpu.memref_slice %arg8[%dma_start3A_626, %dma_start3A_628, %dma_start3A_629] : memref<8x256x16xf32, #tpu.memory_space<vmem>> -> memref<1x256x16xf32, #tpu.memory_space<vmem>>
        %dma_start3A_631 = tpu.memref_squeeze %dma_start3A_630 : memref<1x256x16xf32, #tpu.memory_space<vmem>> -> memref<256x16xf32, #tpu.memory_space<vmem>>
        %dma_start3A_632 = arith.constant 0 : i32
        %dma_start3A_633 = tpu.memref_slice %arg6[%add3A_583, %dma_start3A_632] : memref<40x256xi32, #tpu.memory_space<vmem>> -> memref<1x256xi32, #tpu.memory_space<vmem>>
        %dma_start3A_634 = tpu.memref_squeeze %dma_start3A_633 : memref<1x256xi32, #tpu.memory_space<vmem>> -> memref<256xi32, #tpu.memory_space<vmem>>
        %dma_start3A_635 = arith.constant 0 : i32
        %dma_start3A_636 = arith.constant 0 : i32
        %dma_start3A_637 = tpu.memref_slice %arg10[%dma_start3A_635, %dma_start3A_636] : memref<10496x16xf32, #tpu.memory_space<vmem_shared>> -> memref<10496x16xf32, #tpu.memory_space<vmem_shared>>
        %dma_start3A_638 = tpu.memref_slice %arg12[%dma_start3A_627] : memref<8x!tpu.dma_semaphore, #tpu.memory_space<semaphore_mem>> -> memref<1x!tpu.dma_semaphore, #tpu.memory_space<semaphore_mem>>
        %dma_start3A_639 = tpu.memref_squeeze %dma_start3A_638 : memref<1x!tpu.dma_semaphore, #tpu.memory_space<semaphore_mem>> -> memref<!tpu.dma_semaphore, #tpu.memory_space<semaphore_mem>>
        tpu.enqueue_indirect_dma source(%dma_start3A_637 : memref<10496x16xf32, #tpu.memory_space<vmem_shared>>) target(%dma_start3A_631 : memref<256x16xf32, #tpu.memory_space<vmem>>) offsets(%dma_start3A_634 : memref<256xi32, #tpu.memory_space<vmem>>) semaphore(%dma_start3A_639 : memref<!tpu.dma_semaphore, #tpu.memory_space<semaphore_mem>>)
      } else {
      }
      %add3A_587 = arith.constant 1 : i32
      %add3A_588 = arith.addi %add3A_385, %add3A_587 : i32
      %lt3A_589 = arith.constant 10 : i32
      %lt3A_590 = arith.cmpi slt, %add3A_588, %lt3A_589 : i32
      %add3A_591 = arith.constant 1 : i32
      %add3A_592 = arith.addi %add3A_385, %add3A_591 : i32
      %mul3A_593 = arith.constant 4 : i32
      %mul3A_594 = arith.muli %add3A_592, %mul3A_593 : i32
      %add3A_595 = arith.constant 1 : i32
      %add3A_596 = arith.addi %mul3A_594, %add3A_595 : i32
      %convert_element_type3A_597 = arith.extui %lt3A_590 : i1 to i32
      %cond3A_598 = arith.constant 0 : i32
      %cond3A_599 = arith.cmpi ne, %convert_element_type3A_597, %cond3A_598 : i32
      scf.if %cond3A_599 {
        %dma_start3A_626 = arith.constant 1 : i32
        %dma_start3A_627 = arith.constant 1 : i32
        %dma_start3A_628 = arith.constant 0 : i32
        %dma_start3A_629 = arith.constant 0 : i32
        %dma_start3A_630 = tpu.memref_slice %arg8[%dma_start3A_626, %dma_start3A_628, %dma_start3A_629] : memref<8x256x16xf32, #tpu.memory_space<vmem>> -> memref<1x256x16xf32, #tpu.memory_space<vmem>>
        %dma_start3A_631 = tpu.memref_squeeze %dma_start3A_630 : memref<1x256x16xf32, #tpu.memory_space<vmem>> -> memref<256x16xf32, #tpu.memory_space<vmem>>
        %dma_start3A_632 = arith.constant 0 : i32
        %dma_start3A_633 = tpu.memref_slice %arg6[%add3A_596, %dma_start3A_632] : memref<40x256xi32, #tpu.memory_space<vmem>> -> memref<1x256xi32, #tpu.memory_space<vmem>>
        %dma_start3A_634 = tpu.memref_squeeze %dma_start3A_633 : memref<1x256xi32, #tpu.memory_space<vmem>> -> memref<256xi32, #tpu.memory_space<vmem>>
        %dma_start3A_635 = arith.constant 0 : i32
        %dma_start3A_636 = arith.constant 0 : i32
        %dma_start3A_637 = tpu.memref_slice %arg10[%dma_start3A_635, %dma_start3A_636] : memref<10496x16xf32, #tpu.memory_space<vmem_shared>> -> memref<10496x16xf32, #tpu.memory_space<vmem_shared>>
        %dma_start3A_638 = tpu.memref_slice %arg12[%dma_start3A_627] : memref<8x!tpu.dma_semaphore, #tpu.memory_space<semaphore_mem>> -> memref<1x!tpu.dma_semaphore, #tpu.memory_space<semaphore_mem>>
        %dma_start3A_639 = tpu.memref_squeeze %dma_start3A_638 : memref<1x!tpu.dma_semaphore, #tpu.memory_space<semaphore_mem>> -> memref<!tpu.dma_semaphore, #tpu.memory_space<semaphore_mem>>
        tpu.enqueue_indirect_dma source(%dma_start3A_637 : memref<10496x16xf32, #tpu.memory_space<vmem_shared>>) target(%dma_start3A_631 : memref<256x16xf32, #tpu.memory_space<vmem>>) offsets(%dma_start3A_634 : memref<256xi32, #tpu.memory_space<vmem>>) semaphore(%dma_start3A_639 : memref<!tpu.dma_semaphore, #tpu.memory_space<semaphore_mem>>)
      } else {
      }
      %add3A_600 = arith.constant 1 : i32
      %add3A_601 = arith.addi %add3A_385, %add3A_600 : i32
      %lt3A_602 = arith.constant 10 : i32
      %lt3A_603 = arith.cmpi slt, %add3A_601, %lt3A_602 : i32
      %add3A_604 = arith.constant 1 : i32
      %add3A_605 = arith.addi %add3A_385, %add3A_604 : i32
      %mul3A_606 = arith.constant 4 : i32
      %mul3A_607 = arith.muli %add3A_605, %mul3A_606 : i32
      %add3A_608 = arith.constant 2 : i32
      %add3A_609 = arith.addi %mul3A_607, %add3A_608 : i32
      %convert_element_type3A_610 = arith.extui %lt3A_603 : i1 to i32
      %cond3A_611 = arith.constant 0 : i32
      %cond3A_612 = arith.cmpi ne, %convert_element_type3A_610, %cond3A_611 : i32
      scf.if %cond3A_612 {
        %dma_start3A_626 = arith.constant 2 : i32
        %dma_start3A_627 = arith.constant 2 : i32
        %dma_start3A_628 = arith.constant 0 : i32
        %dma_start3A_629 = arith.constant 0 : i32
        %dma_start3A_630 = tpu.memref_slice %arg8[%dma_start3A_626, %dma_start3A_628, %dma_start3A_629] : memref<8x256x16xf32, #tpu.memory_space<vmem>> -> memref<1x256x16xf32, #tpu.memory_space<vmem>>
        %dma_start3A_631 = tpu.memref_squeeze %dma_start3A_630 : memref<1x256x16xf32, #tpu.memory_space<vmem>> -> memref<256x16xf32, #tpu.memory_space<vmem>>
        %dma_start3A_632 = arith.constant 0 : i32
        %dma_start3A_633 = tpu.memref_slice %arg6[%add3A_609, %dma_start3A_632] : memref<40x256xi32, #tpu.memory_space<vmem>> -> memref<1x256xi32, #tpu.memory_space<vmem>>
        %dma_start3A_634 = tpu.memref_squeeze %dma_start3A_633 : memref<1x256xi32, #tpu.memory_space<vmem>> -> memref<256xi32, #tpu.memory_space<vmem>>
        %dma_start3A_635 = arith.constant 0 : i32
        %dma_start3A_636 = arith.constant 0 : i32
        %dma_start3A_637 = tpu.memref_slice %arg10[%dma_start3A_635, %dma_start3A_636] : memref<10496x16xf32, #tpu.memory_space<vmem_shared>> -> memref<10496x16xf32, #tpu.memory_space<vmem_shared>>
        %dma_start3A_638 = tpu.memref_slice %arg12[%dma_start3A_627] : memref<8x!tpu.dma_semaphore, #tpu.memory_space<semaphore_mem>> -> memref<1x!tpu.dma_semaphore, #tpu.memory_space<semaphore_mem>>
        %dma_start3A_639 = tpu.memref_squeeze %dma_start3A_638 : memref<1x!tpu.dma_semaphore, #tpu.memory_space<semaphore_mem>> -> memref<!tpu.dma_semaphore, #tpu.memory_space<semaphore_mem>>
        tpu.enqueue_indirect_dma source(%dma_start3A_637 : memref<10496x16xf32, #tpu.memory_space<vmem_shared>>) target(%dma_start3A_631 : memref<256x16xf32, #tpu.memory_space<vmem>>) offsets(%dma_start3A_634 : memref<256xi32, #tpu.memory_space<vmem>>) semaphore(%dma_start3A_639 : memref<!tpu.dma_semaphore, #tpu.memory_space<semaphore_mem>>)
      } else {
      }
      %add3A_613 = arith.constant 1 : i32
      %add3A_614 = arith.addi %add3A_385, %add3A_613 : i32
      %lt3A_615 = arith.constant 10 : i32
      %lt3A_616 = arith.cmpi slt, %add3A_614, %lt3A_615 : i32
      %add3A_617 = arith.constant 1 : i32
      %add3A_618 = arith.addi %add3A_385, %add3A_617 : i32
      %mul3A_619 = arith.constant 4 : i32
      %mul3A_620 = arith.muli %add3A_618, %mul3A_619 : i32
      %add3A_621 = arith.constant 3 : i32
      %add3A_622 = arith.addi %mul3A_620, %add3A_621 : i32
      %convert_element_type3A_623 = arith.extui %lt3A_616 : i1 to i32
      %cond3A_624 = arith.constant 0 : i32
      %cond3A_625 = arith.cmpi ne, %convert_element_type3A_623, %cond3A_624 : i32
      scf.if %cond3A_625 {
        %dma_start3A_626 = arith.constant 3 : i32
        %dma_start3A_627 = arith.constant 3 : i32
        %dma_start3A_628 = arith.constant 0 : i32
        %dma_start3A_629 = arith.constant 0 : i32
        %dma_start3A_630 = tpu.memref_slice %arg8[%dma_start3A_626, %dma_start3A_628, %dma_start3A_629] : memref<8x256x16xf32, #tpu.memory_space<vmem>> -> memref<1x256x16xf32, #tpu.memory_space<vmem>>
        %dma_start3A_631 = tpu.memref_squeeze %dma_start3A_630 : memref<1x256x16xf32, #tpu.memory_space<vmem>> -> memref<256x16xf32, #tpu.memory_space<vmem>>
        %dma_start3A_632 = arith.constant 0 : i32
        %dma_start3A_633 = tpu.memref_slice %arg6[%add3A_622, %dma_start3A_632] : memref<40x256xi32, #tpu.memory_space<vmem>> -> memref<1x256xi32, #tpu.memory_space<vmem>>
        %dma_start3A_634 = tpu.memref_squeeze %dma_start3A_633 : memref<1x256xi32, #tpu.memory_space<vmem>> -> memref<256xi32, #tpu.memory_space<vmem>>
        %dma_start3A_635 = arith.constant 0 : i32
        %dma_start3A_636 = arith.constant 0 : i32
        %dma_start3A_637 = tpu.memref_slice %arg10[%dma_start3A_635, %dma_start3A_636] : memref<10496x16xf32, #tpu.memory_space<vmem_shared>> -> memref<10496x16xf32, #tpu.memory_space<vmem_shared>>
        %dma_start3A_638 = tpu.memref_slice %arg12[%dma_start3A_627] : memref<8x!tpu.dma_semaphore, #tpu.memory_space<semaphore_mem>> -> memref<1x!tpu.dma_semaphore, #tpu.memory_space<semaphore_mem>>
        %dma_start3A_639 = tpu.memref_squeeze %dma_start3A_638 : memref<1x!tpu.dma_semaphore, #tpu.memory_space<semaphore_mem>> -> memref<!tpu.dma_semaphore, #tpu.memory_space<semaphore_mem>>
        tpu.enqueue_indirect_dma source(%dma_start3A_637 : memref<10496x16xf32, #tpu.memory_space<vmem_shared>>) target(%dma_start3A_631 : memref<256x16xf32, #tpu.memory_space<vmem>>) offsets(%dma_start3A_634 : memref<256xi32, #tpu.memory_space<vmem>>) semaphore(%dma_start3A_639 : memref<!tpu.dma_semaphore, #tpu.memory_space<semaphore_mem>>)
      } else {
      }
    }
    %scan3A_80 = arith.constant 5 : i32
    %dma_wait3A_81 = arith.constant 4 : i32
    %dma_wait3A_82 = arith.constant 36 : i32
    %dma_wait3A_83 = arith.constant 4 : i32
    %dma_wait3A_84 = arith.constant 0 : i32
    %dma_wait3A_85 = arith.constant 0 : i32
    %dma_wait3A_86 = tpu.memref_slice %arg8[%dma_wait3A_81, %dma_wait3A_84, %dma_wait3A_85] : memref<8x256x16xf32, #tpu.memory_space<vmem>> -> memref<1x256x16xf32, #tpu.memory_space<vmem>>
    %dma_wait3A_87 = tpu.memref_squeeze %dma_wait3A_86 : memref<1x256x16xf32, #tpu.memory_space<vmem>> -> memref<256x16xf32, #tpu.memory_space<vmem>>
    %dma_wait3A_88 = arith.constant 0 : i32
    %dma_wait3A_89 = tpu.memref_slice %arg7[%dma_wait3A_82, %dma_wait3A_88] : memref<40x256xi32, #tpu.memory_space<vmem>> -> memref<1x256xi32, #tpu.memory_space<vmem>>
    %dma_wait3A_90 = tpu.memref_squeeze %dma_wait3A_89 : memref<1x256xi32, #tpu.memory_space<vmem>> -> memref<256xi32, #tpu.memory_space<vmem>>
    %dma_wait3A_91 = arith.constant 0 : i32
    %dma_wait3A_92 = arith.constant 0 : i32
    %dma_wait3A_93 = tpu.memref_slice %arg11[%dma_wait3A_91, %dma_wait3A_92] : memref<10496x16xf32, #tpu.memory_space<vmem_shared>> -> memref<10496x16xf32, #tpu.memory_space<vmem_shared>>
    %dma_wait3A_94 = tpu.memref_slice %arg12[%dma_wait3A_83] : memref<8x!tpu.dma_semaphore, #tpu.memory_space<semaphore_mem>> -> memref<1x!tpu.dma_semaphore, #tpu.memory_space<semaphore_mem>>
    %dma_wait3A_95 = tpu.memref_squeeze %dma_wait3A_94 : memref<1x!tpu.dma_semaphore, #tpu.memory_space<semaphore_mem>> -> memref<!tpu.dma_semaphore, #tpu.memory_space<semaphore_mem>>
    tpu.wait_indirect_dma semaphore(%dma_wait3A_95 : memref<!tpu.dma_semaphore, #tpu.memory_space<semaphore_mem>>) src(%dma_wait3A_87 : memref<256x16xf32, #tpu.memory_space<vmem>>) dst(%dma_wait3A_93 : memref<10496x16xf32, #tpu.memory_space<vmem_shared>>)
    %dma_wait3A_96 = arith.constant 5 : i32
    %dma_wait3A_97 = arith.constant 37 : i32
    %dma_wait3A_98 = arith.constant 5 : i32
    %dma_wait3A_99 = arith.constant 0 : i32
    %dma_wait3A_100 = arith.constant 0 : i32
    %dma_wait3A_101 = tpu.memref_slice %arg8[%dma_wait3A_96, %dma_wait3A_99, %dma_wait3A_100] : memref<8x256x16xf32, #tpu.memory_space<vmem>> -> memref<1x256x16xf32, #tpu.memory_space<vmem>>
    %dma_wait3A_102 = tpu.memref_squeeze %dma_wait3A_101 : memref<1x256x16xf32, #tpu.memory_space<vmem>> -> memref<256x16xf32, #tpu.memory_space<vmem>>
    %dma_wait3A_103 = arith.constant 0 : i32
    %dma_wait3A_104 = tpu.memref_slice %arg7[%dma_wait3A_97, %dma_wait3A_103] : memref<40x256xi32, #tpu.memory_space<vmem>> -> memref<1x256xi32, #tpu.memory_space<vmem>>
    %dma_wait3A_105 = tpu.memref_squeeze %dma_wait3A_104 : memref<1x256xi32, #tpu.memory_space<vmem>> -> memref<256xi32, #tpu.memory_space<vmem>>
    %dma_wait3A_106 = arith.constant 0 : i32
    %dma_wait3A_107 = arith.constant 0 : i32
    %dma_wait3A_108 = tpu.memref_slice %arg11[%dma_wait3A_106, %dma_wait3A_107] : memref<10496x16xf32, #tpu.memory_space<vmem_shared>> -> memref<10496x16xf32, #tpu.memory_space<vmem_shared>>
    %dma_wait3A_109 = tpu.memref_slice %arg12[%dma_wait3A_98] : memref<8x!tpu.dma_semaphore, #tpu.memory_space<semaphore_mem>> -> memref<1x!tpu.dma_semaphore, #tpu.memory_space<semaphore_mem>>
    %dma_wait3A_110 = tpu.memref_squeeze %dma_wait3A_109 : memref<1x!tpu.dma_semaphore, #tpu.memory_space<semaphore_mem>> -> memref<!tpu.dma_semaphore, #tpu.memory_space<semaphore_mem>>
    tpu.wait_indirect_dma semaphore(%dma_wait3A_110 : memref<!tpu.dma_semaphore, #tpu.memory_space<semaphore_mem>>) src(%dma_wait3A_102 : memref<256x16xf32, #tpu.memory_space<vmem>>) dst(%dma_wait3A_108 : memref<10496x16xf32, #tpu.memory_space<vmem_shared>>)
    %dma_wait3A_111 = arith.constant 6 : i32
    %dma_wait3A_112 = arith.constant 38 : i32
    %dma_wait3A_113 = arith.constant 6 : i32
    %dma_wait3A_114 = arith.constant 0 : i32
    %dma_wait3A_115 = arith.constant 0 : i32
    %dma_wait3A_116 = tpu.memref_slice %arg8[%dma_wait3A_111, %dma_wait3A_114, %dma_wait3A_115] : memref<8x256x16xf32, #tpu.memory_space<vmem>> -> memref<1x256x16xf32, #tpu.memory_space<vmem>>
    %dma_wait3A_117 = tpu.memref_squeeze %dma_wait3A_116 : memref<1x256x16xf32, #tpu.memory_space<vmem>> -> memref<256x16xf32, #tpu.memory_space<vmem>>
    %dma_wait3A_118 = arith.constant 0 : i32
    %dma_wait3A_119 = tpu.memref_slice %arg7[%dma_wait3A_112, %dma_wait3A_118] : memref<40x256xi32, #tpu.memory_space<vmem>> -> memref<1x256xi32, #tpu.memory_space<vmem>>
    %dma_wait3A_120 = tpu.memref_squeeze %dma_wait3A_119 : memref<1x256xi32, #tpu.memory_space<vmem>> -> memref<256xi32, #tpu.memory_space<vmem>>
    %dma_wait3A_121 = arith.constant 0 : i32
    %dma_wait3A_122 = arith.constant 0 : i32
    %dma_wait3A_123 = tpu.memref_slice %arg11[%dma_wait3A_121, %dma_wait3A_122] : memref<10496x16xf32, #tpu.memory_space<vmem_shared>> -> memref<10496x16xf32, #tpu.memory_space<vmem_shared>>
    %dma_wait3A_124 = tpu.memref_slice %arg12[%dma_wait3A_113] : memref<8x!tpu.dma_semaphore, #tpu.memory_space<semaphore_mem>> -> memref<1x!tpu.dma_semaphore, #tpu.memory_space<semaphore_mem>>
    %dma_wait3A_125 = tpu.memref_squeeze %dma_wait3A_124 : memref<1x!tpu.dma_semaphore, #tpu.memory_space<semaphore_mem>> -> memref<!tpu.dma_semaphore, #tpu.memory_space<semaphore_mem>>
    tpu.wait_indirect_dma semaphore(%dma_wait3A_125 : memref<!tpu.dma_semaphore, #tpu.memory_space<semaphore_mem>>) src(%dma_wait3A_117 : memref<256x16xf32, #tpu.memory_space<vmem>>) dst(%dma_wait3A_123 : memref<10496x16xf32, #tpu.memory_space<vmem_shared>>)
    %dma_wait3A_126 = arith.constant 7 : i32
    %dma_wait3A_127 = arith.constant 39 : i32
    %dma_wait3A_128 = arith.constant 7 : i32
    %dma_wait3A_129 = arith.constant 0 : i32
    %dma_wait3A_130 = arith.constant 0 : i32
    %dma_wait3A_131 = tpu.memref_slice %arg8[%dma_wait3A_126, %dma_wait3A_129, %dma_wait3A_130] : memref<8x256x16xf32, #tpu.memory_space<vmem>> -> memref<1x256x16xf32, #tpu.memory_space<vmem>>
    %dma_wait3A_132 = tpu.memref_squeeze %dma_wait3A_131 : memref<1x256x16xf32, #tpu.memory_space<vmem>> -> memref<256x16xf32, #tpu.memory_space<vmem>>
    %dma_wait3A_133 = arith.constant 0 : i32
    %dma_wait3A_134 = tpu.memref_slice %arg7[%dma_wait3A_127, %dma_wait3A_133] : memref<40x256xi32, #tpu.memory_space<vmem>> -> memref<1x256xi32, #tpu.memory_space<vmem>>
    %dma_wait3A_135 = tpu.memref_squeeze %dma_wait3A_134 : memref<1x256xi32, #tpu.memory_space<vmem>> -> memref<256xi32, #tpu.memory_space<vmem>>
    %dma_wait3A_136 = arith.constant 0 : i32
    %dma_wait3A_137 = arith.constant 0 : i32
    %dma_wait3A_138 = tpu.memref_slice %arg11[%dma_wait3A_136, %dma_wait3A_137] : memref<10496x16xf32, #tpu.memory_space<vmem_shared>> -> memref<10496x16xf32, #tpu.memory_space<vmem_shared>>
    %dma_wait3A_139 = tpu.memref_slice %arg12[%dma_wait3A_128] : memref<8x!tpu.dma_semaphore, #tpu.memory_space<semaphore_mem>> -> memref<1x!tpu.dma_semaphore, #tpu.memory_space<semaphore_mem>>
    %dma_wait3A_140 = tpu.memref_squeeze %dma_wait3A_139 : memref<1x!tpu.dma_semaphore, #tpu.memory_space<semaphore_mem>> -> memref<!tpu.dma_semaphore, #tpu.memory_space<semaphore_mem>>
    tpu.wait_indirect_dma semaphore(%dma_wait3A_140 : memref<!tpu.dma_semaphore, #tpu.memory_space<semaphore_mem>>) src(%dma_wait3A_132 : memref<256x16xf32, #tpu.memory_space<vmem>>) dst(%dma_wait3A_138 : memref<10496x16xf32, #tpu.memory_space<vmem_shared>>)
    %barrier3A_141 = arith.constant 0 : index
    tpu.barrier barrier_id(%barrier3A_141)
    "tpu.region"() ({
      %run_scoped3A = tpu.sem_alloc : memref<!tpu.dma_semaphore, #tpu.memory_space<semaphore_mem>>
      %dma_start3A_142 = arith.constant 0 : i32
      %dma_start3A_143 = tpu.memref_slice %arg11[%multiple_of3A, %dma_start3A_142] : memref<10496x16xf32, #tpu.memory_space<vmem_shared>> -> memref<656x16xf32, #tpu.memory_space<vmem_shared>>
      %dma_start3A_144 = arith.constant 0 : i32
      %dma_start3A_145 = tpu.memref_slice %arg11[%multiple_of3A, %dma_start3A_144] : memref<10496x16xf32, #tpu.memory_space<vmem_shared>> -> memref<656x16xf32, #tpu.memory_space<vmem_shared>>
      tpu.enqueue_dma source(%dma_start3A_145 : memref<656x16xf32, #tpu.memory_space<vmem_shared>>) target(%arg9 : memref<656x16xf32, #tpu.memory_space<vmem>>) target_semaphore(%run_scoped3A : memref<!tpu.dma_semaphore, #tpu.memory_space<semaphore_mem>>)
      %dma_wait3A_146 = arith.constant 0 : i32
      %dma_wait3A_147 = tpu.memref_slice %arg11[%multiple_of3A, %dma_wait3A_146] : memref<10496x16xf32, #tpu.memory_space<vmem_shared>> -> memref<656x16xf32, #tpu.memory_space<vmem_shared>>
      %dma_wait3A_148 = arith.constant 0 : i32
      %dma_wait3A_149 = tpu.memref_slice %arg11[%multiple_of3A, %dma_wait3A_148] : memref<10496x16xf32, #tpu.memory_space<vmem_shared>> -> memref<656x16xf32, #tpu.memory_space<vmem_shared>>
      tpu.wait_dma2 semaphore(%run_scoped3A : memref<!tpu.dma_semaphore, #tpu.memory_space<semaphore_mem>>) src(%dma_wait3A_149 : memref<656x16xf32, #tpu.memory_space<vmem_shared>>) dst(%arg9 : memref<656x16xf32, #tpu.memory_space<vmem>>)
      tpu.yield
    }) : () -> ()
    "tpu.region"() ({
      %run_scoped3A = tpu.sem_alloc : memref<!tpu.dma_semaphore, #tpu.memory_space<semaphore_mem>>
      %dma_start3A_142 = arith.constant 0 : i32
      %dma_start3A_143 = tpu.memref_slice %arg5[%multiple_of3A_5, %dma_start3A_142] : memref<20992x16xf32, #tpu.memory_space<hbm>> -> memref<656x16xf32, #tpu.memory_space<hbm>>
      %dma_start3A_144 = arith.constant 0 : i32
      %dma_start3A_145 = tpu.memref_slice %arg5[%multiple_of3A_5, %dma_start3A_144] : memref<20992x16xf32, #tpu.memory_space<hbm>> -> memref<656x16xf32, #tpu.memory_space<hbm>>
      tpu.enqueue_dma source(%arg9 : memref<656x16xf32, #tpu.memory_space<vmem>>) target(%dma_start3A_145 : memref<656x16xf32, #tpu.memory_space<hbm>>) target_semaphore(%run_scoped3A : memref<!tpu.dma_semaphore, #tpu.memory_space<semaphore_mem>>)
      %dma_wait3A_146 = arith.constant 0 : i32
      %dma_wait3A_147 = tpu.memref_slice %arg5[%multiple_of3A_5, %dma_wait3A_146] : memref<20992x16xf32, #tpu.memory_space<hbm>> -> memref<656x16xf32, #tpu.memory_space<hbm>>
      %dma_wait3A_148 = arith.constant 0 : i32
      %dma_wait3A_149 = tpu.memref_slice %arg5[%multiple_of3A_5, %dma_wait3A_148] : memref<20992x16xf32, #tpu.memory_space<hbm>> -> memref<656x16xf32, #tpu.memory_space<hbm>>
      tpu.wait_dma2 semaphore(%run_scoped3A : memref<!tpu.dma_semaphore, #tpu.memory_space<semaphore_mem>>) src(%arg9 : memref<656x16xf32, #tpu.memory_space<vmem>>) dst(%dma_wait3A_149 : memref<656x16xf32, #tpu.memory_space<hbm>>)
      tpu.yield
    }) : () -> ()
    return
  }
}

module attributes {stable_mosaic.version = 14 : i64} {
  func.func @_tc1_body(%arg0: memref<10496x128xf32, #tpu.memory_space<vmem>>, %arg1: memref<128x16xf32, #tpu.memory_space<vmem>>, %arg2: memref<1312x128xf32, #tpu.memory_space<vmem>>) attributes {dimension_semantics = [], scalar_prefetch = 0 : i64, scratch_operands = 0 : i64, tpu.core_type = #tpu.core_type<tc>} {
    %get3A = arith.constant 0 : index
    %get3A_0 = arith.constant 0 : index
    %get3A_1 = vector.load %arg0[%get3A, %get3A_0] : memref<10496x128xf32, #tpu.memory_space<vmem>>, vector<10496x128xf32>
    %get3A_2 = arith.constant 0 : index
    %get3A_3 = arith.constant 0 : index
    %get3A_4 = vector.load %arg1[%get3A_2, %get3A_3] : memref<128x16xf32, #tpu.memory_space<vmem>>, vector<128x16xf32>
    %dot_general3A = arith.constant dense<0.000000e+00> : vector<10496x16xf32>
    %dot_general3A_5 = tpu.matmul %get3A_1, %get3A_4, %dot_general3A {dimension_numbers = #tpu.dot_dimension_numbers<[1], [0], [0], [1], [0, 0, 1, 1], [], []>, precision = #tpu.contract_precision<fp32>, transpose_lhs_hint = false} : vector<10496x128xf32>, vector<128x16xf32>, vector<10496x16xf32> -> vector<10496x16xf32>
    %slice3A = vector.extract_strided_slice %dot_general3A_5 {offsets = [0, 0], sizes = [1312, 16], strides = [1, 1]} : vector<10496x16xf32> to vector<1312x16xf32>
    %swap3A = arith.constant 0 : index
    %swap3A_6 = arith.constant 0 : index
    %swap3A_7 = vector.load %arg2[%swap3A, %swap3A_6] : memref<1312x128xf32, #tpu.memory_space<vmem>>, vector<1312x16xf32>
    tpu.vector_store %arg2[%swap3A, %swap3A_6], %slice3A {strides = array<i32>} : memref<1312x128xf32, #tpu.memory_space<vmem>>, vector<1312x16xf32>,
    %slice3A_8 = vector.extract_strided_slice %dot_general3A_5 {offsets = [1312, 0], sizes = [1312, 16], strides = [1, 1]} : vector<10496x16xf32> to vector<1312x16xf32>
    %swap3A_9 = arith.constant 0 : index
    %swap3A_10 = arith.constant 16 : index
    %swap3A_11 = vector.load %arg2[%swap3A_9, %swap3A_10] : memref<1312x128xf32, #tpu.memory_space<vmem>>, vector<1312x16xf32>
    tpu.vector_store %arg2[%swap3A_9, %swap3A_10], %slice3A_8 {strides = array<i32>} : memref<1312x128xf32, #tpu.memory_space<vmem>>, vector<1312x16xf32>,
    %slice3A_12 = vector.extract_strided_slice %dot_general3A_5 {offsets = [2624, 0], sizes = [1312, 16], strides = [1, 1]} : vector<10496x16xf32> to vector<1312x16xf32>
    %swap3A_13 = arith.constant 0 : index
    %swap3A_14 = arith.constant 32 : index
    %swap3A_15 = vector.load %arg2[%swap3A_13, %swap3A_14] : memref<1312x128xf32, #tpu.memory_space<vmem>>, vector<1312x16xf32>
    tpu.vector_store %arg2[%swap3A_13, %swap3A_14], %slice3A_12 {strides = array<i32>} : memref<1312x128xf32, #tpu.memory_space<vmem>>, vector<1312x16xf32>,
    %slice3A_16 = vector.extract_strided_slice %dot_general3A_5 {offsets = [3936, 0], sizes = [1312, 16], strides = [1, 1]} : vector<10496x16xf32> to vector<1312x16xf32>
    %swap3A_17 = arith.constant 0 : index
    %swap3A_18 = arith.constant 48 : index
    %swap3A_19 = vector.load %arg2[%swap3A_17, %swap3A_18] : memref<1312x128xf32, #tpu.memory_space<vmem>>, vector<1312x16xf32>
    tpu.vector_store %arg2[%swap3A_17, %swap3A_18], %slice3A_16 {strides = array<i32>} : memref<1312x128xf32, #tpu.memory_space<vmem>>, vector<1312x16xf32>,
    %slice3A_20 = vector.extract_strided_slice %dot_general3A_5 {offsets = [5248, 0], sizes = [1312, 16], strides = [1, 1]} : vector<10496x16xf32> to vector<1312x16xf32>
    %swap3A_21 = arith.constant 0 : index
    %swap3A_22 = arith.constant 64 : index
    %swap3A_23 = vector.load %arg2[%swap3A_21, %swap3A_22] : memref<1312x128xf32, #tpu.memory_space<vmem>>, vector<1312x16xf32>
    tpu.vector_store %arg2[%swap3A_21, %swap3A_22], %slice3A_20 {strides = array<i32>} : memref<1312x128xf32, #tpu.memory_space<vmem>>, vector<1312x16xf32>,
    %slice3A_24 = vector.extract_strided_slice %dot_general3A_5 {offsets = [6560, 0], sizes = [1312, 16], strides = [1, 1]} : vector<10496x16xf32> to vector<1312x16xf32>
    %swap3A_25 = arith.constant 0 : index
    %swap3A_26 = arith.constant 80 : index
    %swap3A_27 = vector.load %arg2[%swap3A_25, %swap3A_26] : memref<1312x128xf32, #tpu.memory_space<vmem>>, vector<1312x16xf32>
    tpu.vector_store %arg2[%swap3A_25, %swap3A_26], %slice3A_24 {strides = array<i32>} : memref<1312x128xf32, #tpu.memory_space<vmem>>, vector<1312x16xf32>,
    %slice3A_28 = vector.extract_strided_slice %dot_general3A_5 {offsets = [7872, 0], sizes = [1312, 16], strides = [1, 1]} : vector<10496x16xf32> to vector<1312x16xf32>
    %swap3A_29 = arith.constant 0 : index
    %swap3A_30 = arith.constant 96 : index
    %swap3A_31 = vector.load %arg2[%swap3A_29, %swap3A_30] : memref<1312x128xf32, #tpu.memory_space<vmem>>, vector<1312x16xf32>
    tpu.vector_store %arg2[%swap3A_29, %swap3A_30], %slice3A_28 {strides = array<i32>} : memref<1312x128xf32, #tpu.memory_space<vmem>>, vector<1312x16xf32>,
    %slice3A_32 = vector.extract_strided_slice %dot_general3A_5 {offsets = [9184, 0], sizes = [1312, 16], strides = [1, 1]} : vector<10496x16xf32> to vector<1312x16xf32>
    %swap3A_33 = arith.constant 0 : index
    %swap3A_34 = arith.constant 112 : index
    %swap3A_35 = vector.load %arg2[%swap3A_33, %swap3A_34] : memref<1312x128xf32, #tpu.memory_space<vmem>>, vector<1312x16xf32>
    tpu.vector_store %arg2[%swap3A_33, %swap3A_34], %slice3A_32 {strides = array<i32>} : memref<1312x128xf32, #tpu.memory_space<vmem>>, vector<1312x16xf32>,
    return
  }
}

module attributes {stable_mosaic.version = 14 : i64} {
  func.func @_tc2_body(%arg0: memref<2624x128xf32, #tpu.memory_space<vmem>>, %arg1: memref<1312x128xf32, #tpu.memory_space<vmem>>, %arg2: memref<1312x8xf32, #tpu.memory_space<vmem>>, %arg3: memref<8x128xf32, #tpu.memory_space<vmem>>, %arg4: memref<128x128xf32, #tpu.memory_space<vmem>>, %arg5: memref<128xf32, #tpu.memory_space<vmem>>, %arg6: memref<1312x128xf32, #tpu.memory_space<vmem>>) attributes {dimension_semantics = [], scalar_prefetch = 0 : i64, scratch_operands = 0 : i64, tpu.core_type = #tpu.core_type<tc>} {
    %get3A = arith.constant 0 : index
    %get3A_0 = arith.constant 0 : index
    %get3A_1 = vector.load %arg2[%get3A, %get3A_0] : memref<1312x8xf32, #tpu.memory_space<vmem>>, vector<1312x8xf32>
    %add3A = arith.constant 1.000000e+00 : f32
    %add3A_2 = vector.broadcast %add3A : f32 to vector<1312x8xf32>
    %add3A_3 = arith.addf %get3A_1, %add3A_2 : vector<1312x8xf32>
    %rsqrt3A = math.rsqrt %add3A_3 : vector<1312x8xf32>
    %get3A_4 = arith.constant 0 : index
    %get3A_5 = arith.constant 0 : index
    %get3A_6 = vector.load %arg3[%get3A_4, %get3A_5] : memref<8x128xf32, #tpu.memory_space<vmem>>, vector<8x128xf32>
    %dot_general3A = arith.constant dense<0.000000e+00> : vector<1312x128xf32>
    %dot_general3A_7 = tpu.matmul %rsqrt3A, %get3A_6, %dot_general3A {dimension_numbers = #tpu.dot_dimension_numbers<[1], [0], [0], [1], [0, 0, 1, 1], [], []>, precision = #tpu.contract_precision<fp32>, transpose_lhs_hint = false} : vector<1312x8xf32>, vector<8x128xf32>, vector<1312x128xf32> -> vector<1312x128xf32>
    %get3A_8 = arith.constant 0 : index
    %get3A_9 = arith.constant 0 : index
    %get3A_10 = vector.load %arg1[%get3A_8, %get3A_9] : memref<1312x128xf32, #tpu.memory_space<vmem>>, vector<1312x128xf32>
    %mul3A = arith.mulf %get3A_10, %dot_general3A_7 : vector<1312x128xf32>
    %get3A_11 = arith.constant 0 : index
    %get3A_12 = arith.constant 0 : index
    %get3A_13 = vector.load %arg0[%get3A_11, %get3A_12] : memref<2624x128xf32, #tpu.memory_space<vmem>>, vector<1312x128xf32>
    %get3A_14 = arith.constant 1312 : index
    %get3A_15 = arith.constant 0 : index
    %get3A_16 = vector.load %arg0[%get3A_14, %get3A_15] : memref<2624x128xf32, #tpu.memory_space<vmem>>, vector<1312x128xf32>
    %add3A_17 = arith.addf %get3A_13, %get3A_16 : vector<1312x128xf32>
    %add3A_18 = arith.addf %add3A_17, %mul3A : vector<1312x128xf32>
    %mul3A_19 = arith.mulf %dot_general3A_7, %add3A_18 : vector<1312x128xf32>
    %get3A_20 = arith.constant 0 : index
    %get3A_21 = vector.load %arg5[%get3A_20] : memref<128xf32, #tpu.memory_space<vmem>>, vector<128xf32>
    %broadcast_in_dim3A = vector.shape_cast %get3A_21 : vector<128xf32> to vector<1x128xf32>
    %add3A_22 = vector.broadcast %broadcast_in_dim3A : vector<1x128xf32> to vector<1312x128xf32>
    %add3A_23 = arith.addf %mul3A_19, %add3A_22 : vector<1312x128xf32>
    %max3A = arith.constant 0.000000e+00 : f32
    %max3A_24 = vector.broadcast %max3A : f32 to vector<1312x128xf32>
    %max3A_25 = arith.maximumf %add3A_23, %max3A_24 : vector<1312x128xf32>
    %get3A_26 = arith.constant 0 : index
    %get3A_27 = arith.constant 0 : index
    %get3A_28 = vector.load %arg4[%get3A_26, %get3A_27] : memref<128x128xf32, #tpu.memory_space<vmem>>, vector<128x128xf32>
    %dot_general3A_29 = arith.constant dense<0.000000e+00> : vector<1312x128xf32>
    %dot_general3A_30 = tpu.matmul %max3A_25, %get3A_28, %dot_general3A_29 {dimension_numbers = #tpu.dot_dimension_numbers<[1], [0], [0], [1], [0, 0, 1, 1], [], []>, precision = #tpu.contract_precision<fp32>, transpose_lhs_hint = false} : vector<1312x128xf32>, vector<128x128xf32>, vector<1312x128xf32> -> vector<1312x128xf32>
    %mul3A_31 = arith.mulf %dot_general3A_30, %dot_general3A_7 : vector<1312x128xf32>
    %swap3A = arith.constant 0 : index
    %swap3A_32 = arith.constant 0 : index
    %swap3A_33 = vector.load %arg6[%swap3A, %swap3A_32] : memref<1312x128xf32, #tpu.memory_space<vmem>>, vector<1312x128xf32>
    tpu.vector_store %arg6[%swap3A, %swap3A_32], %mul3A_31 {strides = array<i32>} : memref<1312x128xf32, #tpu.memory_space<vmem>>, vector<1312x128xf32>,
    return
  }
}

module attributes {stable_mosaic.version = 14 : i64} {
  func.func @_tc3_body(%arg0: memref<2624x128xf32, #tpu.memory_space<vmem>>, %arg1: memref<1312x128xf32, #tpu.memory_space<vmem>>, %arg2: memref<1312x8xf32, #tpu.memory_space<vmem>>, %arg3: memref<8x128xf32, #tpu.memory_space<vmem>>, %arg4: memref<128xf32, #tpu.memory_space<vmem>>, %arg5: memref<10496x16xf32, #tpu.memory_space<vmem>>) attributes {dimension_semantics = [], scalar_prefetch = 0 : i64, scratch_operands = 0 : i64, tpu.core_type = #tpu.core_type<tc>} {
    %get3A = arith.constant 0 : index
    %get3A_0 = arith.constant 0 : index
    %get3A_1 = vector.load %arg2[%get3A, %get3A_0] : memref<1312x8xf32, #tpu.memory_space<vmem>>, vector<1312x8xf32>
    %add3A = arith.constant 1.000000e+00 : f32
    %add3A_2 = vector.broadcast %add3A : f32 to vector<1312x8xf32>
    %add3A_3 = arith.addf %get3A_1, %add3A_2 : vector<1312x8xf32>
    %rsqrt3A = math.rsqrt %add3A_3 : vector<1312x8xf32>
    %get3A_4 = arith.constant 0 : index
    %get3A_5 = arith.constant 0 : index
    %get3A_6 = vector.load %arg3[%get3A_4, %get3A_5] : memref<8x128xf32, #tpu.memory_space<vmem>>, vector<8x128xf32>
    %dot_general3A = arith.constant dense<0.000000e+00> : vector<1312x128xf32>
    %dot_general3A_7 = tpu.matmul %rsqrt3A, %get3A_6, %dot_general3A {dimension_numbers = #tpu.dot_dimension_numbers<[1], [0], [0], [1], [0, 0, 1, 1], [], []>, precision = #tpu.contract_precision<fp32>, transpose_lhs_hint = false} : vector<1312x8xf32>, vector<8x128xf32>, vector<1312x128xf32> -> vector<1312x128xf32>
    %get3A_8 = arith.constant 0 : index
    %get3A_9 = arith.constant 0 : index
    %get3A_10 = vector.load %arg0[%get3A_8, %get3A_9] : memref<2624x128xf32, #tpu.memory_space<vmem>>, vector<1312x128xf32>
    %get3A_11 = arith.constant 1312 : index
    %get3A_12 = arith.constant 0 : index
    %get3A_13 = vector.load %arg0[%get3A_11, %get3A_12] : memref<2624x128xf32, #tpu.memory_space<vmem>>, vector<1312x128xf32>
    %add3A_14 = arith.addf %get3A_10, %get3A_13 : vector<1312x128xf32>
    %get3A_15 = arith.constant 0 : index
    %get3A_16 = arith.constant 0 : index
    %get3A_17 = vector.load %arg1[%get3A_15, %get3A_16] : memref<1312x128xf32, #tpu.memory_space<vmem>>, vector<1312x128xf32>
    %add3A_18 = arith.addf %add3A_14, %get3A_17 : vector<1312x128xf32>
    %mul3A = arith.mulf %dot_general3A_7, %add3A_18 : vector<1312x128xf32>
    %get3A_19 = arith.constant 0 : index
    %get3A_20 = vector.load %arg4[%get3A_19] : memref<128xf32, #tpu.memory_space<vmem>>, vector<128xf32>
    %broadcast_in_dim3A = vector.shape_cast %get3A_20 : vector<128xf32> to vector<1x128xf32>
    %add3A_21 = vector.broadcast %broadcast_in_dim3A : vector<1x128xf32> to vector<1312x128xf32>
    %add3A_22 = arith.addf %mul3A, %add3A_21 : vector<1312x128xf32>
    %slice3A = vector.extract_strided_slice %add3A_22 {offsets = [0, 0], sizes = [1312, 16], strides = [1, 1]} : vector<1312x128xf32> to vector<1312x16xf32>
    %slice3A_23 = vector.extract_strided_slice %add3A_22 {offsets = [0, 16], sizes = [1312, 16], strides = [1, 1]} : vector<1312x128xf32> to vector<1312x16xf32>
    %slice3A_24 = vector.extract_strided_slice %add3A_22 {offsets = [0, 32], sizes = [1312, 16], strides = [1, 1]} : vector<1312x128xf32> to vector<1312x16xf32>
    %slice3A_25 = vector.extract_strided_slice %add3A_22 {offsets = [0, 48], sizes = [1312, 16], strides = [1, 1]} : vector<1312x128xf32> to vector<1312x16xf32>
    %slice3A_26 = vector.extract_strided_slice %add3A_22 {offsets = [0, 64], sizes = [1312, 16], strides = [1, 1]} : vector<1312x128xf32> to vector<1312x16xf32>
    %slice3A_27 = vector.extract_strided_slice %add3A_22 {offsets = [0, 80], sizes = [1312, 16], strides = [1, 1]} : vector<1312x128xf32> to vector<1312x16xf32>
    %slice3A_28 = vector.extract_strided_slice %add3A_22 {offsets = [0, 96], sizes = [1312, 16], strides = [1, 1]} : vector<1312x128xf32> to vector<1312x16xf32>
    %slice3A_29 = vector.extract_strided_slice %add3A_22 {offsets = [0, 112], sizes = [1312, 16], strides = [1, 1]} : vector<1312x128xf32> to vector<1312x16xf32>
    %concatenate3A = tpu.concatenate %slice3A, %slice3A_23, %slice3A_24, %slice3A_25, %slice3A_26, %slice3A_27, %slice3A_28, %slice3A_29 in 0 : vector<1312x16xf32>, vector<1312x16xf32>, vector<1312x16xf32>, vector<1312x16xf32>, vector<1312x16xf32>, vector<1312x16xf32>, vector<1312x16xf32>, vector<1312x16xf32> -> vector<10496x16xf32>
    %iota3A = tpu.iota {dimensions = array<i32: 1>} : vector<10496x16xi32>
    %lt3A = arith.constant 5 : i32
    %lt3A_30 = vector.broadcast %lt3A : i32 to vector<10496x16xi32>
    %lt3A_31 = arith.cmpi slt, %iota3A, %lt3A_30 : vector<10496x16xi32>
    %jit3A = arith.constant -1.000000e+30 : f32
    %broadcast_in_dim3A_32 = vector.broadcast %jit3A : f32 to vector<10496x16xf32>
    %select_n3A = arith.select %lt3A_31, %concatenate3A, %broadcast_in_dim3A_32 : vector<10496x16xi1>, vector<10496x16xf32>
    %reduce_max3A = arith.constant dense<0xFF800000> : vector<10496xf32>
    %reduce_max3A_33 = vector.multi_reduction <maximumf>, %select_n3A, %reduce_max3A [1] : vector<10496x16xf32> to vector<10496xf32>
    %broadcast_in_dim3A_34 = vector.shape_cast %reduce_max3A_33 : vector<10496xf32> to vector<10496x1xf32>
    %sub3A = vector.broadcast %broadcast_in_dim3A_34 : vector<10496x1xf32> to vector<10496x16xf32>
    %sub3A_35 = arith.subf %concatenate3A, %sub3A : vector<10496x16xf32>
    %exp3A = math.exp %sub3A_35 : vector<10496x16xf32>
    %jit3A_36 = arith.constant 0.000000e+00 : f32
    %broadcast_in_dim3A_37 = vector.broadcast %jit3A_36 : f32 to vector<10496x16xf32>
    %select_n3A_38 = arith.select %lt3A_31, %exp3A, %broadcast_in_dim3A_37 : vector<10496x16xi1>, vector<10496x16xf32>
    %reduce_sum3A = arith.constant dense<0.000000e+00> : vector<10496xf32>
    %reduce_sum3A_39 = vector.multi_reduction <add>, %select_n3A_38, %reduce_sum3A [1] : vector<10496x16xf32> to vector<10496xf32>
    %broadcast_in_dim3A_40 = vector.shape_cast %reduce_sum3A_39 : vector<10496xf32> to vector<10496x1xf32>
    %sub3A_41 = vector.broadcast %broadcast_in_dim3A_34 : vector<10496x1xf32> to vector<10496x16xf32>
    %sub3A_42 = arith.subf %concatenate3A, %sub3A_41 : vector<10496x16xf32>
    %log3A = math.log %broadcast_in_dim3A_40 : vector<10496x1xf32>
    %sub3A_43 = vector.broadcast %log3A : vector<10496x1xf32> to vector<10496x16xf32>
    %sub3A_44 = arith.subf %sub3A_42, %sub3A_43 : vector<10496x16xf32>
    %swap3A = arith.constant 0 : index
    %swap3A_45 = arith.constant 0 : index
    %swap3A_46 = vector.load %arg5[%swap3A, %swap3A_45] : memref<10496x16xf32, #tpu.memory_space<vmem>>, vector<10496x16xf32>
    tpu.vector_store %arg5[%swap3A, %swap3A_45], %sub3A_44 {strides = array<i32>} : memref<10496x16xf32, #tpu.memory_space<vmem>>, vector<10496x16xf32>,
    return
  }
}

</mosaic_0001>

<sc_bundles>
// kernel: kernel.10.cloned.1.call-start
scs
__scs_entry_jumppad:
0x0: {  	(pc) =	sbr.rel $0x88, $3  }
0x1: {  	(tag) =	ssettag $0x0;
	lr =	simm.s32 $0x1  }
0x2: {  	[smem:$0x3F9B] =	sst lr;
	_ =	strace $0xD0000000  }
0x3: {  	_ = 	snop  }
0x4: {  	_ = 	snop  }
0x5: {  	_ = 	snop  }
0x6: {  	_ = 	snop  }
0x7: {  	_ = 	snop  }
__scs_overlays_trampoline_lowered:
0x8: {  	[smem:$0x3FAA] =	sst s0  }
0x9: {  	[smem:$0x3FAB] =	sst s1  }
0xa: {  	[smem:$0x3FAC] =	sst s2  }
0xb: {  	[smem:$0x3FAD] =	sst s3  }
0xc: {  	[smem:$0x3FAE] =	sst s4  }
0xd: {  	[smem:$0x3FAF] =	sst s5  }
0xe: {  	[smem:$0x3FB0] =	sst s6  }
0xf: {  	[smem:$0x3FB1] =	sst s7  }
0x10: {  	[smem:$0x3FB2] =	sst s8  }
0x11: {  	[smem:$0x3FB3] =	sst s9;
	s0 =	simm.s32 @!p0 $0x0  }
0x12: {  	s1 =	sld [smem:$0x3F99];
	s0 =	simm.s32 @p0 $0x1  }
0x13: {  	[smem:$0x3FB4] =	sst s0;
	s0 =	simm.s32 @!p1 $0x0  }
0x14: {  	s2 =	sld [smem:$0x3F98];
	s0 =	simm.s32 @p1 $0x1  }
0x15: {  	[smem:$0x3FB5] =	sst s0;
	s0 =	simm.s32 @!p2 $0x0  }
0x16: {  	s3 =	sld [smem:$0x3FDB];
	s0 =	simm.s32 @p2 $0x1  }
0x17: {  	s4 =	simm.s32 $0x1BF5;
	[smem:$0x3FB7] =	sst s0  }
0x18: {  	s0 =	sld [smem:$0x3F9A];
	_ =	swait.ge [sflag:s4], $0x0  }
0x19: {  	s7 =	sld [smem:$0x3F9B]  }
0x1a: {  	s8 =	sadd.s32 $0xFFFFE003, lr  }
0x1b: {  	s9 =	sadd.s32 $0xFFFFFEF7, lr;
	s5 =	simm.s32 $0xFFFFFFFF;
	p2 =	slt.u32 s8, $0xFFFFF086  }
0x1c: {  	p1 =	slt.u32 s9, $0xF7A;
	s5 =	simm.s32 @!p2 $0x0  }
0x1d: {  	s5 =	simm.s32 @p1 $0x1;
	p0 =	seq.s32 s7, s2  }
0x1e: {  	s7 =	smul.u32 @!p0 $0xF7A, s2;
	p2 =	seq.s32 @!p0 s5, $0x0  }
0x1f: {  	s9 =	smul.u32 $0xF7A, s1;
	s8 =	simm.s32 @!p0 $0x1BF5;
	p2 =	por !p2, p0  }
0x20: {  	[sflag:s8] =	ssyncset.s32 @!p0 $0xFFFFF086;
	s6 =	sadd.s32 @!p0 s3, s7;
	s7 =	simm.s32 @!p0 $0x108  }
0x21: {  	s3 =	sadd.s32 s3, s9;
	s6 =	sadd.s32 @!p0 $0x88, s6;
	s7 =	simm.s32 @p2 $0x1082  }
0x22: {  	[simem:s7], [sflag:s8] =	dma.local @!p0 [hbm:s6], $0xF7A  }
0x23: {  	s9 =	sor.u32 $0xD0000000, s2;
	s6 =	simm.s32 $0x108;
	_ =	swait.ge @!p0 [sflag:s8], $0x0  }
0x24: {  	s3 =	sadd.s32 $0x88, s3;
	s6 =	simm.s32 @!p1 $0x1082;
	[sflag:s4] =	ssyncset.s32 $0xFFFFF086  }
0x25: {  	[simem:s6], [sflag:s4] =	dma.local [hbm:s3], $0xF7A  }
0x26: {  	[smem:$0x3F9B] =	sst s1;
	(tag) =	ssettag s2;
	_ =	strace s9  }
0x27: {  	s1 =	sld [smem:$0x3FAB]  }
0x28: {  	s2 =	sld [smem:$0x3FAC]  }
0x29: {  	s4 =	sld [smem:$0x3FAE]  }
0x2a: {  	p0 =	seq.s32 s5, $0x0;
	s5 =	sld [smem:$0x3FAF]  }
0x2b: {  	s6 =	sld [smem:$0x3FB0]  }
0x2c: {  	s7 =	sld [smem:$0x3FB1]  }
0x2d: {  	s3 =	simm.s32 $0x108;
	s8 =	sld [smem:$0x3FB2]  }
0x2e: {  	s3 =	simm.s32 @!p0 $0x1082;
	s9 =	sld [smem:$0x3FB3]  }
0x2f: {  	lr =	sadd.s32 s0, s3;
	s0 =	sld [smem:$0x3FAA]  }
0x30: {  	s3 =	sld [smem:$0x3FAD]  }
0x31: {  	[smem:$0x3FB6] =	sst s10  }
0x32: {  	s10 =	sld [smem:$0x3FB4];
	_ =	sdelay $0x3  }
0x33: {  	p0 =	seq.s32 s10, $0x1;
	s10 =	sld [smem:$0x3FB6];
	_ =	sdelay $0x3  }
0x34: {  	[smem:$0x3FB6] =	sst s10  }
0x35: {  	s10 =	sld [smem:$0x3FB5];
	_ =	sdelay $0x3  }
0x36: {  	p1 =	seq.s32 s10, $0x1;
	s10 =	sld [smem:$0x3FB6];
	_ =	sdelay $0x3  }
0x37: {  	[smem:$0x3FB6] =	sst s10  }
0x38: {  	s10 =	sld [smem:$0x3FB7]  }
0x39: {  	_ = 	snop;
	(pc) =	sbr.ind lr, $3  }
0x3a: {  	_ = 	snop  }
0x3b: {  	_ = 	snop  }
0x3c: {  	p2 =	seq.s32 s10, $0x1;
	s10 =	sld [smem:$0x3FB6]  }
0x3d: {  	_ =	shalt  }
0x3e: {  	_ =	shalt  }
0x3f: {  	_ =	shalt  }
0x40: {  	_ =	shalt  }
0x41: {  	_ =	shalt  }
0x42: {  	_ =	shalt  }
0x43: {  	_ =	shalt  }
0x44: {  	_ =	shalt  }
0x45: {  	_ =	shalt  }
0x46: {  	_ =	shalt  }
0x47: {  	_ =	shalt  }
0x48: {  	_ =	shalt  }
0x49: {  	_ =	shalt  }
0x4a: {  	_ =	shalt  }
0x4b: {  	_ =	shalt  }
0x4c: {  	_ =	shalt  }
0x4d: {  	_ =	shalt  }
0x4e: {  	_ =	shalt  }
0x4f: {  	_ =	shalt  }
0x50: {  	_ =	shalt  }
0x51: {  	_ =	shalt  }
0x52: {  	_ =	shalt  }
0x53: {  	_ =	shalt  }
0x54: {  	_ =	shalt  }
0x55: {  	_ =	shalt  }
0x56: {  	_ =	shalt  }
0x57: {  	_ =	shalt  }
0x58: {  	_ =	shalt  }
0x59: {  	_ =	shalt  }
0x5a: {  	_ =	shalt  }
0x5b: {  	_ =	shalt  }
0x5c: {  	_ =	shalt  }
0x5d: {  	_ =	shalt  }
0x5e: {  	_ =	shalt  }
0x5f: {  	_ =	shalt  }
0x60: {  	_ =	shalt  }
0x61: {  	_ =	shalt  }
0x62: {  	_ =	shalt  }
0x63: {  	_ =	shalt  }
0x64: {  	_ =	shalt  }
0x65: {  	_ =	shalt  }
0x66: {  	_ =	shalt  }
0x67: {  	_ =	shalt  }
0x68: {  	_ =	shalt  }
0x69: {  	_ =	shalt  }
0x6a: {  	_ =	shalt  }
0x6b: {  	_ =	shalt  }
0x6c: {  	_ =	shalt  }
0x6d: {  	_ =	shalt  }
0x6e: {  	_ =	shalt  }
0x6f: {  	_ =	shalt  }
0x70: {  	_ =	shalt  }
0x71: {  	_ =	shalt  }
0x72: {  	_ =	shalt  }
0x73: {  	_ =	shalt  }
0x74: {  	_ =	shalt  }
0x75: {  	_ =	shalt  }
0x76: {  	_ =	shalt  }
0x77: {  	_ =	shalt  }
0x78: {  	_ =	shalt  }
0x79: {  	_ =	shalt  }
0x7a: {  	_ =	shalt  }
0x7b: {  	_ =	shalt  }
0x7c: {  	_ =	shalt  }
0x7d: {  	_ =	shalt  }
0x7e: {  	_ =	shalt  }
0x7f: {  	_ =	shalt  }
0x80: {  	_ =	shalt  }
0x81: {  	_ =	shalt  }
0x82: {  	_ =	shalt  }
0x83: {  	_ =	shalt  }
0x84: {  	_ =	shalt  }
0x85: {  	_ =	shalt  }
0x86: {  	_ =	shalt  }
0x87: {  	_ =	shalt  }
.Lfunc_end0:
.L_simem_size_0:
called_computation.1_lowered:
.L_overlay_start_0:
0x88: {  	s2 =	sld [smem:$0x3FD9]  }
0x89: {  	s3 =	sld [smem:$0x3FFE];
	_ =	sdelay $0x1  }
0x8a: {  	s1 =	srdreg.scid  }
0x8b: {  	s0 =	sand.u32 $0x1, s1  }
0x8c: {  	s16 =	sshll.u32 s0, $0xA;
	s2 =	sadd.s32 s3, s2  }
0x8d: {  	s2 =	sadd.s32 s2, s16  }
0x8e: {  	[smem:$0x3FC2] =	sst s2  }
0x8f: {  	_ = 	snop  }
0x90: {  	(tm) =	ssettm $0x1  }
0x91: {  	s17 =	sld [smem:$0x3FFB];
	_ =	sdelay $0x3  }
0x92: {  	_ =	strace s17  }
0x93: {  	s2 =	sld [smem:$0x3FFC];
	_ =	sdelay $0x3  }
0x94: {  	_ =	strace s2  }
0x95: {  	s2 =	sld [smem:$0x3FFD];
	_ =	sdelay $0x3  }
0x96: {  	_ =	strace s2  }
0x97: {  	_ =	strace $0x8FFFFFFF  }
0x98: {  	s18 =	sld [smem:$0x3FDB];
	_ =	sdelay $0x1  }
0x99: {  	s19 =	simm.s32 $_scs_section_size  }
0x9a: {  	s4 =	simm.s32 $_size__tile_overlayer_lowered;
	s5 =	simm.s32 $_tile_overlayer_lowered  }
0x9b: {  	s22 =	simm.s32 $0x1BFF;
	s21 =	sshll.u32 s5, $0x1;
	s2 =	sadd.s32 s19, s18  }
0x9c: {  	s6 =	simm.s32 $0x0;
	s20 =	sshll.u32 s4, $0x1;
	s4 =	sadd.s32 s21, s2  }
0x9d: {  	[timem:s6], [sflag:s22] =	dma.local [hbm:s4], s20  }
0x9e: {  	_ =	swait.ge [sflag:s22], s20  }
0x9f: {  	s3 =	ssub.s32 $0x0, s20;
	[sflag:s22] =	ssyncset.done $0x0  }
0xa0: {  	[sflag:s22] =	ssyncadd.s32 s3;
	_ =	sdelay $0x1  }
0xa1: {  	s23 =	simm.s32 $0x1B8B  }
0xa2: {  	_ =	swait.ge [sflag:s23], $0x1  }
0xa3: {  	[sflag:s23] =	ssyncset.done $0x0  }
0xa4: {  	s25 =	simm.s32 $0x1B8E;
	s24 =	sld [smem:$0x3FFE];
	[sflag:s23] =	ssyncadd.s32 $0xFFFFFFFF  }
0xa5: {  	s26 =	simm.s32 $execute0_lowered;
	[smem:$0x3FD2] =	sst s25  }
0xa6: {  	s4 =	sshll.u32 s26, $0x1;
	_ =	strace $0x80000049;
	[dreg:$0x1] =	wrdreg $0xFFFFFFFF  }
0xa7: {  	s28 =	simm.s32 $_size_execute0_lowered;
	s2 =	sadd.s32 s2, s4;
	[dreg:$0x0] =	wrdreg $0x0  }
0xa8: {  	s4 =	sshll.u32 s28, $0x1;
	[dreg:$0x2] =	wrdreg s2  }
0xa9: {  	[dreg:$0x3] =	wrdreg s4  }
0xaa: {  	[dreg:$0x4] =	wrdreg $0xC0  }
0xab: {  	_ =	task [dreg:s6], $0x5FFFF  }
0xac: {  	[dreg:$0x1] =	wrdreg $0xFFFFFFFF  }
0xad: {  	[dreg:$0x0] =	wrdreg $0x60  }
0xae: {  	[dreg:$0x2] =	wrdreg s24  }
0xaf: {  	[dreg:$0x3] =	wrdreg $0xF9000  }
0xb0: {  	[dreg:$0x4] =	wrdreg $0x122000  }
0xb1: {  	[dreg:$0x5] =	wrdreg $0x9  }
0xb2: {  	_ =	task.clear_ibuf [dreg:s6], $0x6FFFF;
	_ =	strace $0x90000049  }
0xb3: {  	s29 =	simm.s32 $0x9;
	_ =	strace $0x8000004B  }
0xb4: {  	_ =	swait.ge [sflag:s29], $0x1  }
0xb5: {  	[sflag:s29] =	ssyncadd.s32 $0xFFFFFFFF  }
0xb6: {  	_ =	strace $0x9000004B  }
0xb7: {  	_ =	sfence  }
0xb8: {  	s30 =	sld [smem:$0x0];
	_ =	sdelay $0x2  }
0xb9: {  	s31 =	sshll.u32 s1, $0xD;
	s1 =	sshrl.u32 s1, $0x2  }
0xba: {  	s3 =	sand.u32 $0x4000, s31;
	s1 =	sadd.s32 s1, s30  }
0xbb: {  	s0 =	sor.u32 s3, s0;
	s1 =	sshll.u32 s1, $0x11  }
0xbc: {  	s0 =	sor.u32 s1, s0  }
0xbd: {  	s0 =	sadd.s32 $0x8F2B, s0  }
0xbe: {  	[sflag:s0] =	ssyncadd.remote.s32 $0x1  }
0xbf: {  	_ =	sfence.sel $0xFFFF  }
0xc0: {  	[dreg:$0x0] =	wrdreg $0xFFFFFFFF;
	(pc) =	sbr.abs _section_cstart, $3  }
0xc1: {  	[dreg:$0x1] =	wrdreg $0xFFFFFFFF  }
0xc2: {  	_ =	task.clear_ibuf [dreg:s6], $0x2FFFF;
	_ =	strace $0x9FFFFFFF  }
0xc3: {  	(tm) =	ssettm $0x7FFFFFFF  }
tec
execute0_lowered:
.L_overlay_start_1:
0x0: {  	(tag) =	ssettag $0x1  }
0x1: {  	s0 =	rddreg [dreg:$0x0]  }
0x2: {  	s1 =	rddreg [dreg:$0x1]  }
0x3: {  	s2 =	rddreg [dreg:$0x2]  }
0x4: {  	s3 =	srdreg.scid;
	s4 =	simm.s32 $0x0;
	s10 =	stileid.u32  }
0x5: {  	s13 =	simm.s32 $0xA;
	s15 =	simm.s32 $0xD000;
	s16 =	simm.s32 $0x9  }
0x6: {  	s17 =	simm.s32 $0x100;
	s18 =	simm.s32 $0x5000;
	s19 =	simm.s32 $0x6000  }
0x7: {  	s21 =	simm.s32 $0x7000;
	s23 =	simm.s32 $0x8000;
	s28 =	simm.s32 $0x4  }
0x8: {  	s29 =	simm.s32 $0x9000;
	s30 =	simm.s32 $0xA000;
	s31 =	simm.s32 $0xB000  }
0x9: {  	s14 =	simm.s32 $0x6;
	s20 =	simm.s32 $0x7;
	s22 =	simm.s32 $0x8  }
0xa: {  	s3 =	sand.u32 $0x1, s3;
	[smem:$0x7FF] =	sst s4;
	s6 =	smul.u32 $0x2900, s10  }
0xb: {  	s24 =	sshll.u32 s10, $0x6;
	s5 =	sshll.u32 s3, $0x4;
	_ =	strace $0x8000004A  }
0xc: {  	s3 =	ssub.s32 $0x2, s3;
	s5 =	sor.u32 s10, s5;
	s8 =	sshrl.u32 s6, $0x3  }
0xd: {  	s9 =	sshrl.u32 s3, $0x1;
	s12 =	sadd.s32 s6, s1;
	s7 =	smul.u32 $0x500, s5  }
0xe: {  	s5 =	smul.u32 $0x520, s5;
	s8 =	sadd.s32 s8, s0;
	s3 =	ssub.s32 s3, s9  }
0xf: {  	s9 =	sadd.s32 s6, s2;
	s12 =	sshrl.u32 s12, $0x3;
	s8 =	sadd.s32 $0x15400, s8  }
0x10: {  	s11 =	smax.u32 s3, $0x1;
	s7 =	sadd.s32 s7, s0;
	s0 =	sadd.s32 s5, s0  }
.Ltmp0:
0x11: {  	[dreg:$0x4] =	wrdreg s8;
	s5 =	sor.u32 $0x1C09, s24;
	(pc) =	sbr.rel .LBB2_1-.Ltmp0, $4  }
0x12: {  	s3 =	simm.s32 $0x5;
	s24 =	simm.s32 $0x1;
	[dreg:$0x5] =	wrdreg s5  }
0x13: {  	s25 =	sadd.s32 $0x1400, s7;
	s26 =	sadd.s32 $0xB400, s7;
	s10 =	sadd.s32 $0x1A600, s0  }
0x14: {  	s0 =	simm.s32 $0xC000;
	s5 =	simm.s32 $0x0;
	[dreg:$0x6] =	wrdreg s25  }
0x15: {  	v0 =	vimm.f32 $0.0e+00;
	[dreg:$0x7] =	wrdreg s26;
	s25 =	simm.s32 $0x2;
	s26 =	simm.s32 $0x3  }
.LBB2_6:
0x16: {  	_ =	swait.ge [sflag:s3], $0x1000  }
0x17: {  	[sflag:s3] =	ssyncset.done $0x0  }
0x18: {  	[sflag:s3] =	ssyncadd.s32 $0xFFFFF000  }
0x19: {  	_ =	swait.ge [sflag:s14], $0x1000  }
0x1a: {  	[sflag:s14] =	ssyncset.done $0x0  }
0x1b: {  	[sflag:s14] =	ssyncadd.s32 $0xFFFFF000  }
0x1c: {  	_ =	swait.ge [sflag:s20], $0x1000  }
0x1d: {  	[sflag:s20] =	ssyncset.done $0x0  }
0x1e: {  	[sflag:s20] =	ssyncadd.s32 $0xFFFFF000  }
0x1f: {  	_ =	swait.ge [sflag:s22], $0x1000  }
0x20: {  	[sflag:s22] =	ssyncset.done $0x0  }
0x21: {  	[sflag:s22] =	ssyncadd.s32 $0xFFFFF000  }
0x22: {  	[bflag:$0x0] =	sbarrier.arrive $0xFFFF  }
0x23: {  	[tilespmem:s15], [sflag:$0xA] =	stream.linear.gather [spmem:s9], $0x2900, $0x38;
	[tilespmem:$0x14B00] =	vst v63  }
0x24: {  	s5 =	sadd.s32 $0x1, s5;
	_ =	swait.ge [sflag:s13], $0x2900  }
0x25: {  	p0 =	sne.s32 s5, s11;
	[sflag:s13] =	ssyncset.done $0x0  }
.Ltmp1:
0x26: {  	[sflag:s13] =	ssyncadd.s32 $0xFFFFD700;
	(pc) =	sbr.rel @!p0 .LBB2_7-.Ltmp1, $4  }
0x27: {  	[hbm4b:s10+s4] =	stream.linear.scatter [tilespmem:s15], [sflag:$0xA], $0x2900, $0x38;
	[tilespmem:$0x14B00] =	vst v63  }
0x28: {  	_ =	swait.ge [sflag:s13], $0x2900  }
0x29: {  	[sflag:s13] =	ssyncset.done $0x0  }
0x2a: {  	[sflag:s13] =	ssyncadd.s32 $0xFFFFD700  }
.LBB2_1:
0x2b: {  	s6 =	rddreg [dreg:$0x4]  }
0x2c: {  	s7 =	rddreg [dreg:$0x5]  }
0x2d: {  	[spmem:s12], [sflag:s7] =	dma.local [hbm:s6], $0x520  }
0x2e: {  	s6 =	rddreg [dreg:$0x6]  }
0x2f: {  	[tilespmem:s4], [sflag:$0xA] =	stream.linear.gather [hbm4b:s6+s4], $0x2800, $0x38;
	[tilespmem:$0x14B00] =	vst v63  }
0x30: {  	_ =	swait.ge [sflag:s13], $0x2800  }
0x31: {  	[sflag:s13] =	ssyncset.done $0x0  }
0x32: {  	s8 =	simm.s32 $0x2800;
	s7 =	rddreg [dreg:$0x7];
	[sflag:s13] =	ssyncadd.s32 $0xFFFFD800  }
0x33: {  	[tilespmem:s8], [sflag:$0xA] =	stream.linear.gather [hbm4b:s7+s4], $0x2800, $0x38;
	[tilespmem:$0x14B00] =	vst v63  }
0x34: {  	_ =	swait.ge [sflag:s13], $0x2800  }
0x35: {  	[sflag:s13] =	ssyncset.done $0x0  }
0x36: {  	s6 =	simm.s32 $0x40;
	s7 =	simm.s32 $0x0;
	[sflag:s13] =	ssyncadd.s32 $0xFFFFD800  }
.LBB2_2:
0x37: {  	p0 =	sne.s32 s6, $0xA3C0;
	[tilespmem:s7+$0xD000] =	vst v0;
	s7 =	smov.u32 s6;
	s6 =	sadd.s32 $0x40, s6  }
.Ltmp2:
0x38: {  	(pc) =	sbr.rel @p0 .LBB2_2-.Ltmp2, $2  }
0x39: {  	_ =	sdelay $0x2  }
0x3a: {  	s7 =	sshra.s32 s7, $0x2  }
0x3b: {  	[tilespmem:s7+$0xD000] =	vst v0  }
0x3c: {  	[spmem:s9] =	stream.linear.scatter [tilespmem:s15], [sflag:$0xA], $0x2900, $0x38;
	[tilespmem:$0x14B00] =	vst v63  }
0x3d: {  	_ =	swait.ge [sflag:s13], $0x2900  }
0x3e: {  	[sflag:s13] =	ssyncset.done $0x0  }
0x3f: {  	[sflag:s13] =	ssyncadd.s32 $0xFFFFD700  }
0x40: {  	_ =	swait.ge [sflag:s16], $0x520  }
0x41: {  	[sflag:s16] =	ssyncset.done $0x0  }
0x42: {  	[sflag:s16] =	ssyncadd.s32 $0xFFFFFAE0  }
0x43: {  	s6 =	simm.s32 $0x0;
	[bflag:$0x0] =	sbarrier.arrive $0xFFFF  }
0x44: {  	[tilespmem:s18], [sflag:$0x1] =	stream.indirect.gather [spmem:s1], $0x10, s6, s17, $0xb8;
	[tilespmem:$0x14B00] =	vst v63  }
0x45: {  	_ = 	snop  }
0x46: {  	[tilespmem:s19], [sflag:$0x2] =	stream.indirect.gather [spmem:s1], $0x10, s17, s17, $0xb8;
	[tilespmem:$0x14B00] =	vst v63  }
0x47: {  	s8 =	simm.s32 $0x200  }
0x48: {  	[tilespmem:s21], [sflag:$0x3] =	stream.indirect.gather [spmem:s1], $0x10, s8, s17, $0xb8;
	[tilespmem:$0x14B00] =	vst v63  }
0x49: {  	s8 =	simm.s32 $0x300  }
0x4a: {  	[tilespmem:s23], [sflag:$0x4] =	stream.indirect.gather [spmem:s1], $0x10, s8, s17, $0xb8;
	[tilespmem:$0x14B00] =	vst v63  }
.LBB2_4:
0x4b: {  	_ =	swait.ge [sflag:s24], $0x1000  }
0x4c: {  	[sflag:s24] =	ssyncset.done $0x0  }
0x4d: {  	[sflag:s24] =	ssyncadd.s32 $0xFFFFF000  }
0x4e: {  	_ =	swait.ge [sflag:s25], $0x1000  }
0x4f: {  	[sflag:s25] =	ssyncset.done $0x0  }
0x50: {  	[sflag:s25] =	ssyncadd.s32 $0xFFFFF000  }
0x51: {  	_ =	swait.ge [sflag:s26], $0x1000  }
0x52: {  	[sflag:s26] =	ssyncset.done $0x0  }
0x53: {  	[sflag:s26] =	ssyncadd.s32 $0xFFFFF000  }
0x54: {  	_ =	swait.ge [sflag:s28], $0x1000  }
0x55: {  	s7 =	sshra.s32 s6, $0x2;
	[sflag:s28] =	ssyncset.done $0x0  }
0x56: {  	s8 =	sadd.s32 $0x2800, s7;
	[sflag:s28] =	ssyncadd.s32 $0xFFFFF000  }
0x57: {  	[spmem:s2] =	stream.indirect.scatter.add.f32 [tilespmem:s18], [sflag:$0x1], $0x10, s8, s17, $0xb8;
	[tilespmem:$0x14B00] =	vst v63  }
0x58: {  	s8 =	sadd.s32 $0x2900, s7  }
0x59: {  	[spmem:s2] =	stream.indirect.scatter.add.f32 [tilespmem:s19], [sflag:$0x2], $0x10, s8, s17, $0xb8;
	[tilespmem:$0x14B00] =	vst v63  }
0x5a: {  	s8 =	sadd.s32 $0x2A00, s7  }
0x5b: {  	[spmem:s2] =	stream.indirect.scatter.add.f32 [tilespmem:s21], [sflag:$0x3], $0x10, s8, s17, $0xb8;
	[tilespmem:$0x14B00] =	vst v63  }
0x5c: {  	p0 =	seq.s32 s6, $0x0;
	s8 =	sadd.s32 $0x2B00, s7  }
0x5d: {  	[spmem:s2] =	stream.indirect.scatter.add.f32 [tilespmem:s23], [sflag:$0x4], $0x10, s8, s17, $0xb8;
	[tilespmem:$0x14B00] =	vst v63  }
0x5e: {  	s8 =	simm.s32 @!p0 $0x5  }
0x5f: {  	_ =	swait.ge @!p0 [sflag:s8], $0x1000  }
0x60: {  	[sflag:s8] =	ssyncset.done @!p0 $0x0  }
0x61: {  	[sflag:s8] =	ssyncadd.s32 @!p0 $0xFFFFF000;
	s8 =	simm.s32 @!p0 $0x6  }
0x62: {  	_ =	swait.ge @!p0 [sflag:s8], $0x1000  }
0x63: {  	[sflag:s8] =	ssyncset.done @!p0 $0x0  }
0x64: {  	[sflag:s8] =	ssyncadd.s32 @!p0 $0xFFFFF000;
	s8 =	simm.s32 @!p0 $0x7  }
0x65: {  	_ =	swait.ge @!p0 [sflag:s8], $0x1000  }
0x66: {  	[sflag:s8] =	ssyncset.done @!p0 $0x0  }
0x67: {  	[sflag:s8] =	ssyncadd.s32 @!p0 $0xFFFFF000;
	s8 =	simm.s32 @!p0 $0x8  }
0x68: {  	_ =	swait.ge @!p0 [sflag:s8], $0x1000  }
0x69: {  	[sflag:s8] =	ssyncset.done @!p0 $0x0  }
0x6a: {  	[sflag:s8] =	ssyncadd.s32 @!p0 $0xFFFFF000;
	s8 =	sadd.s32 $0x400, s7  }
0x6b: {  	[tilespmem:s29], [sflag:$0x5] =	stream.indirect.gather [spmem:s1], $0x10, s8, s17, $0xb8;
	[tilespmem:$0x14B00] =	vst v63  }
0x6c: {  	s8 =	sadd.s32 $0x500, s7  }
0x6d: {  	[tilespmem:s30], [sflag:$0x6] =	stream.indirect.gather [spmem:s1], $0x10, s8, s17, $0xb8;
	[tilespmem:$0x14B00] =	vst v63  }
0x6e: {  	s8 =	sadd.s32 $0x600, s7  }
0x6f: {  	[tilespmem:s31], [sflag:$0x7] =	stream.indirect.gather [spmem:s1], $0x10, s8, s17, $0xb8;
	[tilespmem:$0x14B00] =	vst v63  }
0x70: {  	s8 =	sadd.s32 $0x700, s7  }
0x71: {  	[tilespmem:s0], [sflag:$0x8] =	stream.indirect.gather [spmem:s1], $0x10, s8, s17, $0xb8;
	[tilespmem:$0x14B00] =	vst v63  }
0x72: {  	_ =	swait.ge [sflag:s3], $0x1000  }
0x73: {  	[sflag:s3] =	ssyncset.done $0x0  }
0x74: {  	[sflag:s3] =	ssyncadd.s32 $0xFFFFF000  }
0x75: {  	_ =	swait.ge [sflag:s14], $0x1000  }
0x76: {  	[sflag:s14] =	ssyncset.done $0x0  }
0x77: {  	[sflag:s14] =	ssyncadd.s32 $0xFFFFF000  }
0x78: {  	_ =	swait.ge [sflag:s20], $0x1000  }
0x79: {  	[sflag:s20] =	ssyncset.done $0x0  }
0x7a: {  	[sflag:s20] =	ssyncadd.s32 $0xFFFFF000  }
0x7b: {  	_ =	swait.ge [sflag:s22], $0x1000  }
0x7c: {  	[sflag:s22] =	ssyncset.done $0x0  }
0x7d: {  	s8 =	sadd.s32 $0x2C00, s7;
	[sflag:s22] =	ssyncadd.s32 $0xFFFFF000  }
0x7e: {  	[spmem:s2] =	stream.indirect.scatter.add.f32 [tilespmem:s29], [sflag:$0x5], $0x10, s8, s17, $0xb8;
	[tilespmem:$0x14B00] =	vst v63  }
0x7f: {  	s8 =	sadd.s32 $0x2D00, s7  }
0x80: {  	[spmem:s2] =	stream.indirect.scatter.add.f32 [tilespmem:s30], [sflag:$0x6], $0x10, s8, s17, $0xb8;
	[tilespmem:$0x14B00] =	vst v63  }
0x81: {  	s8 =	sadd.s32 $0x2E00, s7  }
0x82: {  	[spmem:s2] =	stream.indirect.scatter.add.f32 [tilespmem:s31], [sflag:$0x7], $0x10, s8, s17, $0xb8;
	[tilespmem:$0x14B00] =	vst v63  }
0x83: {  	s8 =	sadd.s32 $0x2F00, s7  }
0x84: {  	[spmem:s2] =	stream.indirect.scatter.add.f32 [tilespmem:s0], [sflag:$0x8], $0x10, s8, s17, $0xb8;
	[tilespmem:$0x14B00] =	vst v63  }
0x85: {  	_ =	swait.ge [sflag:s24], $0x1000  }
0x86: {  	[sflag:s24] =	ssyncset.done $0x0  }
0x87: {  	[sflag:s24] =	ssyncadd.s32 $0xFFFFF000  }
0x88: {  	_ =	swait.ge [sflag:s25], $0x1000  }
0x89: {  	[sflag:s25] =	ssyncset.done $0x0  }
0x8a: {  	[sflag:s25] =	ssyncadd.s32 $0xFFFFF000  }
0x8b: {  	p0 =	seq.s32 s6, $0x8000;
	_ =	swait.ge [sflag:s26], $0x1000  }
.Ltmp3:
0x8c: {  	[sflag:s26] =	ssyncset.done $0x0;
	(pc) =	sbr.rel @p0 .LBB2_6-.Ltmp3, $4  }
0x8d: {  	[sflag:s26] =	ssyncadd.s32 $0xFFFFF000  }
0x8e: {  	_ =	swait.ge [sflag:s28], $0x1000  }
0x8f: {  	[sflag:s28] =	ssyncset.done $0x0  }
0x90: {  	[sflag:s28] =	ssyncadd.s32 $0xFFFFF000  }
0x91: {  	s8 =	sadd.s32 $0x800, s7  }
0x92: {  	[tilespmem:s18], [sflag:$0x1] =	stream.indirect.gather [spmem:s1], $0x10, s8, s17, $0xb8;
	[tilespmem:$0x14B00] =	vst v63  }
0x93: {  	s8 =	sadd.s32 $0x900, s7  }
0x94: {  	[tilespmem:s19], [sflag:$0x2] =	stream.indirect.gather [spmem:s1], $0x10, s8, s17, $0xb8;
	[tilespmem:$0x14B00] =	vst v63  }
.Ltmp4:
0x95: {  	_ = 	snop;
	(pc) =	sbr.rel .LBB2_4-.Ltmp4, $4  }
0x96: {  	s8 =	sadd.s32 $0xA00, s7  }
0x97: {  	[tilespmem:s21], [sflag:$0x3] =	stream.indirect.gather [spmem:s1], $0x10, s8, s17, $0xb8;
	[tilespmem:$0x14B00] =	vst v63  }
0x98: {  	s6 =	sadd.s32 $0x2000, s6;
	s8 =	sadd.s32 $0xB00, s7  }
0x99: {  	[tilespmem:s23], [sflag:$0x4] =	stream.indirect.gather [spmem:s1], $0x10, s8, s17, $0xb8;
	[tilespmem:$0x14B00] =	vst v63  }
.LBB2_7:
0x9a: {  	_ =	sfence.sel $0x180000  }
0x9b: {  	[bflag:$0x0] =	sbarrier.arrive $0xFFFF  }
0x9c: {  	_ =	strace $0x9000004A  }
0x9d: {  	s0 =	stileid.u32;
	[bflag:$0x2] =	sbarrier.arrive $0xFFFF  }
0x9e: {  	p0 =	sne.s32 s0, $0x0;
	s0 =	rddreg [dreg:$0x3]  }
0x9f: {  	s0 =	sadd.s32 @!p0 $0x100000, s0  }
0xa0: {  	[sflag:s0] =	ssyncadd.tile.s32 @!p0 $0x1;
	_ =	shalt  }
.Lfunc_end2:
_tile_overlayer_lowered:
.L_overlay_start_2:
0xa1: {  	(tag) =	ssettag $0x2  }
0xa2: {  	s0 =	rddreg [dreg:$0x0];
	s2 =	stileid.u32  }
0xa3: {  	s1 =	rddreg [dreg:$0x1];
	p0 =	sne.s32 s2, $0x0  }
0xa4: {  	s3 =	rddreg [dreg:$0x2];
	[bflag:$0x3] =	sbarrier.arrive $0xFFFF;
	s2 =	simm.s32 @!p0 $0x1C0A  }
0xa5: {  	[timem:s3], [sflag:s2] =	dma.local @!p0 [hbm:s0], s1  }
0xa6: {  	s0 =	simm.s32 @!p0 $0xA  }
0xa7: {  	_ =	swait.ge @!p0 [sflag:s0], s1  }
0xa8: {  	s1 =	ssub.s32 @!p0 $0x0, s1;
	[sflag:s0] =	ssyncset.done @!p0 $0x0  }
0xa9: {  	[sflag:s0] =	ssyncadd.s32 @!p0 s1  }
0xaa: {  	[bflag:$0x3] =	sbarrier.arrive $0xFFFF  }
0xab: {  	_ =	shalt  }

// kernel: kernel.7.cloned.1.call-start
scs
__scs_entry_jumppad:
0x0: {  	(pc) =	sbr.rel $0x88, $3  }
0x1: {  	(tag) =	ssettag $0x0;
	lr =	simm.s32 $0x1  }
0x2: {  	[smem:$0x3F9B] =	sst lr;
	_ =	strace $0xD0000000  }
0x3: {  	_ = 	snop  }
0x4: {  	_ = 	snop  }
0x5: {  	_ = 	snop  }
0x6: {  	_ = 	snop  }
0x7: {  	_ = 	snop  }
__scs_overlays_trampoline_lowered:
0x8: {  	[smem:$0x3FAA] =	sst s0  }
0x9: {  	[smem:$0x3FAB] =	sst s1  }
0xa: {  	[smem:$0x3FAC] =	sst s2  }
0xb: {  	[smem:$0x3FAD] =	sst s3  }
0xc: {  	[smem:$0x3FAE] =	sst s4  }
0xd: {  	[smem:$0x3FAF] =	sst s5  }
0xe: {  	[smem:$0x3FB0] =	sst s6  }
0xf: {  	[smem:$0x3FB1] =	sst s7  }
0x10: {  	[smem:$0x3FB2] =	sst s8  }
0x11: {  	[smem:$0x3FB3] =	sst s9;
	s0 =	simm.s32 @!p0 $0x0  }
0x12: {  	s1 =	sld [smem:$0x3F99];
	s0 =	simm.s32 @p0 $0x1  }
0x13: {  	[smem:$0x3FB4] =	sst s0;
	s0 =	simm.s32 @!p1 $0x0  }
0x14: {  	s2 =	sld [smem:$0x3F98];
	s0 =	simm.s32 @p1 $0x1  }
0x15: {  	[smem:$0x3FB5] =	sst s0;
	s0 =	simm.s32 @!p2 $0x0  }
0x16: {  	s3 =	sld [smem:$0x3FDB];
	s0 =	simm.s32 @p2 $0x1  }
0x17: {  	s4 =	simm.s32 $0x1BF5;
	[smem:$0x3FB7] =	sst s0  }
0x18: {  	s0 =	sld [smem:$0x3F9A];
	_ =	swait.ge [sflag:s4], $0x0  }
0x19: {  	s7 =	sld [smem:$0x3F9B]  }
0x1a: {  	s8 =	sadd.s32 $0xFFFFE003, lr  }
0x1b: {  	s9 =	sadd.s32 $0xFFFFFEF7, lr;
	s5 =	simm.s32 $0xFFFFFFFF;
	p2 =	slt.u32 s8, $0xFFFFF086  }
0x1c: {  	p1 =	slt.u32 s9, $0xF7A;
	s5 =	simm.s32 @!p2 $0x0  }
0x1d: {  	s5 =	simm.s32 @p1 $0x1;
	p0 =	seq.s32 s7, s2  }
0x1e: {  	s7 =	smul.u32 @!p0 $0xF7A, s2;
	p2 =	seq.s32 @!p0 s5, $0x0  }
0x1f: {  	s9 =	smul.u32 $0xF7A, s1;
	s8 =	simm.s32 @!p0 $0x1BF5;
	p2 =	por !p2, p0  }
0x20: {  	[sflag:s8] =	ssyncset.s32 @!p0 $0xFFFFF086;
	s6 =	sadd.s32 @!p0 s3, s7;
	s7 =	simm.s32 @!p0 $0x108  }
0x21: {  	s3 =	sadd.s32 s3, s9;
	s6 =	sadd.s32 @!p0 $0x88, s6;
	s7 =	simm.s32 @p2 $0x1082  }
0x22: {  	[simem:s7], [sflag:s8] =	dma.local @!p0 [hbm:s6], $0xF7A  }
0x23: {  	s9 =	sor.u32 $0xD0000000, s2;
	s6 =	simm.s32 $0x108;
	_ =	swait.ge @!p0 [sflag:s8], $0x0  }
0x24: {  	s3 =	sadd.s32 $0x88, s3;
	s6 =	simm.s32 @!p1 $0x1082;
	[sflag:s4] =	ssyncset.s32 $0xFFFFF086  }
0x25: {  	[simem:s6], [sflag:s4] =	dma.local [hbm:s3], $0xF7A  }
0x26: {  	[smem:$0x3F9B] =	sst s1;
	(tag) =	ssettag s2;
	_ =	strace s9  }
0x27: {  	s1 =	sld [smem:$0x3FAB]  }
0x28: {  	s2 =	sld [smem:$0x3FAC]  }
0x29: {  	s4 =	sld [smem:$0x3FAE]  }
0x2a: {  	p0 =	seq.s32 s5, $0x0;
	s5 =	sld [smem:$0x3FAF]  }
0x2b: {  	s6 =	sld [smem:$0x3FB0]  }
0x2c: {  	s7 =	sld [smem:$0x3FB1]  }
0x2d: {  	s3 =	simm.s32 $0x108;
	s8 =	sld [smem:$0x3FB2]  }
0x2e: {  	s3 =	simm.s32 @!p0 $0x1082;
	s9 =	sld [smem:$0x3FB3]  }
0x2f: {  	lr =	sadd.s32 s0, s3;
	s0 =	sld [smem:$0x3FAA]  }
0x30: {  	s3 =	sld [smem:$0x3FAD]  }
0x31: {  	[smem:$0x3FB6] =	sst s10  }
0x32: {  	s10 =	sld [smem:$0x3FB4];
	_ =	sdelay $0x3  }
0x33: {  	p0 =	seq.s32 s10, $0x1;
	s10 =	sld [smem:$0x3FB6];
	_ =	sdelay $0x3  }
0x34: {  	[smem:$0x3FB6] =	sst s10  }
0x35: {  	s10 =	sld [smem:$0x3FB5];
	_ =	sdelay $0x3  }
0x36: {  	p1 =	seq.s32 s10, $0x1;
	s10 =	sld [smem:$0x3FB6];
	_ =	sdelay $0x3  }
0x37: {  	[smem:$0x3FB6] =	sst s10  }
0x38: {  	s10 =	sld [smem:$0x3FB7]  }
0x39: {  	_ = 	snop;
	(pc) =	sbr.ind lr, $3  }
0x3a: {  	_ = 	snop  }
0x3b: {  	_ = 	snop  }
0x3c: {  	p2 =	seq.s32 s10, $0x1;
	s10 =	sld [smem:$0x3FB6]  }
0x3d: {  	_ =	shalt  }
0x3e: {  	_ =	shalt  }
0x3f: {  	_ =	shalt  }
0x40: {  	_ =	shalt  }
0x41: {  	_ =	shalt  }
0x42: {  	_ =	shalt  }
0x43: {  	_ =	shalt  }
0x44: {  	_ =	shalt  }
0x45: {  	_ =	shalt  }
0x46: {  	_ =	shalt  }
0x47: {  	_ =	shalt  }
0x48: {  	_ =	shalt  }
0x49: {  	_ =	shalt  }
0x4a: {  	_ =	shalt  }
0x4b: {  	_ =	shalt  }
0x4c: {  	_ =	shalt  }
0x4d: {  	_ =	shalt  }
0x4e: {  	_ =	shalt  }
0x4f: {  	_ =	shalt  }
0x50: {  	_ =	shalt  }
0x51: {  	_ =	shalt  }
0x52: {  	_ =	shalt  }
0x53: {  	_ =	shalt  }
0x54: {  	_ =	shalt  }
0x55: {  	_ =	shalt  }
0x56: {  	_ =	shalt  }
0x57: {  	_ =	shalt  }
0x58: {  	_ =	shalt  }
0x59: {  	_ =	shalt  }
0x5a: {  	_ =	shalt  }
0x5b: {  	_ =	shalt  }
0x5c: {  	_ =	shalt  }
0x5d: {  	_ =	shalt  }
0x5e: {  	_ =	shalt  }
0x5f: {  	_ =	shalt  }
0x60: {  	_ =	shalt  }
0x61: {  	_ =	shalt  }
0x62: {  	_ =	shalt  }
0x63: {  	_ =	shalt  }
0x64: {  	_ =	shalt  }
0x65: {  	_ =	shalt  }
0x66: {  	_ =	shalt  }
0x67: {  	_ =	shalt  }
0x68: {  	_ =	shalt  }
0x69: {  	_ =	shalt  }
0x6a: {  	_ =	shalt  }
0x6b: {  	_ =	shalt  }
0x6c: {  	_ =	shalt  }
0x6d: {  	_ =	shalt  }
0x6e: {  	_ =	shalt  }
0x6f: {  	_ =	shalt  }
0x70: {  	_ =	shalt  }
0x71: {  	_ =	shalt  }
0x72: {  	_ =	shalt  }
0x73: {  	_ =	shalt  }
0x74: {  	_ =	shalt  }
0x75: {  	_ =	shalt  }
0x76: {  	_ =	shalt  }
0x77: {  	_ =	shalt  }
0x78: {  	_ =	shalt  }
0x79: {  	_ =	shalt  }
0x7a: {  	_ =	shalt  }
0x7b: {  	_ =	shalt  }
0x7c: {  	_ =	shalt  }
0x7d: {  	_ =	shalt  }
0x7e: {  	_ =	shalt  }
0x7f: {  	_ =	shalt  }
0x80: {  	_ =	shalt  }
0x81: {  	_ =	shalt  }
0x82: {  	_ =	shalt  }
0x83: {  	_ =	shalt  }
0x84: {  	_ =	shalt  }
0x85: {  	_ =	shalt  }
0x86: {  	_ =	shalt  }
0x87: {  	_ =	shalt  }
.Lfunc_end0:
.L_simem_size_0:
called_computation_lowered:
.L_overlay_start_0:
0x88: {  	s2 =	sld [smem:$0x3FD9]  }
0x89: {  	s3 =	sld [smem:$0x3FFE];
	_ =	sdelay $0x1  }
0x8a: {  	s1 =	srdreg.scid  }
0x8b: {  	s0 =	sand.u32 $0x1, s1  }
0x8c: {  	s17 =	sshll.u32 s0, $0xA;
	s2 =	sadd.s32 s3, s2  }
0x8d: {  	s2 =	sadd.s32 s2, s17  }
0x8e: {  	[smem:$0x3FC2] =	sst s2  }
0x8f: {  	_ = 	snop  }
0x90: {  	s2 =	sld [smem:$0x3FD0];
	(tm) =	ssettm $0x1  }
0x91: {  	s18 =	sld [smem:$0x3FFB];
	_ =	sdelay $0x3  }
0x92: {  	_ =	strace s18  }
0x93: {  	s3 =	sld [smem:$0x3FFC];
	_ =	sdelay $0x3  }
0x94: {  	_ =	strace s3  }
0x95: {  	s3 =	sld [smem:$0x3FFD];
	_ =	sdelay $0x3  }
0x96: {  	_ =	strace s3  }
0x97: {  	_ =	strace $0x8FFFFFFF  }
0x98: {  	s19 =	sld [smem:$0x3FDB];
	_ =	sdelay $0x1  }
0x99: {  	s4 =	simm.s32 $_scs_section_size  }
0x9a: {  	s5 =	simm.s32 $_size__tile_overlayer_lowered;
	s6 =	simm.s32 $_tile_overlayer_lowered  }
0x9b: {  	s22 =	simm.s32 $0x1BFF;
	s21 =	sshll.u32 s6, $0x1;
	s3 =	sadd.s32 s4, s19  }
0x9c: {  	s7 =	simm.s32 $0x0;
	s20 =	sshll.u32 s5, $0x1;
	s5 =	sadd.s32 s21, s3  }
0x9d: {  	[timem:s7], [sflag:s22] =	dma.local [hbm:s5], s20  }
0x9e: {  	_ =	swait.ge [sflag:s22], s20  }
0x9f: {  	s4 =	ssub.s32 $0x0, s20;
	[sflag:s22] =	ssyncset.done $0x0  }
0xa0: {  	[sflag:s22] =	ssyncadd.s32 s4;
	_ =	sdelay $0x1  }
0xa1: {  	s23 =	simm.s32 $0x1B8B  }
0xa2: {  	_ =	swait.ge [sflag:s23], $0x1  }
0xa3: {  	[sflag:s23] =	ssyncset.done $0x0  }
0xa4: {  	s25 =	simm.s32 $0x1B8E;
	s24 =	sld [smem:$0x3FFE];
	[sflag:s23] =	ssyncadd.s32 $0xFFFFFFFF  }
0xa5: {  	s26 =	simm.s32 $execute0_lowered;
	[smem:$0x3FD2] =	sst s25  }
0xa6: {  	s5 =	sshll.u32 s26, $0x1;
	_ =	strace $0x80000046;
	[dreg:$0x1] =	wrdreg $0xFFFFFFFF  }
0xa7: {  	s28 =	simm.s32 $_size_execute0_lowered;
	s3 =	sadd.s32 s3, s5;
	[dreg:$0x0] =	wrdreg $0x0  }
0xa8: {  	s5 =	sshll.u32 s28, $0x1;
	[dreg:$0x2] =	wrdreg s3  }
0xa9: {  	[dreg:$0x3] =	wrdreg s5  }
0xaa: {  	[dreg:$0x4] =	wrdreg $0xC0  }
0xab: {  	_ =	task [dreg:s7], $0x5FFFF  }
0xac: {  	[dreg:$0x1] =	wrdreg $0xFFFFFFFF  }
0xad: {  	[dreg:$0x0] =	wrdreg $0x60  }
0xae: {  	[dreg:$0x2] =	wrdreg s24  }
0xaf: {  	[dreg:$0x3] =	wrdreg s2  }
0xb0: {  	[dreg:$0x4] =	wrdreg $0x127200  }
0xb1: {  	[dreg:$0x5] =	wrdreg $0x124900  }
0xb2: {  	[dreg:$0x6] =	wrdreg $0x150200  }
0xb3: {  	[dreg:$0x7] =	wrdreg $0x9  }
0xb4: {  	_ =	task.clear_ibuf [dreg:s7], $0x8FFFF;
	_ =	strace $0x90000046  }
0xb5: {  	s29 =	simm.s32 $0x9;
	_ =	strace $0x80000048  }
0xb6: {  	_ =	swait.ge [sflag:s29], $0x1  }
0xb7: {  	[sflag:s29] =	ssyncadd.s32 $0xFFFFFFFF  }
0xb8: {  	_ =	strace $0x90000048  }
0xb9: {  	_ =	sfence  }
0xba: {  	s30 =	sld [smem:$0x0];
	_ =	sdelay $0x2  }
0xbb: {  	s31 =	sshll.u32 s1, $0xD;
	s1 =	sshrl.u32 s1, $0x2  }
0xbc: {  	s3 =	sand.u32 $0x4000, s31;
	s1 =	sadd.s32 s1, s30  }
0xbd: {  	s0 =	sor.u32 s3, s0;
	s1 =	sshll.u32 s1, $0x11  }
0xbe: {  	s0 =	sor.u32 s1, s0  }
0xbf: {  	s0 =	sadd.s32 $0x8F2B, s0  }
0xc0: {  	[sflag:s0] =	ssyncadd.remote.s32 $0x1  }
0xc1: {  	_ =	sfence.sel $0xFFFF  }
0xc2: {  	[dreg:$0x0] =	wrdreg $0xFFFFFFFF;
	(pc) =	sbr.abs _section_cstart, $3  }
0xc3: {  	[dreg:$0x1] =	wrdreg $0xFFFFFFFF  }
0xc4: {  	_ =	task.clear_ibuf [dreg:s7], $0x2FFFF;
	_ =	strace $0x9FFFFFFF  }
0xc5: {  	(tm) =	ssettm $0x7FFFFFFF  }
tec
execute0_lowered:
.L_overlay_start_1:
0x0: {  	(tag) =	ssettag $0x1  }
0x1: {  	s1 =	rddreg [dreg:$0x0]  }
0x2: {  	s2 =	rddreg [dreg:$0x1]  }
0x3: {  	s0 =	rddreg [dreg:$0x2];
	s4 =	srdreg.scid  }
0x4: {  	s3 =	rddreg [dreg:$0x3];
	s14 =	stileid.u32  }
0x5: {  	s28 =	simm.s32 $0x0;
	s29 =	simm.s32 $0x7B90;
	s30 =	simm.s32 $0x8B90  }
0x6: {  	s31 =	simm.s32 $0x2;
	s16 =	simm.s32 $0x7;
	s8 =	smul.u32 $0x2900, s14  }
0x7: {  	s5 =	sand.u32 $0x1, s4;
	s4 =	rddreg [dreg:$0x4];
	s19 =	smul.u32 $0x2800, s14  }
0x8: {  	[smem:$0x7FF] =	sst s28;
	s11 =	sadd.s32 $0xB400, s1;
	s20 =	smul.u32 $0x500, s14  }
0x9: {  	s18 =	sshll.u32 s14, $0x6;
	s22 =	smul.u32 $0xA40, s14;
	s6 =	sshll.u32 s5, $0x4  }
0xa: {  	_ =	strace $0x80000047;
	s10 =	ssub.s32 $0x2, s5;
	s5 =	smul.u32 $0xA000, s5  }
0xb: {  	s6 =	sor.u32 s14, s6;
	s12 =	sshrl.u32 s8, $0x3;
	s13 =	sshrl.u32 s10, $0x1  }
0xc: {  	s15 =	sadd.s32 s8, s0;
	s21 =	sshrl.u32 s19, $0x3;
	s23 =	sshrl.u32 s22, $0x2  }
0xd: {  	s19 =	simm.s32 $0xB;
	s14 =	simm.s32 $0x5;
	s7 =	smul.u32 $0x500, s6  }
0xe: {  	s22 =	simm.s32 $0x0;
	s9 =	smul.u32 $0x520, s6;
	s12 =	sadd.s32 s12, s1  }
0xf: {  	s17 =	ssub.s32 s10, s13;
	s10 =	sor.u32 $0x1C0A, s18;
	s6 =	smul.u32 $0x52, s6  }
0x10: {  	s25 =	sshrl.u32 s5, $0x2;
	[dreg:$0xc] =	wrdreg s15;
	s26 =	sshrl.u32 s15, $0x3  }
0x11: {  	s15 =	simm.s32 $0x6;
	s18 =	simm.s32 $0x8;
	s12 =	sadd.s32 $0x15400, s12  }
0x12: {  	[dreg:$0x7] =	wrdreg s10;
	s10 =	sadd.s32 s11, s20;
	s24 =	smax.u32 s17, $0x1  }
0x13: {  	s17 =	sadd.s32 $0x2800, s25;
	[dreg:$0x10] =	wrdreg s26;
	s25 =	simm.s32 $0x7800  }
0x14: {  	s26 =	simm.s32 $0x9;
	s20 =	simm.s32 $0xAB90;
	[dreg:$0x6] =	wrdreg s12  }
0x15: {  	s7 =	sadd.s32 s7, s1;
	s1 =	sadd.s32 s9, s1;
	[dreg:$0x9] =	wrdreg s10  }
0x16: {  	s12 =	sadd.s32 s8, s4;
	s2 =	sadd.s32 s2, s6;
	[dreg:$0xf] =	wrdreg s24  }
0x17: {  	s24 =	simm.s32 $0x100;
	s8 =	simm.s32 $0xBB90;
	s9 =	simm.s32 $0xCB90  }
0x18: {  	s10 =	simm.s32 $0xDB90;
	s7 =	sadd.s32 $0x1400, s7;
	[dreg:$0xd] =	wrdreg s2  }
.Ltmp0:
0x19: {  	s1 =	sadd.s32 $0x1A600, s1;
	[dreg:$0x8] =	wrdreg s7;
	(pc) =	sbr.rel .LBB2_1-.Ltmp0, $4  }
0x1a: {  	s2 =	simm.s32 $0x3;
	s7 =	sadd.s32 s11, s21;
	[dreg:$0xe] =	wrdreg s1  }
0x1b: {  	s1 =	simm.s32 $0x9B90;
	s21 =	simm.s32 $0x1;
	s7 =	sadd.s32 $0x5000, s7  }
0x1c: {  	s11 =	simm.s32 $0xEB90;
	[dreg:$0xa] =	wrdreg s7;
	s7 =	sadd.s32 s23, s3  }
0x1d: {  	v0 =	vimm.f32 $1.000000000e+00;
	v1 =	vimm.f32 $0.0e+00;
	s23 =	simm.s32 $0xFB90;
	[dreg:$0xb] =	wrdreg s7;
	s7 =	simm.s32 $0x4  }
.LBB2_12:
0x1e: {  	_ =	swait.ge [sflag:s14], $0x1000  }
0x1f: {  	[sflag:s14] =	ssyncset.done $0x0  }
0x20: {  	[sflag:s14] =	ssyncadd.s32 $0xFFFFF000  }
0x21: {  	_ =	swait.ge [sflag:s15], $0x1000  }
0x22: {  	[sflag:s15] =	ssyncset.done $0x0  }
0x23: {  	[sflag:s15] =	ssyncadd.s32 $0xFFFFF000  }
0x24: {  	_ =	swait.ge [sflag:s16], $0x1000  }
0x25: {  	[sflag:s16] =	ssyncset.done $0x0  }
0x26: {  	[sflag:s16] =	ssyncadd.s32 $0xFFFFF000  }
0x27: {  	_ =	swait.ge [sflag:s18], $0x1000  }
0x28: {  	[sflag:s18] =	ssyncset.done $0x0  }
0x29: {  	[sflag:s18] =	ssyncadd.s32 $0xFFFFF000  }
0x2a: {  	[bflag:$0x0] =	sbarrier.arrive $0xFFFF  }
0x2b: {  	[tilespmem:s23], [sflag:$0xB] =	stream.linear.gather [spmem:s13], $0x2900, $0x38;
	[tilespmem:$0x17920] =	vst v63  }
0x2c: {  	_ =	swait.ge [sflag:s19], $0x2900  }
0x2d: {  	[sflag:s19] =	ssyncset.done $0x0  }
0x2e: {  	s28 =	simm.s32 $0x0;
	s5 =	rddreg [dreg:$0xe];
	[sflag:s19] =	ssyncadd.s32 $0xFFFFD700  }
0x2f: {  	[hbm4b:s5+s28] =	stream.linear.scatter [tilespmem:s23], [sflag:$0xB], $0x2900, $0x38;
	[tilespmem:$0x17920] =	vst v63  }
0x30: {  	_ =	swait.ge [sflag:s19], $0x2900  }
0x31: {  	s12 =	smov.u32 s13;
	s22 =	sadd.s32 $0x1, s22;
	s13 =	rddreg [dreg:$0xf]  }
0x32: {  	p0 =	sne.s32 s22, s13  }
.Ltmp1:
0x33: {  	_ = 	snop;
	(pc) =	sbr.rel @!p0 .LBB2_13-.Ltmp1, $3  }
0x34: {  	_ =	sdelay $0x1  }
0x35: {  	[sflag:s19] =	ssyncset.done $0x0  }
0x36: {  	[sflag:s19] =	ssyncadd.s32 $0xFFFFD700  }
.LBB2_1:
0x37: {  	s5 =	rddreg [dreg:$0x6]  }
0x38: {  	s6 =	rddreg [dreg:$0x7]  }
0x39: {  	s13 =	rddreg [dreg:$0x10]  }
0x3a: {  	[spmem:s13], [sflag:s6] =	dma.local [hbm:s5], $0x520  }
0x3b: {  	s5 =	rddreg [dreg:$0x8]  }
0x3c: {  	[tilespmem:s28], [sflag:$0xB] =	stream.linear.gather [hbm4b:s5+s28], $0x2800, $0x38;
	[tilespmem:$0x17920] =	vst v63  }
0x3d: {  	_ =	swait.ge [sflag:s19], $0x2800  }
0x3e: {  	[sflag:s19] =	ssyncset.done $0x0  }
0x3f: {  	s13 =	simm.s32 $0x2800;
	s6 =	rddreg [dreg:$0x9];
	[sflag:s19] =	ssyncadd.s32 $0xFFFFD800  }
0x40: {  	[tilespmem:s13], [sflag:$0xB] =	stream.linear.gather [hbm4b:s6+s28], $0x2800, $0x38;
	[tilespmem:$0x17920] =	vst v63  }
0x41: {  	_ =	swait.ge [sflag:s19], $0x2800  }
0x42: {  	[sflag:s19] =	ssyncset.done $0x0  }
0x43: {  	s13 =	simm.s32 $0x5000;
	s6 =	rddreg [dreg:$0xa];
	[sflag:s19] =	ssyncadd.s32 $0xFFFFD800  }
0x44: {  	[tilespmem:s13], [sflag:$0xB] =	stream.linear.gather [hbm4b:s6+s28], $0x2800, $0x38;
	[tilespmem:$0x17920] =	vst v63  }
0x45: {  	_ =	swait.ge [sflag:s19], $0x2800  }
0x46: {  	[sflag:s19] =	ssyncset.done $0x0  }
0x47: {  	[sflag:s19] =	ssyncadd.s32 $0xFFFFD800  }
0x48: {  	[tilespmem:$0x7800] =	vst v0  }
0x49: {  	[tilespmem:$0x7810] =	vst v0  }
0x4a: {  	[tilespmem:$0x7820] =	vst v0  }
0x4b: {  	[tilespmem:$0x7830] =	vst v0  }
0x4c: {  	[tilespmem:$0x7840] =	vst v0  }
0x4d: {  	[tilespmem:$0x7850] =	vst v0  }
0x4e: {  	[tilespmem:$0x7860] =	vst v0  }
0x4f: {  	[tilespmem:$0x7870] =	vst v0  }
0x50: {  	[tilespmem:$0x7880] =	vst v0  }
0x51: {  	[tilespmem:$0x7890] =	vst v0  }
0x52: {  	[tilespmem:$0x78A0] =	vst v0  }
0x53: {  	[tilespmem:$0x78B0] =	vst v0  }
0x54: {  	[tilespmem:$0x78C0] =	vst v0  }
0x55: {  	[tilespmem:$0x78D0] =	vst v0  }
0x56: {  	[tilespmem:$0x78E0] =	vst v0  }
0x57: {  	[tilespmem:$0x78F0] =	vst v0  }
0x58: {  	[tilespmem:$0x7900] =	vst v1  }
0x59: {  	[tilespmem:$0x7910] =	vst v1  }
0x5a: {  	[tilespmem:$0x7920] =	vst v1  }
0x5b: {  	[tilespmem:$0x7930] =	vst v1  }
0x5c: {  	[tilespmem:$0x7940] =	vst v1  }
0x5d: {  	[tilespmem:$0x7950] =	vst v1  }
0x5e: {  	[tilespmem:$0x7960] =	vst v1  }
0x5f: {  	[tilespmem:$0x7970] =	vst v1  }
0x60: {  	[tilespmem:$0x7980] =	vst v1  }
0x61: {  	[tilespmem:$0x7990] =	vst v1  }
0x62: {  	[tilespmem:$0x79A0] =	vst v1  }
0x63: {  	[tilespmem:$0x79B0] =	vst v1  }
0x64: {  	[tilespmem:$0x79C0] =	vst v1  }
0x65: {  	[tilespmem:$0x79D0] =	vst v1  }
0x66: {  	[tilespmem:$0x79E0] =	vst v1  }
0x67: {  	[tilespmem:$0x79F0] =	vst v1  }
0x68: {  	[tilespmem:$0x7A00] =	vst v1  }
0x69: {  	[tilespmem:$0x7A10] =	vst v1  }
0x6a: {  	[tilespmem:$0x7A20] =	vst v1  }
0x6b: {  	[tilespmem:$0x7A30] =	vst v1  }
0x6c: {  	[tilespmem:$0x7A40] =	vst v1  }
0x6d: {  	[tilespmem:$0x7A50] =	vst v1  }
0x6e: {  	[tilespmem:$0x7A60] =	vst v1  }
0x6f: {  	[tilespmem:$0x7A70] =	vst v1  }
0x70: {  	[tilespmem:$0x7A80] =	vst v1  }
0x71: {  	[tilespmem:$0x7A90] =	vst v1  }
0x72: {  	[tilespmem:$0x7AA0] =	vst v1  }
0x73: {  	[tilespmem:$0x7AB0] =	vst v1  }
0x74: {  	[tilespmem:$0x7AC0] =	vst v1  }
0x75: {  	[tilespmem:$0x7AD0] =	vst v1  }
0x76: {  	[tilespmem:$0x7AE0] =	vst v1  }
0x77: {  	[tilespmem:$0x7AF0] =	vst v1  }
0x78: {  	[tilespmem:$0x7B00] =	vst v1  }
0x79: {  	[tilespmem:$0x7B10] =	vst v1  }
0x7a: {  	[tilespmem:$0x7B20] =	vst v1  }
0x7b: {  	[tilespmem:$0x7B30] =	vst v1  }
0x7c: {  	[tilespmem:$0x7B40] =	vst v1  }
0x7d: {  	[tilespmem:$0x7B50] =	vst v1  }
0x7e: {  	[tilespmem:$0x7B60] =	vst v1  }
0x7f: {  	[tilespmem:$0x7B70] =	vst v1  }
0x80: {  	s28 =	simm.s32 $0x7900;
	s13 =	rddreg [dreg:$0xb];
	[tilespmem:$0x7B80] =	vst v1  }
0x81: {  	[spmem:s13] =	stream.linear.scatter [tilespmem:s28], [sflag:$0xB], $0x290, $0x38;
	[tilespmem:$0x17920] =	vst v63  }
0x82: {  	_ =	swait.ge [sflag:s19], $0x290  }
0x83: {  	[sflag:s19] =	ssyncset.done $0x0  }
0x84: {  	s5 =	simm.s32 $0x40;
	s6 =	simm.s32 $0x0;
	[sflag:s19] =	ssyncadd.s32 $0xFFFFFD70  }
.LBB2_2:
0x85: {  	p0 =	sne.s32 s5, $0xA3C0;
	[tilespmem:s6+$0xFB90] =	vst v1;
	s6 =	smov.u32 s5;
	s5 =	sadd.s32 $0x40, s5  }
.Ltmp2:
0x86: {  	(pc) =	sbr.rel @p0 .LBB2_2-.Ltmp2, $2  }
0x87: {  	_ =	sdelay $0x2  }
0x88: {  	s6 =	sshra.s32 s6, $0x2  }
0x89: {  	[tilespmem:s6+$0xFB90] =	vst v1  }
0x8a: {  	[spmem:s12] =	stream.linear.scatter [tilespmem:s23], [sflag:$0xB], $0x2900, $0x38;
	[tilespmem:$0x17920] =	vst v63  }
0x8b: {  	_ =	swait.ge [sflag:s19], $0x2900  }
0x8c: {  	[sflag:s19] =	ssyncset.done $0x0  }
0x8d: {  	s13 =	smov.u32 s12;
	p0 =	por $0x1, $0x1;
	[sflag:s19] =	ssyncadd.s32 $0xFFFFD700  }
0x8e: {  	s5 =	simm.s32 $0x2800;
	s12 =	simm.s32 @!p0 $0x9;
	[bflag:$0x0] =	sbarrier.arrive $0xFFFF  }
0x8f: {  	[spmem:s3] =	stream.indirect.scatter.add.f32 [tilespmem:s25], [sflag:$0x9], $0x1, s5, s24, $0xb8;
	[tilespmem:$0x17920] =	vst v63  }
0x90: {  	_ =	swait.ge @!p0 [sflag:s12], $0x100  }
0x91: {  	s6 =	simm.s32 $0x1;
	[sflag:s12] =	ssyncset.done @!p0 $0x0  }
.LBB2_4:
0x92: {  	[sflag:s12] =	ssyncadd.s32 @!p0 $0xFFFFFF00  }
0x93: {  	s5 =	sadd.s32 $0x100, s5;
	s12 =	smov.u32 s6;
	s6 =	sadd.s32 $0x1, s6  }
0x94: {  	p1 =	sne.s32 s6, $0x50  }
0x95: {  	[spmem:s3] =	stream.indirect.scatter.add.f32 [tilespmem:s25], [sflag:$0x9], $0x1, s5, s24, $0xb8;
	[tilespmem:$0x17920] =	vst v63  }
.Ltmp3:
0x96: {  	_ = 	snop;
	(pc) =	sbr.rel @p1 .LBB2_4-.Ltmp3, $4  }
0x97: {  	p0 =	slt.u32 s12, $0x8  }
0x98: {  	s12 =	simm.s32 @!p0 $0x9  }
0x99: {  	_ =	swait.ge @!p0 [sflag:s12], $0x100  }
0x9a: {  	[sflag:s12] =	ssyncset.done @!p0 $0x0  }
0x9b: {  	[sflag:s12] =	ssyncadd.s32 @!p0 $0xFFFFFF00  }
0x9c: {  	_ =	swait.ge [sflag:s26], $0x100  }
0x9d: {  	[sflag:s26] =	ssyncset.done $0x0  }
0x9e: {  	[sflag:s26] =	ssyncadd.s32 $0xFFFFFF00  }
0x9f: {  	_ =	swait.ge [sflag:s26], $0x100  }
0xa0: {  	[sflag:s26] =	ssyncset.done $0x0  }
0xa1: {  	[sflag:s26] =	ssyncadd.s32 $0xFFFFFF00  }
0xa2: {  	_ =	swait.ge [sflag:s26], $0x100  }
0xa3: {  	[sflag:s26] =	ssyncset.done $0x0  }
0xa4: {  	[sflag:s26] =	ssyncadd.s32 $0xFFFFFF00  }
0xa5: {  	_ =	swait.ge [sflag:s26], $0x100  }
0xa6: {  	[sflag:s26] =	ssyncset.done $0x0  }
0xa7: {  	[sflag:s26] =	ssyncadd.s32 $0xFFFFFF00  }
0xa8: {  	_ =	swait.ge [sflag:s26], $0x100  }
0xa9: {  	[sflag:s26] =	ssyncset.done $0x0  }
0xaa: {  	[sflag:s26] =	ssyncadd.s32 $0xFFFFFF00  }
0xab: {  	_ =	swait.ge [sflag:s26], $0x100  }
0xac: {  	[sflag:s26] =	ssyncset.done $0x0  }
0xad: {  	[sflag:s26] =	ssyncadd.s32 $0xFFFFFF00  }
0xae: {  	_ =	swait.ge [sflag:s26], $0x100  }
0xaf: {  	[sflag:s26] =	ssyncset.done $0x0  }
0xb0: {  	[sflag:s26] =	ssyncadd.s32 $0xFFFFFF00  }
0xb1: {  	_ =	swait.ge [sflag:s26], $0x100  }
0xb2: {  	[sflag:s26] =	ssyncset.done $0x0  }
0xb3: {  	[sflag:s26] =	ssyncadd.s32 $0xFFFFFF00  }
0xb4: {  	[bflag:$0x0] =	sbarrier.arrive $0xFFFF  }
0xb5: {  	s12 =	simm.s32 $0x7900;
	s5 =	rddreg [dreg:$0xb]  }
0xb6: {  	[tilespmem:s12], [sflag:$0xB] =	stream.linear.gather [spmem:s5], $0x290, $0x38;
	[tilespmem:$0x17920] =	vst v63  }
0xb7: {  	_ =	swait.ge [sflag:s19], $0x290  }
0xb8: {  	[sflag:s19] =	ssyncset.done $0x0  }
0xb9: {  	s28 =	simm.s32 $0x0;
	s6 =	rddreg [dreg:$0xd];
	[sflag:s19] =	ssyncadd.s32 $0xFFFFFD70  }
0xba: {  	[hbm4b:s6+s28] =	stream.linear.scatter [tilespmem:s12], [sflag:$0xB], $0x290, $0x38;
	[tilespmem:$0x17920] =	vst v63  }
0xbb: {  	_ =	swait.ge [sflag:s19], $0x290  }
0xbc: {  	[sflag:s19] =	ssyncset.done $0x0  }
0xbd: {  	s5 =	simm.s32 $0x0;
	s6 =	simm.s32 $0x40;
	[sflag:s19] =	ssyncadd.s32 $0xFFFFFD70  }
.LBB2_6:
0xbe: {  	p0 =	sne.s32 s6, $0xA00;
	v2 =	vld [tilespmem:s5+$0x7900];
	_ =	sdelay $0x4  }
0xbf: {  	v2 =	vadd.f32 $1.000000000e+00, v2;
	_ =	sdelay $0x1  }
0xc0: {  	v3 =	vshra.s32 v2, $0x1;
	v2 =	vmul.f32 $5.000000000e-01, v2  }
0xc1: {  	v3 =	vsub.s32 $0x5F3759DF, v3  }
0xc2: {  	v4 =	vmul.f32 v3, v2;
	_ =	sdelay $0x1  }
0xc3: {  	v4 =	vmul.f32 v3, v4;
	_ =	sdelay $0x1  }
0xc4: {  	v4 =	vsub.f32 $1.500000000e+00, v4;
	_ =	sdelay $0x1  }
0xc5: {  	v3 =	vmul.f32 v3, v4;
	_ =	sdelay $0x1  }
0xc6: {  	v4 =	vmul.f32 v3, v2;
	_ =	sdelay $0x1  }
0xc7: {  	v4 =	vmul.f32 v4, v3;
	_ =	sdelay $0x1  }
0xc8: {  	v4 =	vsub.f32 $1.500000000e+00, v4;
	_ =	sdelay $0x1  }
0xc9: {  	v3 =	vmul.f32 v4, v3;
	_ =	sdelay $0x1  }
0xca: {  	v4 =	vmul.f32 v3, v2;
	_ =	sdelay $0x1  }
0xcb: {  	v4 =	vmul.f32 v4, v3;
	_ =	sdelay $0x1  }
0xcc: {  	v4 =	vsub.f32 $1.500000000e+00, v4;
	_ =	sdelay $0x1  }
0xcd: {  	v3 =	vmul.f32 v4, v3;
	_ =	sdelay $0x1  }
0xce: {  	v2 =	vmul.f32 v3, v2;
	_ =	sdelay $0x1  }
0xcf: {  	v2 =	vmul.f32 v2, v3;
	_ =	sdelay $0x1  }
.Ltmp4:
0xd0: {  	v2 =	vsub.f32 $1.500000000e+00, v2;
	(pc) =	sbr.rel @p0 .LBB2_6-.Ltmp4, $3  }
0xd1: {  	_ = 	snop  }
0xd2: {  	v2 =	vmul.f32 v2, v3;
	_ =	sdelay $0x1  }
0xd3: {  	[tilespmem:s5+$0x7900] =	vst v2;
	s5 =	sshra.s32 s6, $0x2;
	s6 =	sadd.s32 $0x40, s6  }
0xd4: {  	v2 =	vld [tilespmem:s5+$0x7900];
	_ =	sdelay $0x4  }
0xd5: {  	v2 =	vadd.f32 $1.000000000e+00, v2;
	_ =	sdelay $0x1  }
0xd6: {  	v3 =	vshra.s32 v2, $0x1;
	v2 =	vmul.f32 $5.000000000e-01, v2  }
0xd7: {  	v3 =	vsub.s32 $0x5F3759DF, v3  }
0xd8: {  	v4 =	vmul.f32 v3, v2;
	_ =	sdelay $0x1  }
0xd9: {  	v4 =	vmul.f32 v3, v4;
	_ =	sdelay $0x1  }
0xda: {  	v4 =	vsub.f32 $1.500000000e+00, v4;
	_ =	sdelay $0x1  }
0xdb: {  	v3 =	vmul.f32 v3, v4;
	_ =	sdelay $0x1  }
0xdc: {  	v4 =	vmul.f32 v3, v2;
	_ =	sdelay $0x1  }
0xdd: {  	v4 =	vmul.f32 v4, v3;
	_ =	sdelay $0x1  }
0xde: {  	v4 =	vsub.f32 $1.500000000e+00, v4;
	_ =	sdelay $0x1  }
0xdf: {  	v3 =	vmul.f32 v4, v3;
	_ =	sdelay $0x1  }
0xe0: {  	v4 =	vmul.f32 v3, v2;
	_ =	sdelay $0x1  }
0xe1: {  	v4 =	vmul.f32 v4, v3;
	_ =	sdelay $0x1  }
0xe2: {  	v4 =	vsub.f32 $1.500000000e+00, v4;
	_ =	sdelay $0x1  }
0xe3: {  	v3 =	vmul.f32 v4, v3;
	_ =	sdelay $0x1  }
0xe4: {  	v2 =	vmul.f32 v3, v2;
	_ =	sdelay $0x1  }
0xe5: {  	v2 =	vmul.f32 v2, v3;
	_ =	sdelay $0x1  }
0xe6: {  	v2 =	vsub.f32 $1.500000000e+00, v2;
	_ =	sdelay $0x1  }
0xe7: {  	v2 =	vmul.f32 v2, v3;
	_ =	sdelay $0x1  }
0xe8: {  	s6 =	simm.s32 $0xA;
	[tilespmem:s5+$0x7900] =	vst v2  }
0xe9: {  	_ =	swait.ge [sflag:s6], $0x520  }
0xea: {  	[sflag:s6] =	ssyncset.done $0x0  }
0xeb: {  	s12 =	rddreg [dreg:$0xc];
	[sflag:s6] =	ssyncadd.s32 $0xFFFFFAE0  }
0xec: {  	[tilespmem:s23], [sflag:$0xB] =	stream.linear.gather [spmem:s12], $0x2900, $0x38;
	[tilespmem:$0x17920] =	vst v63  }
0xed: {  	_ =	swait.ge [sflag:s19], $0x2900  }
0xee: {  	[sflag:s19] =	ssyncset.done $0x0  }
0xef: {  	s28 =	simm.s32 $0xFC10;
	[sflag:s19] =	ssyncadd.s32 $0xFFFFD700  }
0xf0: {  	s5 =	simm.s32 $0xFC10;
	s6 =	simm.s32 $0x40;
	s12 =	simm.s32 $0x0;
	v2 =	vld [tilespmem:s28+$0xFFFFFFB0]  }
.LBB2_8:
0xf1: {  	p0 =	sne.s32 s6, $0xA00;
	v3 =	vld [tilespmem:s12+$0x7900]  }
0xf2: {  	v4 =	vld [tilespmem:s28+$0xFFFFFF90]  }
0xf3: {  	v5 =	vld [tilespmem:s28+$0xFFFFFF80]  }
0xf4: {  	v6 =	vld [tilespmem:s28+$0xFFFFFFA0]  }
0xf5: {  	v7 =	vld [tilespmem:s28+$0xFFFFFFF0]  }
0xf6: {  	v8 =	vbroadcast v3, $0x0;
	v9 =	vbroadcast v3, $0x1;
	v10 =	vld [tilespmem:s28+$0xFFFFFFD0]  }
0xf7: {  	v11 =	vbroadcast v3, $0x2;
	v12 =	vbroadcast v3, $0x3;
	v13 =	vld [tilespmem:s28+$0xFFFFFFC0]  }
0xf8: {  	v5 =	vmul.f32 v8, v5;
	v4 =	vmul.f32 v4, v9;
	v8 =	vld [tilespmem:s28+$0xFFFFFFE0]  }
0xf9: {  	v2 =	vmul.f32 v2, v12;
	v6 =	vmul.f32 v6, v11;
	v9 =	vld [tilespmem:s28+$0x30]  }
0xfa: {  	v11 =	vbroadcast v3, $0x5;
	[tilespmem:s28+$0xFFFFFF80] =	vst v5;
	v5 =	vbroadcast v3, $0x4;
	v12 =	vld [tilespmem:s28+$0x10]  }
0xfb: {  	v14 =	vbroadcast v3, $0x7;
	[tilespmem:s28+$0xFFFFFF90] =	vst v4;
	v4 =	vbroadcast v3, $0x6;
	v15 =	vld [tilespmem:s28+$0x0]  }
0xfc: {  	[tilespmem:s28+$0xFFFFFFA0] =	vst v6;
	v5 =	vmul.f32 v13, v5;
	v6 =	vmul.f32 v10, v11;
	v10 =	vld [tilespmem:s28+$0x20]  }
0xfd: {  	[tilespmem:s28+$0xFFFFFFB0] =	vst v2;
	v2 =	vmul.f32 v8, v4;
	v4 =	vmul.f32 v7, v14;
	v7 =	vld [tilespmem:s28+$0x70]  }
0xfe: {  	v8 =	vbroadcast v3, $0x9;
	[tilespmem:s28+$0xFFFFFFC0] =	vst v5;
	v5 =	vbroadcast v3, $0x8;
	v11 =	vld [tilespmem:s28+$0x50]  }
0xff: {  	v13 =	vbroadcast v3, $0xB;
	[tilespmem:s28+$0xFFFFFFD0] =	vst v6;
	v6 =	vbroadcast v3, $0xA;
	v14 =	vld [tilespmem:s28+$0x40]  }
0x100: {  	[tilespmem:s28+$0xFFFFFFE0] =	vst v2;
	v2 =	vmul.f32 v15, v5;
	v5 =	vmul.f32 v12, v8;
	v8 =	vld [tilespmem:s28+$0x60]  }
0x101: {  	[tilespmem:s28+$0xFFFFFFF0] =	vst v4;
	v4 =	vmul.f32 v10, v6;
	v6 =	vmul.f32 v9, v13  }
0x102: {  	v9 =	vbroadcast v3, $0xD;
	[tilespmem:s28+$0x0] =	vst v2;
	v2 =	vbroadcast v3, $0xC  }
0x103: {  	[tilespmem:s28+$0x10] =	vst v5;
	v5 =	vbroadcast v3, $0xE;
	v3 =	vbroadcast v3, $0xF  }
0x104: {  	[tilespmem:s28+$0x20] =	vst v4;
	v2 =	vmul.f32 v14, v2;
	v4 =	vmul.f32 v11, v9  }
.Ltmp5:
0x105: {  	[tilespmem:s28+$0x30] =	vst v6;
	v5 =	vmul.f32 v8, v5;
	v3 =	vmul.f32 v7, v3;
	(pc) =	sbr.rel @p0 .LBB2_8-.Ltmp5, $4  }
0x106: {  	[tilespmem:s28+$0x40] =	vst v2  }
0x107: {  	[tilespmem:s28+$0x50] =	vst v4  }
0x108: {  	s28 =	sadd.s32 $0x100, s28;
	[tilespmem:s5+$0x60] =	vst v5  }
0x109: {  	s12 =	sshra.s32 s6, $0x2;
	s6 =	sadd.s32 $0x40, s6;
	v2 =	vld [tilespmem:s28+$0xFFFFFFB0];
	[tilespmem:s5+$0x70] =	vst v3;
	s5 =	smov.u32 s28  }
0x10a: {  	v3 =	vld [tilespmem:s12+$0x7900];
	_ =	sdelay $0x1  }
0x10b: {  	v4 =	vld [tilespmem:s28+$0xFFFFFF80]  }
0x10c: {  	v5 =	vld [tilespmem:s28+$0xFFFFFF90]  }
0x10d: {  	v6 =	vld [tilespmem:s28+$0xFFFFFFA0]  }
0x10e: {  	v7 =	vbroadcast v3, $0x0  }
0x10f: {  	v10 =	vld [tilespmem:s28+$0xFFFFFFD0];
	v8 =	vbroadcast v3, $0x1;
	v11 =	vbroadcast v3, $0x2  }
0x110: {  	v45 =	vld [tilespmem:s28+$0xFFFFFFE0];
	v44 =	vbroadcast v3, $0x3;
	v4 =	vmul.f32 v7, v4  }
0x111: {  	v49 =	vld [tilespmem:s28+$0x10];
	v46 =	vbroadcast v3, $0x4;
	v5 =	vmul.f32 v5, v8  }
0x112: {  	v9 =	vld [tilespmem:s28+$0xFFFFFFC0];
	v47 =	vbroadcast v3, $0x5;
	v6 =	vmul.f32 v6, v11;
	[tilespmem:s28+$0xFFFFFF80] =	vst v4  }
0x113: {  	v12 =	vld [tilespmem:s28+$0xFFFFFFF0];
	v13 =	vbroadcast v3, $0x6;
	v2 =	vmul.f32 v2, v44;
	[tilespmem:s28+$0xFFFFFF90] =	vst v5  }
0x114: {  	v51 =	vld [tilespmem:s28+$0x20];
	v53 =	vbroadcast v3, $0x9;
	v7 =	vmul.f32 v10, v47;
	[tilespmem:s28+$0xFFFFFFA0] =	vst v6  }
0x115: {  	v48 =	vld [tilespmem:s28+$0x0];
	v50 =	vbroadcast v3, $0x7;
	v8 =	vmul.f32 v45, v13;
	[tilespmem:s28+$0xFFFFFFB0] =	vst v2  }
0x116: {  	v55 =	vld [tilespmem:s28+$0x50];
	v52 =	vbroadcast v3, $0x8;
	v58 =	vmul.f32 v49, v53;
	[tilespmem:s28+$0xFFFFFFD0] =	vst v7  }
0x117: {  	v54 =	vld [tilespmem:s28+$0x40];
	v56 =	vbroadcast v3, $0xA;
	v4 =	vmul.f32 v9, v46;
	[tilespmem:s28+$0xFFFFFFE0] =	vst v8  }
0x118: {  	v57 =	vbroadcast v3, $0xB;
	v2 =	vld [tilespmem:s28+$0x30];
	v6 =	vmul.f32 v12, v50;
	[tilespmem:s28+$0x10] =	vst v58  }
0x119: {  	v60 =	vld [tilespmem:s28+$0x70];
	v62 =	vbroadcast v3, $0xD;
	v9 =	vmul.f32 v51, v56;
	[tilespmem:s28+$0xFFFFFFC0] =	vst v4  }
0x11a: {  	v59 =	vld [tilespmem:s28+$0x60];
	v61 =	vbroadcast v3, $0xC;
	v4 =	vmul.f32 v48, v52;
	[tilespmem:s28+$0xFFFFFFF0] =	vst v6  }
0x11b: {  	v63 =	vbroadcast v3, $0xE;
	v5 =	vmul.f32 v55, v62;
	[tilespmem:s28+$0x20] =	vst v9  }
0x11c: {  	v3 =	vbroadcast v3, $0xF;
	[tilespmem:s28+$0x0] =	vst v4;
	v4 =	vmul.f32 v54, v61  }
0x11d: {  	[tilespmem:s28+$0x50] =	vst v5;
	v2 =	vmul.f32 v2, v57  }
0x11e: {  	v3 =	vmul.f32 v60, v3;
	[tilespmem:s28+$0x40] =	vst v4  }
0x11f: {  	[tilespmem:s28+$0x30] =	vst v2;
	v2 =	vmul.f32 v59, v63  }
0x120: {  	[tilespmem:s5+$0x70] =	vst v3  }
0x121: {  	s12 =	rddreg [dreg:$0xc];
	[tilespmem:s5+$0x60] =	vst v2  }
0x122: {  	[spmem:s12] =	stream.linear.scatter [tilespmem:s23], [sflag:$0xB], $0x2900, $0x38;
	[tilespmem:$0x17920] =	vst v63  }
0x123: {  	_ =	swait.ge [sflag:s19], $0x2900  }
0x124: {  	[sflag:s19] =	ssyncset.done $0x0  }
0x125: {  	[sflag:s19] =	ssyncadd.s32 $0xFFFFD700  }
0x126: {  	s5 =	simm.s32 $0x0;
	[bflag:$0x0] =	sbarrier.arrive $0xFFFF  }
0x127: {  	[tilespmem:s29], [sflag:$0x1] =	stream.indirect.gather [spmem:s0], $0x10, s5, s24, $0xb8;
	[tilespmem:$0x17920] =	vst v63  }
0x128: {  	_ = 	snop  }
0x129: {  	[tilespmem:s30], [sflag:$0x2] =	stream.indirect.gather [spmem:s0], $0x10, s24, s24, $0xb8;
	[tilespmem:$0x17920] =	vst v63  }
0x12a: {  	s6 =	simm.s32 $0x200  }
0x12b: {  	[tilespmem:s1], [sflag:$0x3] =	stream.indirect.gather [spmem:s0], $0x10, s6, s24, $0xb8;
	[tilespmem:$0x17920] =	vst v63  }
0x12c: {  	s28 =	simm.s32 $0x300  }
0x12d: {  	[tilespmem:s20], [sflag:$0x4] =	stream.indirect.gather [spmem:s0], $0x10, s28, s24, $0xb8;
	[tilespmem:$0x17920] =	vst v63  }
.LBB2_10:
0x12e: {  	_ =	swait.ge [sflag:s21], $0x1000  }
0x12f: {  	[sflag:s21] =	ssyncset.done $0x0  }
0x130: {  	[sflag:s21] =	ssyncadd.s32 $0xFFFFF000  }
0x131: {  	_ =	swait.ge [sflag:s31], $0x1000  }
0x132: {  	[sflag:s31] =	ssyncset.done $0x0  }
0x133: {  	[sflag:s31] =	ssyncadd.s32 $0xFFFFF000  }
0x134: {  	_ =	swait.ge [sflag:s2], $0x1000  }
0x135: {  	[sflag:s2] =	ssyncset.done $0x0  }
0x136: {  	[sflag:s2] =	ssyncadd.s32 $0xFFFFF000  }
0x137: {  	_ =	swait.ge [sflag:s7], $0x1000  }
0x138: {  	s6 =	sshra.s32 s5, $0x2;
	[sflag:s7] =	ssyncset.done $0x0  }
0x139: {  	s12 =	sadd.s32 s6, s17;
	[sflag:s7] =	ssyncadd.s32 $0xFFFFF000  }
0x13a: {  	[spmem:s4] =	stream.indirect.scatter.add.f32 [tilespmem:s29], [sflag:$0x1], $0x10, s12, s24, $0xb8;
	[tilespmem:$0x17920] =	vst v63  }
0x13b: {  	s28 =	sadd.s32 $0x100, s12  }
0x13c: {  	[spmem:s4] =	stream.indirect.scatter.add.f32 [tilespmem:s30], [sflag:$0x2], $0x10, s28, s24, $0xb8;
	[tilespmem:$0x17920] =	vst v63  }
0x13d: {  	s28 =	sadd.s32 $0x200, s12  }
0x13e: {  	[spmem:s4] =	stream.indirect.scatter.add.f32 [tilespmem:s1], [sflag:$0x3], $0x10, s28, s24, $0xb8;
	[tilespmem:$0x17920] =	vst v63  }
0x13f: {  	p0 =	seq.s32 s5, $0x0;
	s28 =	sadd.s32 $0x300, s12  }
0x140: {  	[spmem:s4] =	stream.indirect.scatter.add.f32 [tilespmem:s20], [sflag:$0x4], $0x10, s28, s24, $0xb8;
	[tilespmem:$0x17920] =	vst v63  }
0x141: {  	s28 =	simm.s32 @!p0 $0x5  }
0x142: {  	_ =	swait.ge @!p0 [sflag:s28], $0x1000  }
0x143: {  	[sflag:s28] =	ssyncset.done @!p0 $0x0  }
0x144: {  	[sflag:s28] =	ssyncadd.s32 @!p0 $0xFFFFF000;
	s28 =	simm.s32 @!p0 $0x6  }
0x145: {  	_ =	swait.ge @!p0 [sflag:s28], $0x1000  }
0x146: {  	[sflag:s28] =	ssyncset.done @!p0 $0x0  }
0x147: {  	[sflag:s28] =	ssyncadd.s32 @!p0 $0xFFFFF000;
	s28 =	simm.s32 @!p0 $0x7  }
0x148: {  	_ =	swait.ge @!p0 [sflag:s28], $0x1000  }
0x149: {  	[sflag:s28] =	ssyncset.done @!p0 $0x0  }
0x14a: {  	[sflag:s28] =	ssyncadd.s32 @!p0 $0xFFFFF000;
	s28 =	simm.s32 @!p0 $0x8  }
0x14b: {  	_ =	swait.ge @!p0 [sflag:s28], $0x1000  }
0x14c: {  	[sflag:s28] =	ssyncset.done @!p0 $0x0  }
0x14d: {  	[sflag:s28] =	ssyncadd.s32 @!p0 $0xFFFFF000;
	s28 =	sadd.s32 $0x400, s6  }
0x14e: {  	[tilespmem:s8], [sflag:$0x5] =	stream.indirect.gather [spmem:s0], $0x10, s28, s24, $0xb8;
	[tilespmem:$0x17920] =	vst v63  }
0x14f: {  	s28 =	sadd.s32 $0x500, s6  }
0x150: {  	[tilespmem:s9], [sflag:$0x6] =	stream.indirect.gather [spmem:s0], $0x10, s28, s24, $0xb8;
	[tilespmem:$0x17920] =	vst v63  }
0x151: {  	s28 =	sadd.s32 $0x600, s6  }
0x152: {  	[tilespmem:s10], [sflag:$0x7] =	stream.indirect.gather [spmem:s0], $0x10, s28, s24, $0xb8;
	[tilespmem:$0x17920] =	vst v63  }
0x153: {  	s28 =	sadd.s32 $0x700, s6  }
0x154: {  	[tilespmem:s11], [sflag:$0x8] =	stream.indirect.gather [spmem:s0], $0x10, s28, s24, $0xb8;
	[tilespmem:$0x17920] =	vst v63  }
0x155: {  	_ =	swait.ge [sflag:s14], $0x1000  }
0x156: {  	[sflag:s14] =	ssyncset.done $0x0  }
0x157: {  	[sflag:s14] =	ssyncadd.s32 $0xFFFFF000  }
0x158: {  	_ =	swait.ge [sflag:s15], $0x1000  }
0x159: {  	[sflag:s15] =	ssyncset.done $0x0  }
0x15a: {  	[sflag:s15] =	ssyncadd.s32 $0xFFFFF000  }
0x15b: {  	_ =	swait.ge [sflag:s16], $0x1000  }
0x15c: {  	[sflag:s16] =	ssyncset.done $0x0  }
0x15d: {  	[sflag:s16] =	ssyncadd.s32 $0xFFFFF000  }
0x15e: {  	_ =	swait.ge [sflag:s18], $0x1000  }
0x15f: {  	[sflag:s18] =	ssyncset.done $0x0  }
0x160: {  	s28 =	sadd.s32 $0x400, s12;
	[sflag:s18] =	ssyncadd.s32 $0xFFFFF000  }
0x161: {  	[spmem:s4] =	stream.indirect.scatter.add.f32 [tilespmem:s8], [sflag:$0x5], $0x10, s28, s24, $0xb8;
	[tilespmem:$0x17920] =	vst v63  }
0x162: {  	s28 =	sadd.s32 $0x500, s12  }
0x163: {  	[spmem:s4] =	stream.indirect.scatter.add.f32 [tilespmem:s9], [sflag:$0x6], $0x10, s28, s24, $0xb8;
	[tilespmem:$0x17920] =	vst v63  }
0x164: {  	s28 =	sadd.s32 $0x600, s12  }
0x165: {  	[spmem:s4] =	stream.indirect.scatter.add.f32 [tilespmem:s10], [sflag:$0x7], $0x10, s28, s24, $0xb8;
	[tilespmem:$0x17920] =	vst v63  }
0x166: {  	s12 =	sadd.s32 $0x700, s12  }
0x167: {  	[spmem:s4] =	stream.indirect.scatter.add.f32 [tilespmem:s11], [sflag:$0x8], $0x10, s12, s24, $0xb8;
	[tilespmem:$0x17920] =	vst v63  }
0x168: {  	_ =	swait.ge [sflag:s21], $0x1000  }
0x169: {  	[sflag:s21] =	ssyncset.done $0x0  }
0x16a: {  	[sflag:s21] =	ssyncadd.s32 $0xFFFFF000  }
0x16b: {  	_ =	swait.ge [sflag:s31], $0x1000  }
0x16c: {  	[sflag:s31] =	ssyncset.done $0x0  }
0x16d: {  	[sflag:s31] =	ssyncadd.s32 $0xFFFFF000  }
0x16e: {  	p0 =	seq.s32 s5, $0x8000;
	_ =	swait.ge [sflag:s2], $0x1000  }
.Ltmp6:
0x16f: {  	[sflag:s2] =	ssyncset.done $0x0;
	(pc) =	sbr.rel @p0 .LBB2_12-.Ltmp6, $4  }
0x170: {  	[sflag:s2] =	ssyncadd.s32 $0xFFFFF000  }
0x171: {  	_ =	swait.ge [sflag:s7], $0x1000  }
0x172: {  	[sflag:s7] =	ssyncset.done $0x0  }
0x173: {  	[sflag:s7] =	ssyncadd.s32 $0xFFFFF000  }
0x174: {  	s12 =	sadd.s32 $0x800, s6  }
0x175: {  	[tilespmem:s29], [sflag:$0x1] =	stream.indirect.gather [spmem:s0], $0x10, s12, s24, $0xb8;
	[tilespmem:$0x17920] =	vst v63  }
0x176: {  	s28 =	sadd.s32 $0x900, s6  }
0x177: {  	[tilespmem:s30], [sflag:$0x2] =	stream.indirect.gather [spmem:s0], $0x10, s28, s24, $0xb8;
	[tilespmem:$0x17920] =	vst v63  }
.Ltmp7:
0x178: {  	_ = 	snop;
	(pc) =	sbr.rel .LBB2_10-.Ltmp7, $4  }
0x179: {  	s28 =	sadd.s32 $0xA00, s6  }
0x17a: {  	[tilespmem:s1], [sflag:$0x3] =	stream.indirect.gather [spmem:s0], $0x10, s28, s24, $0xb8;
	[tilespmem:$0x17920] =	vst v63  }
0x17b: {  	s5 =	sadd.s32 $0x2000, s5;
	s28 =	sadd.s32 $0xB00, s6  }
0x17c: {  	[tilespmem:s20], [sflag:$0x4] =	stream.indirect.gather [spmem:s0], $0x10, s28, s24, $0xb8;
	[tilespmem:$0x17920] =	vst v63  }
.LBB2_13:
0x17d: {  	_ =	sfence.sel $0x180000  }
0x17e: {  	[bflag:$0x0] =	sbarrier.arrive $0xFFFF  }
0x17f: {  	_ =	strace $0x90000047  }
0x180: {  	s0 =	stileid.u32;
	[bflag:$0x2] =	sbarrier.arrive $0xFFFF  }
0x181: {  	p0 =	sne.s32 s0, $0x0;
	s0 =	rddreg [dreg:$0x5]  }
0x182: {  	s0 =	sadd.s32 @!p0 $0x100000, s0  }
0x183: {  	[sflag:s0] =	ssyncadd.tile.s32 @!p0 $0x1;
	_ =	shalt  }
.Lfunc_end2:
_tile_overlayer_lowered:
.L_overlay_start_2:
0x184: {  	(tag) =	ssettag $0x2  }
0x185: {  	s0 =	rddreg [dreg:$0x0];
	s2 =	stileid.u32  }
0x186: {  	s1 =	rddreg [dreg:$0x1];
	p0 =	sne.s32 s2, $0x0  }
0x187: {  	s3 =	rddreg [dreg:$0x2];
	[bflag:$0x3] =	sbarrier.arrive $0xFFFF;
	s2 =	simm.s32 @!p0 $0x1C0B  }
0x188: {  	[timem:s3], [sflag:s2] =	dma.local @!p0 [hbm:s0], s1  }
0x189: {  	s0 =	simm.s32 @!p0 $0xB  }
0x18a: {  	_ =	swait.ge @!p0 [sflag:s0], s1  }
0x18b: {  	s1 =	ssub.s32 @!p0 $0x0, s1;
	[sflag:s0] =	ssyncset.done @!p0 $0x0  }
0x18c: {  	[sflag:s0] =	ssyncadd.s32 @!p0 s1  }
0x18d: {  	[bflag:$0x3] =	sbarrier.arrive $0xFFFF  }
0x18e: {  	_ =	shalt  }

</sc_bundles>
